<compile_context>
chip_gen: v7x
topology: tpu7x:2x2x1
jax: 0.10.2.dev20260603
libtpu: 0.0.44.dev20260713+nightly
codegen_flags: <defaults>
</compile_context>

<pallas_src>
import functools

import jax
import jax.numpy as jnp
from jax import lax
from jax.experimental import pallas as pl
from jax.experimental.pallas import tpu as pltpu
from jax.experimental.pallas import tpu_sc as plsc

NC = 2
NS = 16
NW = NC * NS
CHUNK = 128
NB = 4


def _node_pad(n):
    per = -(-(n + 1) // (NS * 8)) * 8
    return NS * per, per


DEGW = 8


def _make_deg(n, cpw):
    npad, rows_per_tile = _node_pad(n)
    mesh = plsc.VectorSubcoreMesh(
        core_axis_name="c", subcore_axis_name="s", num_cores=NC, num_subcores=NS)

    @functools.partial(
        pl.kernel,
        out_type=jax.ShapeDtypeStruct((NC * npad, DEGW), jnp.float32),
        mesh=mesh,
        compiler_params=pltpu.CompilerParams(use_tc_tiling_on_sc=False),
        scratch_types=[
            pltpu.VMEM((cpw, CHUNK), jnp.int32),
            pltpu.VMEM((CHUNK, DEGW), jnp.float32),
            pltpu.VMEM_SHARED((npad, DEGW), jnp.float32),
        ],
    )
    def deg_kernel(dsts_hbm, ones_hbm, zeros_hbm, out_hbm, dst_v, ones_v, acc_sh):
        cid = lax.axis_index("c")
        sid = lax.axis_index("s")
        wid = sid * NC + cid
        r0 = sid * rows_per_tile
        pltpu.sync_copy(zeros_hbm.at[pl.ds(r0, rows_per_tile)],
                        acc_sh.at[pl.ds(r0, rows_per_tile)])
        pltpu.sync_copy(dsts_hbm.at[pl.ds(wid * cpw, cpw)], dst_v)
        pltpu.sync_copy(ones_hbm, ones_v)
        plsc.subcore_barrier()

        def body(c, carry):
            pltpu.sync_copy(ones_v, acc_sh.at[dst_v.at[c]], add=True)
            return carry

        lax.fori_loop(0, cpw, body, 0)
        plsc.subcore_barrier()
        pltpu.sync_copy(acc_sh.at[pl.ds(r0, rows_per_tile)],
                        out_hbm.at[pl.ds(cid * npad + r0, rows_per_tile)])

    return deg_kernel, npad


def _make_agg(n, cpw0, cpw1, width):
    npad, rows_per_tile = _node_pad(n)
    mesh = plsc.VectorSubcoreMesh(
        core_axis_name="c", subcore_axis_name="s", num_cores=NC, num_subcores=NS)
    assert cpw0 % NB == 0 and cpw1 % NB == 0 and cpw0 % 8 == 0 and cpw1 % 8 == 0

    @functools.partial(
        pl.kernel,
        out_type=jax.ShapeDtypeStruct((NC, npad, width), jnp.float32),
        mesh=mesh,
        compiler_params=pltpu.CompilerParams(use_tc_tiling_on_sc=False),
        scratch_types=[
            pltpu.VMEM((cpw0, CHUNK), jnp.int32),
            pltpu.VMEM((cpw0, CHUNK), jnp.int32),
            pltpu.VMEM((NB, CHUNK, width), jnp.float32),
            pltpu.VMEM_SHARED((npad, width), jnp.float32),
            pltpu.SemaphoreType.DMA((NB,)),
            pltpu.SemaphoreType.DMA((NB,)),
        ],
    )
    def agg_kernel(hs_hbm, srcs_hbm, dsts_hbm, zeros_hbm, out_hbm,
                   src_v, dst_v, rows_v, acc_sh, gsem, ssem):
        cid = lax.axis_index("c")
        sid = lax.axis_index("s")
        r0 = sid * rows_per_tile
        pltpu.sync_copy(zeros_hbm.at[pl.ds(r0, rows_per_tile)],
                        acc_sh.at[pl.ds(r0, rows_per_tile)])

        def run(my_cpw, c0):
            pltpu.sync_copy(srcs_hbm.at[pl.ds(c0, my_cpw)],
                            src_v.at[pl.ds(0, my_cpw)])
            pltpu.sync_copy(dsts_hbm.at[pl.ds(c0, my_cpw)],
                            dst_v.at[pl.ds(0, my_cpw)])
            plsc.subcore_barrier()

            for b in range(NB):
                pltpu.async_copy(hs_hbm.at[src_v.at[b]], rows_v.at[b],
                                 gsem.at[b])

            def body(i, carry):
                for b in range(NB):
                    s = i * NB + b
                    pltpu.make_async_copy(
                        hs_hbm.at[src_v.at[s]], rows_v.at[b], gsem.at[b]).wait()
                    pltpu.async_copy(
                        rows_v.at[b], acc_sh.at[dst_v.at[s]], ssem.at[b],
                        add=True)
                    nxt = s + NB

                    @pl.when(nxt < my_cpw)
                    def _():
                        pltpu.make_async_copy(
                            rows_v.at[b], acc_sh.at[dst_v.at[s]],
                            ssem.at[b]).wait()
                        pltpu.async_copy(
                            hs_hbm.at[src_v.at[nxt]], rows_v.at[b], gsem.at[b])

                return carry

            lax.fori_loop(0, my_cpw // NB, body, 0)
            for b in range(NB):
                pltpu.make_async_copy(
                    rows_v.at[b], acc_sh.at[dst_v.at[my_cpw - NB + b]],
                    ssem.at[b]).wait()

        @pl.when(cid == 0)
        def _():
            run(cpw0, sid * cpw0)

        @pl.when(cid == 1)
        def _():
            run(cpw1, NS * cpw0 + sid * cpw1)

        plsc.subcore_barrier()
        pltpu.sync_copy(acc_sh.at[pl.ds(r0, rows_per_tile)],
                        out_hbm.at[cid, pl.ds(r0, rows_per_tile)])

    return agg_kernel, npad


def _dinv_of(degp_ref):
    npad = degp_ref.shape[0] // NC
    deg = degp_ref[:npad, 0:1] + degp_ref[npad:, 0:1] + 1.0
    return lax.rsqrt(deg)


def _pre_body(x_ref, w_ref, degp_ref, hs_ref):
    n = x_ref.shape[0]
    npad = hs_ref.shape[0]
    dinv = _dinv_of(degp_ref)
    h = jnp.dot(x_ref[...], w_ref[...], preferred_element_type=jnp.float32)
    hs_ref[...] = jnp.concatenate(
        [h * dinv[:n], jnp.zeros((npad - n, h.shape[1]), h.dtype)], axis=0)


def _mid_body(agg_ref, hs1_ref, degp_ref, b1_ref, hs2_ref):
    dinv = _dinv_of(degp_ref)
    h1 = dinv * (agg_ref[0] + agg_ref[1] + hs1_ref[...]) + b1_ref[...]
    hs2_ref[...] = jnp.maximum(h1, 0.0) * dinv


def _fin_body(agg_ref, hs2_ref, degp_ref, wmu_ref, bmu_ref,
              wlv_ref, blv_ref, eps_ref, z_ref, mu_ref, lv_ref):
    dinv = _dinv_of(degp_ref)
    n = eps_ref.shape[0]
    g = (dinv * (agg_ref[0] + agg_ref[1] + hs2_ref[...]))[:n]
    mu = jnp.dot(g, wmu_ref[...], preferred_element_type=jnp.float32) + bmu_ref[...]
    lv = jnp.dot(g, wlv_ref[...], preferred_element_type=jnp.float32) + blv_ref[...]
    z = mu + eps_ref[...] * jnp.exp(0.5 * lv)
    z_ref[...] = z
    mu_ref[...] = mu
    lv_ref[...] = lv


def kernel(x, W1, b1, Wmu, bmu, Wlv, blv, edge_index):
    if x.ndim == 1:
        x = x[:, None]
    n = x.shape[0]
    hid = W1.shape[1]
    lat = Wmu.shape[1]
    e = edge_index.shape[1]

    cpw = -(-(-(-e // (NW * CHUNK))) // 8) * 8
    ep = cpw * NW * CHUNK
    pad = ep - e
    src2d = jnp.concatenate(
        [edge_index[0], jnp.zeros((pad,), edge_index.dtype)]).reshape(-1, CHUNK)
    dst2d = jnp.concatenate(
        [edge_index[1], jnp.full((pad,), n, edge_index.dtype)]).reshape(-1, CHUNK)

    cpw1 = 24
    cpw0 = 2 * cpw - cpw1
    deg_kernel, npad = _make_deg(n, cpw)
    agg_kernel, _ = _make_agg(n, cpw0, cpw1, hid)
    ones8 = jnp.ones((CHUNK, DEGW), jnp.float32)
    zeros8 = jnp.zeros((npad, DEGW), jnp.float32)
    zeros2 = jnp.zeros((npad, hid), jnp.float32)

    degp = deg_kernel(dst2d, ones8, zeros8)

    hs1 = pl.pallas_call(
        _pre_body,
        out_shape=jax.ShapeDtypeStruct((npad, hid), jnp.float32),
    )(x, W1, degp)

    agg1 = agg_kernel(hs1, src2d, dst2d, zeros2)

    hs2 = pl.pallas_call(
        _mid_body,
        out_shape=jax.ShapeDtypeStruct((npad, hid), jnp.float32),
    )(agg1, hs1, degp, b1.reshape(1, -1))

    agg2 = agg_kernel(hs2, src2d, dst2d, zeros2)

    eps = jax.random.normal(jax.random.key(42), (n, lat), dtype=jnp.float32)
    z, mu, lv = pl.pallas_call(
        _fin_body,
        out_shape=(
            jax.ShapeDtypeStruct((n, lat), jnp.float32),
            jax.ShapeDtypeStruct((n, lat), jnp.float32),
            jax.ShapeDtypeStruct((n, lat), jnp.float32),
        ),
    )(agg2, hs2, degp,
      Wmu, bmu.reshape(1, -1), Wlv, blv.reshape(1, -1), eps)

    return (z, mu, lv)

# --- scband reference (transcript-rebuilt; emitter-appended) ---
"""Pipeline reference for scband-vgae-51823075393706 (READ-ONLY COPY).

The authoritative reference and input builder live on the scoring server;
editing this copy changes nothing except your own understanding.
"""

import jax, jax.numpy as jnp
import numpy as np

N = 10000
IN_CH = 128
HID = 64
LAT = 32
E = 320000


def _glorot(key, shape):
    lim = float(np.sqrt(6.0 / (shape[0] + shape[1])))
    return jax.random.uniform(key, shape, minval=-lim, maxval=lim, dtype=jnp.float32)


def setup_inputs(seed: int = 0) -> dict:
    key = jax.random.key(seed)
    ks = jax.random.split(key, 8)
    x = jax.random.normal(ks[0], (N, IN_CH), dtype=jnp.float32)
    edge_index = jax.random.randint(ks[1], (2, E), 0, N, dtype=jnp.int32)
    W1 = _glorot(ks[2], (IN_CH, HID))
    b1 = jnp.zeros((HID,), dtype=jnp.float32)
    Wmu = _glorot(ks[3], (HID, LAT))
    bmu = jnp.zeros((LAT,), dtype=jnp.float32)
    Wlv = _glorot(ks[4], (HID, LAT))
    blv = jnp.zeros((LAT,), dtype=jnp.float32)
    return {"x": x, "W1": W1, "b1": b1, "Wmu": Wmu, "bmu": bmu, "Wlv": Wlv, "blv": blv, "edge_index": edge_index}


def _gcn_conv(h_in, edge_index, W, b):
    # PyG GCNConv: linear transform, add self-loops, symmetric normalization, scatter-add aggregation, bias
    h = h_in @ W
    src = edge_index[0]
    dst = edge_index[1]
    loop = jnp.arange(N, dtype=edge_index.dtype)
    src2 = jnp.concatenate([src, loop])
    dst2 = jnp.concatenate([dst, loop])
    deg = jnp.zeros((N,), dtype=h.dtype).at[dst2].add(1.0)
    dinv = jnp.where(deg > 0, jax.lax.rsqrt(jnp.maximum(deg, 1e-12)), 0.0)
    norm = dinv[src2] * dinv[dst2]
    msg = h[src2] * norm[:, None]
    out = jnp.zeros_like(h).at[dst2].add(msg)
    return out + b


def reference(x, W1, b1, Wmu, bmu, Wlv, blv, edge_index):
    if x.ndim == 1:
        x = x[:, None]
    h1 = jax.nn.relu(_gcn_conv(x, edge_index, W1, b1))
    mu = _gcn_conv(h1, edge_index, Wmu, bmu)
    logvar = _gcn_conv(h1, edge_index, Wlv, blv)
    # reparameterize (training mode), deterministic eps for reproducibility
    std = jnp.exp(0.5 * logvar)
    eps = jax.random.normal(jax.random.key(42), mu.shape, dtype=mu.dtype)
    z = mu + eps * std
    return (z, mu, logvar)

if __name__ == "__main__":
    import jax
    _d = setup_inputs()
    print(jax.jit(kernel)(*tuple(_d.values())))

</pallas_src>

<mosaic_0001>
#map = affine_map<(d0, d1) -> (0, 0)>
#map1 = affine_map<(d0, d1) -> (0, 0, 0)>
module attributes {stable_mosaic.version = 14 : i64} {
  func.func @agg_kernel(%arg0: i32, %arg1: i32, %arg2: memref<10112x64xf32, #tpu.memory_space<hbm>>, %arg3: memref<2560x128xi32, #tpu.memory_space<hbm>>, %arg4: memref<2560x128xi32, #tpu.memory_space<hbm>>, %arg5: memref<10112x64xf32, #tpu.memory_space<hbm>>, %arg6: memref<2x10112x64xf32, #tpu.memory_space<hbm>>, %arg7: memref<136x128xi32, #tpu.memory_space<vmem>>, %arg8: memref<136x128xi32, #tpu.memory_space<vmem>>, %arg9: memref<4x128x64xf32, #tpu.memory_space<vmem>>, %arg10: memref<10112x64xf32, #tpu.memory_space<vmem_shared>>, %arg11: memref<4x!tpu.dma_semaphore, #tpu.memory_space<semaphore_mem>>, %arg12: memref<4x!tpu.dma_semaphore, #tpu.memory_space<semaphore_mem>>) attributes {dimension_semantics = [#tpu.dimension_semantics<core_parallel>, #tpu.dimension_semantics<subcore_parallel>], iteration_bounds = array<i64: 2, 16>, scalar_prefetch = 0 : i64, scratch_operands = 6 : i64, tpu.core_type = #tpu.core_type<sc_vector_subcore>, window_params = [{transform_indices = #map}, {transform_indices = #map}, {transform_indices = #map}, {transform_indices = #map}, {transform_indices = #map1}]} {
    %mul3A = arith.constant 632 : i32
    %mul3A_0 = arith.muli %arg1, %mul3A : i32
    "tpu.region"() ({
      %run_scoped3A = tpu.sem_alloc : memref<!tpu.dma_semaphore, #tpu.memory_space<semaphore_mem>>
      %dma_start3A = arith.constant 0 : i32
      %dma_start3A_8 = tpu.memref_slice %arg10[%mul3A_0, %dma_start3A] : memref<10112x64xf32, #tpu.memory_space<vmem_shared>> -> memref<632x64xf32, #tpu.memory_space<vmem_shared>>
      %dma_start3A_9 = arith.constant 0 : i32
      %dma_start3A_10 = tpu.memref_slice %arg5[%mul3A_0, %dma_start3A_9] : memref<10112x64xf32, #tpu.memory_space<hbm>> -> memref<632x64xf32, #tpu.memory_space<hbm>>
      tpu.enqueue_dma source(%dma_start3A_10 : memref<632x64xf32, #tpu.memory_space<hbm>>) target(%dma_start3A_8 : memref<632x64xf32, #tpu.memory_space<vmem_shared>>) target_semaphore(%run_scoped3A : memref<!tpu.dma_semaphore, #tpu.memory_space<semaphore_mem>>)
      %dma_wait3A = arith.constant 0 : i32
      %dma_wait3A_11 = tpu.memref_slice %arg10[%mul3A_0, %dma_wait3A] : memref<10112x64xf32, #tpu.memory_space<vmem_shared>> -> memref<632x64xf32, #tpu.memory_space<vmem_shared>>
      %dma_wait3A_12 = arith.constant 0 : i32
      %dma_wait3A_13 = tpu.memref_slice %arg5[%mul3A_0, %dma_wait3A_12] : memref<10112x64xf32, #tpu.memory_space<hbm>> -> memref<632x64xf32, #tpu.memory_space<hbm>>
      tpu.wait_dma2 semaphore(%run_scoped3A : memref<!tpu.dma_semaphore, #tpu.memory_space<semaphore_mem>>) src(%dma_wait3A_13 : memref<632x64xf32, #tpu.memory_space<hbm>>) dst(%dma_wait3A_11 : memref<632x64xf32, #tpu.memory_space<vmem_shared>>)
      tpu.yield
    }) : () -> ()
    %eq3A = arith.constant 0 : i32
    %eq3A_1 = arith.cmpi eq, %arg0, %eq3A : i32
    %convert_element_type3A = arith.extui %eq3A_1 : i1 to i32
    %cond3A = arith.constant 0 : i32
    %cond3A_2 = arith.cmpi ne, %convert_element_type3A, %cond3A : i32
    scf.if %cond3A_2 {
      %mul3A_8 = arith.constant 136 : i32
      %mul3A_9 = arith.muli %arg1, %mul3A_8 : i32
      "tpu.region"() ({
        %run_scoped3A = tpu.sem_alloc : memref<!tpu.dma_semaphore, #tpu.memory_space<semaphore_mem>>
        %dma_start3A_134 = arith.constant 0 : i32
        %dma_start3A_135 = arith.constant 0 : i32
        %dma_start3A_136 = tpu.memref_slice %arg7[%dma_start3A_134, %dma_start3A_135] : memref<136x128xi32, #tpu.memory_space<vmem>> -> memref<136x128xi32, #tpu.memory_space<vmem>>
        %dma_start3A_137 = arith.constant 0 : i32
        %dma_start3A_138 = tpu.memref_slice %arg3[%mul3A_9, %dma_start3A_137] : memref<2560x128xi32, #tpu.memory_space<hbm>> -> memref<136x128xi32, #tpu.memory_space<hbm>>
        %dma_start3A_139 = arith.constant 0 : i32
        %dma_start3A_140 = arith.constant 0 : i32
        %dma_start3A_141 = tpu.memref_slice %arg7[%dma_start3A_139, %dma_start3A_140] : memref<136x128xi32, #tpu.memory_space<vmem>> -> memref<136x128xi32, #tpu.memory_space<vmem>>
        %dma_start3A_142 = arith.constant 0 : i32
        %dma_start3A_143 = tpu.memref_slice %arg3[%mul3A_9, %dma_start3A_142] : memref<2560x128xi32, #tpu.memory_space<hbm>> -> memref<136x128xi32, #tpu.memory_space<hbm>>
        tpu.enqueue_dma source(%dma_start3A_143 : memref<136x128xi32, #tpu.memory_space<hbm>>) target(%dma_start3A_141 : memref<136x128xi32, #tpu.memory_space<vmem>>) target_semaphore(%run_scoped3A : memref<!tpu.dma_semaphore, #tpu.memory_space<semaphore_mem>>)
        %dma_wait3A_144 = arith.constant 0 : i32
        %dma_wait3A_145 = arith.constant 0 : i32
        %dma_wait3A_146 = tpu.memref_slice %arg7[%dma_wait3A_144, %dma_wait3A_145] : memref<136x128xi32, #tpu.memory_space<vmem>> -> memref<136x128xi32, #tpu.memory_space<vmem>>
        %dma_wait3A_147 = arith.constant 0 : i32
        %dma_wait3A_148 = tpu.memref_slice %arg3[%mul3A_9, %dma_wait3A_147] : memref<2560x128xi32, #tpu.memory_space<hbm>> -> memref<136x128xi32, #tpu.memory_space<hbm>>
        %dma_wait3A_149 = arith.constant 0 : i32
        %dma_wait3A_150 = arith.constant 0 : i32
        %dma_wait3A_151 = tpu.memref_slice %arg7[%dma_wait3A_149, %dma_wait3A_150] : memref<136x128xi32, #tpu.memory_space<vmem>> -> memref<136x128xi32, #tpu.memory_space<vmem>>
        %dma_wait3A_152 = arith.constant 0 : i32
        %dma_wait3A_153 = tpu.memref_slice %arg3[%mul3A_9, %dma_wait3A_152] : memref<2560x128xi32, #tpu.memory_space<hbm>> -> memref<136x128xi32, #tpu.memory_space<hbm>>
        tpu.wait_dma2 semaphore(%run_scoped3A : memref<!tpu.dma_semaphore, #tpu.memory_space<semaphore_mem>>) src(%dma_wait3A_153 : memref<136x128xi32, #tpu.memory_space<hbm>>) dst(%dma_wait3A_151 : memref<136x128xi32, #tpu.memory_space<vmem>>)
        tpu.yield
      }) : () -> ()
      "tpu.region"() ({
        %run_scoped3A = tpu.sem_alloc : memref<!tpu.dma_semaphore, #tpu.memory_space<semaphore_mem>>
        %dma_start3A_134 = arith.constant 0 : i32
        %dma_start3A_135 = arith.constant 0 : i32
        %dma_start3A_136 = tpu.memref_slice %arg8[%dma_start3A_134, %dma_start3A_135] : memref<136x128xi32, #tpu.memory_space<vmem>> -> memref<136x128xi32, #tpu.memory_space<vmem>>
        %dma_start3A_137 = arith.constant 0 : i32
        %dma_start3A_138 = tpu.memref_slice %arg4[%mul3A_9, %dma_start3A_137] : memref<2560x128xi32, #tpu.memory_space<hbm>> -> memref<136x128xi32, #tpu.memory_space<hbm>>
        %dma_start3A_139 = arith.constant 0 : i32
        %dma_start3A_140 = arith.constant 0 : i32
        %dma_start3A_141 = tpu.memref_slice %arg8[%dma_start3A_139, %dma_start3A_140] : memref<136x128xi32, #tpu.memory_space<vmem>> -> memref<136x128xi32, #tpu.memory_space<vmem>>
        %dma_start3A_142 = arith.constant 0 : i32
        %dma_start3A_143 = tpu.memref_slice %arg4[%mul3A_9, %dma_start3A_142] : memref<2560x128xi32, #tpu.memory_space<hbm>> -> memref<136x128xi32, #tpu.memory_space<hbm>>
        tpu.enqueue_dma source(%dma_start3A_143 : memref<136x128xi32, #tpu.memory_space<hbm>>) target(%dma_start3A_141 : memref<136x128xi32, #tpu.memory_space<vmem>>) target_semaphore(%run_scoped3A : memref<!tpu.dma_semaphore, #tpu.memory_space<semaphore_mem>>)
        %dma_wait3A_144 = arith.constant 0 : i32
        %dma_wait3A_145 = arith.constant 0 : i32
        %dma_wait3A_146 = tpu.memref_slice %arg8[%dma_wait3A_144, %dma_wait3A_145] : memref<136x128xi32, #tpu.memory_space<vmem>> -> memref<136x128xi32, #tpu.memory_space<vmem>>
        %dma_wait3A_147 = arith.constant 0 : i32
        %dma_wait3A_148 = tpu.memref_slice %arg4[%mul3A_9, %dma_wait3A_147] : memref<2560x128xi32, #tpu.memory_space<hbm>> -> memref<136x128xi32, #tpu.memory_space<hbm>>
        %dma_wait3A_149 = arith.constant 0 : i32
        %dma_wait3A_150 = arith.constant 0 : i32
        %dma_wait3A_151 = tpu.memref_slice %arg8[%dma_wait3A_149, %dma_wait3A_150] : memref<136x128xi32, #tpu.memory_space<vmem>> -> memref<136x128xi32, #tpu.memory_space<vmem>>
        %dma_wait3A_152 = arith.constant 0 : i32
        %dma_wait3A_153 = tpu.memref_slice %arg4[%mul3A_9, %dma_wait3A_152] : memref<2560x128xi32, #tpu.memory_space<hbm>> -> memref<136x128xi32, #tpu.memory_space<hbm>>
        tpu.wait_dma2 semaphore(%run_scoped3A : memref<!tpu.dma_semaphore, #tpu.memory_space<semaphore_mem>>) src(%dma_wait3A_153 : memref<136x128xi32, #tpu.memory_space<hbm>>) dst(%dma_wait3A_151 : memref<136x128xi32, #tpu.memory_space<vmem>>)
        tpu.yield
      }) : () -> ()
      %barrier3A_10 = arith.constant 0 : index
      tpu.barrier barrier_id(%barrier3A_10)
      %dma_start3A = arith.constant 0 : i32
      %dma_start3A_11 = arith.constant 0 : i32
      %dma_start3A_12 = arith.constant 0 : i32
      %dma_start3A_13 = arith.constant 0 : i32
      %dma_start3A_14 = arith.constant 0 : i32
      %dma_start3A_15 = tpu.memref_slice %arg9[%dma_start3A_11, %dma_start3A_13, %dma_start3A_14] : memref<4x128x64xf32, #tpu.memory_space<vmem>> -> memref<1x128x64xf32, #tpu.memory_space<vmem>>
      %dma_start3A_16 = tpu.memref_squeeze %dma_start3A_15 : memref<1x128x64xf32, #tpu.memory_space<vmem>> -> memref<128x64xf32, #tpu.memory_space<vmem>>
      %dma_start3A_17 = arith.constant 0 : i32
      %dma_start3A_18 = tpu.memref_slice %arg7[%dma_start3A, %dma_start3A_17] : memref<136x128xi32, #tpu.memory_space<vmem>> -> memref<1x128xi32, #tpu.memory_space<vmem>>
      %dma_start3A_19 = tpu.memref_squeeze %dma_start3A_18 : memref<1x128xi32, #tpu.memory_space<vmem>> -> memref<128xi32, #tpu.memory_space<vmem>>
      %dma_start3A_20 = arith.constant 0 : i32
      %dma_start3A_21 = arith.constant 0 : i32
      %dma_start3A_22 = tpu.memref_slice %arg2[%dma_start3A_20, %dma_start3A_21] : memref<10112x64xf32, #tpu.memory_space<hbm>> -> memref<10112x64xf32, #tpu.memory_space<hbm>>
      %dma_start3A_23 = tpu.memref_slice %arg11[%dma_start3A_12] : memref<4x!tpu.dma_semaphore, #tpu.memory_space<semaphore_mem>> -> memref<1x!tpu.dma_semaphore, #tpu.memory_space<semaphore_mem>>
      %dma_start3A_24 = tpu.memref_squeeze %dma_start3A_23 : memref<1x!tpu.dma_semaphore, #tpu.memory_space<semaphore_mem>> -> memref<!tpu.dma_semaphore, #tpu.memory_space<semaphore_mem>>
      tpu.enqueue_indirect_dma source(%dma_start3A_22 : memref<10112x64xf32, #tpu.memory_space<hbm>>) target(%dma_start3A_16 : memref<128x64xf32, #tpu.memory_space<vmem>>) offsets(%dma_start3A_19 : memref<128xi32, #tpu.memory_space<vmem>>) semaphore(%dma_start3A_24 : memref<!tpu.dma_semaphore, #tpu.memory_space<semaphore_mem>>)
      %dma_start3A_25 = arith.constant 1 : i32
      %dma_start3A_26 = arith.constant 1 : i32
      %dma_start3A_27 = arith.constant 1 : i32
      %dma_start3A_28 = arith.constant 0 : i32
      %dma_start3A_29 = arith.constant 0 : i32
      %dma_start3A_30 = tpu.memref_slice %arg9[%dma_start3A_26, %dma_start3A_28, %dma_start3A_29] : memref<4x128x64xf32, #tpu.memory_space<vmem>> -> memref<1x128x64xf32, #tpu.memory_space<vmem>>
      %dma_start3A_31 = tpu.memref_squeeze %dma_start3A_30 : memref<1x128x64xf32, #tpu.memory_space<vmem>> -> memref<128x64xf32, #tpu.memory_space<vmem>>
      %dma_start3A_32 = arith.constant 0 : i32
      %dma_start3A_33 = tpu.memref_slice %arg7[%dma_start3A_25, %dma_start3A_32] : memref<136x128xi32, #tpu.memory_space<vmem>> -> memref<1x128xi32, #tpu.memory_space<vmem>>
      %dma_start3A_34 = tpu.memref_squeeze %dma_start3A_33 : memref<1x128xi32, #tpu.memory_space<vmem>> -> memref<128xi32, #tpu.memory_space<vmem>>
      %dma_start3A_35 = arith.constant 0 : i32
      %dma_start3A_36 = arith.constant 0 : i32
      %dma_start3A_37 = tpu.memref_slice %arg2[%dma_start3A_35, %dma_start3A_36] : memref<10112x64xf32, #tpu.memory_space<hbm>> -> memref<10112x64xf32, #tpu.memory_space<hbm>>
      %dma_start3A_38 = tpu.memref_slice %arg11[%dma_start3A_27] : memref<4x!tpu.dma_semaphore, #tpu.memory_space<semaphore_mem>> -> memref<1x!tpu.dma_semaphore, #tpu.memory_space<semaphore_mem>>
      %dma_start3A_39 = tpu.memref_squeeze %dma_start3A_38 : memref<1x!tpu.dma_semaphore, #tpu.memory_space<semaphore_mem>> -> memref<!tpu.dma_semaphore, #tpu.memory_space<semaphore_mem>>
      tpu.enqueue_indirect_dma source(%dma_start3A_37 : memref<10112x64xf32, #tpu.memory_space<hbm>>) target(%dma_start3A_31 : memref<128x64xf32, #tpu.memory_space<vmem>>) offsets(%dma_start3A_34 : memref<128xi32, #tpu.memory_space<vmem>>) semaphore(%dma_start3A_39 : memref<!tpu.dma_semaphore, #tpu.memory_space<semaphore_mem>>)
      %dma_start3A_40 = arith.constant 2 : i32
      %dma_start3A_41 = arith.constant 2 : i32
      %dma_start3A_42 = arith.constant 2 : i32
      %dma_start3A_43 = arith.constant 0 : i32
      %dma_start3A_44 = arith.constant 0 : i32
      %dma_start3A_45 = tpu.memref_slice %arg9[%dma_start3A_41, %dma_start3A_43, %dma_start3A_44] : memref<4x128x64xf32, #tpu.memory_space<vmem>> -> memref<1x128x64xf32, #tpu.memory_space<vmem>>
      %dma_start3A_46 = tpu.memref_squeeze %dma_start3A_45 : memref<1x128x64xf32, #tpu.memory_space<vmem>> -> memref<128x64xf32, #tpu.memory_space<vmem>>
      %dma_start3A_47 = arith.constant 0 : i32
      %dma_start3A_48 = tpu.memref_slice %arg7[%dma_start3A_40, %dma_start3A_47] : memref<136x128xi32, #tpu.memory_space<vmem>> -> memref<1x128xi32, #tpu.memory_space<vmem>>
      %dma_start3A_49 = tpu.memref_squeeze %dma_start3A_48 : memref<1x128xi32, #tpu.memory_space<vmem>> -> memref<128xi32, #tpu.memory_space<vmem>>
      %dma_start3A_50 = arith.constant 0 : i32
      %dma_start3A_51 = arith.constant 0 : i32
      %dma_start3A_52 = tpu.memref_slice %arg2[%dma_start3A_50, %dma_start3A_51] : memref<10112x64xf32, #tpu.memory_space<hbm>> -> memref<10112x64xf32, #tpu.memory_space<hbm>>
      %dma_start3A_53 = tpu.memref_slice %arg11[%dma_start3A_42] : memref<4x!tpu.dma_semaphore, #tpu.memory_space<semaphore_mem>> -> memref<1x!tpu.dma_semaphore, #tpu.memory_space<semaphore_mem>>
      %dma_start3A_54 = tpu.memref_squeeze %dma_start3A_53 : memref<1x!tpu.dma_semaphore, #tpu.memory_space<semaphore_mem>> -> memref<!tpu.dma_semaphore, #tpu.memory_space<semaphore_mem>>
      tpu.enqueue_indirect_dma source(%dma_start3A_52 : memref<10112x64xf32, #tpu.memory_space<hbm>>) target(%dma_start3A_46 : memref<128x64xf32, #tpu.memory_space<vmem>>) offsets(%dma_start3A_49 : memref<128xi32, #tpu.memory_space<vmem>>) semaphore(%dma_start3A_54 : memref<!tpu.dma_semaphore, #tpu.memory_space<semaphore_mem>>)
      %dma_start3A_55 = arith.constant 3 : i32
      %dma_start3A_56 = arith.constant 3 : i32
      %dma_start3A_57 = arith.constant 3 : i32
      %dma_start3A_58 = arith.constant 0 : i32
      %dma_start3A_59 = arith.constant 0 : i32
      %dma_start3A_60 = tpu.memref_slice %arg9[%dma_start3A_56, %dma_start3A_58, %dma_start3A_59] : memref<4x128x64xf32, #tpu.memory_space<vmem>> -> memref<1x128x64xf32, #tpu.memory_space<vmem>>
      %dma_start3A_61 = tpu.memref_squeeze %dma_start3A_60 : memref<1x128x64xf32, #tpu.memory_space<vmem>> -> memref<128x64xf32, #tpu.memory_space<vmem>>
      %dma_start3A_62 = arith.constant 0 : i32
      %dma_start3A_63 = tpu.memref_slice %arg7[%dma_start3A_55, %dma_start3A_62] : memref<136x128xi32, #tpu.memory_space<vmem>> -> memref<1x128xi32, #tpu.memory_space<vmem>>
      %dma_start3A_64 = tpu.memref_squeeze %dma_start3A_63 : memref<1x128xi32, #tpu.memory_space<vmem>> -> memref<128xi32, #tpu.memory_space<vmem>>
      %dma_start3A_65 = arith.constant 0 : i32
      %dma_start3A_66 = arith.constant 0 : i32
      %dma_start3A_67 = tpu.memref_slice %arg2[%dma_start3A_65, %dma_start3A_66] : memref<10112x64xf32, #tpu.memory_space<hbm>> -> memref<10112x64xf32, #tpu.memory_space<hbm>>
      %dma_start3A_68 = tpu.memref_slice %arg11[%dma_start3A_57] : memref<4x!tpu.dma_semaphore, #tpu.memory_space<semaphore_mem>> -> memref<1x!tpu.dma_semaphore, #tpu.memory_space<semaphore_mem>>
      %dma_start3A_69 = tpu.memref_squeeze %dma_start3A_68 : memref<1x!tpu.dma_semaphore, #tpu.memory_space<semaphore_mem>> -> memref<!tpu.dma_semaphore, #tpu.memory_space<semaphore_mem>>
      tpu.enqueue_indirect_dma source(%dma_start3A_67 : memref<10112x64xf32, #tpu.memory_space<hbm>>) target(%dma_start3A_61 : memref<128x64xf32, #tpu.memory_space<vmem>>) offsets(%dma_start3A_64 : memref<128xi32, #tpu.memory_space<vmem>>) semaphore(%dma_start3A_69 : memref<!tpu.dma_semaphore, #tpu.memory_space<semaphore_mem>>)
      %scan3A = arith.constant 0 : i32
      %scan3A_70 = arith.constant 0 : i32
      %scan3A_71 = arith.constant 34 : i32
      %scan3A_72 = arith.addi %scan3A_70, %scan3A_71 : i32
      %scan3A_73 = arith.constant 1 : i32
      scf.for %scan3A_134 = %scan3A_70 to %scan3A_72 step %scan3A_73  : i32 {
        %mul3A_135 = arith.constant 4 : i32
        %mul3A_136 = arith.muli %scan3A_134, %mul3A_135 : i32
        %add3A = arith.constant 0 : i32
        %add3A_137 = arith.addi %mul3A_136, %add3A : i32
        %dma_wait3A_138 = arith.constant 0 : i32
        %dma_wait3A_139 = arith.constant 0 : i32
        %dma_wait3A_140 = arith.constant 0 : i32
        %dma_wait3A_141 = arith.constant 0 : i32
        %dma_wait3A_142 = tpu.memref_slice %arg9[%dma_wait3A_138, %dma_wait3A_140, %dma_wait3A_141] : memref<4x128x64xf32, #tpu.memory_space<vmem>> -> memref<1x128x64xf32, #tpu.memory_space<vmem>>
        %dma_wait3A_143 = tpu.memref_squeeze %dma_wait3A_142 : memref<1x128x64xf32, #tpu.memory_space<vmem>> -> memref<128x64xf32, #tpu.memory_space<vmem>>
        %dma_wait3A_144 = arith.constant 0 : i32
        %dma_wait3A_145 = tpu.memref_slice %arg7[%add3A_137, %dma_wait3A_144] : memref<136x128xi32, #tpu.memory_space<vmem>> -> memref<1x128xi32, #tpu.memory_space<vmem>>
        %dma_wait3A_146 = tpu.memref_squeeze %dma_wait3A_145 : memref<1x128xi32, #tpu.memory_space<vmem>> -> memref<128xi32, #tpu.memory_space<vmem>>
        %dma_wait3A_147 = arith.constant 0 : i32
        %dma_wait3A_148 = arith.constant 0 : i32
        %dma_wait3A_149 = tpu.memref_slice %arg2[%dma_wait3A_147, %dma_wait3A_148] : memref<10112x64xf32, #tpu.memory_space<hbm>> -> memref<10112x64xf32, #tpu.memory_space<hbm>>
        %dma_wait3A_150 = tpu.memref_slice %arg11[%dma_wait3A_139] : memref<4x!tpu.dma_semaphore, #tpu.memory_space<semaphore_mem>> -> memref<1x!tpu.dma_semaphore, #tpu.memory_space<semaphore_mem>>
        %dma_wait3A_151 = tpu.memref_squeeze %dma_wait3A_150 : memref<1x!tpu.dma_semaphore, #tpu.memory_space<semaphore_mem>> -> memref<!tpu.dma_semaphore, #tpu.memory_space<semaphore_mem>>
        tpu.wait_indirect_dma semaphore(%dma_wait3A_151 : memref<!tpu.dma_semaphore, #tpu.memory_space<semaphore_mem>>) src(%dma_wait3A_149 : memref<10112x64xf32, #tpu.memory_space<hbm>>) dst(%dma_wait3A_143 : memref<128x64xf32, #tpu.memory_space<vmem>>)
        %dma_start3A_152 = arith.constant 0 : i32
        %dma_start3A_153 = arith.constant 0 : i32
        %dma_start3A_154 = arith.constant 0 : i32
        %dma_start3A_155 = arith.constant 0 : i32
        %dma_start3A_156 = tpu.memref_slice %arg9[%dma_start3A_152, %dma_start3A_154, %dma_start3A_155] : memref<4x128x64xf32, #tpu.memory_space<vmem>> -> memref<1x128x64xf32, #tpu.memory_space<vmem>>
        %dma_start3A_157 = tpu.memref_squeeze %dma_start3A_156 : memref<1x128x64xf32, #tpu.memory_space<vmem>> -> memref<128x64xf32, #tpu.memory_space<vmem>>
        %dma_start3A_158 = arith.constant 0 : i32
        %dma_start3A_159 = tpu.memref_slice %arg8[%add3A_137, %dma_start3A_158] : memref<136x128xi32, #tpu.memory_space<vmem>> -> memref<1x128xi32, #tpu.memory_space<vmem>>
        %dma_start3A_160 = tpu.memref_squeeze %dma_start3A_159 : memref<1x128xi32, #tpu.memory_space<vmem>> -> memref<128xi32, #tpu.memory_space<vmem>>
        %dma_start3A_161 = arith.constant 0 : i32
        %dma_start3A_162 = arith.constant 0 : i32
        %dma_start3A_163 = tpu.memref_slice %arg10[%dma_start3A_161, %dma_start3A_162] : memref<10112x64xf32, #tpu.memory_space<vmem_shared>> -> memref<10112x64xf32, #tpu.memory_space<vmem_shared>>
        %dma_start3A_164 = tpu.memref_slice %arg12[%dma_start3A_153] : memref<4x!tpu.dma_semaphore, #tpu.memory_space<semaphore_mem>> -> memref<1x!tpu.dma_semaphore, #tpu.memory_space<semaphore_mem>>
        %dma_start3A_165 = tpu.memref_squeeze %dma_start3A_164 : memref<1x!tpu.dma_semaphore, #tpu.memory_space<semaphore_mem>> -> memref<!tpu.dma_semaphore, #tpu.memory_space<semaphore_mem>>
        tpu.enqueue_indirect_dma source(%dma_start3A_157 : memref<128x64xf32, #tpu.memory_space<vmem>>) target(%dma_start3A_163 : memref<10112x64xf32, #tpu.memory_space<vmem_shared>>) offsets(%dma_start3A_160 : memref<128xi32, #tpu.memory_space<vmem>>) semaphore(%dma_start3A_165 : memref<!tpu.dma_semaphore, #tpu.memory_space<semaphore_mem>>) {add = true}
        %add3A_166 = arith.constant 4 : i32
        %add3A_167 = arith.addi %add3A_137, %add3A_166 : i32
        %lt3A = arith.constant 136 : i32
        %lt3A_168 = arith.cmpi slt, %add3A_167, %lt3A : i32
        %convert_element_type3A_169 = arith.extui %lt3A_168 : i1 to i32
        %cond3A_170 = arith.constant 0 : i32
        %cond3A_171 = arith.cmpi ne, %convert_element_type3A_169, %cond3A_170 : i32
        scf.if %cond3A_171 {
          %dma_wait3A_289 = arith.constant 0 : i32
          %dma_wait3A_290 = arith.constant 0 : i32
          %dma_wait3A_291 = arith.constant 0 : i32
          %dma_wait3A_292 = arith.constant 0 : i32
          %dma_wait3A_293 = tpu.memref_slice %arg9[%dma_wait3A_289, %dma_wait3A_291, %dma_wait3A_292] : memref<4x128x64xf32, #tpu.memory_space<vmem>> -> memref<1x128x64xf32, #tpu.memory_space<vmem>>
          %dma_wait3A_294 = tpu.memref_squeeze %dma_wait3A_293 : memref<1x128x64xf32, #tpu.memory_space<vmem>> -> memref<128x64xf32, #tpu.memory_space<vmem>>
          %dma_wait3A_295 = arith.constant 0 : i32
          %dma_wait3A_296 = tpu.memref_slice %arg8[%add3A_137, %dma_wait3A_295] : memref<136x128xi32, #tpu.memory_space<vmem>> -> memref<1x128xi32, #tpu.memory_space<vmem>>
          %dma_wait3A_297 = tpu.memref_squeeze %dma_wait3A_296 : memref<1x128xi32, #tpu.memory_space<vmem>> -> memref<128xi32, #tpu.memory_space<vmem>>
          %dma_wait3A_298 = arith.constant 0 : i32
          %dma_wait3A_299 = arith.constant 0 : i32
          %dma_wait3A_300 = tpu.memref_slice %arg10[%dma_wait3A_298, %dma_wait3A_299] : memref<10112x64xf32, #tpu.memory_space<vmem_shared>> -> memref<10112x64xf32, #tpu.memory_space<vmem_shared>>
          %dma_wait3A_301 = tpu.memref_slice %arg12[%dma_wait3A_290] : memref<4x!tpu.dma_semaphore, #tpu.memory_space<semaphore_mem>> -> memref<1x!tpu.dma_semaphore, #tpu.memory_space<semaphore_mem>>
          %dma_wait3A_302 = tpu.memref_squeeze %dma_wait3A_301 : memref<1x!tpu.dma_semaphore, #tpu.memory_space<semaphore_mem>> -> memref<!tpu.dma_semaphore, #tpu.memory_space<semaphore_mem>>
          tpu.wait_indirect_dma semaphore(%dma_wait3A_302 : memref<!tpu.dma_semaphore, #tpu.memory_space<semaphore_mem>>) src(%dma_wait3A_294 : memref<128x64xf32, #tpu.memory_space<vmem>>) dst(%dma_wait3A_300 : memref<10112x64xf32, #tpu.memory_space<vmem_shared>>)
          %dma_start3A_303 = arith.constant 0 : i32
          %dma_start3A_304 = arith.constant 0 : i32
          %dma_start3A_305 = arith.constant 0 : i32
          %dma_start3A_306 = arith.constant 0 : i32
          %dma_start3A_307 = tpu.memref_slice %arg9[%dma_start3A_303, %dma_start3A_305, %dma_start3A_306] : memref<4x128x64xf32, #tpu.memory_space<vmem>> -> memref<1x128x64xf32, #tpu.memory_space<vmem>>
          %dma_start3A_308 = tpu.memref_squeeze %dma_start3A_307 : memref<1x128x64xf32, #tpu.memory_space<vmem>> -> memref<128x64xf32, #tpu.memory_space<vmem>>
          %dma_start3A_309 = arith.constant 0 : i32
          %dma_start3A_310 = tpu.memref_slice %arg7[%add3A_167, %dma_start3A_309] : memref<136x128xi32, #tpu.memory_space<vmem>> -> memref<1x128xi32, #tpu.memory_space<vmem>>
          %dma_start3A_311 = tpu.memref_squeeze %dma_start3A_310 : memref<1x128xi32, #tpu.memory_space<vmem>> -> memref<128xi32, #tpu.memory_space<vmem>>
          %dma_start3A_312 = arith.constant 0 : i32
          %dma_start3A_313 = arith.constant 0 : i32
          %dma_start3A_314 = tpu.memref_slice %arg2[%dma_start3A_312, %dma_start3A_313] : memref<10112x64xf32, #tpu.memory_space<hbm>> -> memref<10112x64xf32, #tpu.memory_space<hbm>>
          %dma_start3A_315 = tpu.memref_slice %arg11[%dma_start3A_304] : memref<4x!tpu.dma_semaphore, #tpu.memory_space<semaphore_mem>> -> memref<1x!tpu.dma_semaphore, #tpu.memory_space<semaphore_mem>>
          %dma_start3A_316 = tpu.memref_squeeze %dma_start3A_315 : memref<1x!tpu.dma_semaphore, #tpu.memory_space<semaphore_mem>> -> memref<!tpu.dma_semaphore, #tpu.memory_space<semaphore_mem>>
          tpu.enqueue_indirect_dma source(%dma_start3A_314 : memref<10112x64xf32, #tpu.memory_space<hbm>>) target(%dma_start3A_308 : memref<128x64xf32, #tpu.memory_space<vmem>>) offsets(%dma_start3A_311 : memref<128xi32, #tpu.memory_space<vmem>>) semaphore(%dma_start3A_316 : memref<!tpu.dma_semaphore, #tpu.memory_space<semaphore_mem>>)
        } else {
        }
        %mul3A_172 = arith.constant 4 : i32
        %mul3A_173 = arith.muli %scan3A_134, %mul3A_172 : i32
        %add3A_174 = arith.constant 1 : i32
        %add3A_175 = arith.addi %mul3A_173, %add3A_174 : i32
        %dma_wait3A_176 = arith.constant 1 : i32
        %dma_wait3A_177 = arith.constant 1 : i32
        %dma_wait3A_178 = arith.constant 0 : i32
        %dma_wait3A_179 = arith.constant 0 : i32
        %dma_wait3A_180 = tpu.memref_slice %arg9[%dma_wait3A_176, %dma_wait3A_178, %dma_wait3A_179] : memref<4x128x64xf32, #tpu.memory_space<vmem>> -> memref<1x128x64xf32, #tpu.memory_space<vmem>>
        %dma_wait3A_181 = tpu.memref_squeeze %dma_wait3A_180 : memref<1x128x64xf32, #tpu.memory_space<vmem>> -> memref<128x64xf32, #tpu.memory_space<vmem>>
        %dma_wait3A_182 = arith.constant 0 : i32
        %dma_wait3A_183 = tpu.memref_slice %arg7[%add3A_175, %dma_wait3A_182] : memref<136x128xi32, #tpu.memory_space<vmem>> -> memref<1x128xi32, #tpu.memory_space<vmem>>
        %dma_wait3A_184 = tpu.memref_squeeze %dma_wait3A_183 : memref<1x128xi32, #tpu.memory_space<vmem>> -> memref<128xi32, #tpu.memory_space<vmem>>
        %dma_wait3A_185 = arith.constant 0 : i32
        %dma_wait3A_186 = arith.constant 0 : i32
        %dma_wait3A_187 = tpu.memref_slice %arg2[%dma_wait3A_185, %dma_wait3A_186] : memref<10112x64xf32, #tpu.memory_space<hbm>> -> memref<10112x64xf32, #tpu.memory_space<hbm>>
        %dma_wait3A_188 = tpu.memref_slice %arg11[%dma_wait3A_177] : memref<4x!tpu.dma_semaphore, #tpu.memory_space<semaphore_mem>> -> memref<1x!tpu.dma_semaphore, #tpu.memory_space<semaphore_mem>>
        %dma_wait3A_189 = tpu.memref_squeeze %dma_wait3A_188 : memref<1x!tpu.dma_semaphore, #tpu.memory_space<semaphore_mem>> -> memref<!tpu.dma_semaphore, #tpu.memory_space<semaphore_mem>>
        tpu.wait_indirect_dma semaphore(%dma_wait3A_189 : memref<!tpu.dma_semaphore, #tpu.memory_space<semaphore_mem>>) src(%dma_wait3A_187 : memref<10112x64xf32, #tpu.memory_space<hbm>>) dst(%dma_wait3A_181 : memref<128x64xf32, #tpu.memory_space<vmem>>)
        %dma_start3A_190 = arith.constant 1 : i32
        %dma_start3A_191 = arith.constant 1 : i32
        %dma_start3A_192 = arith.constant 0 : i32
        %dma_start3A_193 = arith.constant 0 : i32
        %dma_start3A_194 = tpu.memref_slice %arg9[%dma_start3A_190, %dma_start3A_192, %dma_start3A_193] : memref<4x128x64xf32, #tpu.memory_space<vmem>> -> memref<1x128x64xf32, #tpu.memory_space<vmem>>
        %dma_start3A_195 = tpu.memref_squeeze %dma_start3A_194 : memref<1x128x64xf32, #tpu.memory_space<vmem>> -> memref<128x64xf32, #tpu.memory_space<vmem>>
        %dma_start3A_196 = arith.constant 0 : i32
        %dma_start3A_197 = tpu.memref_slice %arg8[%add3A_175, %dma_start3A_196] : memref<136x128xi32, #tpu.memory_space<vmem>> -> memref<1x128xi32, #tpu.memory_space<vmem>>
        %dma_start3A_198 = tpu.memref_squeeze %dma_start3A_197 : memref<1x128xi32, #tpu.memory_space<vmem>> -> memref<128xi32, #tpu.memory_space<vmem>>
        %dma_start3A_199 = arith.constant 0 : i32
        %dma_start3A_200 = arith.constant 0 : i32
        %dma_start3A_201 = tpu.memref_slice %arg10[%dma_start3A_199, %dma_start3A_200] : memref<10112x64xf32, #tpu.memory_space<vmem_shared>> -> memref<10112x64xf32, #tpu.memory_space<vmem_shared>>
        %dma_start3A_202 = tpu.memref_slice %arg12[%dma_start3A_191] : memref<4x!tpu.dma_semaphore, #tpu.memory_space<semaphore_mem>> -> memref<1x!tpu.dma_semaphore, #tpu.memory_space<semaphore_mem>>
        %dma_start3A_203 = tpu.memref_squeeze %dma_start3A_202 : memref<1x!tpu.dma_semaphore, #tpu.memory_space<semaphore_mem>> -> memref<!tpu.dma_semaphore, #tpu.memory_space<semaphore_mem>>
        tpu.enqueue_indirect_dma source(%dma_start3A_195 : memref<128x64xf32, #tpu.memory_space<vmem>>) target(%dma_start3A_201 : memref<10112x64xf32, #tpu.memory_space<vmem_shared>>) offsets(%dma_start3A_198 : memref<128xi32, #tpu.memory_space<vmem>>) semaphore(%dma_start3A_203 : memref<!tpu.dma_semaphore, #tpu.memory_space<semaphore_mem>>) {add = true}
        %add3A_204 = arith.constant 4 : i32
        %add3A_205 = arith.addi %add3A_175, %add3A_204 : i32
        %lt3A_206 = arith.constant 136 : i32
        %lt3A_207 = arith.cmpi slt, %add3A_205, %lt3A_206 : i32
        %convert_element_type3A_208 = arith.extui %lt3A_207 : i1 to i32
        %cond3A_209 = arith.constant 0 : i32
        %cond3A_210 = arith.cmpi ne, %convert_element_type3A_208, %cond3A_209 : i32
        scf.if %cond3A_210 {
          %dma_wait3A_289 = arith.constant 1 : i32
          %dma_wait3A_290 = arith.constant 1 : i32
          %dma_wait3A_291 = arith.constant 0 : i32
          %dma_wait3A_292 = arith.constant 0 : i32
          %dma_wait3A_293 = tpu.memref_slice %arg9[%dma_wait3A_289, %dma_wait3A_291, %dma_wait3A_292] : memref<4x128x64xf32, #tpu.memory_space<vmem>> -> memref<1x128x64xf32, #tpu.memory_space<vmem>>
          %dma_wait3A_294 = tpu.memref_squeeze %dma_wait3A_293 : memref<1x128x64xf32, #tpu.memory_space<vmem>> -> memref<128x64xf32, #tpu.memory_space<vmem>>
          %dma_wait3A_295 = arith.constant 0 : i32
          %dma_wait3A_296 = tpu.memref_slice %arg8[%add3A_175, %dma_wait3A_295] : memref<136x128xi32, #tpu.memory_space<vmem>> -> memref<1x128xi32, #tpu.memory_space<vmem>>
          %dma_wait3A_297 = tpu.memref_squeeze %dma_wait3A_296 : memref<1x128xi32, #tpu.memory_space<vmem>> -> memref<128xi32, #tpu.memory_space<vmem>>
          %dma_wait3A_298 = arith.constant 0 : i32
          %dma_wait3A_299 = arith.constant 0 : i32
          %dma_wait3A_300 = tpu.memref_slice %arg10[%dma_wait3A_298, %dma_wait3A_299] : memref<10112x64xf32, #tpu.memory_space<vmem_shared>> -> memref<10112x64xf32, #tpu.memory_space<vmem_shared>>
          %dma_wait3A_301 = tpu.memref_slice %arg12[%dma_wait3A_290] : memref<4x!tpu.dma_semaphore, #tpu.memory_space<semaphore_mem>> -> memref<1x!tpu.dma_semaphore, #tpu.memory_space<semaphore_mem>>
          %dma_wait3A_302 = tpu.memref_squeeze %dma_wait3A_301 : memref<1x!tpu.dma_semaphore, #tpu.memory_space<semaphore_mem>> -> memref<!tpu.dma_semaphore, #tpu.memory_space<semaphore_mem>>
          tpu.wait_indirect_dma semaphore(%dma_wait3A_302 : memref<!tpu.dma_semaphore, #tpu.memory_space<semaphore_mem>>) src(%dma_wait3A_294 : memref<128x64xf32, #tpu.memory_space<vmem>>) dst(%dma_wait3A_300 : memref<10112x64xf32, #tpu.memory_space<vmem_shared>>)
          %dma_start3A_303 = arith.constant 1 : i32
          %dma_start3A_304 = arith.constant 1 : i32
          %dma_start3A_305 = arith.constant 0 : i32
          %dma_start3A_306 = arith.constant 0 : i32
          %dma_start3A_307 = tpu.memref_slice %arg9[%dma_start3A_303, %dma_start3A_305, %dma_start3A_306] : memref<4x128x64xf32, #tpu.memory_space<vmem>> -> memref<1x128x64xf32, #tpu.memory_space<vmem>>
          %dma_start3A_308 = tpu.memref_squeeze %dma_start3A_307 : memref<1x128x64xf32, #tpu.memory_space<vmem>> -> memref<128x64xf32, #tpu.memory_space<vmem>>
          %dma_start3A_309 = arith.constant 0 : i32
          %dma_start3A_310 = tpu.memref_slice %arg7[%add3A_205, %dma_start3A_309] : memref<136x128xi32, #tpu.memory_space<vmem>> -> memref<1x128xi32, #tpu.memory_space<vmem>>
          %dma_start3A_311 = tpu.memref_squeeze %dma_start3A_310 : memref<1x128xi32, #tpu.memory_space<vmem>> -> memref<128xi32, #tpu.memory_space<vmem>>
          %dma_start3A_312 = arith.constant 0 : i32
          %dma_start3A_313 = arith.constant 0 : i32
          %dma_start3A_314 = tpu.memref_slice %arg2[%dma_start3A_312, %dma_start3A_313] : memref<10112x64xf32, #tpu.memory_space<hbm>> -> memref<10112x64xf32, #tpu.memory_space<hbm>>
          %dma_start3A_315 = tpu.memref_slice %arg11[%dma_start3A_304] : memref<4x!tpu.dma_semaphore, #tpu.memory_space<semaphore_mem>> -> memref<1x!tpu.dma_semaphore, #tpu.memory_space<semaphore_mem>>
          %dma_start3A_316 = tpu.memref_squeeze %dma_start3A_315 : memref<1x!tpu.dma_semaphore, #tpu.memory_space<semaphore_mem>> -> memref<!tpu.dma_semaphore, #tpu.memory_space<semaphore_mem>>
          tpu.enqueue_indirect_dma source(%dma_start3A_314 : memref<10112x64xf32, #tpu.memory_space<hbm>>) target(%dma_start3A_308 : memref<128x64xf32, #tpu.memory_space<vmem>>) offsets(%dma_start3A_311 : memref<128xi32, #tpu.memory_space<vmem>>) semaphore(%dma_start3A_316 : memref<!tpu.dma_semaphore, #tpu.memory_space<semaphore_mem>>)
        } else {
        }
        %mul3A_211 = arith.constant 4 : i32
        %mul3A_212 = arith.muli %scan3A_134, %mul3A_211 : i32
        %add3A_213 = arith.constant 2 : i32
        %add3A_214 = arith.addi %mul3A_212, %add3A_213 : i32
        %dma_wait3A_215 = arith.constant 2 : i32
        %dma_wait3A_216 = arith.constant 2 : i32
        %dma_wait3A_217 = arith.constant 0 : i32
        %dma_wait3A_218 = arith.constant 0 : i32
        %dma_wait3A_219 = tpu.memref_slice %arg9[%dma_wait3A_215, %dma_wait3A_217, %dma_wait3A_218] : memref<4x128x64xf32, #tpu.memory_space<vmem>> -> memref<1x128x64xf32, #tpu.memory_space<vmem>>
        %dma_wait3A_220 = tpu.memref_squeeze %dma_wait3A_219 : memref<1x128x64xf32, #tpu.memory_space<vmem>> -> memref<128x64xf32, #tpu.memory_space<vmem>>
        %dma_wait3A_221 = arith.constant 0 : i32
        %dma_wait3A_222 = tpu.memref_slice %arg7[%add3A_214, %dma_wait3A_221] : memref<136x128xi32, #tpu.memory_space<vmem>> -> memref<1x128xi32, #tpu.memory_space<vmem>>
        %dma_wait3A_223 = tpu.memref_squeeze %dma_wait3A_222 : memref<1x128xi32, #tpu.memory_space<vmem>> -> memref<128xi32, #tpu.memory_space<vmem>>
        %dma_wait3A_224 = arith.constant 0 : i32
        %dma_wait3A_225 = arith.constant 0 : i32
        %dma_wait3A_226 = tpu.memref_slice %arg2[%dma_wait3A_224, %dma_wait3A_225] : memref<10112x64xf32, #tpu.memory_space<hbm>> -> memref<10112x64xf32, #tpu.memory_space<hbm>>
        %dma_wait3A_227 = tpu.memref_slice %arg11[%dma_wait3A_216] : memref<4x!tpu.dma_semaphore, #tpu.memory_space<semaphore_mem>> -> memref<1x!tpu.dma_semaphore, #tpu.memory_space<semaphore_mem>>
        %dma_wait3A_228 = tpu.memref_squeeze %dma_wait3A_227 : memref<1x!tpu.dma_semaphore, #tpu.memory_space<semaphore_mem>> -> memref<!tpu.dma_semaphore, #tpu.memory_space<semaphore_mem>>
        tpu.wait_indirect_dma semaphore(%dma_wait3A_228 : memref<!tpu.dma_semaphore, #tpu.memory_space<semaphore_mem>>) src(%dma_wait3A_226 : memref<10112x64xf32, #tpu.memory_space<hbm>>) dst(%dma_wait3A_220 : memref<128x64xf32, #tpu.memory_space<vmem>>)
        %dma_start3A_229 = arith.constant 2 : i32
        %dma_start3A_230 = arith.constant 2 : i32
        %dma_start3A_231 = arith.constant 0 : i32
        %dma_start3A_232 = arith.constant 0 : i32
        %dma_start3A_233 = tpu.memref_slice %arg9[%dma_start3A_229, %dma_start3A_231, %dma_start3A_232] : memref<4x128x64xf32, #tpu.memory_space<vmem>> -> memref<1x128x64xf32, #tpu.memory_space<vmem>>
        %dma_start3A_234 = tpu.memref_squeeze %dma_start3A_233 : memref<1x128x64xf32, #tpu.memory_space<vmem>> -> memref<128x64xf32, #tpu.memory_space<vmem>>
        %dma_start3A_235 = arith.constant 0 : i32
        %dma_start3A_236 = tpu.memref_slice %arg8[%add3A_214, %dma_start3A_235] : memref<136x128xi32, #tpu.memory_space<vmem>> -> memref<1x128xi32, #tpu.memory_space<vmem>>
        %dma_start3A_237 = tpu.memref_squeeze %dma_start3A_236 : memref<1x128xi32, #tpu.memory_space<vmem>> -> memref<128xi32, #tpu.memory_space<vmem>>
        %dma_start3A_238 = arith.constant 0 : i32
        %dma_start3A_239 = arith.constant 0 : i32
        %dma_start3A_240 = tpu.memref_slice %arg10[%dma_start3A_238, %dma_start3A_239] : memref<10112x64xf32, #tpu.memory_space<vmem_shared>> -> memref<10112x64xf32, #tpu.memory_space<vmem_shared>>
        %dma_start3A_241 = tpu.memref_slice %arg12[%dma_start3A_230] : memref<4x!tpu.dma_semaphore, #tpu.memory_space<semaphore_mem>> -> memref<1x!tpu.dma_semaphore, #tpu.memory_space<semaphore_mem>>
        %dma_start3A_242 = tpu.memref_squeeze %dma_start3A_241 : memref<1x!tpu.dma_semaphore, #tpu.memory_space<semaphore_mem>> -> memref<!tpu.dma_semaphore, #tpu.memory_space<semaphore_mem>>
        tpu.enqueue_indirect_dma source(%dma_start3A_234 : memref<128x64xf32, #tpu.memory_space<vmem>>) target(%dma_start3A_240 : memref<10112x64xf32, #tpu.memory_space<vmem_shared>>) offsets(%dma_start3A_237 : memref<128xi32, #tpu.memory_space<vmem>>) semaphore(%dma_start3A_242 : memref<!tpu.dma_semaphore, #tpu.memory_space<semaphore_mem>>) {add = true}
        %add3A_243 = arith.constant 4 : i32
        %add3A_244 = arith.addi %add3A_214, %add3A_243 : i32
        %lt3A_245 = arith.constant 136 : i32
        %lt3A_246 = arith.cmpi slt, %add3A_244, %lt3A_245 : i32
        %convert_element_type3A_247 = arith.extui %lt3A_246 : i1 to i32
        %cond3A_248 = arith.constant 0 : i32
        %cond3A_249 = arith.cmpi ne, %convert_element_type3A_247, %cond3A_248 : i32
        scf.if %cond3A_249 {
          %dma_wait3A_289 = arith.constant 2 : i32
          %dma_wait3A_290 = arith.constant 2 : i32
          %dma_wait3A_291 = arith.constant 0 : i32
          %dma_wait3A_292 = arith.constant 0 : i32
          %dma_wait3A_293 = tpu.memref_slice %arg9[%dma_wait3A_289, %dma_wait3A_291, %dma_wait3A_292] : memref<4x128x64xf32, #tpu.memory_space<vmem>> -> memref<1x128x64xf32, #tpu.memory_space<vmem>>
          %dma_wait3A_294 = tpu.memref_squeeze %dma_wait3A_293 : memref<1x128x64xf32, #tpu.memory_space<vmem>> -> memref<128x64xf32, #tpu.memory_space<vmem>>
          %dma_wait3A_295 = arith.constant 0 : i32
          %dma_wait3A_296 = tpu.memref_slice %arg8[%add3A_214, %dma_wait3A_295] : memref<136x128xi32, #tpu.memory_space<vmem>> -> memref<1x128xi32, #tpu.memory_space<vmem>>
          %dma_wait3A_297 = tpu.memref_squeeze %dma_wait3A_296 : memref<1x128xi32, #tpu.memory_space<vmem>> -> memref<128xi32, #tpu.memory_space<vmem>>
          %dma_wait3A_298 = arith.constant 0 : i32
          %dma_wait3A_299 = arith.constant 0 : i32
          %dma_wait3A_300 = tpu.memref_slice %arg10[%dma_wait3A_298, %dma_wait3A_299] : memref<10112x64xf32, #tpu.memory_space<vmem_shared>> -> memref<10112x64xf32, #tpu.memory_space<vmem_shared>>
          %dma_wait3A_301 = tpu.memref_slice %arg12[%dma_wait3A_290] : memref<4x!tpu.dma_semaphore, #tpu.memory_space<semaphore_mem>> -> memref<1x!tpu.dma_semaphore, #tpu.memory_space<semaphore_mem>>
          %dma_wait3A_302 = tpu.memref_squeeze %dma_wait3A_301 : memref<1x!tpu.dma_semaphore, #tpu.memory_space<semaphore_mem>> -> memref<!tpu.dma_semaphore, #tpu.memory_space<semaphore_mem>>
          tpu.wait_indirect_dma semaphore(%dma_wait3A_302 : memref<!tpu.dma_semaphore, #tpu.memory_space<semaphore_mem>>) src(%dma_wait3A_294 : memref<128x64xf32, #tpu.memory_space<vmem>>) dst(%dma_wait3A_300 : memref<10112x64xf32, #tpu.memory_space<vmem_shared>>)
          %dma_start3A_303 = arith.constant 2 : i32
          %dma_start3A_304 = arith.constant 2 : i32
          %dma_start3A_305 = arith.constant 0 : i32
          %dma_start3A_306 = arith.constant 0 : i32
          %dma_start3A_307 = tpu.memref_slice %arg9[%dma_start3A_303, %dma_start3A_305, %dma_start3A_306] : memref<4x128x64xf32, #tpu.memory_space<vmem>> -> memref<1x128x64xf32, #tpu.memory_space<vmem>>
          %dma_start3A_308 = tpu.memref_squeeze %dma_start3A_307 : memref<1x128x64xf32, #tpu.memory_space<vmem>> -> memref<128x64xf32, #tpu.memory_space<vmem>>
          %dma_start3A_309 = arith.constant 0 : i32
          %dma_start3A_310 = tpu.memref_slice %arg7[%add3A_244, %dma_start3A_309] : memref<136x128xi32, #tpu.memory_space<vmem>> -> memref<1x128xi32, #tpu.memory_space<vmem>>
          %dma_start3A_311 = tpu.memref_squeeze %dma_start3A_310 : memref<1x128xi32, #tpu.memory_space<vmem>> -> memref<128xi32, #tpu.memory_space<vmem>>
          %dma_start3A_312 = arith.constant 0 : i32
          %dma_start3A_313 = arith.constant 0 : i32
          %dma_start3A_314 = tpu.memref_slice %arg2[%dma_start3A_312, %dma_start3A_313] : memref<10112x64xf32, #tpu.memory_space<hbm>> -> memref<10112x64xf32, #tpu.memory_space<hbm>>
          %dma_start3A_315 = tpu.memref_slice %arg11[%dma_start3A_304] : memref<4x!tpu.dma_semaphore, #tpu.memory_space<semaphore_mem>> -> memref<1x!tpu.dma_semaphore, #tpu.memory_space<semaphore_mem>>
          %dma_start3A_316 = tpu.memref_squeeze %dma_start3A_315 : memref<1x!tpu.dma_semaphore, #tpu.memory_space<semaphore_mem>> -> memref<!tpu.dma_semaphore, #tpu.memory_space<semaphore_mem>>
          tpu.enqueue_indirect_dma source(%dma_start3A_314 : memref<10112x64xf32, #tpu.memory_space<hbm>>) target(%dma_start3A_308 : memref<128x64xf32, #tpu.memory_space<vmem>>) offsets(%dma_start3A_311 : memref<128xi32, #tpu.memory_space<vmem>>) semaphore(%dma_start3A_316 : memref<!tpu.dma_semaphore, #tpu.memory_space<semaphore_mem>>)
        } else {
        }
        %mul3A_250 = arith.constant 4 : i32
        %mul3A_251 = arith.muli %scan3A_134, %mul3A_250 : i32
        %add3A_252 = arith.constant 3 : i32
        %add3A_253 = arith.addi %mul3A_251, %add3A_252 : i32
        %dma_wait3A_254 = arith.constant 3 : i32
        %dma_wait3A_255 = arith.constant 3 : i32
        %dma_wait3A_256 = arith.constant 0 : i32
        %dma_wait3A_257 = arith.constant 0 : i32
        %dma_wait3A_258 = tpu.memref_slice %arg9[%dma_wait3A_254, %dma_wait3A_256, %dma_wait3A_257] : memref<4x128x64xf32, #tpu.memory_space<vmem>> -> memref<1x128x64xf32, #tpu.memory_space<vmem>>
        %dma_wait3A_259 = tpu.memref_squeeze %dma_wait3A_258 : memref<1x128x64xf32, #tpu.memory_space<vmem>> -> memref<128x64xf32, #tpu.memory_space<vmem>>
        %dma_wait3A_260 = arith.constant 0 : i32
        %dma_wait3A_261 = tpu.memref_slice %arg7[%add3A_253, %dma_wait3A_260] : memref<136x128xi32, #tpu.memory_space<vmem>> -> memref<1x128xi32, #tpu.memory_space<vmem>>
        %dma_wait3A_262 = tpu.memref_squeeze %dma_wait3A_261 : memref<1x128xi32, #tpu.memory_space<vmem>> -> memref<128xi32, #tpu.memory_space<vmem>>
        %dma_wait3A_263 = arith.constant 0 : i32
        %dma_wait3A_264 = arith.constant 0 : i32
        %dma_wait3A_265 = tpu.memref_slice %arg2[%dma_wait3A_263, %dma_wait3A_264] : memref<10112x64xf32, #tpu.memory_space<hbm>> -> memref<10112x64xf32, #tpu.memory_space<hbm>>
        %dma_wait3A_266 = tpu.memref_slice %arg11[%dma_wait3A_255] : memref<4x!tpu.dma_semaphore, #tpu.memory_space<semaphore_mem>> -> memref<1x!tpu.dma_semaphore, #tpu.memory_space<semaphore_mem>>
        %dma_wait3A_267 = tpu.memref_squeeze %dma_wait3A_266 : memref<1x!tpu.dma_semaphore, #tpu.memory_space<semaphore_mem>> -> memref<!tpu.dma_semaphore, #tpu.memory_space<semaphore_mem>>
        tpu.wait_indirect_dma semaphore(%dma_wait3A_267 : memref<!tpu.dma_semaphore, #tpu.memory_space<semaphore_mem>>) src(%dma_wait3A_265 : memref<10112x64xf32, #tpu.memory_space<hbm>>) dst(%dma_wait3A_259 : memref<128x64xf32, #tpu.memory_space<vmem>>)
        %dma_start3A_268 = arith.constant 3 : i32
        %dma_start3A_269 = arith.constant 3 : i32
        %dma_start3A_270 = arith.constant 0 : i32
        %dma_start3A_271 = arith.constant 0 : i32
        %dma_start3A_272 = tpu.memref_slice %arg9[%dma_start3A_268, %dma_start3A_270, %dma_start3A_271] : memref<4x128x64xf32, #tpu.memory_space<vmem>> -> memref<1x128x64xf32, #tpu.memory_space<vmem>>
        %dma_start3A_273 = tpu.memref_squeeze %dma_start3A_272 : memref<1x128x64xf32, #tpu.memory_space<vmem>> -> memref<128x64xf32, #tpu.memory_space<vmem>>
        %dma_start3A_274 = arith.constant 0 : i32
        %dma_start3A_275 = tpu.memref_slice %arg8[%add3A_253, %dma_start3A_274] : memref<136x128xi32, #tpu.memory_space<vmem>> -> memref<1x128xi32, #tpu.memory_space<vmem>>
        %dma_start3A_276 = tpu.memref_squeeze %dma_start3A_275 : memref<1x128xi32, #tpu.memory_space<vmem>> -> memref<128xi32, #tpu.memory_space<vmem>>
        %dma_start3A_277 = arith.constant 0 : i32
        %dma_start3A_278 = arith.constant 0 : i32
        %dma_start3A_279 = tpu.memref_slice %arg10[%dma_start3A_277, %dma_start3A_278] : memref<10112x64xf32, #tpu.memory_space<vmem_shared>> -> memref<10112x64xf32, #tpu.memory_space<vmem_shared>>
        %dma_start3A_280 = tpu.memref_slice %arg12[%dma_start3A_269] : memref<4x!tpu.dma_semaphore, #tpu.memory_space<semaphore_mem>> -> memref<1x!tpu.dma_semaphore, #tpu.memory_space<semaphore_mem>>
        %dma_start3A_281 = tpu.memref_squeeze %dma_start3A_280 : memref<1x!tpu.dma_semaphore, #tpu.memory_space<semaphore_mem>> -> memref<!tpu.dma_semaphore, #tpu.memory_space<semaphore_mem>>
        tpu.enqueue_indirect_dma source(%dma_start3A_273 : memref<128x64xf32, #tpu.memory_space<vmem>>) target(%dma_start3A_279 : memref<10112x64xf32, #tpu.memory_space<vmem_shared>>) offsets(%dma_start3A_276 : memref<128xi32, #tpu.memory_space<vmem>>) semaphore(%dma_start3A_281 : memref<!tpu.dma_semaphore, #tpu.memory_space<semaphore_mem>>) {add = true}
        %add3A_282 = arith.constant 4 : i32
        %add3A_283 = arith.addi %add3A_253, %add3A_282 : i32
        %lt3A_284 = arith.constant 136 : i32
        %lt3A_285 = arith.cmpi slt, %add3A_283, %lt3A_284 : i32
        %convert_element_type3A_286 = arith.extui %lt3A_285 : i1 to i32
        %cond3A_287 = arith.constant 0 : i32
        %cond3A_288 = arith.cmpi ne, %convert_element_type3A_286, %cond3A_287 : i32
        scf.if %cond3A_288 {
          %dma_wait3A_289 = arith.constant 3 : i32
          %dma_wait3A_290 = arith.constant 3 : i32
          %dma_wait3A_291 = arith.constant 0 : i32
          %dma_wait3A_292 = arith.constant 0 : i32
          %dma_wait3A_293 = tpu.memref_slice %arg9[%dma_wait3A_289, %dma_wait3A_291, %dma_wait3A_292] : memref<4x128x64xf32, #tpu.memory_space<vmem>> -> memref<1x128x64xf32, #tpu.memory_space<vmem>>
          %dma_wait3A_294 = tpu.memref_squeeze %dma_wait3A_293 : memref<1x128x64xf32, #tpu.memory_space<vmem>> -> memref<128x64xf32, #tpu.memory_space<vmem>>
          %dma_wait3A_295 = arith.constant 0 : i32
          %dma_wait3A_296 = tpu.memref_slice %arg8[%add3A_253, %dma_wait3A_295] : memref<136x128xi32, #tpu.memory_space<vmem>> -> memref<1x128xi32, #tpu.memory_space<vmem>>
          %dma_wait3A_297 = tpu.memref_squeeze %dma_wait3A_296 : memref<1x128xi32, #tpu.memory_space<vmem>> -> memref<128xi32, #tpu.memory_space<vmem>>
          %dma_wait3A_298 = arith.constant 0 : i32
          %dma_wait3A_299 = arith.constant 0 : i32
          %dma_wait3A_300 = tpu.memref_slice %arg10[%dma_wait3A_298, %dma_wait3A_299] : memref<10112x64xf32, #tpu.memory_space<vmem_shared>> -> memref<10112x64xf32, #tpu.memory_space<vmem_shared>>
          %dma_wait3A_301 = tpu.memref_slice %arg12[%dma_wait3A_290] : memref<4x!tpu.dma_semaphore, #tpu.memory_space<semaphore_mem>> -> memref<1x!tpu.dma_semaphore, #tpu.memory_space<semaphore_mem>>
          %dma_wait3A_302 = tpu.memref_squeeze %dma_wait3A_301 : memref<1x!tpu.dma_semaphore, #tpu.memory_space<semaphore_mem>> -> memref<!tpu.dma_semaphore, #tpu.memory_space<semaphore_mem>>
          tpu.wait_indirect_dma semaphore(%dma_wait3A_302 : memref<!tpu.dma_semaphore, #tpu.memory_space<semaphore_mem>>) src(%dma_wait3A_294 : memref<128x64xf32, #tpu.memory_space<vmem>>) dst(%dma_wait3A_300 : memref<10112x64xf32, #tpu.memory_space<vmem_shared>>)
          %dma_start3A_303 = arith.constant 3 : i32
          %dma_start3A_304 = arith.constant 3 : i32
          %dma_start3A_305 = arith.constant 0 : i32
          %dma_start3A_306 = arith.constant 0 : i32
          %dma_start3A_307 = tpu.memref_slice %arg9[%dma_start3A_303, %dma_start3A_305, %dma_start3A_306] : memref<4x128x64xf32, #tpu.memory_space<vmem>> -> memref<1x128x64xf32, #tpu.memory_space<vmem>>
          %dma_start3A_308 = tpu.memref_squeeze %dma_start3A_307 : memref<1x128x64xf32, #tpu.memory_space<vmem>> -> memref<128x64xf32, #tpu.memory_space<vmem>>
          %dma_start3A_309 = arith.constant 0 : i32
          %dma_start3A_310 = tpu.memref_slice %arg7[%add3A_283, %dma_start3A_309] : memref<136x128xi32, #tpu.memory_space<vmem>> -> memref<1x128xi32, #tpu.memory_space<vmem>>
          %dma_start3A_311 = tpu.memref_squeeze %dma_start3A_310 : memref<1x128xi32, #tpu.memory_space<vmem>> -> memref<128xi32, #tpu.memory_space<vmem>>
          %dma_start3A_312 = arith.constant 0 : i32
          %dma_start3A_313 = arith.constant 0 : i32
          %dma_start3A_314 = tpu.memref_slice %arg2[%dma_start3A_312, %dma_start3A_313] : memref<10112x64xf32, #tpu.memory_space<hbm>> -> memref<10112x64xf32, #tpu.memory_space<hbm>>
          %dma_start3A_315 = tpu.memref_slice %arg11[%dma_start3A_304] : memref<4x!tpu.dma_semaphore, #tpu.memory_space<semaphore_mem>> -> memref<1x!tpu.dma_semaphore, #tpu.memory_space<semaphore_mem>>
          %dma_start3A_316 = tpu.memref_squeeze %dma_start3A_315 : memref<1x!tpu.dma_semaphore, #tpu.memory_space<semaphore_mem>> -> memref<!tpu.dma_semaphore, #tpu.memory_space<semaphore_mem>>
          tpu.enqueue_indirect_dma source(%dma_start3A_314 : memref<10112x64xf32, #tpu.memory_space<hbm>>) target(%dma_start3A_308 : memref<128x64xf32, #tpu.memory_space<vmem>>) offsets(%dma_start3A_311 : memref<128xi32, #tpu.memory_space<vmem>>) semaphore(%dma_start3A_316 : memref<!tpu.dma_semaphore, #tpu.memory_space<semaphore_mem>>)
        } else {
        }
      }
      %scan3A_74 = arith.constant 34 : i32
      %dma_wait3A = arith.constant 0 : i32
      %dma_wait3A_75 = arith.constant 132 : i32
      %dma_wait3A_76 = arith.constant 0 : i32
      %dma_wait3A_77 = arith.constant 0 : i32
      %dma_wait3A_78 = arith.constant 0 : i32
      %dma_wait3A_79 = tpu.memref_slice %arg9[%dma_wait3A, %dma_wait3A_77, %dma_wait3A_78] : memref<4x128x64xf32, #tpu.memory_space<vmem>> -> memref<1x128x64xf32, #tpu.memory_space<vmem>>
      %dma_wait3A_80 = tpu.memref_squeeze %dma_wait3A_79 : memref<1x128x64xf32, #tpu.memory_space<vmem>> -> memref<128x64xf32, #tpu.memory_space<vmem>>
      %dma_wait3A_81 = arith.constant 0 : i32
      %dma_wait3A_82 = tpu.memref_slice %arg8[%dma_wait3A_75, %dma_wait3A_81] : memref<136x128xi32, #tpu.memory_space<vmem>> -> memref<1x128xi32, #tpu.memory_space<vmem>>
      %dma_wait3A_83 = tpu.memref_squeeze %dma_wait3A_82 : memref<1x128xi32, #tpu.memory_space<vmem>> -> memref<128xi32, #tpu.memory_space<vmem>>
      %dma_wait3A_84 = arith.constant 0 : i32
      %dma_wait3A_85 = arith.constant 0 : i32
      %dma_wait3A_86 = tpu.memref_slice %arg10[%dma_wait3A_84, %dma_wait3A_85] : memref<10112x64xf32, #tpu.memory_space<vmem_shared>> -> memref<10112x64xf32, #tpu.memory_space<vmem_shared>>
      %dma_wait3A_87 = tpu.memref_slice %arg12[%dma_wait3A_76] : memref<4x!tpu.dma_semaphore, #tpu.memory_space<semaphore_mem>> -> memref<1x!tpu.dma_semaphore, #tpu.memory_space<semaphore_mem>>
      %dma_wait3A_88 = tpu.memref_squeeze %dma_wait3A_87 : memref<1x!tpu.dma_semaphore, #tpu.memory_space<semaphore_mem>> -> memref<!tpu.dma_semaphore, #tpu.memory_space<semaphore_mem>>
      tpu.wait_indirect_dma semaphore(%dma_wait3A_88 : memref<!tpu.dma_semaphore, #tpu.memory_space<semaphore_mem>>) src(%dma_wait3A_80 : memref<128x64xf32, #tpu.memory_space<vmem>>) dst(%dma_wait3A_86 : memref<10112x64xf32, #tpu.memory_space<vmem_shared>>)
      %dma_wait3A_89 = arith.constant 1 : i32
      %dma_wait3A_90 = arith.constant 133 : i32
      %dma_wait3A_91 = arith.constant 1 : i32
      %dma_wait3A_92 = arith.constant 0 : i32
      %dma_wait3A_93 = arith.constant 0 : i32
      %dma_wait3A_94 = tpu.memref_slice %arg9[%dma_wait3A_89, %dma_wait3A_92, %dma_wait3A_93] : memref<4x128x64xf32, #tpu.memory_space<vmem>> -> memref<1x128x64xf32, #tpu.memory_space<vmem>>
      %dma_wait3A_95 = tpu.memref_squeeze %dma_wait3A_94 : memref<1x128x64xf32, #tpu.memory_space<vmem>> -> memref<128x64xf32, #tpu.memory_space<vmem>>
      %dma_wait3A_96 = arith.constant 0 : i32
      %dma_wait3A_97 = tpu.memref_slice %arg8[%dma_wait3A_90, %dma_wait3A_96] : memref<136x128xi32, #tpu.memory_space<vmem>> -> memref<1x128xi32, #tpu.memory_space<vmem>>
      %dma_wait3A_98 = tpu.memref_squeeze %dma_wait3A_97 : memref<1x128xi32, #tpu.memory_space<vmem>> -> memref<128xi32, #tpu.memory_space<vmem>>
      %dma_wait3A_99 = arith.constant 0 : i32
      %dma_wait3A_100 = arith.constant 0 : i32
      %dma_wait3A_101 = tpu.memref_slice %arg10[%dma_wait3A_99, %dma_wait3A_100] : memref<10112x64xf32, #tpu.memory_space<vmem_shared>> -> memref<10112x64xf32, #tpu.memory_space<vmem_shared>>
      %dma_wait3A_102 = tpu.memref_slice %arg12[%dma_wait3A_91] : memref<4x!tpu.dma_semaphore, #tpu.memory_space<semaphore_mem>> -> memref<1x!tpu.dma_semaphore, #tpu.memory_space<semaphore_mem>>
      %dma_wait3A_103 = tpu.memref_squeeze %dma_wait3A_102 : memref<1x!tpu.dma_semaphore, #tpu.memory_space<semaphore_mem>> -> memref<!tpu.dma_semaphore, #tpu.memory_space<semaphore_mem>>
      tpu.wait_indirect_dma semaphore(%dma_wait3A_103 : memref<!tpu.dma_semaphore, #tpu.memory_space<semaphore_mem>>) src(%dma_wait3A_95 : memref<128x64xf32, #tpu.memory_space<vmem>>) dst(%dma_wait3A_101 : memref<10112x64xf32, #tpu.memory_space<vmem_shared>>)
      %dma_wait3A_104 = arith.constant 2 : i32
      %dma_wait3A_105 = arith.constant 134 : i32
      %dma_wait3A_106 = arith.constant 2 : i32
      %dma_wait3A_107 = arith.constant 0 : i32
      %dma_wait3A_108 = arith.constant 0 : i32
      %dma_wait3A_109 = tpu.memref_slice %arg9[%dma_wait3A_104, %dma_wait3A_107, %dma_wait3A_108] : memref<4x128x64xf32, #tpu.memory_space<vmem>> -> memref<1x128x64xf32, #tpu.memory_space<vmem>>
      %dma_wait3A_110 = tpu.memref_squeeze %dma_wait3A_109 : memref<1x128x64xf32, #tpu.memory_space<vmem>> -> memref<128x64xf32, #tpu.memory_space<vmem>>
      %dma_wait3A_111 = arith.constant 0 : i32
      %dma_wait3A_112 = tpu.memref_slice %arg8[%dma_wait3A_105, %dma_wait3A_111] : memref<136x128xi32, #tpu.memory_space<vmem>> -> memref<1x128xi32, #tpu.memory_space<vmem>>
      %dma_wait3A_113 = tpu.memref_squeeze %dma_wait3A_112 : memref<1x128xi32, #tpu.memory_space<vmem>> -> memref<128xi32, #tpu.memory_space<vmem>>
      %dma_wait3A_114 = arith.constant 0 : i32
      %dma_wait3A_115 = arith.constant 0 : i32
      %dma_wait3A_116 = tpu.memref_slice %arg10[%dma_wait3A_114, %dma_wait3A_115] : memref<10112x64xf32, #tpu.memory_space<vmem_shared>> -> memref<10112x64xf32, #tpu.memory_space<vmem_shared>>
      %dma_wait3A_117 = tpu.memref_slice %arg12[%dma_wait3A_106] : memref<4x!tpu.dma_semaphore, #tpu.memory_space<semaphore_mem>> -> memref<1x!tpu.dma_semaphore, #tpu.memory_space<semaphore_mem>>
      %dma_wait3A_118 = tpu.memref_squeeze %dma_wait3A_117 : memref<1x!tpu.dma_semaphore, #tpu.memory_space<semaphore_mem>> -> memref<!tpu.dma_semaphore, #tpu.memory_space<semaphore_mem>>
      tpu.wait_indirect_dma semaphore(%dma_wait3A_118 : memref<!tpu.dma_semaphore, #tpu.memory_space<semaphore_mem>>) src(%dma_wait3A_110 : memref<128x64xf32, #tpu.memory_space<vmem>>) dst(%dma_wait3A_116 : memref<10112x64xf32, #tpu.memory_space<vmem_shared>>)
      %dma_wait3A_119 = arith.constant 3 : i32
      %dma_wait3A_120 = arith.constant 135 : i32
      %dma_wait3A_121 = arith.constant 3 : i32
      %dma_wait3A_122 = arith.constant 0 : i32
      %dma_wait3A_123 = arith.constant 0 : i32
      %dma_wait3A_124 = tpu.memref_slice %arg9[%dma_wait3A_119, %dma_wait3A_122, %dma_wait3A_123] : memref<4x128x64xf32, #tpu.memory_space<vmem>> -> memref<1x128x64xf32, #tpu.memory_space<vmem>>
      %dma_wait3A_125 = tpu.memref_squeeze %dma_wait3A_124 : memref<1x128x64xf32, #tpu.memory_space<vmem>> -> memref<128x64xf32, #tpu.memory_space<vmem>>
      %dma_wait3A_126 = arith.constant 0 : i32
      %dma_wait3A_127 = tpu.memref_slice %arg8[%dma_wait3A_120, %dma_wait3A_126] : memref<136x128xi32, #tpu.memory_space<vmem>> -> memref<1x128xi32, #tpu.memory_space<vmem>>
      %dma_wait3A_128 = tpu.memref_squeeze %dma_wait3A_127 : memref<1x128xi32, #tpu.memory_space<vmem>> -> memref<128xi32, #tpu.memory_space<vmem>>
      %dma_wait3A_129 = arith.constant 0 : i32
      %dma_wait3A_130 = arith.constant 0 : i32
      %dma_wait3A_131 = tpu.memref_slice %arg10[%dma_wait3A_129, %dma_wait3A_130] : memref<10112x64xf32, #tpu.memory_space<vmem_shared>> -> memref<10112x64xf32, #tpu.memory_space<vmem_shared>>
      %dma_wait3A_132 = tpu.memref_slice %arg12[%dma_wait3A_121] : memref<4x!tpu.dma_semaphore, #tpu.memory_space<semaphore_mem>> -> memref<1x!tpu.dma_semaphore, #tpu.memory_space<semaphore_mem>>
      %dma_wait3A_133 = tpu.memref_squeeze %dma_wait3A_132 : memref<1x!tpu.dma_semaphore, #tpu.memory_space<semaphore_mem>> -> memref<!tpu.dma_semaphore, #tpu.memory_space<semaphore_mem>>
      tpu.wait_indirect_dma semaphore(%dma_wait3A_133 : memref<!tpu.dma_semaphore, #tpu.memory_space<semaphore_mem>>) src(%dma_wait3A_125 : memref<128x64xf32, #tpu.memory_space<vmem>>) dst(%dma_wait3A_131 : memref<10112x64xf32, #tpu.memory_space<vmem_shared>>)
    } else {
    }
    %eq3A_3 = arith.constant 1 : i32
    %eq3A_4 = arith.cmpi eq, %arg0, %eq3A_3 : i32
    %convert_element_type3A_5 = arith.extui %eq3A_4 : i1 to i32
    %cond3A_6 = arith.constant 0 : i32
    %cond3A_7 = arith.cmpi ne, %convert_element_type3A_5, %cond3A_6 : i32
    scf.if %cond3A_7 {
      %mul3A_8 = arith.constant 24 : i32
      %mul3A_9 = arith.muli %arg1, %mul3A_8 : i32
      %add3A = arith.constant 2176 : i32
      %add3A_10 = arith.addi %add3A, %mul3A_9 : i32
      "tpu.region"() ({
        %run_scoped3A = tpu.sem_alloc : memref<!tpu.dma_semaphore, #tpu.memory_space<semaphore_mem>>
        %dma_start3A_135 = arith.constant 0 : i32
        %dma_start3A_136 = arith.constant 0 : i32
        %dma_start3A_137 = tpu.memref_slice %arg7[%dma_start3A_135, %dma_start3A_136] : memref<136x128xi32, #tpu.memory_space<vmem>> -> memref<24x128xi32, #tpu.memory_space<vmem>>
        %dma_start3A_138 = arith.constant 0 : i32
        %dma_start3A_139 = tpu.memref_slice %arg3[%add3A_10, %dma_start3A_138] : memref<2560x128xi32, #tpu.memory_space<hbm>> -> memref<24x128xi32, #tpu.memory_space<hbm>>
        %dma_start3A_140 = arith.constant 0 : i32
        %dma_start3A_141 = arith.constant 0 : i32
        %dma_start3A_142 = tpu.memref_slice %arg7[%dma_start3A_140, %dma_start3A_141] : memref<136x128xi32, #tpu.memory_space<vmem>> -> memref<24x128xi32, #tpu.memory_space<vmem>>
        %dma_start3A_143 = arith.constant 0 : i32
        %dma_start3A_144 = tpu.memref_slice %arg3[%add3A_10, %dma_start3A_143] : memref<2560x128xi32, #tpu.memory_space<hbm>> -> memref<24x128xi32, #tpu.memory_space<hbm>>
        tpu.enqueue_dma source(%dma_start3A_144 : memref<24x128xi32, #tpu.memory_space<hbm>>) target(%dma_start3A_142 : memref<24x128xi32, #tpu.memory_space<vmem>>) target_semaphore(%run_scoped3A : memref<!tpu.dma_semaphore, #tpu.memory_space<semaphore_mem>>)
        %dma_wait3A_145 = arith.constant 0 : i32
        %dma_wait3A_146 = arith.constant 0 : i32
        %dma_wait3A_147 = tpu.memref_slice %arg7[%dma_wait3A_145, %dma_wait3A_146] : memref<136x128xi32, #tpu.memory_space<vmem>> -> memref<24x128xi32, #tpu.memory_space<vmem>>
        %dma_wait3A_148 = arith.constant 0 : i32
        %dma_wait3A_149 = tpu.memref_slice %arg3[%add3A_10, %dma_wait3A_148] : memref<2560x128xi32, #tpu.memory_space<hbm>> -> memref<24x128xi32, #tpu.memory_space<hbm>>
        %dma_wait3A_150 = arith.constant 0 : i32
        %dma_wait3A_151 = arith.constant 0 : i32
        %dma_wait3A_152 = tpu.memref_slice %arg7[%dma_wait3A_150, %dma_wait3A_151] : memref<136x128xi32, #tpu.memory_space<vmem>> -> memref<24x128xi32, #tpu.memory_space<vmem>>
        %dma_wait3A_153 = arith.constant 0 : i32
        %dma_wait3A_154 = tpu.memref_slice %arg3[%add3A_10, %dma_wait3A_153] : memref<2560x128xi32, #tpu.memory_space<hbm>> -> memref<24x128xi32, #tpu.memory_space<hbm>>
        tpu.wait_dma2 semaphore(%run_scoped3A : memref<!tpu.dma_semaphore, #tpu.memory_space<semaphore_mem>>) src(%dma_wait3A_154 : memref<24x128xi32, #tpu.memory_space<hbm>>) dst(%dma_wait3A_152 : memref<24x128xi32, #tpu.memory_space<vmem>>)
        tpu.yield
      }) : () -> ()
      "tpu.region"() ({
        %run_scoped3A = tpu.sem_alloc : memref<!tpu.dma_semaphore, #tpu.memory_space<semaphore_mem>>
        %dma_start3A_135 = arith.constant 0 : i32
        %dma_start3A_136 = arith.constant 0 : i32
        %dma_start3A_137 = tpu.memref_slice %arg8[%dma_start3A_135, %dma_start3A_136] : memref<136x128xi32, #tpu.memory_space<vmem>> -> memref<24x128xi32, #tpu.memory_space<vmem>>
        %dma_start3A_138 = arith.constant 0 : i32
        %dma_start3A_139 = tpu.memref_slice %arg4[%add3A_10, %dma_start3A_138] : memref<2560x128xi32, #tpu.memory_space<hbm>> -> memref<24x128xi32, #tpu.memory_space<hbm>>
        %dma_start3A_140 = arith.constant 0 : i32
        %dma_start3A_141 = arith.constant 0 : i32
        %dma_start3A_142 = tpu.memref_slice %arg8[%dma_start3A_140, %dma_start3A_141] : memref<136x128xi32, #tpu.memory_space<vmem>> -> memref<24x128xi32, #tpu.memory_space<vmem>>
        %dma_start3A_143 = arith.constant 0 : i32
        %dma_start3A_144 = tpu.memref_slice %arg4[%add3A_10, %dma_start3A_143] : memref<2560x128xi32, #tpu.memory_space<hbm>> -> memref<24x128xi32, #tpu.memory_space<hbm>>
        tpu.enqueue_dma source(%dma_start3A_144 : memref<24x128xi32, #tpu.memory_space<hbm>>) target(%dma_start3A_142 : memref<24x128xi32, #tpu.memory_space<vmem>>) target_semaphore(%run_scoped3A : memref<!tpu.dma_semaphore, #tpu.memory_space<semaphore_mem>>)
        %dma_wait3A_145 = arith.constant 0 : i32
        %dma_wait3A_146 = arith.constant 0 : i32
        %dma_wait3A_147 = tpu.memref_slice %arg8[%dma_wait3A_145, %dma_wait3A_146] : memref<136x128xi32, #tpu.memory_space<vmem>> -> memref<24x128xi32, #tpu.memory_space<vmem>>
        %dma_wait3A_148 = arith.constant 0 : i32
        %dma_wait3A_149 = tpu.memref_slice %arg4[%add3A_10, %dma_wait3A_148] : memref<2560x128xi32, #tpu.memory_space<hbm>> -> memref<24x128xi32, #tpu.memory_space<hbm>>
        %dma_wait3A_150 = arith.constant 0 : i32
        %dma_wait3A_151 = arith.constant 0 : i32
        %dma_wait3A_152 = tpu.memref_slice %arg8[%dma_wait3A_150, %dma_wait3A_151] : memref<136x128xi32, #tpu.memory_space<vmem>> -> memref<24x128xi32, #tpu.memory_space<vmem>>
        %dma_wait3A_153 = arith.constant 0 : i32
        %dma_wait3A_154 = tpu.memref_slice %arg4[%add3A_10, %dma_wait3A_153] : memref<2560x128xi32, #tpu.memory_space<hbm>> -> memref<24x128xi32, #tpu.memory_space<hbm>>
        tpu.wait_dma2 semaphore(%run_scoped3A : memref<!tpu.dma_semaphore, #tpu.memory_space<semaphore_mem>>) src(%dma_wait3A_154 : memref<24x128xi32, #tpu.memory_space<hbm>>) dst(%dma_wait3A_152 : memref<24x128xi32, #tpu.memory_space<vmem>>)
        tpu.yield
      }) : () -> ()
      %barrier3A_11 = arith.constant 0 : index
      tpu.barrier barrier_id(%barrier3A_11)
      %dma_start3A = arith.constant 0 : i32
      %dma_start3A_12 = arith.constant 0 : i32
      %dma_start3A_13 = arith.constant 0 : i32
      %dma_start3A_14 = arith.constant 0 : i32
      %dma_start3A_15 = arith.constant 0 : i32
      %dma_start3A_16 = tpu.memref_slice %arg9[%dma_start3A_12, %dma_start3A_14, %dma_start3A_15] : memref<4x128x64xf32, #tpu.memory_space<vmem>> -> memref<1x128x64xf32, #tpu.memory_space<vmem>>
      %dma_start3A_17 = tpu.memref_squeeze %dma_start3A_16 : memref<1x128x64xf32, #tpu.memory_space<vmem>> -> memref<128x64xf32, #tpu.memory_space<vmem>>
      %dma_start3A_18 = arith.constant 0 : i32
      %dma_start3A_19 = tpu.memref_slice %arg7[%dma_start3A, %dma_start3A_18] : memref<136x128xi32, #tpu.memory_space<vmem>> -> memref<1x128xi32, #tpu.memory_space<vmem>>
      %dma_start3A_20 = tpu.memref_squeeze %dma_start3A_19 : memref<1x128xi32, #tpu.memory_space<vmem>> -> memref<128xi32, #tpu.memory_space<vmem>>
      %dma_start3A_21 = arith.constant 0 : i32
      %dma_start3A_22 = arith.constant 0 : i32
      %dma_start3A_23 = tpu.memref_slice %arg2[%dma_start3A_21, %dma_start3A_22] : memref<10112x64xf32, #tpu.memory_space<hbm>> -> memref<10112x64xf32, #tpu.memory_space<hbm>>
      %dma_start3A_24 = tpu.memref_slice %arg11[%dma_start3A_13] : memref<4x!tpu.dma_semaphore, #tpu.memory_space<semaphore_mem>> -> memref<1x!tpu.dma_semaphore, #tpu.memory_space<semaphore_mem>>
      %dma_start3A_25 = tpu.memref_squeeze %dma_start3A_24 : memref<1x!tpu.dma_semaphore, #tpu.memory_space<semaphore_mem>> -> memref<!tpu.dma_semaphore, #tpu.memory_space<semaphore_mem>>
      tpu.enqueue_indirect_dma source(%dma_start3A_23 : memref<10112x64xf32, #tpu.memory_space<hbm>>) target(%dma_start3A_17 : memref<128x64xf32, #tpu.memory_space<vmem>>) offsets(%dma_start3A_20 : memref<128xi32, #tpu.memory_space<vmem>>) semaphore(%dma_start3A_25 : memref<!tpu.dma_semaphore, #tpu.memory_space<semaphore_mem>>)
      %dma_start3A_26 = arith.constant 1 : i32
      %dma_start3A_27 = arith.constant 1 : i32
      %dma_start3A_28 = arith.constant 1 : i32
      %dma_start3A_29 = arith.constant 0 : i32
      %dma_start3A_30 = arith.constant 0 : i32
      %dma_start3A_31 = tpu.memref_slice %arg9[%dma_start3A_27, %dma_start3A_29, %dma_start3A_30] : memref<4x128x64xf32, #tpu.memory_space<vmem>> -> memref<1x128x64xf32, #tpu.memory_space<vmem>>
      %dma_start3A_32 = tpu.memref_squeeze %dma_start3A_31 : memref<1x128x64xf32, #tpu.memory_space<vmem>> -> memref<128x64xf32, #tpu.memory_space<vmem>>
      %dma_start3A_33 = arith.constant 0 : i32
      %dma_start3A_34 = tpu.memref_slice %arg7[%dma_start3A_26, %dma_start3A_33] : memref<136x128xi32, #tpu.memory_space<vmem>> -> memref<1x128xi32, #tpu.memory_space<vmem>>
      %dma_start3A_35 = tpu.memref_squeeze %dma_start3A_34 : memref<1x128xi32, #tpu.memory_space<vmem>> -> memref<128xi32, #tpu.memory_space<vmem>>
      %dma_start3A_36 = arith.constant 0 : i32
      %dma_start3A_37 = arith.constant 0 : i32
      %dma_start3A_38 = tpu.memref_slice %arg2[%dma_start3A_36, %dma_start3A_37] : memref<10112x64xf32, #tpu.memory_space<hbm>> -> memref<10112x64xf32, #tpu.memory_space<hbm>>
      %dma_start3A_39 = tpu.memref_slice %arg11[%dma_start3A_28] : memref<4x!tpu.dma_semaphore, #tpu.memory_space<semaphore_mem>> -> memref<1x!tpu.dma_semaphore, #tpu.memory_space<semaphore_mem>>
      %dma_start3A_40 = tpu.memref_squeeze %dma_start3A_39 : memref<1x!tpu.dma_semaphore, #tpu.memory_space<semaphore_mem>> -> memref<!tpu.dma_semaphore, #tpu.memory_space<semaphore_mem>>
      tpu.enqueue_indirect_dma source(%dma_start3A_38 : memref<10112x64xf32, #tpu.memory_space<hbm>>) target(%dma_start3A_32 : memref<128x64xf32, #tpu.memory_space<vmem>>) offsets(%dma_start3A_35 : memref<128xi32, #tpu.memory_space<vmem>>) semaphore(%dma_start3A_40 : memref<!tpu.dma_semaphore, #tpu.memory_space<semaphore_mem>>)
      %dma_start3A_41 = arith.constant 2 : i32
      %dma_start3A_42 = arith.constant 2 : i32
      %dma_start3A_43 = arith.constant 2 : i32
      %dma_start3A_44 = arith.constant 0 : i32
      %dma_start3A_45 = arith.constant 0 : i32
      %dma_start3A_46 = tpu.memref_slice %arg9[%dma_start3A_42, %dma_start3A_44, %dma_start3A_45] : memref<4x128x64xf32, #tpu.memory_space<vmem>> -> memref<1x128x64xf32, #tpu.memory_space<vmem>>
      %dma_start3A_47 = tpu.memref_squeeze %dma_start3A_46 : memref<1x128x64xf32, #tpu.memory_space<vmem>> -> memref<128x64xf32, #tpu.memory_space<vmem>>
      %dma_start3A_48 = arith.constant 0 : i32
      %dma_start3A_49 = tpu.memref_slice %arg7[%dma_start3A_41, %dma_start3A_48] : memref<136x128xi32, #tpu.memory_space<vmem>> -> memref<1x128xi32, #tpu.memory_space<vmem>>
      %dma_start3A_50 = tpu.memref_squeeze %dma_start3A_49 : memref<1x128xi32, #tpu.memory_space<vmem>> -> memref<128xi32, #tpu.memory_space<vmem>>
      %dma_start3A_51 = arith.constant 0 : i32
      %dma_start3A_52 = arith.constant 0 : i32
      %dma_start3A_53 = tpu.memref_slice %arg2[%dma_start3A_51, %dma_start3A_52] : memref<10112x64xf32, #tpu.memory_space<hbm>> -> memref<10112x64xf32, #tpu.memory_space<hbm>>
      %dma_start3A_54 = tpu.memref_slice %arg11[%dma_start3A_43] : memref<4x!tpu.dma_semaphore, #tpu.memory_space<semaphore_mem>> -> memref<1x!tpu.dma_semaphore, #tpu.memory_space<semaphore_mem>>
      %dma_start3A_55 = tpu.memref_squeeze %dma_start3A_54 : memref<1x!tpu.dma_semaphore, #tpu.memory_space<semaphore_mem>> -> memref<!tpu.dma_semaphore, #tpu.memory_space<semaphore_mem>>
      tpu.enqueue_indirect_dma source(%dma_start3A_53 : memref<10112x64xf32, #tpu.memory_space<hbm>>) target(%dma_start3A_47 : memref<128x64xf32, #tpu.memory_space<vmem>>) offsets(%dma_start3A_50 : memref<128xi32, #tpu.memory_space<vmem>>) semaphore(%dma_start3A_55 : memref<!tpu.dma_semaphore, #tpu.memory_space<semaphore_mem>>)
      %dma_start3A_56 = arith.constant 3 : i32
      %dma_start3A_57 = arith.constant 3 : i32
      %dma_start3A_58 = arith.constant 3 : i32
      %dma_start3A_59 = arith.constant 0 : i32
      %dma_start3A_60 = arith.constant 0 : i32
      %dma_start3A_61 = tpu.memref_slice %arg9[%dma_start3A_57, %dma_start3A_59, %dma_start3A_60] : memref<4x128x64xf32, #tpu.memory_space<vmem>> -> memref<1x128x64xf32, #tpu.memory_space<vmem>>
      %dma_start3A_62 = tpu.memref_squeeze %dma_start3A_61 : memref<1x128x64xf32, #tpu.memory_space<vmem>> -> memref<128x64xf32, #tpu.memory_space<vmem>>
      %dma_start3A_63 = arith.constant 0 : i32
      %dma_start3A_64 = tpu.memref_slice %arg7[%dma_start3A_56, %dma_start3A_63] : memref<136x128xi32, #tpu.memory_space<vmem>> -> memref<1x128xi32, #tpu.memory_space<vmem>>
      %dma_start3A_65 = tpu.memref_squeeze %dma_start3A_64 : memref<1x128xi32, #tpu.memory_space<vmem>> -> memref<128xi32, #tpu.memory_space<vmem>>
      %dma_start3A_66 = arith.constant 0 : i32
      %dma_start3A_67 = arith.constant 0 : i32
      %dma_start3A_68 = tpu.memref_slice %arg2[%dma_start3A_66, %dma_start3A_67] : memref<10112x64xf32, #tpu.memory_space<hbm>> -> memref<10112x64xf32, #tpu.memory_space<hbm>>
      %dma_start3A_69 = tpu.memref_slice %arg11[%dma_start3A_58] : memref<4x!tpu.dma_semaphore, #tpu.memory_space<semaphore_mem>> -> memref<1x!tpu.dma_semaphore, #tpu.memory_space<semaphore_mem>>
      %dma_start3A_70 = tpu.memref_squeeze %dma_start3A_69 : memref<1x!tpu.dma_semaphore, #tpu.memory_space<semaphore_mem>> -> memref<!tpu.dma_semaphore, #tpu.memory_space<semaphore_mem>>
      tpu.enqueue_indirect_dma source(%dma_start3A_68 : memref<10112x64xf32, #tpu.memory_space<hbm>>) target(%dma_start3A_62 : memref<128x64xf32, #tpu.memory_space<vmem>>) offsets(%dma_start3A_65 : memref<128xi32, #tpu.memory_space<vmem>>) semaphore(%dma_start3A_70 : memref<!tpu.dma_semaphore, #tpu.memory_space<semaphore_mem>>)
      %scan3A = arith.constant 0 : i32
      %scan3A_71 = arith.constant 0 : i32
      %scan3A_72 = arith.constant 6 : i32
      %scan3A_73 = arith.addi %scan3A_71, %scan3A_72 : i32
      %scan3A_74 = arith.constant 1 : i32
      scf.for %scan3A_135 = %scan3A_71 to %scan3A_73 step %scan3A_74  : i32 {
        %mul3A_136 = arith.constant 4 : i32
        %mul3A_137 = arith.muli %scan3A_135, %mul3A_136 : i32
        %add3A_138 = arith.constant 0 : i32
        %add3A_139 = arith.addi %mul3A_137, %add3A_138 : i32
        %dma_wait3A_140 = arith.constant 0 : i32
        %dma_wait3A_141 = arith.constant 0 : i32
        %dma_wait3A_142 = arith.constant 0 : i32
        %dma_wait3A_143 = arith.constant 0 : i32
        %dma_wait3A_144 = tpu.memref_slice %arg9[%dma_wait3A_140, %dma_wait3A_142, %dma_wait3A_143] : memref<4x128x64xf32, #tpu.memory_space<vmem>> -> memref<1x128x64xf32, #tpu.memory_space<vmem>>
        %dma_wait3A_145 = tpu.memref_squeeze %dma_wait3A_144 : memref<1x128x64xf32, #tpu.memory_space<vmem>> -> memref<128x64xf32, #tpu.memory_space<vmem>>
        %dma_wait3A_146 = arith.constant 0 : i32
        %dma_wait3A_147 = tpu.memref_slice %arg7[%add3A_139, %dma_wait3A_146] : memref<136x128xi32, #tpu.memory_space<vmem>> -> memref<1x128xi32, #tpu.memory_space<vmem>>
        %dma_wait3A_148 = tpu.memref_squeeze %dma_wait3A_147 : memref<1x128xi32, #tpu.memory_space<vmem>> -> memref<128xi32, #tpu.memory_space<vmem>>
        %dma_wait3A_149 = arith.constant 0 : i32
        %dma_wait3A_150 = arith.constant 0 : i32
        %dma_wait3A_151 = tpu.memref_slice %arg2[%dma_wait3A_149, %dma_wait3A_150] : memref<10112x64xf32, #tpu.memory_space<hbm>> -> memref<10112x64xf32, #tpu.memory_space<hbm>>
        %dma_wait3A_152 = tpu.memref_slice %arg11[%dma_wait3A_141] : memref<4x!tpu.dma_semaphore, #tpu.memory_space<semaphore_mem>> -> memref<1x!tpu.dma_semaphore, #tpu.memory_space<semaphore_mem>>
        %dma_wait3A_153 = tpu.memref_squeeze %dma_wait3A_152 : memref<1x!tpu.dma_semaphore, #tpu.memory_space<semaphore_mem>> -> memref<!tpu.dma_semaphore, #tpu.memory_space<semaphore_mem>>
        tpu.wait_indirect_dma semaphore(%dma_wait3A_153 : memref<!tpu.dma_semaphore, #tpu.memory_space<semaphore_mem>>) src(%dma_wait3A_151 : memref<10112x64xf32, #tpu.memory_space<hbm>>) dst(%dma_wait3A_145 : memref<128x64xf32, #tpu.memory_space<vmem>>)
        %dma_start3A_154 = arith.constant 0 : i32
        %dma_start3A_155 = arith.constant 0 : i32
        %dma_start3A_156 = arith.constant 0 : i32
        %dma_start3A_157 = arith.constant 0 : i32
        %dma_start3A_158 = tpu.memref_slice %arg9[%dma_start3A_154, %dma_start3A_156, %dma_start3A_157] : memref<4x128x64xf32, #tpu.memory_space<vmem>> -> memref<1x128x64xf32, #tpu.memory_space<vmem>>
        %dma_start3A_159 = tpu.memref_squeeze %dma_start3A_158 : memref<1x128x64xf32, #tpu.memory_space<vmem>> -> memref<128x64xf32, #tpu.memory_space<vmem>>
        %dma_start3A_160 = arith.constant 0 : i32
        %dma_start3A_161 = tpu.memref_slice %arg8[%add3A_139, %dma_start3A_160] : memref<136x128xi32, #tpu.memory_space<vmem>> -> memref<1x128xi32, #tpu.memory_space<vmem>>
        %dma_start3A_162 = tpu.memref_squeeze %dma_start3A_161 : memref<1x128xi32, #tpu.memory_space<vmem>> -> memref<128xi32, #tpu.memory_space<vmem>>
        %dma_start3A_163 = arith.constant 0 : i32
        %dma_start3A_164 = arith.constant 0 : i32
        %dma_start3A_165 = tpu.memref_slice %arg10[%dma_start3A_163, %dma_start3A_164] : memref<10112x64xf32, #tpu.memory_space<vmem_shared>> -> memref<10112x64xf32, #tpu.memory_space<vmem_shared>>
        %dma_start3A_166 = tpu.memref_slice %arg12[%dma_start3A_155] : memref<4x!tpu.dma_semaphore, #tpu.memory_space<semaphore_mem>> -> memref<1x!tpu.dma_semaphore, #tpu.memory_space<semaphore_mem>>
        %dma_start3A_167 = tpu.memref_squeeze %dma_start3A_166 : memref<1x!tpu.dma_semaphore, #tpu.memory_space<semaphore_mem>> -> memref<!tpu.dma_semaphore, #tpu.memory_space<semaphore_mem>>
        tpu.enqueue_indirect_dma source(%dma_start3A_159 : memref<128x64xf32, #tpu.memory_space<vmem>>) target(%dma_start3A_165 : memref<10112x64xf32, #tpu.memory_space<vmem_shared>>) offsets(%dma_start3A_162 : memref<128xi32, #tpu.memory_space<vmem>>) semaphore(%dma_start3A_167 : memref<!tpu.dma_semaphore, #tpu.memory_space<semaphore_mem>>) {add = true}
        %add3A_168 = arith.constant 4 : i32
        %add3A_169 = arith.addi %add3A_139, %add3A_168 : i32
        %lt3A = arith.constant 24 : i32
        %lt3A_170 = arith.cmpi slt, %add3A_169, %lt3A : i32
        %convert_element_type3A_171 = arith.extui %lt3A_170 : i1 to i32
        %cond3A_172 = arith.constant 0 : i32
        %cond3A_173 = arith.cmpi ne, %convert_element_type3A_171, %cond3A_172 : i32
        scf.if %cond3A_173 {
          %dma_wait3A_291 = arith.constant 0 : i32
          %dma_wait3A_292 = arith.constant 0 : i32
          %dma_wait3A_293 = arith.constant 0 : i32
          %dma_wait3A_294 = arith.constant 0 : i32
          %dma_wait3A_295 = tpu.memref_slice %arg9[%dma_wait3A_291, %dma_wait3A_293, %dma_wait3A_294] : memref<4x128x64xf32, #tpu.memory_space<vmem>> -> memref<1x128x64xf32, #tpu.memory_space<vmem>>
          %dma_wait3A_296 = tpu.memref_squeeze %dma_wait3A_295 : memref<1x128x64xf32, #tpu.memory_space<vmem>> -> memref<128x64xf32, #tpu.memory_space<vmem>>
          %dma_wait3A_297 = arith.constant 0 : i32
          %dma_wait3A_298 = tpu.memref_slice %arg8[%add3A_139, %dma_wait3A_297] : memref<136x128xi32, #tpu.memory_space<vmem>> -> memref<1x128xi32, #tpu.memory_space<vmem>>
          %dma_wait3A_299 = tpu.memref_squeeze %dma_wait3A_298 : memref<1x128xi32, #tpu.memory_space<vmem>> -> memref<128xi32, #tpu.memory_space<vmem>>
          %dma_wait3A_300 = arith.constant 0 : i32
          %dma_wait3A_301 = arith.constant 0 : i32
          %dma_wait3A_302 = tpu.memref_slice %arg10[%dma_wait3A_300, %dma_wait3A_301] : memref<10112x64xf32, #tpu.memory_space<vmem_shared>> -> memref<10112x64xf32, #tpu.memory_space<vmem_shared>>
          %dma_wait3A_303 = tpu.memref_slice %arg12[%dma_wait3A_292] : memref<4x!tpu.dma_semaphore, #tpu.memory_space<semaphore_mem>> -> memref<1x!tpu.dma_semaphore, #tpu.memory_space<semaphore_mem>>
          %dma_wait3A_304 = tpu.memref_squeeze %dma_wait3A_303 : memref<1x!tpu.dma_semaphore, #tpu.memory_space<semaphore_mem>> -> memref<!tpu.dma_semaphore, #tpu.memory_space<semaphore_mem>>
          tpu.wait_indirect_dma semaphore(%dma_wait3A_304 : memref<!tpu.dma_semaphore, #tpu.memory_space<semaphore_mem>>) src(%dma_wait3A_296 : memref<128x64xf32, #tpu.memory_space<vmem>>) dst(%dma_wait3A_302 : memref<10112x64xf32, #tpu.memory_space<vmem_shared>>)
          %dma_start3A_305 = arith.constant 0 : i32
          %dma_start3A_306 = arith.constant 0 : i32
          %dma_start3A_307 = arith.constant 0 : i32
          %dma_start3A_308 = arith.constant 0 : i32
          %dma_start3A_309 = tpu.memref_slice %arg9[%dma_start3A_305, %dma_start3A_307, %dma_start3A_308] : memref<4x128x64xf32, #tpu.memory_space<vmem>> -> memref<1x128x64xf32, #tpu.memory_space<vmem>>
          %dma_start3A_310 = tpu.memref_squeeze %dma_start3A_309 : memref<1x128x64xf32, #tpu.memory_space<vmem>> -> memref<128x64xf32, #tpu.memory_space<vmem>>
          %dma_start3A_311 = arith.constant 0 : i32
          %dma_start3A_312 = tpu.memref_slice %arg7[%add3A_169, %dma_start3A_311] : memref<136x128xi32, #tpu.memory_space<vmem>> -> memref<1x128xi32, #tpu.memory_space<vmem>>
          %dma_start3A_313 = tpu.memref_squeeze %dma_start3A_312 : memref<1x128xi32, #tpu.memory_space<vmem>> -> memref<128xi32, #tpu.memory_space<vmem>>
          %dma_start3A_314 = arith.constant 0 : i32
          %dma_start3A_315 = arith.constant 0 : i32
          %dma_start3A_316 = tpu.memref_slice %arg2[%dma_start3A_314, %dma_start3A_315] : memref<10112x64xf32, #tpu.memory_space<hbm>> -> memref<10112x64xf32, #tpu.memory_space<hbm>>
          %dma_start3A_317 = tpu.memref_slice %arg11[%dma_start3A_306] : memref<4x!tpu.dma_semaphore, #tpu.memory_space<semaphore_mem>> -> memref<1x!tpu.dma_semaphore, #tpu.memory_space<semaphore_mem>>
          %dma_start3A_318 = tpu.memref_squeeze %dma_start3A_317 : memref<1x!tpu.dma_semaphore, #tpu.memory_space<semaphore_mem>> -> memref<!tpu.dma_semaphore, #tpu.memory_space<semaphore_mem>>
          tpu.enqueue_indirect_dma source(%dma_start3A_316 : memref<10112x64xf32, #tpu.memory_space<hbm>>) target(%dma_start3A_310 : memref<128x64xf32, #tpu.memory_space<vmem>>) offsets(%dma_start3A_313 : memref<128xi32, #tpu.memory_space<vmem>>) semaphore(%dma_start3A_318 : memref<!tpu.dma_semaphore, #tpu.memory_space<semaphore_mem>>)
        } else {
        }
        %mul3A_174 = arith.constant 4 : i32
        %mul3A_175 = arith.muli %scan3A_135, %mul3A_174 : i32
        %add3A_176 = arith.constant 1 : i32
        %add3A_177 = arith.addi %mul3A_175, %add3A_176 : i32
        %dma_wait3A_178 = arith.constant 1 : i32
        %dma_wait3A_179 = arith.constant 1 : i32
        %dma_wait3A_180 = arith.constant 0 : i32
        %dma_wait3A_181 = arith.constant 0 : i32
        %dma_wait3A_182 = tpu.memref_slice %arg9[%dma_wait3A_178, %dma_wait3A_180, %dma_wait3A_181] : memref<4x128x64xf32, #tpu.memory_space<vmem>> -> memref<1x128x64xf32, #tpu.memory_space<vmem>>
        %dma_wait3A_183 = tpu.memref_squeeze %dma_wait3A_182 : memref<1x128x64xf32, #tpu.memory_space<vmem>> -> memref<128x64xf32, #tpu.memory_space<vmem>>
        %dma_wait3A_184 = arith.constant 0 : i32
        %dma_wait3A_185 = tpu.memref_slice %arg7[%add3A_177, %dma_wait3A_184] : memref<136x128xi32, #tpu.memory_space<vmem>> -> memref<1x128xi32, #tpu.memory_space<vmem>>
        %dma_wait3A_186 = tpu.memref_squeeze %dma_wait3A_185 : memref<1x128xi32, #tpu.memory_space<vmem>> -> memref<128xi32, #tpu.memory_space<vmem>>
        %dma_wait3A_187 = arith.constant 0 : i32
        %dma_wait3A_188 = arith.constant 0 : i32
        %dma_wait3A_189 = tpu.memref_slice %arg2[%dma_wait3A_187, %dma_wait3A_188] : memref<10112x64xf32, #tpu.memory_space<hbm>> -> memref<10112x64xf32, #tpu.memory_space<hbm>>
        %dma_wait3A_190 = tpu.memref_slice %arg11[%dma_wait3A_179] : memref<4x!tpu.dma_semaphore, #tpu.memory_space<semaphore_mem>> -> memref<1x!tpu.dma_semaphore, #tpu.memory_space<semaphore_mem>>
        %dma_wait3A_191 = tpu.memref_squeeze %dma_wait3A_190 : memref<1x!tpu.dma_semaphore, #tpu.memory_space<semaphore_mem>> -> memref<!tpu.dma_semaphore, #tpu.memory_space<semaphore_mem>>
        tpu.wait_indirect_dma semaphore(%dma_wait3A_191 : memref<!tpu.dma_semaphore, #tpu.memory_space<semaphore_mem>>) src(%dma_wait3A_189 : memref<10112x64xf32, #tpu.memory_space<hbm>>) dst(%dma_wait3A_183 : memref<128x64xf32, #tpu.memory_space<vmem>>)
        %dma_start3A_192 = arith.constant 1 : i32
        %dma_start3A_193 = arith.constant 1 : i32
        %dma_start3A_194 = arith.constant 0 : i32
        %dma_start3A_195 = arith.constant 0 : i32
        %dma_start3A_196 = tpu.memref_slice %arg9[%dma_start3A_192, %dma_start3A_194, %dma_start3A_195] : memref<4x128x64xf32, #tpu.memory_space<vmem>> -> memref<1x128x64xf32, #tpu.memory_space<vmem>>
        %dma_start3A_197 = tpu.memref_squeeze %dma_start3A_196 : memref<1x128x64xf32, #tpu.memory_space<vmem>> -> memref<128x64xf32, #tpu.memory_space<vmem>>
        %dma_start3A_198 = arith.constant 0 : i32
        %dma_start3A_199 = tpu.memref_slice %arg8[%add3A_177, %dma_start3A_198] : memref<136x128xi32, #tpu.memory_space<vmem>> -> memref<1x128xi32, #tpu.memory_space<vmem>>
        %dma_start3A_200 = tpu.memref_squeeze %dma_start3A_199 : memref<1x128xi32, #tpu.memory_space<vmem>> -> memref<128xi32, #tpu.memory_space<vmem>>
        %dma_start3A_201 = arith.constant 0 : i32
        %dma_start3A_202 = arith.constant 0 : i32
        %dma_start3A_203 = tpu.memref_slice %arg10[%dma_start3A_201, %dma_start3A_202] : memref<10112x64xf32, #tpu.memory_space<vmem_shared>> -> memref<10112x64xf32, #tpu.memory_space<vmem_shared>>
        %dma_start3A_204 = tpu.memref_slice %arg12[%dma_start3A_193] : memref<4x!tpu.dma_semaphore, #tpu.memory_space<semaphore_mem>> -> memref<1x!tpu.dma_semaphore, #tpu.memory_space<semaphore_mem>>
        %dma_start3A_205 = tpu.memref_squeeze %dma_start3A_204 : memref<1x!tpu.dma_semaphore, #tpu.memory_space<semaphore_mem>> -> memref<!tpu.dma_semaphore, #tpu.memory_space<semaphore_mem>>
        tpu.enqueue_indirect_dma source(%dma_start3A_197 : memref<128x64xf32, #tpu.memory_space<vmem>>) target(%dma_start3A_203 : memref<10112x64xf32, #tpu.memory_space<vmem_shared>>) offsets(%dma_start3A_200 : memref<128xi32, #tpu.memory_space<vmem>>) semaphore(%dma_start3A_205 : memref<!tpu.dma_semaphore, #tpu.memory_space<semaphore_mem>>) {add = true}
        %add3A_206 = arith.constant 4 : i32
        %add3A_207 = arith.addi %add3A_177, %add3A_206 : i32
        %lt3A_208 = arith.constant 24 : i32
        %lt3A_209 = arith.cmpi slt, %add3A_207, %lt3A_208 : i32
        %convert_element_type3A_210 = arith.extui %lt3A_209 : i1 to i32
        %cond3A_211 = arith.constant 0 : i32
        %cond3A_212 = arith.cmpi ne, %convert_element_type3A_210, %cond3A_211 : i32
        scf.if %cond3A_212 {
          %dma_wait3A_291 = arith.constant 1 : i32
          %dma_wait3A_292 = arith.constant 1 : i32
          %dma_wait3A_293 = arith.constant 0 : i32
          %dma_wait3A_294 = arith.constant 0 : i32
          %dma_wait3A_295 = tpu.memref_slice %arg9[%dma_wait3A_291, %dma_wait3A_293, %dma_wait3A_294] : memref<4x128x64xf32, #tpu.memory_space<vmem>> -> memref<1x128x64xf32, #tpu.memory_space<vmem>>
          %dma_wait3A_296 = tpu.memref_squeeze %dma_wait3A_295 : memref<1x128x64xf32, #tpu.memory_space<vmem>> -> memref<128x64xf32, #tpu.memory_space<vmem>>
          %dma_wait3A_297 = arith.constant 0 : i32
          %dma_wait3A_298 = tpu.memref_slice %arg8[%add3A_177, %dma_wait3A_297] : memref<136x128xi32, #tpu.memory_space<vmem>> -> memref<1x128xi32, #tpu.memory_space<vmem>>
          %dma_wait3A_299 = tpu.memref_squeeze %dma_wait3A_298 : memref<1x128xi32, #tpu.memory_space<vmem>> -> memref<128xi32, #tpu.memory_space<vmem>>
          %dma_wait3A_300 = arith.constant 0 : i32
          %dma_wait3A_301 = arith.constant 0 : i32
          %dma_wait3A_302 = tpu.memref_slice %arg10[%dma_wait3A_300, %dma_wait3A_301] : memref<10112x64xf32, #tpu.memory_space<vmem_shared>> -> memref<10112x64xf32, #tpu.memory_space<vmem_shared>>
          %dma_wait3A_303 = tpu.memref_slice %arg12[%dma_wait3A_292] : memref<4x!tpu.dma_semaphore, #tpu.memory_space<semaphore_mem>> -> memref<1x!tpu.dma_semaphore, #tpu.memory_space<semaphore_mem>>
          %dma_wait3A_304 = tpu.memref_squeeze %dma_wait3A_303 : memref<1x!tpu.dma_semaphore, #tpu.memory_space<semaphore_mem>> -> memref<!tpu.dma_semaphore, #tpu.memory_space<semaphore_mem>>
          tpu.wait_indirect_dma semaphore(%dma_wait3A_304 : memref<!tpu.dma_semaphore, #tpu.memory_space<semaphore_mem>>) src(%dma_wait3A_296 : memref<128x64xf32, #tpu.memory_space<vmem>>) dst(%dma_wait3A_302 : memref<10112x64xf32, #tpu.memory_space<vmem_shared>>)
          %dma_start3A_305 = arith.constant 1 : i32
          %dma_start3A_306 = arith.constant 1 : i32
          %dma_start3A_307 = arith.constant 0 : i32
          %dma_start3A_308 = arith.constant 0 : i32
          %dma_start3A_309 = tpu.memref_slice %arg9[%dma_start3A_305, %dma_start3A_307, %dma_start3A_308] : memref<4x128x64xf32, #tpu.memory_space<vmem>> -> memref<1x128x64xf32, #tpu.memory_space<vmem>>
          %dma_start3A_310 = tpu.memref_squeeze %dma_start3A_309 : memref<1x128x64xf32, #tpu.memory_space<vmem>> -> memref<128x64xf32, #tpu.memory_space<vmem>>
          %dma_start3A_311 = arith.constant 0 : i32
          %dma_start3A_312 = tpu.memref_slice %arg7[%add3A_207, %dma_start3A_311] : memref<136x128xi32, #tpu.memory_space<vmem>> -> memref<1x128xi32, #tpu.memory_space<vmem>>
          %dma_start3A_313 = tpu.memref_squeeze %dma_start3A_312 : memref<1x128xi32, #tpu.memory_space<vmem>> -> memref<128xi32, #tpu.memory_space<vmem>>
          %dma_start3A_314 = arith.constant 0 : i32
          %dma_start3A_315 = arith.constant 0 : i32
          %dma_start3A_316 = tpu.memref_slice %arg2[%dma_start3A_314, %dma_start3A_315] : memref<10112x64xf32, #tpu.memory_space<hbm>> -> memref<10112x64xf32, #tpu.memory_space<hbm>>
          %dma_start3A_317 = tpu.memref_slice %arg11[%dma_start3A_306] : memref<4x!tpu.dma_semaphore, #tpu.memory_space<semaphore_mem>> -> memref<1x!tpu.dma_semaphore, #tpu.memory_space<semaphore_mem>>
          %dma_start3A_318 = tpu.memref_squeeze %dma_start3A_317 : memref<1x!tpu.dma_semaphore, #tpu.memory_space<semaphore_mem>> -> memref<!tpu.dma_semaphore, #tpu.memory_space<semaphore_mem>>
          tpu.enqueue_indirect_dma source(%dma_start3A_316 : memref<10112x64xf32, #tpu.memory_space<hbm>>) target(%dma_start3A_310 : memref<128x64xf32, #tpu.memory_space<vmem>>) offsets(%dma_start3A_313 : memref<128xi32, #tpu.memory_space<vmem>>) semaphore(%dma_start3A_318 : memref<!tpu.dma_semaphore, #tpu.memory_space<semaphore_mem>>)
        } else {
        }
        %mul3A_213 = arith.constant 4 : i32
        %mul3A_214 = arith.muli %scan3A_135, %mul3A_213 : i32
        %add3A_215 = arith.constant 2 : i32
        %add3A_216 = arith.addi %mul3A_214, %add3A_215 : i32
        %dma_wait3A_217 = arith.constant 2 : i32
        %dma_wait3A_218 = arith.constant 2 : i32
        %dma_wait3A_219 = arith.constant 0 : i32
        %dma_wait3A_220 = arith.constant 0 : i32
        %dma_wait3A_221 = tpu.memref_slice %arg9[%dma_wait3A_217, %dma_wait3A_219, %dma_wait3A_220] : memref<4x128x64xf32, #tpu.memory_space<vmem>> -> memref<1x128x64xf32, #tpu.memory_space<vmem>>
        %dma_wait3A_222 = tpu.memref_squeeze %dma_wait3A_221 : memref<1x128x64xf32, #tpu.memory_space<vmem>> -> memref<128x64xf32, #tpu.memory_space<vmem>>
        %dma_wait3A_223 = arith.constant 0 : i32
        %dma_wait3A_224 = tpu.memref_slice %arg7[%add3A_216, %dma_wait3A_223] : memref<136x128xi32, #tpu.memory_space<vmem>> -> memref<1x128xi32, #tpu.memory_space<vmem>>
        %dma_wait3A_225 = tpu.memref_squeeze %dma_wait3A_224 : memref<1x128xi32, #tpu.memory_space<vmem>> -> memref<128xi32, #tpu.memory_space<vmem>>
        %dma_wait3A_226 = arith.constant 0 : i32
        %dma_wait3A_227 = arith.constant 0 : i32
        %dma_wait3A_228 = tpu.memref_slice %arg2[%dma_wait3A_226, %dma_wait3A_227] : memref<10112x64xf32, #tpu.memory_space<hbm>> -> memref<10112x64xf32, #tpu.memory_space<hbm>>
        %dma_wait3A_229 = tpu.memref_slice %arg11[%dma_wait3A_218] : memref<4x!tpu.dma_semaphore, #tpu.memory_space<semaphore_mem>> -> memref<1x!tpu.dma_semaphore, #tpu.memory_space<semaphore_mem>>
        %dma_wait3A_230 = tpu.memref_squeeze %dma_wait3A_229 : memref<1x!tpu.dma_semaphore, #tpu.memory_space<semaphore_mem>> -> memref<!tpu.dma_semaphore, #tpu.memory_space<semaphore_mem>>
        tpu.wait_indirect_dma semaphore(%dma_wait3A_230 : memref<!tpu.dma_semaphore, #tpu.memory_space<semaphore_mem>>) src(%dma_wait3A_228 : memref<10112x64xf32, #tpu.memory_space<hbm>>) dst(%dma_wait3A_222 : memref<128x64xf32, #tpu.memory_space<vmem>>)
        %dma_start3A_231 = arith.constant 2 : i32
        %dma_start3A_232 = arith.constant 2 : i32
        %dma_start3A_233 = arith.constant 0 : i32
        %dma_start3A_234 = arith.constant 0 : i32
        %dma_start3A_235 = tpu.memref_slice %arg9[%dma_start3A_231, %dma_start3A_233, %dma_start3A_234] : memref<4x128x64xf32, #tpu.memory_space<vmem>> -> memref<1x128x64xf32, #tpu.memory_space<vmem>>
        %dma_start3A_236 = tpu.memref_squeeze %dma_start3A_235 : memref<1x128x64xf32, #tpu.memory_space<vmem>> -> memref<128x64xf32, #tpu.memory_space<vmem>>
        %dma_start3A_237 = arith.constant 0 : i32
        %dma_start3A_238 = tpu.memref_slice %arg8[%add3A_216, %dma_start3A_237] : memref<136x128xi32, #tpu.memory_space<vmem>> -> memref<1x128xi32, #tpu.memory_space<vmem>>
        %dma_start3A_239 = tpu.memref_squeeze %dma_start3A_238 : memref<1x128xi32, #tpu.memory_space<vmem>> -> memref<128xi32, #tpu.memory_space<vmem>>
        %dma_start3A_240 = arith.constant 0 : i32
        %dma_start3A_241 = arith.constant 0 : i32
        %dma_start3A_242 = tpu.memref_slice %arg10[%dma_start3A_240, %dma_start3A_241] : memref<10112x64xf32, #tpu.memory_space<vmem_shared>> -> memref<10112x64xf32, #tpu.memory_space<vmem_shared>>
        %dma_start3A_243 = tpu.memref_slice %arg12[%dma_start3A_232] : memref<4x!tpu.dma_semaphore, #tpu.memory_space<semaphore_mem>> -> memref<1x!tpu.dma_semaphore, #tpu.memory_space<semaphore_mem>>
        %dma_start3A_244 = tpu.memref_squeeze %dma_start3A_243 : memref<1x!tpu.dma_semaphore, #tpu.memory_space<semaphore_mem>> -> memref<!tpu.dma_semaphore, #tpu.memory_space<semaphore_mem>>
        tpu.enqueue_indirect_dma source(%dma_start3A_236 : memref<128x64xf32, #tpu.memory_space<vmem>>) target(%dma_start3A_242 : memref<10112x64xf32, #tpu.memory_space<vmem_shared>>) offsets(%dma_start3A_239 : memref<128xi32, #tpu.memory_space<vmem>>) semaphore(%dma_start3A_244 : memref<!tpu.dma_semaphore, #tpu.memory_space<semaphore_mem>>) {add = true}
        %add3A_245 = arith.constant 4 : i32
        %add3A_246 = arith.addi %add3A_216, %add3A_245 : i32
        %lt3A_247 = arith.constant 24 : i32
        %lt3A_248 = arith.cmpi slt, %add3A_246, %lt3A_247 : i32
        %convert_element_type3A_249 = arith.extui %lt3A_248 : i1 to i32
        %cond3A_250 = arith.constant 0 : i32
        %cond3A_251 = arith.cmpi ne, %convert_element_type3A_249, %cond3A_250 : i32
        scf.if %cond3A_251 {
          %dma_wait3A_291 = arith.constant 2 : i32
          %dma_wait3A_292 = arith.constant 2 : i32
          %dma_wait3A_293 = arith.constant 0 : i32
          %dma_wait3A_294 = arith.constant 0 : i32
          %dma_wait3A_295 = tpu.memref_slice %arg9[%dma_wait3A_291, %dma_wait3A_293, %dma_wait3A_294] : memref<4x128x64xf32, #tpu.memory_space<vmem>> -> memref<1x128x64xf32, #tpu.memory_space<vmem>>
          %dma_wait3A_296 = tpu.memref_squeeze %dma_wait3A_295 : memref<1x128x64xf32, #tpu.memory_space<vmem>> -> memref<128x64xf32, #tpu.memory_space<vmem>>
          %dma_wait3A_297 = arith.constant 0 : i32
          %dma_wait3A_298 = tpu.memref_slice %arg8[%add3A_216, %dma_wait3A_297] : memref<136x128xi32, #tpu.memory_space<vmem>> -> memref<1x128xi32, #tpu.memory_space<vmem>>
          %dma_wait3A_299 = tpu.memref_squeeze %dma_wait3A_298 : memref<1x128xi32, #tpu.memory_space<vmem>> -> memref<128xi32, #tpu.memory_space<vmem>>
          %dma_wait3A_300 = arith.constant 0 : i32
          %dma_wait3A_301 = arith.constant 0 : i32
          %dma_wait3A_302 = tpu.memref_slice %arg10[%dma_wait3A_300, %dma_wait3A_301] : memref<10112x64xf32, #tpu.memory_space<vmem_shared>> -> memref<10112x64xf32, #tpu.memory_space<vmem_shared>>
          %dma_wait3A_303 = tpu.memref_slice %arg12[%dma_wait3A_292] : memref<4x!tpu.dma_semaphore, #tpu.memory_space<semaphore_mem>> -> memref<1x!tpu.dma_semaphore, #tpu.memory_space<semaphore_mem>>
          %dma_wait3A_304 = tpu.memref_squeeze %dma_wait3A_303 : memref<1x!tpu.dma_semaphore, #tpu.memory_space<semaphore_mem>> -> memref<!tpu.dma_semaphore, #tpu.memory_space<semaphore_mem>>
          tpu.wait_indirect_dma semaphore(%dma_wait3A_304 : memref<!tpu.dma_semaphore, #tpu.memory_space<semaphore_mem>>) src(%dma_wait3A_296 : memref<128x64xf32, #tpu.memory_space<vmem>>) dst(%dma_wait3A_302 : memref<10112x64xf32, #tpu.memory_space<vmem_shared>>)
          %dma_start3A_305 = arith.constant 2 : i32
          %dma_start3A_306 = arith.constant 2 : i32
          %dma_start3A_307 = arith.constant 0 : i32
          %dma_start3A_308 = arith.constant 0 : i32
          %dma_start3A_309 = tpu.memref_slice %arg9[%dma_start3A_305, %dma_start3A_307, %dma_start3A_308] : memref<4x128x64xf32, #tpu.memory_space<vmem>> -> memref<1x128x64xf32, #tpu.memory_space<vmem>>
          %dma_start3A_310 = tpu.memref_squeeze %dma_start3A_309 : memref<1x128x64xf32, #tpu.memory_space<vmem>> -> memref<128x64xf32, #tpu.memory_space<vmem>>
          %dma_start3A_311 = arith.constant 0 : i32
          %dma_start3A_312 = tpu.memref_slice %arg7[%add3A_246, %dma_start3A_311] : memref<136x128xi32, #tpu.memory_space<vmem>> -> memref<1x128xi32, #tpu.memory_space<vmem>>
          %dma_start3A_313 = tpu.memref_squeeze %dma_start3A_312 : memref<1x128xi32, #tpu.memory_space<vmem>> -> memref<128xi32, #tpu.memory_space<vmem>>
          %dma_start3A_314 = arith.constant 0 : i32
          %dma_start3A_315 = arith.constant 0 : i32
          %dma_start3A_316 = tpu.memref_slice %arg2[%dma_start3A_314, %dma_start3A_315] : memref<10112x64xf32, #tpu.memory_space<hbm>> -> memref<10112x64xf32, #tpu.memory_space<hbm>>
          %dma_start3A_317 = tpu.memref_slice %arg11[%dma_start3A_306] : memref<4x!tpu.dma_semaphore, #tpu.memory_space<semaphore_mem>> -> memref<1x!tpu.dma_semaphore, #tpu.memory_space<semaphore_mem>>
          %dma_start3A_318 = tpu.memref_squeeze %dma_start3A_317 : memref<1x!tpu.dma_semaphore, #tpu.memory_space<semaphore_mem>> -> memref<!tpu.dma_semaphore, #tpu.memory_space<semaphore_mem>>
          tpu.enqueue_indirect_dma source(%dma_start3A_316 : memref<10112x64xf32, #tpu.memory_space<hbm>>) target(%dma_start3A_310 : memref<128x64xf32, #tpu.memory_space<vmem>>) offsets(%dma_start3A_313 : memref<128xi32, #tpu.memory_space<vmem>>) semaphore(%dma_start3A_318 : memref<!tpu.dma_semaphore, #tpu.memory_space<semaphore_mem>>)
        } else {
        }
        %mul3A_252 = arith.constant 4 : i32
        %mul3A_253 = arith.muli %scan3A_135, %mul3A_252 : i32
        %add3A_254 = arith.constant 3 : i32
        %add3A_255 = arith.addi %mul3A_253, %add3A_254 : i32
        %dma_wait3A_256 = arith.constant 3 : i32
        %dma_wait3A_257 = arith.constant 3 : i32
        %dma_wait3A_258 = arith.constant 0 : i32
        %dma_wait3A_259 = arith.constant 0 : i32
        %dma_wait3A_260 = tpu.memref_slice %arg9[%dma_wait3A_256, %dma_wait3A_258, %dma_wait3A_259] : memref<4x128x64xf32, #tpu.memory_space<vmem>> -> memref<1x128x64xf32, #tpu.memory_space<vmem>>
        %dma_wait3A_261 = tpu.memref_squeeze %dma_wait3A_260 : memref<1x128x64xf32, #tpu.memory_space<vmem>> -> memref<128x64xf32, #tpu.memory_space<vmem>>
        %dma_wait3A_262 = arith.constant 0 : i32
        %dma_wait3A_263 = tpu.memref_slice %arg7[%add3A_255, %dma_wait3A_262] : memref<136x128xi32, #tpu.memory_space<vmem>> -> memref<1x128xi32, #tpu.memory_space<vmem>>
        %dma_wait3A_264 = tpu.memref_squeeze %dma_wait3A_263 : memref<1x128xi32, #tpu.memory_space<vmem>> -> memref<128xi32, #tpu.memory_space<vmem>>
        %dma_wait3A_265 = arith.constant 0 : i32
        %dma_wait3A_266 = arith.constant 0 : i32
        %dma_wait3A_267 = tpu.memref_slice %arg2[%dma_wait3A_265, %dma_wait3A_266] : memref<10112x64xf32, #tpu.memory_space<hbm>> -> memref<10112x64xf32, #tpu.memory_space<hbm>>
        %dma_wait3A_268 = tpu.memref_slice %arg11[%dma_wait3A_257] : memref<4x!tpu.dma_semaphore, #tpu.memory_space<semaphore_mem>> -> memref<1x!tpu.dma_semaphore, #tpu.memory_space<semaphore_mem>>
        %dma_wait3A_269 = tpu.memref_squeeze %dma_wait3A_268 : memref<1x!tpu.dma_semaphore, #tpu.memory_space<semaphore_mem>> -> memref<!tpu.dma_semaphore, #tpu.memory_space<semaphore_mem>>
        tpu.wait_indirect_dma semaphore(%dma_wait3A_269 : memref<!tpu.dma_semaphore, #tpu.memory_space<semaphore_mem>>) src(%dma_wait3A_267 : memref<10112x64xf32, #tpu.memory_space<hbm>>) dst(%dma_wait3A_261 : memref<128x64xf32, #tpu.memory_space<vmem>>)
        %dma_start3A_270 = arith.constant 3 : i32
        %dma_start3A_271 = arith.constant 3 : i32
        %dma_start3A_272 = arith.constant 0 : i32
        %dma_start3A_273 = arith.constant 0 : i32
        %dma_start3A_274 = tpu.memref_slice %arg9[%dma_start3A_270, %dma_start3A_272, %dma_start3A_273] : memref<4x128x64xf32, #tpu.memory_space<vmem>> -> memref<1x128x64xf32, #tpu.memory_space<vmem>>
        %dma_start3A_275 = tpu.memref_squeeze %dma_start3A_274 : memref<1x128x64xf32, #tpu.memory_space<vmem>> -> memref<128x64xf32, #tpu.memory_space<vmem>>
        %dma_start3A_276 = arith.constant 0 : i32
        %dma_start3A_277 = tpu.memref_slice %arg8[%add3A_255, %dma_start3A_276] : memref<136x128xi32, #tpu.memory_space<vmem>> -> memref<1x128xi32, #tpu.memory_space<vmem>>
        %dma_start3A_278 = tpu.memref_squeeze %dma_start3A_277 : memref<1x128xi32, #tpu.memory_space<vmem>> -> memref<128xi32, #tpu.memory_space<vmem>>
        %dma_start3A_279 = arith.constant 0 : i32
        %dma_start3A_280 = arith.constant 0 : i32
        %dma_start3A_281 = tpu.memref_slice %arg10[%dma_start3A_279, %dma_start3A_280] : memref<10112x64xf32, #tpu.memory_space<vmem_shared>> -> memref<10112x64xf32, #tpu.memory_space<vmem_shared>>
        %dma_start3A_282 = tpu.memref_slice %arg12[%dma_start3A_271] : memref<4x!tpu.dma_semaphore, #tpu.memory_space<semaphore_mem>> -> memref<1x!tpu.dma_semaphore, #tpu.memory_space<semaphore_mem>>
        %dma_start3A_283 = tpu.memref_squeeze %dma_start3A_282 : memref<1x!tpu.dma_semaphore, #tpu.memory_space<semaphore_mem>> -> memref<!tpu.dma_semaphore, #tpu.memory_space<semaphore_mem>>
        tpu.enqueue_indirect_dma source(%dma_start3A_275 : memref<128x64xf32, #tpu.memory_space<vmem>>) target(%dma_start3A_281 : memref<10112x64xf32, #tpu.memory_space<vmem_shared>>) offsets(%dma_start3A_278 : memref<128xi32, #tpu.memory_space<vmem>>) semaphore(%dma_start3A_283 : memref<!tpu.dma_semaphore, #tpu.memory_space<semaphore_mem>>) {add = true}
        %add3A_284 = arith.constant 4 : i32
        %add3A_285 = arith.addi %add3A_255, %add3A_284 : i32
        %lt3A_286 = arith.constant 24 : i32
        %lt3A_287 = arith.cmpi slt, %add3A_285, %lt3A_286 : i32
        %convert_element_type3A_288 = arith.extui %lt3A_287 : i1 to i32
        %cond3A_289 = arith.constant 0 : i32
        %cond3A_290 = arith.cmpi ne, %convert_element_type3A_288, %cond3A_289 : i32
        scf.if %cond3A_290 {
          %dma_wait3A_291 = arith.constant 3 : i32
          %dma_wait3A_292 = arith.constant 3 : i32
          %dma_wait3A_293 = arith.constant 0 : i32
          %dma_wait3A_294 = arith.constant 0 : i32
          %dma_wait3A_295 = tpu.memref_slice %arg9[%dma_wait3A_291, %dma_wait3A_293, %dma_wait3A_294] : memref<4x128x64xf32, #tpu.memory_space<vmem>> -> memref<1x128x64xf32, #tpu.memory_space<vmem>>
          %dma_wait3A_296 = tpu.memref_squeeze %dma_wait3A_295 : memref<1x128x64xf32, #tpu.memory_space<vmem>> -> memref<128x64xf32, #tpu.memory_space<vmem>>
          %dma_wait3A_297 = arith.constant 0 : i32
          %dma_wait3A_298 = tpu.memref_slice %arg8[%add3A_255, %dma_wait3A_297] : memref<136x128xi32, #tpu.memory_space<vmem>> -> memref<1x128xi32, #tpu.memory_space<vmem>>
          %dma_wait3A_299 = tpu.memref_squeeze %dma_wait3A_298 : memref<1x128xi32, #tpu.memory_space<vmem>> -> memref<128xi32, #tpu.memory_space<vmem>>
          %dma_wait3A_300 = arith.constant 0 : i32
          %dma_wait3A_301 = arith.constant 0 : i32
          %dma_wait3A_302 = tpu.memref_slice %arg10[%dma_wait3A_300, %dma_wait3A_301] : memref<10112x64xf32, #tpu.memory_space<vmem_shared>> -> memref<10112x64xf32, #tpu.memory_space<vmem_shared>>
          %dma_wait3A_303 = tpu.memref_slice %arg12[%dma_wait3A_292] : memref<4x!tpu.dma_semaphore, #tpu.memory_space<semaphore_mem>> -> memref<1x!tpu.dma_semaphore, #tpu.memory_space<semaphore_mem>>
          %dma_wait3A_304 = tpu.memref_squeeze %dma_wait3A_303 : memref<1x!tpu.dma_semaphore, #tpu.memory_space<semaphore_mem>> -> memref<!tpu.dma_semaphore, #tpu.memory_space<semaphore_mem>>
          tpu.wait_indirect_dma semaphore(%dma_wait3A_304 : memref<!tpu.dma_semaphore, #tpu.memory_space<semaphore_mem>>) src(%dma_wait3A_296 : memref<128x64xf32, #tpu.memory_space<vmem>>) dst(%dma_wait3A_302 : memref<10112x64xf32, #tpu.memory_space<vmem_shared>>)
          %dma_start3A_305 = arith.constant 3 : i32
          %dma_start3A_306 = arith.constant 3 : i32
          %dma_start3A_307 = arith.constant 0 : i32
          %dma_start3A_308 = arith.constant 0 : i32
          %dma_start3A_309 = tpu.memref_slice %arg9[%dma_start3A_305, %dma_start3A_307, %dma_start3A_308] : memref<4x128x64xf32, #tpu.memory_space<vmem>> -> memref<1x128x64xf32, #tpu.memory_space<vmem>>
          %dma_start3A_310 = tpu.memref_squeeze %dma_start3A_309 : memref<1x128x64xf32, #tpu.memory_space<vmem>> -> memref<128x64xf32, #tpu.memory_space<vmem>>
          %dma_start3A_311 = arith.constant 0 : i32
          %dma_start3A_312 = tpu.memref_slice %arg7[%add3A_285, %dma_start3A_311] : memref<136x128xi32, #tpu.memory_space<vmem>> -> memref<1x128xi32, #tpu.memory_space<vmem>>
          %dma_start3A_313 = tpu.memref_squeeze %dma_start3A_312 : memref<1x128xi32, #tpu.memory_space<vmem>> -> memref<128xi32, #tpu.memory_space<vmem>>
          %dma_start3A_314 = arith.constant 0 : i32
          %dma_start3A_315 = arith.constant 0 : i32
          %dma_start3A_316 = tpu.memref_slice %arg2[%dma_start3A_314, %dma_start3A_315] : memref<10112x64xf32, #tpu.memory_space<hbm>> -> memref<10112x64xf32, #tpu.memory_space<hbm>>
          %dma_start3A_317 = tpu.memref_slice %arg11[%dma_start3A_306] : memref<4x!tpu.dma_semaphore, #tpu.memory_space<semaphore_mem>> -> memref<1x!tpu.dma_semaphore, #tpu.memory_space<semaphore_mem>>
          %dma_start3A_318 = tpu.memref_squeeze %dma_start3A_317 : memref<1x!tpu.dma_semaphore, #tpu.memory_space<semaphore_mem>> -> memref<!tpu.dma_semaphore, #tpu.memory_space<semaphore_mem>>
          tpu.enqueue_indirect_dma source(%dma_start3A_316 : memref<10112x64xf32, #tpu.memory_space<hbm>>) target(%dma_start3A_310 : memref<128x64xf32, #tpu.memory_space<vmem>>) offsets(%dma_start3A_313 : memref<128xi32, #tpu.memory_space<vmem>>) semaphore(%dma_start3A_318 : memref<!tpu.dma_semaphore, #tpu.memory_space<semaphore_mem>>)
        } else {
        }
      }
      %scan3A_75 = arith.constant 6 : i32
      %dma_wait3A = arith.constant 0 : i32
      %dma_wait3A_76 = arith.constant 20 : i32
      %dma_wait3A_77 = arith.constant 0 : i32
      %dma_wait3A_78 = arith.constant 0 : i32
      %dma_wait3A_79 = arith.constant 0 : i32
      %dma_wait3A_80 = tpu.memref_slice %arg9[%dma_wait3A, %dma_wait3A_78, %dma_wait3A_79] : memref<4x128x64xf32, #tpu.memory_space<vmem>> -> memref<1x128x64xf32, #tpu.memory_space<vmem>>
      %dma_wait3A_81 = tpu.memref_squeeze %dma_wait3A_80 : memref<1x128x64xf32, #tpu.memory_space<vmem>> -> memref<128x64xf32, #tpu.memory_space<vmem>>
      %dma_wait3A_82 = arith.constant 0 : i32
      %dma_wait3A_83 = tpu.memref_slice %arg8[%dma_wait3A_76, %dma_wait3A_82] : memref<136x128xi32, #tpu.memory_space<vmem>> -> memref<1x128xi32, #tpu.memory_space<vmem>>
      %dma_wait3A_84 = tpu.memref_squeeze %dma_wait3A_83 : memref<1x128xi32, #tpu.memory_space<vmem>> -> memref<128xi32, #tpu.memory_space<vmem>>
      %dma_wait3A_85 = arith.constant 0 : i32
      %dma_wait3A_86 = arith.constant 0 : i32
      %dma_wait3A_87 = tpu.memref_slice %arg10[%dma_wait3A_85, %dma_wait3A_86] : memref<10112x64xf32, #tpu.memory_space<vmem_shared>> -> memref<10112x64xf32, #tpu.memory_space<vmem_shared>>
      %dma_wait3A_88 = tpu.memref_slice %arg12[%dma_wait3A_77] : memref<4x!tpu.dma_semaphore, #tpu.memory_space<semaphore_mem>> -> memref<1x!tpu.dma_semaphore, #tpu.memory_space<semaphore_mem>>
      %dma_wait3A_89 = tpu.memref_squeeze %dma_wait3A_88 : memref<1x!tpu.dma_semaphore, #tpu.memory_space<semaphore_mem>> -> memref<!tpu.dma_semaphore, #tpu.memory_space<semaphore_mem>>
      tpu.wait_indirect_dma semaphore(%dma_wait3A_89 : memref<!tpu.dma_semaphore, #tpu.memory_space<semaphore_mem>>) src(%dma_wait3A_81 : memref<128x64xf32, #tpu.memory_space<vmem>>) dst(%dma_wait3A_87 : memref<10112x64xf32, #tpu.memory_space<vmem_shared>>)
      %dma_wait3A_90 = arith.constant 1 : i32
      %dma_wait3A_91 = arith.constant 21 : i32
      %dma_wait3A_92 = arith.constant 1 : i32
      %dma_wait3A_93 = arith.constant 0 : i32
      %dma_wait3A_94 = arith.constant 0 : i32
      %dma_wait3A_95 = tpu.memref_slice %arg9[%dma_wait3A_90, %dma_wait3A_93, %dma_wait3A_94] : memref<4x128x64xf32, #tpu.memory_space<vmem>> -> memref<1x128x64xf32, #tpu.memory_space<vmem>>
      %dma_wait3A_96 = tpu.memref_squeeze %dma_wait3A_95 : memref<1x128x64xf32, #tpu.memory_space<vmem>> -> memref<128x64xf32, #tpu.memory_space<vmem>>
      %dma_wait3A_97 = arith.constant 0 : i32
      %dma_wait3A_98 = tpu.memref_slice %arg8[%dma_wait3A_91, %dma_wait3A_97] : memref<136x128xi32, #tpu.memory_space<vmem>> -> memref<1x128xi32, #tpu.memory_space<vmem>>
      %dma_wait3A_99 = tpu.memref_squeeze %dma_wait3A_98 : memref<1x128xi32, #tpu.memory_space<vmem>> -> memref<128xi32, #tpu.memory_space<vmem>>
      %dma_wait3A_100 = arith.constant 0 : i32
      %dma_wait3A_101 = arith.constant 0 : i32
      %dma_wait3A_102 = tpu.memref_slice %arg10[%dma_wait3A_100, %dma_wait3A_101] : memref<10112x64xf32, #tpu.memory_space<vmem_shared>> -> memref<10112x64xf32, #tpu.memory_space<vmem_shared>>
      %dma_wait3A_103 = tpu.memref_slice %arg12[%dma_wait3A_92] : memref<4x!tpu.dma_semaphore, #tpu.memory_space<semaphore_mem>> -> memref<1x!tpu.dma_semaphore, #tpu.memory_space<semaphore_mem>>
      %dma_wait3A_104 = tpu.memref_squeeze %dma_wait3A_103 : memref<1x!tpu.dma_semaphore, #tpu.memory_space<semaphore_mem>> -> memref<!tpu.dma_semaphore, #tpu.memory_space<semaphore_mem>>
      tpu.wait_indirect_dma semaphore(%dma_wait3A_104 : memref<!tpu.dma_semaphore, #tpu.memory_space<semaphore_mem>>) src(%dma_wait3A_96 : memref<128x64xf32, #tpu.memory_space<vmem>>) dst(%dma_wait3A_102 : memref<10112x64xf32, #tpu.memory_space<vmem_shared>>)
      %dma_wait3A_105 = arith.constant 2 : i32
      %dma_wait3A_106 = arith.constant 22 : i32
      %dma_wait3A_107 = arith.constant 2 : i32
      %dma_wait3A_108 = arith.constant 0 : i32
      %dma_wait3A_109 = arith.constant 0 : i32
      %dma_wait3A_110 = tpu.memref_slice %arg9[%dma_wait3A_105, %dma_wait3A_108, %dma_wait3A_109] : memref<4x128x64xf32, #tpu.memory_space<vmem>> -> memref<1x128x64xf32, #tpu.memory_space<vmem>>
      %dma_wait3A_111 = tpu.memref_squeeze %dma_wait3A_110 : memref<1x128x64xf32, #tpu.memory_space<vmem>> -> memref<128x64xf32, #tpu.memory_space<vmem>>
      %dma_wait3A_112 = arith.constant 0 : i32
      %dma_wait3A_113 = tpu.memref_slice %arg8[%dma_wait3A_106, %dma_wait3A_112] : memref<136x128xi32, #tpu.memory_space<vmem>> -> memref<1x128xi32, #tpu.memory_space<vmem>>
      %dma_wait3A_114 = tpu.memref_squeeze %dma_wait3A_113 : memref<1x128xi32, #tpu.memory_space<vmem>> -> memref<128xi32, #tpu.memory_space<vmem>>
      %dma_wait3A_115 = arith.constant 0 : i32
      %dma_wait3A_116 = arith.constant 0 : i32
      %dma_wait3A_117 = tpu.memref_slice %arg10[%dma_wait3A_115, %dma_wait3A_116] : memref<10112x64xf32, #tpu.memory_space<vmem_shared>> -> memref<10112x64xf32, #tpu.memory_space<vmem_shared>>
      %dma_wait3A_118 = tpu.memref_slice %arg12[%dma_wait3A_107] : memref<4x!tpu.dma_semaphore, #tpu.memory_space<semaphore_mem>> -> memref<1x!tpu.dma_semaphore, #tpu.memory_space<semaphore_mem>>
      %dma_wait3A_119 = tpu.memref_squeeze %dma_wait3A_118 : memref<1x!tpu.dma_semaphore, #tpu.memory_space<semaphore_mem>> -> memref<!tpu.dma_semaphore, #tpu.memory_space<semaphore_mem>>
      tpu.wait_indirect_dma semaphore(%dma_wait3A_119 : memref<!tpu.dma_semaphore, #tpu.memory_space<semaphore_mem>>) src(%dma_wait3A_111 : memref<128x64xf32, #tpu.memory_space<vmem>>) dst(%dma_wait3A_117 : memref<10112x64xf32, #tpu.memory_space<vmem_shared>>)
      %dma_wait3A_120 = arith.constant 3 : i32
      %dma_wait3A_121 = arith.constant 23 : i32
      %dma_wait3A_122 = arith.constant 3 : i32
      %dma_wait3A_123 = arith.constant 0 : i32
      %dma_wait3A_124 = arith.constant 0 : i32
      %dma_wait3A_125 = tpu.memref_slice %arg9[%dma_wait3A_120, %dma_wait3A_123, %dma_wait3A_124] : memref<4x128x64xf32, #tpu.memory_space<vmem>> -> memref<1x128x64xf32, #tpu.memory_space<vmem>>
      %dma_wait3A_126 = tpu.memref_squeeze %dma_wait3A_125 : memref<1x128x64xf32, #tpu.memory_space<vmem>> -> memref<128x64xf32, #tpu.memory_space<vmem>>
      %dma_wait3A_127 = arith.constant 0 : i32
      %dma_wait3A_128 = tpu.memref_slice %arg8[%dma_wait3A_121, %dma_wait3A_127] : memref<136x128xi32, #tpu.memory_space<vmem>> -> memref<1x128xi32, #tpu.memory_space<vmem>>
      %dma_wait3A_129 = tpu.memref_squeeze %dma_wait3A_128 : memref<1x128xi32, #tpu.memory_space<vmem>> -> memref<128xi32, #tpu.memory_space<vmem>>
      %dma_wait3A_130 = arith.constant 0 : i32
      %dma_wait3A_131 = arith.constant 0 : i32
      %dma_wait3A_132 = tpu.memref_slice %arg10[%dma_wait3A_130, %dma_wait3A_131] : memref<10112x64xf32, #tpu.memory_space<vmem_shared>> -> memref<10112x64xf32, #tpu.memory_space<vmem_shared>>
      %dma_wait3A_133 = tpu.memref_slice %arg12[%dma_wait3A_122] : memref<4x!tpu.dma_semaphore, #tpu.memory_space<semaphore_mem>> -> memref<1x!tpu.dma_semaphore, #tpu.memory_space<semaphore_mem>>
      %dma_wait3A_134 = tpu.memref_squeeze %dma_wait3A_133 : memref<1x!tpu.dma_semaphore, #tpu.memory_space<semaphore_mem>> -> memref<!tpu.dma_semaphore, #tpu.memory_space<semaphore_mem>>
      tpu.wait_indirect_dma semaphore(%dma_wait3A_134 : memref<!tpu.dma_semaphore, #tpu.memory_space<semaphore_mem>>) src(%dma_wait3A_126 : memref<128x64xf32, #tpu.memory_space<vmem>>) dst(%dma_wait3A_132 : memref<10112x64xf32, #tpu.memory_space<vmem_shared>>)
    } else {
    }
    %barrier3A = arith.constant 0 : index
    tpu.barrier barrier_id(%barrier3A)
    "tpu.region"() ({
      %run_scoped3A = tpu.sem_alloc : memref<!tpu.dma_semaphore, #tpu.memory_space<semaphore_mem>>
      %dma_start3A = arith.constant 0 : i32
      %dma_start3A_8 = tpu.memref_slice %arg6[%arg0, %mul3A_0, %dma_start3A] : memref<2x10112x64xf32, #tpu.memory_space<hbm>> -> memref<1x632x64xf32, #tpu.memory_space<hbm>>
      %dma_start3A_9 = tpu.memref_squeeze %dma_start3A_8 : memref<1x632x64xf32, #tpu.memory_space<hbm>> -> memref<632x64xf32, #tpu.memory_space<hbm>>
      %dma_start3A_10 = arith.constant 0 : i32
      %dma_start3A_11 = tpu.memref_slice %arg10[%mul3A_0, %dma_start3A_10] : memref<10112x64xf32, #tpu.memory_space<vmem_shared>> -> memref<632x64xf32, #tpu.memory_space<vmem_shared>>
      tpu.enqueue_dma source(%dma_start3A_11 : memref<632x64xf32, #tpu.memory_space<vmem_shared>>) target(%dma_start3A_9 : memref<632x64xf32, #tpu.memory_space<hbm>>) target_semaphore(%run_scoped3A : memref<!tpu.dma_semaphore, #tpu.memory_space<semaphore_mem>>)
      %dma_wait3A = arith.constant 0 : i32
      %dma_wait3A_12 = tpu.memref_slice %arg6[%arg0, %mul3A_0, %dma_wait3A] : memref<2x10112x64xf32, #tpu.memory_space<hbm>> -> memref<1x632x64xf32, #tpu.memory_space<hbm>>
      %dma_wait3A_13 = tpu.memref_squeeze %dma_wait3A_12 : memref<1x632x64xf32, #tpu.memory_space<hbm>> -> memref<632x64xf32, #tpu.memory_space<hbm>>
      %dma_wait3A_14 = arith.constant 0 : i32
      %dma_wait3A_15 = tpu.memref_slice %arg10[%mul3A_0, %dma_wait3A_14] : memref<10112x64xf32, #tpu.memory_space<vmem_shared>> -> memref<632x64xf32, #tpu.memory_space<vmem_shared>>
      tpu.wait_dma2 semaphore(%run_scoped3A : memref<!tpu.dma_semaphore, #tpu.memory_space<semaphore_mem>>) src(%dma_wait3A_15 : memref<632x64xf32, #tpu.memory_space<vmem_shared>>) dst(%dma_wait3A_13 : memref<632x64xf32, #tpu.memory_space<hbm>>)
      tpu.yield
    }) : () -> ()
    return
  }
}

#map = affine_map<(d0, d1) -> (0, 0)>
module attributes {stable_mosaic.version = 14 : i64} {
  func.func @deg_kernel(%arg0: i32, %arg1: i32, %arg2: memref<2560x128xi32, #tpu.memory_space<hbm>>, %arg3: memref<128x8xf32, #tpu.memory_space<hbm>>, %arg4: memref<10112x8xf32, #tpu.memory_space<hbm>>, %arg5: memref<20224x8xf32, #tpu.memory_space<hbm>>, %arg6: memref<80x128xi32, #tpu.memory_space<vmem>>, %arg7: memref<128x8xf32, #tpu.memory_space<vmem>>, %arg8: memref<10112x8xf32, #tpu.memory_space<vmem_shared>>) attributes {dimension_semantics = [#tpu.dimension_semantics<core_parallel>, #tpu.dimension_semantics<subcore_parallel>], iteration_bounds = array<i64: 2, 16>, scalar_prefetch = 0 : i64, scratch_operands = 3 : i64, tpu.core_type = #tpu.core_type<sc_vector_subcore>, window_params = [{transform_indices = #map}, {transform_indices = #map}, {transform_indices = #map}, {transform_indices = #map}]} {
    %mul3A = arith.constant 2 : i32
    %mul3A_0 = arith.muli %arg1, %mul3A : i32
    %add3A = arith.addi %mul3A_0, %arg0 : i32
    %mul3A_1 = arith.constant 632 : i32
    %mul3A_2 = arith.muli %arg1, %mul3A_1 : i32
    "tpu.region"() ({
      %run_scoped3A = tpu.sem_alloc : memref<!tpu.dma_semaphore, #tpu.memory_space<semaphore_mem>>
      %dma_start3A = arith.constant 0 : i32
      %dma_start3A_14 = tpu.memref_slice %arg8[%mul3A_2, %dma_start3A] : memref<10112x8xf32, #tpu.memory_space<vmem_shared>> -> memref<632x8xf32, #tpu.memory_space<vmem_shared>>
      %dma_start3A_15 = arith.constant 0 : i32
      %dma_start3A_16 = tpu.memref_slice %arg4[%mul3A_2, %dma_start3A_15] : memref<10112x8xf32, #tpu.memory_space<hbm>> -> memref<632x8xf32, #tpu.memory_space<hbm>>
      tpu.enqueue_dma source(%dma_start3A_16 : memref<632x8xf32, #tpu.memory_space<hbm>>) target(%dma_start3A_14 : memref<632x8xf32, #tpu.memory_space<vmem_shared>>) target_semaphore(%run_scoped3A : memref<!tpu.dma_semaphore, #tpu.memory_space<semaphore_mem>>)
      %dma_wait3A = arith.constant 0 : i32
      %dma_wait3A_17 = tpu.memref_slice %arg8[%mul3A_2, %dma_wait3A] : memref<10112x8xf32, #tpu.memory_space<vmem_shared>> -> memref<632x8xf32, #tpu.memory_space<vmem_shared>>
      %dma_wait3A_18 = arith.constant 0 : i32
      %dma_wait3A_19 = tpu.memref_slice %arg4[%mul3A_2, %dma_wait3A_18] : memref<10112x8xf32, #tpu.memory_space<hbm>> -> memref<632x8xf32, #tpu.memory_space<hbm>>
      tpu.wait_dma2 semaphore(%run_scoped3A : memref<!tpu.dma_semaphore, #tpu.memory_space<semaphore_mem>>) src(%dma_wait3A_19 : memref<632x8xf32, #tpu.memory_space<hbm>>) dst(%dma_wait3A_17 : memref<632x8xf32, #tpu.memory_space<vmem_shared>>)
      tpu.yield
    }) : () -> ()
    %mul3A_3 = arith.constant 80 : i32
    %mul3A_4 = arith.muli %add3A, %mul3A_3 : i32
    "tpu.region"() ({
      %run_scoped3A = tpu.sem_alloc : memref<!tpu.dma_semaphore, #tpu.memory_space<semaphore_mem>>
      %dma_start3A = arith.constant 0 : i32
      %dma_start3A_14 = tpu.memref_slice %arg2[%mul3A_4, %dma_start3A] : memref<2560x128xi32, #tpu.memory_space<hbm>> -> memref<80x128xi32, #tpu.memory_space<hbm>>
      %dma_start3A_15 = arith.constant 0 : i32
      %dma_start3A_16 = tpu.memref_slice %arg2[%mul3A_4, %dma_start3A_15] : memref<2560x128xi32, #tpu.memory_space<hbm>> -> memref<80x128xi32, #tpu.memory_space<hbm>>
      tpu.enqueue_dma source(%dma_start3A_16 : memref<80x128xi32, #tpu.memory_space<hbm>>) target(%arg6 : memref<80x128xi32, #tpu.memory_space<vmem>>) target_semaphore(%run_scoped3A : memref<!tpu.dma_semaphore, #tpu.memory_space<semaphore_mem>>)
      %dma_wait3A = arith.constant 0 : i32
      %dma_wait3A_17 = tpu.memref_slice %arg2[%mul3A_4, %dma_wait3A] : memref<2560x128xi32, #tpu.memory_space<hbm>> -> memref<80x128xi32, #tpu.memory_space<hbm>>
      %dma_wait3A_18 = arith.constant 0 : i32
      %dma_wait3A_19 = tpu.memref_slice %arg2[%mul3A_4, %dma_wait3A_18] : memref<2560x128xi32, #tpu.memory_space<hbm>> -> memref<80x128xi32, #tpu.memory_space<hbm>>
      tpu.wait_dma2 semaphore(%run_scoped3A : memref<!tpu.dma_semaphore, #tpu.memory_space<semaphore_mem>>) src(%dma_wait3A_19 : memref<80x128xi32, #tpu.memory_space<hbm>>) dst(%arg6 : memref<80x128xi32, #tpu.memory_space<vmem>>)
      tpu.yield
    }) : () -> ()
    "tpu.region"() ({
      %run_scoped3A = tpu.sem_alloc : memref<!tpu.dma_semaphore, #tpu.memory_space<semaphore_mem>>
      tpu.enqueue_dma source(%arg3 : memref<128x8xf32, #tpu.memory_space<hbm>>) target(%arg7 : memref<128x8xf32, #tpu.memory_space<vmem>>) target_semaphore(%run_scoped3A : memref<!tpu.dma_semaphore, #tpu.memory_space<semaphore_mem>>)
      tpu.wait_dma2 semaphore(%run_scoped3A : memref<!tpu.dma_semaphore, #tpu.memory_space<semaphore_mem>>) src(%arg3 : memref<128x8xf32, #tpu.memory_space<hbm>>) dst(%arg7 : memref<128x8xf32, #tpu.memory_space<vmem>>)
      tpu.yield
    }) : () -> ()
    %barrier3A = arith.constant 0 : index
    tpu.barrier barrier_id(%barrier3A)
    %scan3A = arith.constant 0 : i32
    %scan3A_5 = arith.constant 0 : i32
    %scan3A_6 = arith.constant 80 : i32
    %scan3A_7 = arith.addi %scan3A_5, %scan3A_6 : i32
    %scan3A_8 = arith.constant 1 : i32
    scf.for %scan3A_14 = %scan3A_5 to %scan3A_7 step %scan3A_8  : i32 {
      "tpu.region"() ({
        %run_scoped3A = tpu.sem_alloc : memref<!tpu.dma_semaphore, #tpu.memory_space<semaphore_mem>>
        %dma_start3A = arith.constant 0 : i32
        %dma_start3A_15 = tpu.memref_slice %arg6[%scan3A_14, %dma_start3A] : memref<80x128xi32, #tpu.memory_space<vmem>> -> memref<1x128xi32, #tpu.memory_space<vmem>>
        %dma_start3A_16 = tpu.memref_squeeze %dma_start3A_15 : memref<1x128xi32, #tpu.memory_space<vmem>> -> memref<128xi32, #tpu.memory_space<vmem>>
        %dma_start3A_17 = arith.constant 0 : i32
        %dma_start3A_18 = arith.constant 0 : i32
        %dma_start3A_19 = tpu.memref_slice %arg8[%dma_start3A_17, %dma_start3A_18] : memref<10112x8xf32, #tpu.memory_space<vmem_shared>> -> memref<10112x8xf32, #tpu.memory_space<vmem_shared>>
        tpu.enqueue_indirect_dma source(%arg7 : memref<128x8xf32, #tpu.memory_space<vmem>>) target(%dma_start3A_19 : memref<10112x8xf32, #tpu.memory_space<vmem_shared>>) offsets(%dma_start3A_16 : memref<128xi32, #tpu.memory_space<vmem>>) semaphore(%run_scoped3A : memref<!tpu.dma_semaphore, #tpu.memory_space<semaphore_mem>>) {add = true}
        %dma_wait3A = arith.constant 0 : i32
        %dma_wait3A_20 = tpu.memref_slice %arg6[%scan3A_14, %dma_wait3A] : memref<80x128xi32, #tpu.memory_space<vmem>> -> memref<1x128xi32, #tpu.memory_space<vmem>>
        %dma_wait3A_21 = tpu.memref_squeeze %dma_wait3A_20 : memref<1x128xi32, #tpu.memory_space<vmem>> -> memref<128xi32, #tpu.memory_space<vmem>>
        %dma_wait3A_22 = arith.constant 0 : i32
        %dma_wait3A_23 = arith.constant 0 : i32
        %dma_wait3A_24 = tpu.memref_slice %arg8[%dma_wait3A_22, %dma_wait3A_23] : memref<10112x8xf32, #tpu.memory_space<vmem_shared>> -> memref<10112x8xf32, #tpu.memory_space<vmem_shared>>
        tpu.wait_indirect_dma semaphore(%run_scoped3A : memref<!tpu.dma_semaphore, #tpu.memory_space<semaphore_mem>>) src(%arg7 : memref<128x8xf32, #tpu.memory_space<vmem>>) dst(%dma_wait3A_24 : memref<10112x8xf32, #tpu.memory_space<vmem_shared>>)
        tpu.yield
      }) : () -> ()
    }
    %scan3A_9 = arith.constant 80 : i32
    %barrier3A_10 = arith.constant 0 : index
    tpu.barrier barrier_id(%barrier3A_10)
    %mul3A_11 = arith.constant 10112 : i32
    %mul3A_12 = arith.muli %arg0, %mul3A_11 : i32
    %add3A_13 = arith.addi %mul3A_12, %mul3A_2 : i32
    "tpu.region"() ({
      %run_scoped3A = tpu.sem_alloc : memref<!tpu.dma_semaphore, #tpu.memory_space<semaphore_mem>>
      %dma_start3A = arith.constant 0 : i32
      %dma_start3A_14 = tpu.memref_slice %arg5[%add3A_13, %dma_start3A] : memref<20224x8xf32, #tpu.memory_space<hbm>> -> memref<632x8xf32, #tpu.memory_space<hbm>>
      %dma_start3A_15 = arith.constant 0 : i32
      %dma_start3A_16 = tpu.memref_slice %arg8[%mul3A_2, %dma_start3A_15] : memref<10112x8xf32, #tpu.memory_space<vmem_shared>> -> memref<632x8xf32, #tpu.memory_space<vmem_shared>>
      tpu.enqueue_dma source(%dma_start3A_16 : memref<632x8xf32, #tpu.memory_space<vmem_shared>>) target(%dma_start3A_14 : memref<632x8xf32, #tpu.memory_space<hbm>>) target_semaphore(%run_scoped3A : memref<!tpu.dma_semaphore, #tpu.memory_space<semaphore_mem>>)
      %dma_wait3A = arith.constant 0 : i32
      %dma_wait3A_17 = tpu.memref_slice %arg5[%add3A_13, %dma_wait3A] : memref<20224x8xf32, #tpu.memory_space<hbm>> -> memref<632x8xf32, #tpu.memory_space<hbm>>
      %dma_wait3A_18 = arith.constant 0 : i32
      %dma_wait3A_19 = tpu.memref_slice %arg8[%mul3A_2, %dma_wait3A_18] : memref<10112x8xf32, #tpu.memory_space<vmem_shared>> -> memref<632x8xf32, #tpu.memory_space<vmem_shared>>
      tpu.wait_dma2 semaphore(%run_scoped3A : memref<!tpu.dma_semaphore, #tpu.memory_space<semaphore_mem>>) src(%dma_wait3A_19 : memref<632x8xf32, #tpu.memory_space<vmem_shared>>) dst(%dma_wait3A_17 : memref<632x8xf32, #tpu.memory_space<hbm>>)
      tpu.yield
    }) : () -> ()
    return
  }
}

#map = affine_map<(d0, d1) -> (0, 0)>
#map1 = affine_map<(d0, d1) -> (0, 0, 0)>
module attributes {stable_mosaic.version = 14 : i64} {
  func.func @agg_kernel(%arg0: i32, %arg1: i32, %arg2: memref<10112x64xf32, #tpu.memory_space<hbm>>, %arg3: memref<2560x128xi32, #tpu.memory_space<hbm>>, %arg4: memref<2560x128xi32, #tpu.memory_space<hbm>>, %arg5: memref<10112x64xf32, #tpu.memory_space<hbm>>, %arg6: memref<2x10112x64xf32, #tpu.memory_space<hbm>>, %arg7: memref<136x128xi32, #tpu.memory_space<vmem>>, %arg8: memref<136x128xi32, #tpu.memory_space<vmem>>, %arg9: memref<4x128x64xf32, #tpu.memory_space<vmem>>, %arg10: memref<10112x64xf32, #tpu.memory_space<vmem_shared>>, %arg11: memref<4x!tpu.dma_semaphore, #tpu.memory_space<semaphore_mem>>, %arg12: memref<4x!tpu.dma_semaphore, #tpu.memory_space<semaphore_mem>>) attributes {dimension_semantics = [#tpu.dimension_semantics<core_parallel>, #tpu.dimension_semantics<subcore_parallel>], iteration_bounds = array<i64: 2, 16>, scalar_prefetch = 0 : i64, scratch_operands = 6 : i64, tpu.core_type = #tpu.core_type<sc_vector_subcore>, window_params = [{transform_indices = #map}, {transform_indices = #map}, {transform_indices = #map}, {transform_indices = #map}, {transform_indices = #map1}]} {
    %mul3A = arith.constant 632 : i32
    %mul3A_0 = arith.muli %arg1, %mul3A : i32
    "tpu.region"() ({
      %run_scoped3A = tpu.sem_alloc : memref<!tpu.dma_semaphore, #tpu.memory_space<semaphore_mem>>
      %dma_start3A = arith.constant 0 : i32
      %dma_start3A_8 = tpu.memref_slice %arg10[%mul3A_0, %dma_start3A] : memref<10112x64xf32, #tpu.memory_space<vmem_shared>> -> memref<632x64xf32, #tpu.memory_space<vmem_shared>>
      %dma_start3A_9 = arith.constant 0 : i32
      %dma_start3A_10 = tpu.memref_slice %arg5[%mul3A_0, %dma_start3A_9] : memref<10112x64xf32, #tpu.memory_space<hbm>> -> memref<632x64xf32, #tpu.memory_space<hbm>>
      tpu.enqueue_dma source(%dma_start3A_10 : memref<632x64xf32, #tpu.memory_space<hbm>>) target(%dma_start3A_8 : memref<632x64xf32, #tpu.memory_space<vmem_shared>>) target_semaphore(%run_scoped3A : memref<!tpu.dma_semaphore, #tpu.memory_space<semaphore_mem>>)
      %dma_wait3A = arith.constant 0 : i32
      %dma_wait3A_11 = tpu.memref_slice %arg10[%mul3A_0, %dma_wait3A] : memref<10112x64xf32, #tpu.memory_space<vmem_shared>> -> memref<632x64xf32, #tpu.memory_space<vmem_shared>>
      %dma_wait3A_12 = arith.constant 0 : i32
      %dma_wait3A_13 = tpu.memref_slice %arg5[%mul3A_0, %dma_wait3A_12] : memref<10112x64xf32, #tpu.memory_space<hbm>> -> memref<632x64xf32, #tpu.memory_space<hbm>>
      tpu.wait_dma2 semaphore(%run_scoped3A : memref<!tpu.dma_semaphore, #tpu.memory_space<semaphore_mem>>) src(%dma_wait3A_13 : memref<632x64xf32, #tpu.memory_space<hbm>>) dst(%dma_wait3A_11 : memref<632x64xf32, #tpu.memory_space<vmem_shared>>)
      tpu.yield
    }) : () -> ()
    %eq3A = arith.constant 0 : i32
    %eq3A_1 = arith.cmpi eq, %arg0, %eq3A : i32
    %convert_element_type3A = arith.extui %eq3A_1 : i1 to i32
    %cond3A = arith.constant 0 : i32
    %cond3A_2 = arith.cmpi ne, %convert_element_type3A, %cond3A : i32
    scf.if %cond3A_2 {
      %mul3A_8 = arith.constant 136 : i32
      %mul3A_9 = arith.muli %arg1, %mul3A_8 : i32
      "tpu.region"() ({
        %run_scoped3A = tpu.sem_alloc : memref<!tpu.dma_semaphore, #tpu.memory_space<semaphore_mem>>
        %dma_start3A_134 = arith.constant 0 : i32
        %dma_start3A_135 = arith.constant 0 : i32
        %dma_start3A_136 = tpu.memref_slice %arg7[%dma_start3A_134, %dma_start3A_135] : memref<136x128xi32, #tpu.memory_space<vmem>> -> memref<136x128xi32, #tpu.memory_space<vmem>>
        %dma_start3A_137 = arith.constant 0 : i32
        %dma_start3A_138 = tpu.memref_slice %arg3[%mul3A_9, %dma_start3A_137] : memref<2560x128xi32, #tpu.memory_space<hbm>> -> memref<136x128xi32, #tpu.memory_space<hbm>>
        %dma_start3A_139 = arith.constant 0 : i32
        %dma_start3A_140 = arith.constant 0 : i32
        %dma_start3A_141 = tpu.memref_slice %arg7[%dma_start3A_139, %dma_start3A_140] : memref<136x128xi32, #tpu.memory_space<vmem>> -> memref<136x128xi32, #tpu.memory_space<vmem>>
        %dma_start3A_142 = arith.constant 0 : i32
        %dma_start3A_143 = tpu.memref_slice %arg3[%mul3A_9, %dma_start3A_142] : memref<2560x128xi32, #tpu.memory_space<hbm>> -> memref<136x128xi32, #tpu.memory_space<hbm>>
        tpu.enqueue_dma source(%dma_start3A_143 : memref<136x128xi32, #tpu.memory_space<hbm>>) target(%dma_start3A_141 : memref<136x128xi32, #tpu.memory_space<vmem>>) target_semaphore(%run_scoped3A : memref<!tpu.dma_semaphore, #tpu.memory_space<semaphore_mem>>)
        %dma_wait3A_144 = arith.constant 0 : i32
        %dma_wait3A_145 = arith.constant 0 : i32
        %dma_wait3A_146 = tpu.memref_slice %arg7[%dma_wait3A_144, %dma_wait3A_145] : memref<136x128xi32, #tpu.memory_space<vmem>> -> memref<136x128xi32, #tpu.memory_space<vmem>>
        %dma_wait3A_147 = arith.constant 0 : i32
        %dma_wait3A_148 = tpu.memref_slice %arg3[%mul3A_9, %dma_wait3A_147] : memref<2560x128xi32, #tpu.memory_space<hbm>> -> memref<136x128xi32, #tpu.memory_space<hbm>>
        %dma_wait3A_149 = arith.constant 0 : i32
        %dma_wait3A_150 = arith.constant 0 : i32
        %dma_wait3A_151 = tpu.memref_slice %arg7[%dma_wait3A_149, %dma_wait3A_150] : memref<136x128xi32, #tpu.memory_space<vmem>> -> memref<136x128xi32, #tpu.memory_space<vmem>>
        %dma_wait3A_152 = arith.constant 0 : i32
        %dma_wait3A_153 = tpu.memref_slice %arg3[%mul3A_9, %dma_wait3A_152] : memref<2560x128xi32, #tpu.memory_space<hbm>> -> memref<136x128xi32, #tpu.memory_space<hbm>>
        tpu.wait_dma2 semaphore(%run_scoped3A : memref<!tpu.dma_semaphore, #tpu.memory_space<semaphore_mem>>) src(%dma_wait3A_153 : memref<136x128xi32, #tpu.memory_space<hbm>>) dst(%dma_wait3A_151 : memref<136x128xi32, #tpu.memory_space<vmem>>)
        tpu.yield
      }) : () -> ()
      "tpu.region"() ({
        %run_scoped3A = tpu.sem_alloc : memref<!tpu.dma_semaphore, #tpu.memory_space<semaphore_mem>>
        %dma_start3A_134 = arith.constant 0 : i32
        %dma_start3A_135 = arith.constant 0 : i32
        %dma_start3A_136 = tpu.memref_slice %arg8[%dma_start3A_134, %dma_start3A_135] : memref<136x128xi32, #tpu.memory_space<vmem>> -> memref<136x128xi32, #tpu.memory_space<vmem>>
        %dma_start3A_137 = arith.constant 0 : i32
        %dma_start3A_138 = tpu.memref_slice %arg4[%mul3A_9, %dma_start3A_137] : memref<2560x128xi32, #tpu.memory_space<hbm>> -> memref<136x128xi32, #tpu.memory_space<hbm>>
        %dma_start3A_139 = arith.constant 0 : i32
        %dma_start3A_140 = arith.constant 0 : i32
        %dma_start3A_141 = tpu.memref_slice %arg8[%dma_start3A_139, %dma_start3A_140] : memref<136x128xi32, #tpu.memory_space<vmem>> -> memref<136x128xi32, #tpu.memory_space<vmem>>
        %dma_start3A_142 = arith.constant 0 : i32
        %dma_start3A_143 = tpu.memref_slice %arg4[%mul3A_9, %dma_start3A_142] : memref<2560x128xi32, #tpu.memory_space<hbm>> -> memref<136x128xi32, #tpu.memory_space<hbm>>
        tpu.enqueue_dma source(%dma_start3A_143 : memref<136x128xi32, #tpu.memory_space<hbm>>) target(%dma_start3A_141 : memref<136x128xi32, #tpu.memory_space<vmem>>) target_semaphore(%run_scoped3A : memref<!tpu.dma_semaphore, #tpu.memory_space<semaphore_mem>>)
        %dma_wait3A_144 = arith.constant 0 : i32
        %dma_wait3A_145 = arith.constant 0 : i32
        %dma_wait3A_146 = tpu.memref_slice %arg8[%dma_wait3A_144, %dma_wait3A_145] : memref<136x128xi32, #tpu.memory_space<vmem>> -> memref<136x128xi32, #tpu.memory_space<vmem>>
        %dma_wait3A_147 = arith.constant 0 : i32
        %dma_wait3A_148 = tpu.memref_slice %arg4[%mul3A_9, %dma_wait3A_147] : memref<2560x128xi32, #tpu.memory_space<hbm>> -> memref<136x128xi32, #tpu.memory_space<hbm>>
        %dma_wait3A_149 = arith.constant 0 : i32
        %dma_wait3A_150 = arith.constant 0 : i32
        %dma_wait3A_151 = tpu.memref_slice %arg8[%dma_wait3A_149, %dma_wait3A_150] : memref<136x128xi32, #tpu.memory_space<vmem>> -> memref<136x128xi32, #tpu.memory_space<vmem>>
        %dma_wait3A_152 = arith.constant 0 : i32
        %dma_wait3A_153 = tpu.memref_slice %arg4[%mul3A_9, %dma_wait3A_152] : memref<2560x128xi32, #tpu.memory_space<hbm>> -> memref<136x128xi32, #tpu.memory_space<hbm>>
        tpu.wait_dma2 semaphore(%run_scoped3A : memref<!tpu.dma_semaphore, #tpu.memory_space<semaphore_mem>>) src(%dma_wait3A_153 : memref<136x128xi32, #tpu.memory_space<hbm>>) dst(%dma_wait3A_151 : memref<136x128xi32, #tpu.memory_space<vmem>>)
        tpu.yield
      }) : () -> ()
      %barrier3A_10 = arith.constant 0 : index
      tpu.barrier barrier_id(%barrier3A_10)
      %dma_start3A = arith.constant 0 : i32
      %dma_start3A_11 = arith.constant 0 : i32
      %dma_start3A_12 = arith.constant 0 : i32
      %dma_start3A_13 = arith.constant 0 : i32
      %dma_start3A_14 = arith.constant 0 : i32
      %dma_start3A_15 = tpu.memref_slice %arg9[%dma_start3A_11, %dma_start3A_13, %dma_start3A_14] : memref<4x128x64xf32, #tpu.memory_space<vmem>> -> memref<1x128x64xf32, #tpu.memory_space<vmem>>
      %dma_start3A_16 = tpu.memref_squeeze %dma_start3A_15 : memref<1x128x64xf32, #tpu.memory_space<vmem>> -> memref<128x64xf32, #tpu.memory_space<vmem>>
      %dma_start3A_17 = arith.constant 0 : i32
      %dma_start3A_18 = tpu.memref_slice %arg7[%dma_start3A, %dma_start3A_17] : memref<136x128xi32, #tpu.memory_space<vmem>> -> memref<1x128xi32, #tpu.memory_space<vmem>>
      %dma_start3A_19 = tpu.memref_squeeze %dma_start3A_18 : memref<1x128xi32, #tpu.memory_space<vmem>> -> memref<128xi32, #tpu.memory_space<vmem>>
      %dma_start3A_20 = arith.constant 0 : i32
      %dma_start3A_21 = arith.constant 0 : i32
      %dma_start3A_22 = tpu.memref_slice %arg2[%dma_start3A_20, %dma_start3A_21] : memref<10112x64xf32, #tpu.memory_space<hbm>> -> memref<10112x64xf32, #tpu.memory_space<hbm>>
      %dma_start3A_23 = tpu.memref_slice %arg11[%dma_start3A_12] : memref<4x!tpu.dma_semaphore, #tpu.memory_space<semaphore_mem>> -> memref<1x!tpu.dma_semaphore, #tpu.memory_space<semaphore_mem>>
      %dma_start3A_24 = tpu.memref_squeeze %dma_start3A_23 : memref<1x!tpu.dma_semaphore, #tpu.memory_space<semaphore_mem>> -> memref<!tpu.dma_semaphore, #tpu.memory_space<semaphore_mem>>
      tpu.enqueue_indirect_dma source(%dma_start3A_22 : memref<10112x64xf32, #tpu.memory_space<hbm>>) target(%dma_start3A_16 : memref<128x64xf32, #tpu.memory_space<vmem>>) offsets(%dma_start3A_19 : memref<128xi32, #tpu.memory_space<vmem>>) semaphore(%dma_start3A_24 : memref<!tpu.dma_semaphore, #tpu.memory_space<semaphore_mem>>)
      %dma_start3A_25 = arith.constant 1 : i32
      %dma_start3A_26 = arith.constant 1 : i32
      %dma_start3A_27 = arith.constant 1 : i32
      %dma_start3A_28 = arith.constant 0 : i32
      %dma_start3A_29 = arith.constant 0 : i32
      %dma_start3A_30 = tpu.memref_slice %arg9[%dma_start3A_26, %dma_start3A_28, %dma_start3A_29] : memref<4x128x64xf32, #tpu.memory_space<vmem>> -> memref<1x128x64xf32, #tpu.memory_space<vmem>>
      %dma_start3A_31 = tpu.memref_squeeze %dma_start3A_30 : memref<1x128x64xf32, #tpu.memory_space<vmem>> -> memref<128x64xf32, #tpu.memory_space<vmem>>
      %dma_start3A_32 = arith.constant 0 : i32
      %dma_start3A_33 = tpu.memref_slice %arg7[%dma_start3A_25, %dma_start3A_32] : memref<136x128xi32, #tpu.memory_space<vmem>> -> memref<1x128xi32, #tpu.memory_space<vmem>>
      %dma_start3A_34 = tpu.memref_squeeze %dma_start3A_33 : memref<1x128xi32, #tpu.memory_space<vmem>> -> memref<128xi32, #tpu.memory_space<vmem>>
      %dma_start3A_35 = arith.constant 0 : i32
      %dma_start3A_36 = arith.constant 0 : i32
      %dma_start3A_37 = tpu.memref_slice %arg2[%dma_start3A_35, %dma_start3A_36] : memref<10112x64xf32, #tpu.memory_space<hbm>> -> memref<10112x64xf32, #tpu.memory_space<hbm>>
      %dma_start3A_38 = tpu.memref_slice %arg11[%dma_start3A_27] : memref<4x!tpu.dma_semaphore, #tpu.memory_space<semaphore_mem>> -> memref<1x!tpu.dma_semaphore, #tpu.memory_space<semaphore_mem>>
      %dma_start3A_39 = tpu.memref_squeeze %dma_start3A_38 : memref<1x!tpu.dma_semaphore, #tpu.memory_space<semaphore_mem>> -> memref<!tpu.dma_semaphore, #tpu.memory_space<semaphore_mem>>
      tpu.enqueue_indirect_dma source(%dma_start3A_37 : memref<10112x64xf32, #tpu.memory_space<hbm>>) target(%dma_start3A_31 : memref<128x64xf32, #tpu.memory_space<vmem>>) offsets(%dma_start3A_34 : memref<128xi32, #tpu.memory_space<vmem>>) semaphore(%dma_start3A_39 : memref<!tpu.dma_semaphore, #tpu.memory_space<semaphore_mem>>)
      %dma_start3A_40 = arith.constant 2 : i32
      %dma_start3A_41 = arith.constant 2 : i32
      %dma_start3A_42 = arith.constant 2 : i32
      %dma_start3A_43 = arith.constant 0 : i32
      %dma_start3A_44 = arith.constant 0 : i32
      %dma_start3A_45 = tpu.memref_slice %arg9[%dma_start3A_41, %dma_start3A_43, %dma_start3A_44] : memref<4x128x64xf32, #tpu.memory_space<vmem>> -> memref<1x128x64xf32, #tpu.memory_space<vmem>>
      %dma_start3A_46 = tpu.memref_squeeze %dma_start3A_45 : memref<1x128x64xf32, #tpu.memory_space<vmem>> -> memref<128x64xf32, #tpu.memory_space<vmem>>
      %dma_start3A_47 = arith.constant 0 : i32
      %dma_start3A_48 = tpu.memref_slice %arg7[%dma_start3A_40, %dma_start3A_47] : memref<136x128xi32, #tpu.memory_space<vmem>> -> memref<1x128xi32, #tpu.memory_space<vmem>>
      %dma_start3A_49 = tpu.memref_squeeze %dma_start3A_48 : memref<1x128xi32, #tpu.memory_space<vmem>> -> memref<128xi32, #tpu.memory_space<vmem>>
      %dma_start3A_50 = arith.constant 0 : i32
      %dma_start3A_51 = arith.constant 0 : i32
      %dma_start3A_52 = tpu.memref_slice %arg2[%dma_start3A_50, %dma_start3A_51] : memref<10112x64xf32, #tpu.memory_space<hbm>> -> memref<10112x64xf32, #tpu.memory_space<hbm>>
      %dma_start3A_53 = tpu.memref_slice %arg11[%dma_start3A_42] : memref<4x!tpu.dma_semaphore, #tpu.memory_space<semaphore_mem>> -> memref<1x!tpu.dma_semaphore, #tpu.memory_space<semaphore_mem>>
      %dma_start3A_54 = tpu.memref_squeeze %dma_start3A_53 : memref<1x!tpu.dma_semaphore, #tpu.memory_space<semaphore_mem>> -> memref<!tpu.dma_semaphore, #tpu.memory_space<semaphore_mem>>
      tpu.enqueue_indirect_dma source(%dma_start3A_52 : memref<10112x64xf32, #tpu.memory_space<hbm>>) target(%dma_start3A_46 : memref<128x64xf32, #tpu.memory_space<vmem>>) offsets(%dma_start3A_49 : memref<128xi32, #tpu.memory_space<vmem>>) semaphore(%dma_start3A_54 : memref<!tpu.dma_semaphore, #tpu.memory_space<semaphore_mem>>)
      %dma_start3A_55 = arith.constant 3 : i32
      %dma_start3A_56 = arith.constant 3 : i32
      %dma_start3A_57 = arith.constant 3 : i32
      %dma_start3A_58 = arith.constant 0 : i32
      %dma_start3A_59 = arith.constant 0 : i32
      %dma_start3A_60 = tpu.memref_slice %arg9[%dma_start3A_56, %dma_start3A_58, %dma_start3A_59] : memref<4x128x64xf32, #tpu.memory_space<vmem>> -> memref<1x128x64xf32, #tpu.memory_space<vmem>>
      %dma_start3A_61 = tpu.memref_squeeze %dma_start3A_60 : memref<1x128x64xf32, #tpu.memory_space<vmem>> -> memref<128x64xf32, #tpu.memory_space<vmem>>
      %dma_start3A_62 = arith.constant 0 : i32
      %dma_start3A_63 = tpu.memref_slice %arg7[%dma_start3A_55, %dma_start3A_62] : memref<136x128xi32, #tpu.memory_space<vmem>> -> memref<1x128xi32, #tpu.memory_space<vmem>>
      %dma_start3A_64 = tpu.memref_squeeze %dma_start3A_63 : memref<1x128xi32, #tpu.memory_space<vmem>> -> memref<128xi32, #tpu.memory_space<vmem>>
      %dma_start3A_65 = arith.constant 0 : i32
      %dma_start3A_66 = arith.constant 0 : i32
      %dma_start3A_67 = tpu.memref_slice %arg2[%dma_start3A_65, %dma_start3A_66] : memref<10112x64xf32, #tpu.memory_space<hbm>> -> memref<10112x64xf32, #tpu.memory_space<hbm>>
      %dma_start3A_68 = tpu.memref_slice %arg11[%dma_start3A_57] : memref<4x!tpu.dma_semaphore, #tpu.memory_space<semaphore_mem>> -> memref<1x!tpu.dma_semaphore, #tpu.memory_space<semaphore_mem>>
      %dma_start3A_69 = tpu.memref_squeeze %dma_start3A_68 : memref<1x!tpu.dma_semaphore, #tpu.memory_space<semaphore_mem>> -> memref<!tpu.dma_semaphore, #tpu.memory_space<semaphore_mem>>
      tpu.enqueue_indirect_dma source(%dma_start3A_67 : memref<10112x64xf32, #tpu.memory_space<hbm>>) target(%dma_start3A_61 : memref<128x64xf32, #tpu.memory_space<vmem>>) offsets(%dma_start3A_64 : memref<128xi32, #tpu.memory_space<vmem>>) semaphore(%dma_start3A_69 : memref<!tpu.dma_semaphore, #tpu.memory_space<semaphore_mem>>)
      %scan3A = arith.constant 0 : i32
      %scan3A_70 = arith.constant 0 : i32
      %scan3A_71 = arith.constant 34 : i32
      %scan3A_72 = arith.addi %scan3A_70, %scan3A_71 : i32
      %scan3A_73 = arith.constant 1 : i32
      scf.for %scan3A_134 = %scan3A_70 to %scan3A_72 step %scan3A_73  : i32 {
        %mul3A_135 = arith.constant 4 : i32
        %mul3A_136 = arith.muli %scan3A_134, %mul3A_135 : i32
        %add3A = arith.constant 0 : i32
        %add3A_137 = arith.addi %mul3A_136, %add3A : i32
        %dma_wait3A_138 = arith.constant 0 : i32
        %dma_wait3A_139 = arith.constant 0 : i32
        %dma_wait3A_140 = arith.constant 0 : i32
        %dma_wait3A_141 = arith.constant 0 : i32
        %dma_wait3A_142 = tpu.memref_slice %arg9[%dma_wait3A_138, %dma_wait3A_140, %dma_wait3A_141] : memref<4x128x64xf32, #tpu.memory_space<vmem>> -> memref<1x128x64xf32, #tpu.memory_space<vmem>>
        %dma_wait3A_143 = tpu.memref_squeeze %dma_wait3A_142 : memref<1x128x64xf32, #tpu.memory_space<vmem>> -> memref<128x64xf32, #tpu.memory_space<vmem>>
        %dma_wait3A_144 = arith.constant 0 : i32
        %dma_wait3A_145 = tpu.memref_slice %arg7[%add3A_137, %dma_wait3A_144] : memref<136x128xi32, #tpu.memory_space<vmem>> -> memref<1x128xi32, #tpu.memory_space<vmem>>
        %dma_wait3A_146 = tpu.memref_squeeze %dma_wait3A_145 : memref<1x128xi32, #tpu.memory_space<vmem>> -> memref<128xi32, #tpu.memory_space<vmem>>
        %dma_wait3A_147 = arith.constant 0 : i32
        %dma_wait3A_148 = arith.constant 0 : i32
        %dma_wait3A_149 = tpu.memref_slice %arg2[%dma_wait3A_147, %dma_wait3A_148] : memref<10112x64xf32, #tpu.memory_space<hbm>> -> memref<10112x64xf32, #tpu.memory_space<hbm>>
        %dma_wait3A_150 = tpu.memref_slice %arg11[%dma_wait3A_139] : memref<4x!tpu.dma_semaphore, #tpu.memory_space<semaphore_mem>> -> memref<1x!tpu.dma_semaphore, #tpu.memory_space<semaphore_mem>>
        %dma_wait3A_151 = tpu.memref_squeeze %dma_wait3A_150 : memref<1x!tpu.dma_semaphore, #tpu.memory_space<semaphore_mem>> -> memref<!tpu.dma_semaphore, #tpu.memory_space<semaphore_mem>>
        tpu.wait_indirect_dma semaphore(%dma_wait3A_151 : memref<!tpu.dma_semaphore, #tpu.memory_space<semaphore_mem>>) src(%dma_wait3A_149 : memref<10112x64xf32, #tpu.memory_space<hbm>>) dst(%dma_wait3A_143 : memref<128x64xf32, #tpu.memory_space<vmem>>)
        %dma_start3A_152 = arith.constant 0 : i32
        %dma_start3A_153 = arith.constant 0 : i32
        %dma_start3A_154 = arith.constant 0 : i32
        %dma_start3A_155 = arith.constant 0 : i32
        %dma_start3A_156 = tpu.memref_slice %arg9[%dma_start3A_152, %dma_start3A_154, %dma_start3A_155] : memref<4x128x64xf32, #tpu.memory_space<vmem>> -> memref<1x128x64xf32, #tpu.memory_space<vmem>>
        %dma_start3A_157 = tpu.memref_squeeze %dma_start3A_156 : memref<1x128x64xf32, #tpu.memory_space<vmem>> -> memref<128x64xf32, #tpu.memory_space<vmem>>
        %dma_start3A_158 = arith.constant 0 : i32
        %dma_start3A_159 = tpu.memref_slice %arg8[%add3A_137, %dma_start3A_158] : memref<136x128xi32, #tpu.memory_space<vmem>> -> memref<1x128xi32, #tpu.memory_space<vmem>>
        %dma_start3A_160 = tpu.memref_squeeze %dma_start3A_159 : memref<1x128xi32, #tpu.memory_space<vmem>> -> memref<128xi32, #tpu.memory_space<vmem>>
        %dma_start3A_161 = arith.constant 0 : i32
        %dma_start3A_162 = arith.constant 0 : i32
        %dma_start3A_163 = tpu.memref_slice %arg10[%dma_start3A_161, %dma_start3A_162] : memref<10112x64xf32, #tpu.memory_space<vmem_shared>> -> memref<10112x64xf32, #tpu.memory_space<vmem_shared>>
        %dma_start3A_164 = tpu.memref_slice %arg12[%dma_start3A_153] : memref<4x!tpu.dma_semaphore, #tpu.memory_space<semaphore_mem>> -> memref<1x!tpu.dma_semaphore, #tpu.memory_space<semaphore_mem>>
        %dma_start3A_165 = tpu.memref_squeeze %dma_start3A_164 : memref<1x!tpu.dma_semaphore, #tpu.memory_space<semaphore_mem>> -> memref<!tpu.dma_semaphore, #tpu.memory_space<semaphore_mem>>
        tpu.enqueue_indirect_dma source(%dma_start3A_157 : memref<128x64xf32, #tpu.memory_space<vmem>>) target(%dma_start3A_163 : memref<10112x64xf32, #tpu.memory_space<vmem_shared>>) offsets(%dma_start3A_160 : memref<128xi32, #tpu.memory_space<vmem>>) semaphore(%dma_start3A_165 : memref<!tpu.dma_semaphore, #tpu.memory_space<semaphore_mem>>) {add = true}
        %add3A_166 = arith.constant 4 : i32
        %add3A_167 = arith.addi %add3A_137, %add3A_166 : i32
        %lt3A = arith.constant 136 : i32
        %lt3A_168 = arith.cmpi slt, %add3A_167, %lt3A : i32
        %convert_element_type3A_169 = arith.extui %lt3A_168 : i1 to i32
        %cond3A_170 = arith.constant 0 : i32
        %cond3A_171 = arith.cmpi ne, %convert_element_type3A_169, %cond3A_170 : i32
        scf.if %cond3A_171 {
          %dma_wait3A_289 = arith.constant 0 : i32
          %dma_wait3A_290 = arith.constant 0 : i32
          %dma_wait3A_291 = arith.constant 0 : i32
          %dma_wait3A_292 = arith.constant 0 : i32
          %dma_wait3A_293 = tpu.memref_slice %arg9[%dma_wait3A_289, %dma_wait3A_291, %dma_wait3A_292] : memref<4x128x64xf32, #tpu.memory_space<vmem>> -> memref<1x128x64xf32, #tpu.memory_space<vmem>>
          %dma_wait3A_294 = tpu.memref_squeeze %dma_wait3A_293 : memref<1x128x64xf32, #tpu.memory_space<vmem>> -> memref<128x64xf32, #tpu.memory_space<vmem>>
          %dma_wait3A_295 = arith.constant 0 : i32
          %dma_wait3A_296 = tpu.memref_slice %arg8[%add3A_137, %dma_wait3A_295] : memref<136x128xi32, #tpu.memory_space<vmem>> -> memref<1x128xi32, #tpu.memory_space<vmem>>
          %dma_wait3A_297 = tpu.memref_squeeze %dma_wait3A_296 : memref<1x128xi32, #tpu.memory_space<vmem>> -> memref<128xi32, #tpu.memory_space<vmem>>
          %dma_wait3A_298 = arith.constant 0 : i32
          %dma_wait3A_299 = arith.constant 0 : i32
          %dma_wait3A_300 = tpu.memref_slice %arg10[%dma_wait3A_298, %dma_wait3A_299] : memref<10112x64xf32, #tpu.memory_space<vmem_shared>> -> memref<10112x64xf32, #tpu.memory_space<vmem_shared>>
          %dma_wait3A_301 = tpu.memref_slice %arg12[%dma_wait3A_290] : memref<4x!tpu.dma_semaphore, #tpu.memory_space<semaphore_mem>> -> memref<1x!tpu.dma_semaphore, #tpu.memory_space<semaphore_mem>>
          %dma_wait3A_302 = tpu.memref_squeeze %dma_wait3A_301 : memref<1x!tpu.dma_semaphore, #tpu.memory_space<semaphore_mem>> -> memref<!tpu.dma_semaphore, #tpu.memory_space<semaphore_mem>>
          tpu.wait_indirect_dma semaphore(%dma_wait3A_302 : memref<!tpu.dma_semaphore, #tpu.memory_space<semaphore_mem>>) src(%dma_wait3A_294 : memref<128x64xf32, #tpu.memory_space<vmem>>) dst(%dma_wait3A_300 : memref<10112x64xf32, #tpu.memory_space<vmem_shared>>)
          %dma_start3A_303 = arith.constant 0 : i32
          %dma_start3A_304 = arith.constant 0 : i32
          %dma_start3A_305 = arith.constant 0 : i32
          %dma_start3A_306 = arith.constant 0 : i32
          %dma_start3A_307 = tpu.memref_slice %arg9[%dma_start3A_303, %dma_start3A_305, %dma_start3A_306] : memref<4x128x64xf32, #tpu.memory_space<vmem>> -> memref<1x128x64xf32, #tpu.memory_space<vmem>>
          %dma_start3A_308 = tpu.memref_squeeze %dma_start3A_307 : memref<1x128x64xf32, #tpu.memory_space<vmem>> -> memref<128x64xf32, #tpu.memory_space<vmem>>
          %dma_start3A_309 = arith.constant 0 : i32
          %dma_start3A_310 = tpu.memref_slice %arg7[%add3A_167, %dma_start3A_309] : memref<136x128xi32, #tpu.memory_space<vmem>> -> memref<1x128xi32, #tpu.memory_space<vmem>>
          %dma_start3A_311 = tpu.memref_squeeze %dma_start3A_310 : memref<1x128xi32, #tpu.memory_space<vmem>> -> memref<128xi32, #tpu.memory_space<vmem>>
          %dma_start3A_312 = arith.constant 0 : i32
          %dma_start3A_313 = arith.constant 0 : i32
          %dma_start3A_314 = tpu.memref_slice %arg2[%dma_start3A_312, %dma_start3A_313] : memref<10112x64xf32, #tpu.memory_space<hbm>> -> memref<10112x64xf32, #tpu.memory_space<hbm>>
          %dma_start3A_315 = tpu.memref_slice %arg11[%dma_start3A_304] : memref<4x!tpu.dma_semaphore, #tpu.memory_space<semaphore_mem>> -> memref<1x!tpu.dma_semaphore, #tpu.memory_space<semaphore_mem>>
          %dma_start3A_316 = tpu.memref_squeeze %dma_start3A_315 : memref<1x!tpu.dma_semaphore, #tpu.memory_space<semaphore_mem>> -> memref<!tpu.dma_semaphore, #tpu.memory_space<semaphore_mem>>
          tpu.enqueue_indirect_dma source(%dma_start3A_314 : memref<10112x64xf32, #tpu.memory_space<hbm>>) target(%dma_start3A_308 : memref<128x64xf32, #tpu.memory_space<vmem>>) offsets(%dma_start3A_311 : memref<128xi32, #tpu.memory_space<vmem>>) semaphore(%dma_start3A_316 : memref<!tpu.dma_semaphore, #tpu.memory_space<semaphore_mem>>)
        } else {
        }
        %mul3A_172 = arith.constant 4 : i32
        %mul3A_173 = arith.muli %scan3A_134, %mul3A_172 : i32
        %add3A_174 = arith.constant 1 : i32
        %add3A_175 = arith.addi %mul3A_173, %add3A_174 : i32
        %dma_wait3A_176 = arith.constant 1 : i32
        %dma_wait3A_177 = arith.constant 1 : i32
        %dma_wait3A_178 = arith.constant 0 : i32
        %dma_wait3A_179 = arith.constant 0 : i32
        %dma_wait3A_180 = tpu.memref_slice %arg9[%dma_wait3A_176, %dma_wait3A_178, %dma_wait3A_179] : memref<4x128x64xf32, #tpu.memory_space<vmem>> -> memref<1x128x64xf32, #tpu.memory_space<vmem>>
        %dma_wait3A_181 = tpu.memref_squeeze %dma_wait3A_180 : memref<1x128x64xf32, #tpu.memory_space<vmem>> -> memref<128x64xf32, #tpu.memory_space<vmem>>
        %dma_wait3A_182 = arith.constant 0 : i32
        %dma_wait3A_183 = tpu.memref_slice %arg7[%add3A_175, %dma_wait3A_182] : memref<136x128xi32, #tpu.memory_space<vmem>> -> memref<1x128xi32, #tpu.memory_space<vmem>>
        %dma_wait3A_184 = tpu.memref_squeeze %dma_wait3A_183 : memref<1x128xi32, #tpu.memory_space<vmem>> -> memref<128xi32, #tpu.memory_space<vmem>>
        %dma_wait3A_185 = arith.constant 0 : i32
        %dma_wait3A_186 = arith.constant 0 : i32
        %dma_wait3A_187 = tpu.memref_slice %arg2[%dma_wait3A_185, %dma_wait3A_186] : memref<10112x64xf32, #tpu.memory_space<hbm>> -> memref<10112x64xf32, #tpu.memory_space<hbm>>
        %dma_wait3A_188 = tpu.memref_slice %arg11[%dma_wait3A_177] : memref<4x!tpu.dma_semaphore, #tpu.memory_space<semaphore_mem>> -> memref<1x!tpu.dma_semaphore, #tpu.memory_space<semaphore_mem>>
        %dma_wait3A_189 = tpu.memref_squeeze %dma_wait3A_188 : memref<1x!tpu.dma_semaphore, #tpu.memory_space<semaphore_mem>> -> memref<!tpu.dma_semaphore, #tpu.memory_space<semaphore_mem>>
        tpu.wait_indirect_dma semaphore(%dma_wait3A_189 : memref<!tpu.dma_semaphore, #tpu.memory_space<semaphore_mem>>) src(%dma_wait3A_187 : memref<10112x64xf32, #tpu.memory_space<hbm>>) dst(%dma_wait3A_181 : memref<128x64xf32, #tpu.memory_space<vmem>>)
        %dma_start3A_190 = arith.constant 1 : i32
        %dma_start3A_191 = arith.constant 1 : i32
        %dma_start3A_192 = arith.constant 0 : i32
        %dma_start3A_193 = arith.constant 0 : i32
        %dma_start3A_194 = tpu.memref_slice %arg9[%dma_start3A_190, %dma_start3A_192, %dma_start3A_193] : memref<4x128x64xf32, #tpu.memory_space<vmem>> -> memref<1x128x64xf32, #tpu.memory_space<vmem>>
        %dma_start3A_195 = tpu.memref_squeeze %dma_start3A_194 : memref<1x128x64xf32, #tpu.memory_space<vmem>> -> memref<128x64xf32, #tpu.memory_space<vmem>>
        %dma_start3A_196 = arith.constant 0 : i32
        %dma_start3A_197 = tpu.memref_slice %arg8[%add3A_175, %dma_start3A_196] : memref<136x128xi32, #tpu.memory_space<vmem>> -> memref<1x128xi32, #tpu.memory_space<vmem>>
        %dma_start3A_198 = tpu.memref_squeeze %dma_start3A_197 : memref<1x128xi32, #tpu.memory_space<vmem>> -> memref<128xi32, #tpu.memory_space<vmem>>
        %dma_start3A_199 = arith.constant 0 : i32
        %dma_start3A_200 = arith.constant 0 : i32
        %dma_start3A_201 = tpu.memref_slice %arg10[%dma_start3A_199, %dma_start3A_200] : memref<10112x64xf32, #tpu.memory_space<vmem_shared>> -> memref<10112x64xf32, #tpu.memory_space<vmem_shared>>
        %dma_start3A_202 = tpu.memref_slice %arg12[%dma_start3A_191] : memref<4x!tpu.dma_semaphore, #tpu.memory_space<semaphore_mem>> -> memref<1x!tpu.dma_semaphore, #tpu.memory_space<semaphore_mem>>
        %dma_start3A_203 = tpu.memref_squeeze %dma_start3A_202 : memref<1x!tpu.dma_semaphore, #tpu.memory_space<semaphore_mem>> -> memref<!tpu.dma_semaphore, #tpu.memory_space<semaphore_mem>>
        tpu.enqueue_indirect_dma source(%dma_start3A_195 : memref<128x64xf32, #tpu.memory_space<vmem>>) target(%dma_start3A_201 : memref<10112x64xf32, #tpu.memory_space<vmem_shared>>) offsets(%dma_start3A_198 : memref<128xi32, #tpu.memory_space<vmem>>) semaphore(%dma_start3A_203 : memref<!tpu.dma_semaphore, #tpu.memory_space<semaphore_mem>>) {add = true}
        %add3A_204 = arith.constant 4 : i32
        %add3A_205 = arith.addi %add3A_175, %add3A_204 : i32
        %lt3A_206 = arith.constant 136 : i32
        %lt3A_207 = arith.cmpi slt, %add3A_205, %lt3A_206 : i32
        %convert_element_type3A_208 = arith.extui %lt3A_207 : i1 to i32
        %cond3A_209 = arith.constant 0 : i32
        %cond3A_210 = arith.cmpi ne, %convert_element_type3A_208, %cond3A_209 : i32
        scf.if %cond3A_210 {
          %dma_wait3A_289 = arith.constant 1 : i32
          %dma_wait3A_290 = arith.constant 1 : i32
          %dma_wait3A_291 = arith.constant 0 : i32
          %dma_wait3A_292 = arith.constant 0 : i32
          %dma_wait3A_293 = tpu.memref_slice %arg9[%dma_wait3A_289, %dma_wait3A_291, %dma_wait3A_292] : memref<4x128x64xf32, #tpu.memory_space<vmem>> -> memref<1x128x64xf32, #tpu.memory_space<vmem>>
          %dma_wait3A_294 = tpu.memref_squeeze %dma_wait3A_293 : memref<1x128x64xf32, #tpu.memory_space<vmem>> -> memref<128x64xf32, #tpu.memory_space<vmem>>
          %dma_wait3A_295 = arith.constant 0 : i32
          %dma_wait3A_296 = tpu.memref_slice %arg8[%add3A_175, %dma_wait3A_295] : memref<136x128xi32, #tpu.memory_space<vmem>> -> memref<1x128xi32, #tpu.memory_space<vmem>>
          %dma_wait3A_297 = tpu.memref_squeeze %dma_wait3A_296 : memref<1x128xi32, #tpu.memory_space<vmem>> -> memref<128xi32, #tpu.memory_space<vmem>>
          %dma_wait3A_298 = arith.constant 0 : i32
          %dma_wait3A_299 = arith.constant 0 : i32
          %dma_wait3A_300 = tpu.memref_slice %arg10[%dma_wait3A_298, %dma_wait3A_299] : memref<10112x64xf32, #tpu.memory_space<vmem_shared>> -> memref<10112x64xf32, #tpu.memory_space<vmem_shared>>
          %dma_wait3A_301 = tpu.memref_slice %arg12[%dma_wait3A_290] : memref<4x!tpu.dma_semaphore, #tpu.memory_space<semaphore_mem>> -> memref<1x!tpu.dma_semaphore, #tpu.memory_space<semaphore_mem>>
          %dma_wait3A_302 = tpu.memref_squeeze %dma_wait3A_301 : memref<1x!tpu.dma_semaphore, #tpu.memory_space<semaphore_mem>> -> memref<!tpu.dma_semaphore, #tpu.memory_space<semaphore_mem>>
          tpu.wait_indirect_dma semaphore(%dma_wait3A_302 : memref<!tpu.dma_semaphore, #tpu.memory_space<semaphore_mem>>) src(%dma_wait3A_294 : memref<128x64xf32, #tpu.memory_space<vmem>>) dst(%dma_wait3A_300 : memref<10112x64xf32, #tpu.memory_space<vmem_shared>>)
          %dma_start3A_303 = arith.constant 1 : i32
          %dma_start3A_304 = arith.constant 1 : i32
          %dma_start3A_305 = arith.constant 0 : i32
          %dma_start3A_306 = arith.constant 0 : i32
          %dma_start3A_307 = tpu.memref_slice %arg9[%dma_start3A_303, %dma_start3A_305, %dma_start3A_306] : memref<4x128x64xf32, #tpu.memory_space<vmem>> -> memref<1x128x64xf32, #tpu.memory_space<vmem>>
          %dma_start3A_308 = tpu.memref_squeeze %dma_start3A_307 : memref<1x128x64xf32, #tpu.memory_space<vmem>> -> memref<128x64xf32, #tpu.memory_space<vmem>>
          %dma_start3A_309 = arith.constant 0 : i32
          %dma_start3A_310 = tpu.memref_slice %arg7[%add3A_205, %dma_start3A_309] : memref<136x128xi32, #tpu.memory_space<vmem>> -> memref<1x128xi32, #tpu.memory_space<vmem>>
          %dma_start3A_311 = tpu.memref_squeeze %dma_start3A_310 : memref<1x128xi32, #tpu.memory_space<vmem>> -> memref<128xi32, #tpu.memory_space<vmem>>
          %dma_start3A_312 = arith.constant 0 : i32
          %dma_start3A_313 = arith.constant 0 : i32
          %dma_start3A_314 = tpu.memref_slice %arg2[%dma_start3A_312, %dma_start3A_313] : memref<10112x64xf32, #tpu.memory_space<hbm>> -> memref<10112x64xf32, #tpu.memory_space<hbm>>
          %dma_start3A_315 = tpu.memref_slice %arg11[%dma_start3A_304] : memref<4x!tpu.dma_semaphore, #tpu.memory_space<semaphore_mem>> -> memref<1x!tpu.dma_semaphore, #tpu.memory_space<semaphore_mem>>
          %dma_start3A_316 = tpu.memref_squeeze %dma_start3A_315 : memref<1x!tpu.dma_semaphore, #tpu.memory_space<semaphore_mem>> -> memref<!tpu.dma_semaphore, #tpu.memory_space<semaphore_mem>>
          tpu.enqueue_indirect_dma source(%dma_start3A_314 : memref<10112x64xf32, #tpu.memory_space<hbm>>) target(%dma_start3A_308 : memref<128x64xf32, #tpu.memory_space<vmem>>) offsets(%dma_start3A_311 : memref<128xi32, #tpu.memory_space<vmem>>) semaphore(%dma_start3A_316 : memref<!tpu.dma_semaphore, #tpu.memory_space<semaphore_mem>>)
        } else {
        }
        %mul3A_211 = arith.constant 4 : i32
        %mul3A_212 = arith.muli %scan3A_134, %mul3A_211 : i32
        %add3A_213 = arith.constant 2 : i32
        %add3A_214 = arith.addi %mul3A_212, %add3A_213 : i32
        %dma_wait3A_215 = arith.constant 2 : i32
        %dma_wait3A_216 = arith.constant 2 : i32
        %dma_wait3A_217 = arith.constant 0 : i32
        %dma_wait3A_218 = arith.constant 0 : i32
        %dma_wait3A_219 = tpu.memref_slice %arg9[%dma_wait3A_215, %dma_wait3A_217, %dma_wait3A_218] : memref<4x128x64xf32, #tpu.memory_space<vmem>> -> memref<1x128x64xf32, #tpu.memory_space<vmem>>
        %dma_wait3A_220 = tpu.memref_squeeze %dma_wait3A_219 : memref<1x128x64xf32, #tpu.memory_space<vmem>> -> memref<128x64xf32, #tpu.memory_space<vmem>>
        %dma_wait3A_221 = arith.constant 0 : i32
        %dma_wait3A_222 = tpu.memref_slice %arg7[%add3A_214, %dma_wait3A_221] : memref<136x128xi32, #tpu.memory_space<vmem>> -> memref<1x128xi32, #tpu.memory_space<vmem>>
        %dma_wait3A_223 = tpu.memref_squeeze %dma_wait3A_222 : memref<1x128xi32, #tpu.memory_space<vmem>> -> memref<128xi32, #tpu.memory_space<vmem>>
        %dma_wait3A_224 = arith.constant 0 : i32
        %dma_wait3A_225 = arith.constant 0 : i32
        %dma_wait3A_226 = tpu.memref_slice %arg2[%dma_wait3A_224, %dma_wait3A_225] : memref<10112x64xf32, #tpu.memory_space<hbm>> -> memref<10112x64xf32, #tpu.memory_space<hbm>>
        %dma_wait3A_227 = tpu.memref_slice %arg11[%dma_wait3A_216] : memref<4x!tpu.dma_semaphore, #tpu.memory_space<semaphore_mem>> -> memref<1x!tpu.dma_semaphore, #tpu.memory_space<semaphore_mem>>
        %dma_wait3A_228 = tpu.memref_squeeze %dma_wait3A_227 : memref<1x!tpu.dma_semaphore, #tpu.memory_space<semaphore_mem>> -> memref<!tpu.dma_semaphore, #tpu.memory_space<semaphore_mem>>
        tpu.wait_indirect_dma semaphore(%dma_wait3A_228 : memref<!tpu.dma_semaphore, #tpu.memory_space<semaphore_mem>>) src(%dma_wait3A_226 : memref<10112x64xf32, #tpu.memory_space<hbm>>) dst(%dma_wait3A_220 : memref<128x64xf32, #tpu.memory_space<vmem>>)
        %dma_start3A_229 = arith.constant 2 : i32
        %dma_start3A_230 = arith.constant 2 : i32
        %dma_start3A_231 = arith.constant 0 : i32
        %dma_start3A_232 = arith.constant 0 : i32
        %dma_start3A_233 = tpu.memref_slice %arg9[%dma_start3A_229, %dma_start3A_231, %dma_start3A_232] : memref<4x128x64xf32, #tpu.memory_space<vmem>> -> memref<1x128x64xf32, #tpu.memory_space<vmem>>
        %dma_start3A_234 = tpu.memref_squeeze %dma_start3A_233 : memref<1x128x64xf32, #tpu.memory_space<vmem>> -> memref<128x64xf32, #tpu.memory_space<vmem>>
        %dma_start3A_235 = arith.constant 0 : i32
        %dma_start3A_236 = tpu.memref_slice %arg8[%add3A_214, %dma_start3A_235] : memref<136x128xi32, #tpu.memory_space<vmem>> -> memref<1x128xi32, #tpu.memory_space<vmem>>
        %dma_start3A_237 = tpu.memref_squeeze %dma_start3A_236 : memref<1x128xi32, #tpu.memory_space<vmem>> -> memref<128xi32, #tpu.memory_space<vmem>>
        %dma_start3A_238 = arith.constant 0 : i32
        %dma_start3A_239 = arith.constant 0 : i32
        %dma_start3A_240 = tpu.memref_slice %arg10[%dma_start3A_238, %dma_start3A_239] : memref<10112x64xf32, #tpu.memory_space<vmem_shared>> -> memref<10112x64xf32, #tpu.memory_space<vmem_shared>>
        %dma_start3A_241 = tpu.memref_slice %arg12[%dma_start3A_230] : memref<4x!tpu.dma_semaphore, #tpu.memory_space<semaphore_mem>> -> memref<1x!tpu.dma_semaphore, #tpu.memory_space<semaphore_mem>>
        %dma_start3A_242 = tpu.memref_squeeze %dma_start3A_241 : memref<1x!tpu.dma_semaphore, #tpu.memory_space<semaphore_mem>> -> memref<!tpu.dma_semaphore, #tpu.memory_space<semaphore_mem>>
        tpu.enqueue_indirect_dma source(%dma_start3A_234 : memref<128x64xf32, #tpu.memory_space<vmem>>) target(%dma_start3A_240 : memref<10112x64xf32, #tpu.memory_space<vmem_shared>>) offsets(%dma_start3A_237 : memref<128xi32, #tpu.memory_space<vmem>>) semaphore(%dma_start3A_242 : memref<!tpu.dma_semaphore, #tpu.memory_space<semaphore_mem>>) {add = true}
        %add3A_243 = arith.constant 4 : i32
        %add3A_244 = arith.addi %add3A_214, %add3A_243 : i32
        %lt3A_245 = arith.constant 136 : i32
        %lt3A_246 = arith.cmpi slt, %add3A_244, %lt3A_245 : i32
        %convert_element_type3A_247 = arith.extui %lt3A_246 : i1 to i32
        %cond3A_248 = arith.constant 0 : i32
        %cond3A_249 = arith.cmpi ne, %convert_element_type3A_247, %cond3A_248 : i32
        scf.if %cond3A_249 {
          %dma_wait3A_289 = arith.constant 2 : i32
          %dma_wait3A_290 = arith.constant 2 : i32
          %dma_wait3A_291 = arith.constant 0 : i32
          %dma_wait3A_292 = arith.constant 0 : i32
          %dma_wait3A_293 = tpu.memref_slice %arg9[%dma_wait3A_289, %dma_wait3A_291, %dma_wait3A_292] : memref<4x128x64xf32, #tpu.memory_space<vmem>> -> memref<1x128x64xf32, #tpu.memory_space<vmem>>
          %dma_wait3A_294 = tpu.memref_squeeze %dma_wait3A_293 : memref<1x128x64xf32, #tpu.memory_space<vmem>> -> memref<128x64xf32, #tpu.memory_space<vmem>>
          %dma_wait3A_295 = arith.constant 0 : i32
          %dma_wait3A_296 = tpu.memref_slice %arg8[%add3A_214, %dma_wait3A_295] : memref<136x128xi32, #tpu.memory_space<vmem>> -> memref<1x128xi32, #tpu.memory_space<vmem>>
          %dma_wait3A_297 = tpu.memref_squeeze %dma_wait3A_296 : memref<1x128xi32, #tpu.memory_space<vmem>> -> memref<128xi32, #tpu.memory_space<vmem>>
          %dma_wait3A_298 = arith.constant 0 : i32
          %dma_wait3A_299 = arith.constant 0 : i32
          %dma_wait3A_300 = tpu.memref_slice %arg10[%dma_wait3A_298, %dma_wait3A_299] : memref<10112x64xf32, #tpu.memory_space<vmem_shared>> -> memref<10112x64xf32, #tpu.memory_space<vmem_shared>>
          %dma_wait3A_301 = tpu.memref_slice %arg12[%dma_wait3A_290] : memref<4x!tpu.dma_semaphore, #tpu.memory_space<semaphore_mem>> -> memref<1x!tpu.dma_semaphore, #tpu.memory_space<semaphore_mem>>
          %dma_wait3A_302 = tpu.memref_squeeze %dma_wait3A_301 : memref<1x!tpu.dma_semaphore, #tpu.memory_space<semaphore_mem>> -> memref<!tpu.dma_semaphore, #tpu.memory_space<semaphore_mem>>
          tpu.wait_indirect_dma semaphore(%dma_wait3A_302 : memref<!tpu.dma_semaphore, #tpu.memory_space<semaphore_mem>>) src(%dma_wait3A_294 : memref<128x64xf32, #tpu.memory_space<vmem>>) dst(%dma_wait3A_300 : memref<10112x64xf32, #tpu.memory_space<vmem_shared>>)
          %dma_start3A_303 = arith.constant 2 : i32
          %dma_start3A_304 = arith.constant 2 : i32
          %dma_start3A_305 = arith.constant 0 : i32
          %dma_start3A_306 = arith.constant 0 : i32
          %dma_start3A_307 = tpu.memref_slice %arg9[%dma_start3A_303, %dma_start3A_305, %dma_start3A_306] : memref<4x128x64xf32, #tpu.memory_space<vmem>> -> memref<1x128x64xf32, #tpu.memory_space<vmem>>
          %dma_start3A_308 = tpu.memref_squeeze %dma_start3A_307 : memref<1x128x64xf32, #tpu.memory_space<vmem>> -> memref<128x64xf32, #tpu.memory_space<vmem>>
          %dma_start3A_309 = arith.constant 0 : i32
          %dma_start3A_310 = tpu.memref_slice %arg7[%add3A_244, %dma_start3A_309] : memref<136x128xi32, #tpu.memory_space<vmem>> -> memref<1x128xi32, #tpu.memory_space<vmem>>
          %dma_start3A_311 = tpu.memref_squeeze %dma_start3A_310 : memref<1x128xi32, #tpu.memory_space<vmem>> -> memref<128xi32, #tpu.memory_space<vmem>>
          %dma_start3A_312 = arith.constant 0 : i32
          %dma_start3A_313 = arith.constant 0 : i32
          %dma_start3A_314 = tpu.memref_slice %arg2[%dma_start3A_312, %dma_start3A_313] : memref<10112x64xf32, #tpu.memory_space<hbm>> -> memref<10112x64xf32, #tpu.memory_space<hbm>>
          %dma_start3A_315 = tpu.memref_slice %arg11[%dma_start3A_304] : memref<4x!tpu.dma_semaphore, #tpu.memory_space<semaphore_mem>> -> memref<1x!tpu.dma_semaphore, #tpu.memory_space<semaphore_mem>>
          %dma_start3A_316 = tpu.memref_squeeze %dma_start3A_315 : memref<1x!tpu.dma_semaphore, #tpu.memory_space<semaphore_mem>> -> memref<!tpu.dma_semaphore, #tpu.memory_space<semaphore_mem>>
          tpu.enqueue_indirect_dma source(%dma_start3A_314 : memref<10112x64xf32, #tpu.memory_space<hbm>>) target(%dma_start3A_308 : memref<128x64xf32, #tpu.memory_space<vmem>>) offsets(%dma_start3A_311 : memref<128xi32, #tpu.memory_space<vmem>>) semaphore(%dma_start3A_316 : memref<!tpu.dma_semaphore, #tpu.memory_space<semaphore_mem>>)
        } else {
        }
        %mul3A_250 = arith.constant 4 : i32
        %mul3A_251 = arith.muli %scan3A_134, %mul3A_250 : i32
        %add3A_252 = arith.constant 3 : i32
        %add3A_253 = arith.addi %mul3A_251, %add3A_252 : i32
        %dma_wait3A_254 = arith.constant 3 : i32
        %dma_wait3A_255 = arith.constant 3 : i32
        %dma_wait3A_256 = arith.constant 0 : i32
        %dma_wait3A_257 = arith.constant 0 : i32
        %dma_wait3A_258 = tpu.memref_slice %arg9[%dma_wait3A_254, %dma_wait3A_256, %dma_wait3A_257] : memref<4x128x64xf32, #tpu.memory_space<vmem>> -> memref<1x128x64xf32, #tpu.memory_space<vmem>>
        %dma_wait3A_259 = tpu.memref_squeeze %dma_wait3A_258 : memref<1x128x64xf32, #tpu.memory_space<vmem>> -> memref<128x64xf32, #tpu.memory_space<vmem>>
        %dma_wait3A_260 = arith.constant 0 : i32
        %dma_wait3A_261 = tpu.memref_slice %arg7[%add3A_253, %dma_wait3A_260] : memref<136x128xi32, #tpu.memory_space<vmem>> -> memref<1x128xi32, #tpu.memory_space<vmem>>
        %dma_wait3A_262 = tpu.memref_squeeze %dma_wait3A_261 : memref<1x128xi32, #tpu.memory_space<vmem>> -> memref<128xi32, #tpu.memory_space<vmem>>
        %dma_wait3A_263 = arith.constant 0 : i32
        %dma_wait3A_264 = arith.constant 0 : i32
        %dma_wait3A_265 = tpu.memref_slice %arg2[%dma_wait3A_263, %dma_wait3A_264] : memref<10112x64xf32, #tpu.memory_space<hbm>> -> memref<10112x64xf32, #tpu.memory_space<hbm>>
        %dma_wait3A_266 = tpu.memref_slice %arg11[%dma_wait3A_255] : memref<4x!tpu.dma_semaphore, #tpu.memory_space<semaphore_mem>> -> memref<1x!tpu.dma_semaphore, #tpu.memory_space<semaphore_mem>>
        %dma_wait3A_267 = tpu.memref_squeeze %dma_wait3A_266 : memref<1x!tpu.dma_semaphore, #tpu.memory_space<semaphore_mem>> -> memref<!tpu.dma_semaphore, #tpu.memory_space<semaphore_mem>>
        tpu.wait_indirect_dma semaphore(%dma_wait3A_267 : memref<!tpu.dma_semaphore, #tpu.memory_space<semaphore_mem>>) src(%dma_wait3A_265 : memref<10112x64xf32, #tpu.memory_space<hbm>>) dst(%dma_wait3A_259 : memref<128x64xf32, #tpu.memory_space<vmem>>)
        %dma_start3A_268 = arith.constant 3 : i32
        %dma_start3A_269 = arith.constant 3 : i32
        %dma_start3A_270 = arith.constant 0 : i32
        %dma_start3A_271 = arith.constant 0 : i32
        %dma_start3A_272 = tpu.memref_slice %arg9[%dma_start3A_268, %dma_start3A_270, %dma_start3A_271] : memref<4x128x64xf32, #tpu.memory_space<vmem>> -> memref<1x128x64xf32, #tpu.memory_space<vmem>>
        %dma_start3A_273 = tpu.memref_squeeze %dma_start3A_272 : memref<1x128x64xf32, #tpu.memory_space<vmem>> -> memref<128x64xf32, #tpu.memory_space<vmem>>
        %dma_start3A_274 = arith.constant 0 : i32
        %dma_start3A_275 = tpu.memref_slice %arg8[%add3A_253, %dma_start3A_274] : memref<136x128xi32, #tpu.memory_space<vmem>> -> memref<1x128xi32, #tpu.memory_space<vmem>>
        %dma_start3A_276 = tpu.memref_squeeze %dma_start3A_275 : memref<1x128xi32, #tpu.memory_space<vmem>> -> memref<128xi32, #tpu.memory_space<vmem>>
        %dma_start3A_277 = arith.constant 0 : i32
        %dma_start3A_278 = arith.constant 0 : i32
        %dma_start3A_279 = tpu.memref_slice %arg10[%dma_start3A_277, %dma_start3A_278] : memref<10112x64xf32, #tpu.memory_space<vmem_shared>> -> memref<10112x64xf32, #tpu.memory_space<vmem_shared>>
        %dma_start3A_280 = tpu.memref_slice %arg12[%dma_start3A_269] : memref<4x!tpu.dma_semaphore, #tpu.memory_space<semaphore_mem>> -> memref<1x!tpu.dma_semaphore, #tpu.memory_space<semaphore_mem>>
        %dma_start3A_281 = tpu.memref_squeeze %dma_start3A_280 : memref<1x!tpu.dma_semaphore, #tpu.memory_space<semaphore_mem>> -> memref<!tpu.dma_semaphore, #tpu.memory_space<semaphore_mem>>
        tpu.enqueue_indirect_dma source(%dma_start3A_273 : memref<128x64xf32, #tpu.memory_space<vmem>>) target(%dma_start3A_279 : memref<10112x64xf32, #tpu.memory_space<vmem_shared>>) offsets(%dma_start3A_276 : memref<128xi32, #tpu.memory_space<vmem>>) semaphore(%dma_start3A_281 : memref<!tpu.dma_semaphore, #tpu.memory_space<semaphore_mem>>) {add = true}
        %add3A_282 = arith.constant 4 : i32
        %add3A_283 = arith.addi %add3A_253, %add3A_282 : i32
        %lt3A_284 = arith.constant 136 : i32
        %lt3A_285 = arith.cmpi slt, %add3A_283, %lt3A_284 : i32
        %convert_element_type3A_286 = arith.extui %lt3A_285 : i1 to i32
        %cond3A_287 = arith.constant 0 : i32
        %cond3A_288 = arith.cmpi ne, %convert_element_type3A_286, %cond3A_287 : i32
        scf.if %cond3A_288 {
          %dma_wait3A_289 = arith.constant 3 : i32
          %dma_wait3A_290 = arith.constant 3 : i32
          %dma_wait3A_291 = arith.constant 0 : i32
          %dma_wait3A_292 = arith.constant 0 : i32
          %dma_wait3A_293 = tpu.memref_slice %arg9[%dma_wait3A_289, %dma_wait3A_291, %dma_wait3A_292] : memref<4x128x64xf32, #tpu.memory_space<vmem>> -> memref<1x128x64xf32, #tpu.memory_space<vmem>>
          %dma_wait3A_294 = tpu.memref_squeeze %dma_wait3A_293 : memref<1x128x64xf32, #tpu.memory_space<vmem>> -> memref<128x64xf32, #tpu.memory_space<vmem>>
          %dma_wait3A_295 = arith.constant 0 : i32
          %dma_wait3A_296 = tpu.memref_slice %arg8[%add3A_253, %dma_wait3A_295] : memref<136x128xi32, #tpu.memory_space<vmem>> -> memref<1x128xi32, #tpu.memory_space<vmem>>
          %dma_wait3A_297 = tpu.memref_squeeze %dma_wait3A_296 : memref<1x128xi32, #tpu.memory_space<vmem>> -> memref<128xi32, #tpu.memory_space<vmem>>
          %dma_wait3A_298 = arith.constant 0 : i32
          %dma_wait3A_299 = arith.constant 0 : i32
          %dma_wait3A_300 = tpu.memref_slice %arg10[%dma_wait3A_298, %dma_wait3A_299] : memref<10112x64xf32, #tpu.memory_space<vmem_shared>> -> memref<10112x64xf32, #tpu.memory_space<vmem_shared>>
          %dma_wait3A_301 = tpu.memref_slice %arg12[%dma_wait3A_290] : memref<4x!tpu.dma_semaphore, #tpu.memory_space<semaphore_mem>> -> memref<1x!tpu.dma_semaphore, #tpu.memory_space<semaphore_mem>>
          %dma_wait3A_302 = tpu.memref_squeeze %dma_wait3A_301 : memref<1x!tpu.dma_semaphore, #tpu.memory_space<semaphore_mem>> -> memref<!tpu.dma_semaphore, #tpu.memory_space<semaphore_mem>>
          tpu.wait_indirect_dma semaphore(%dma_wait3A_302 : memref<!tpu.dma_semaphore, #tpu.memory_space<semaphore_mem>>) src(%dma_wait3A_294 : memref<128x64xf32, #tpu.memory_space<vmem>>) dst(%dma_wait3A_300 : memref<10112x64xf32, #tpu.memory_space<vmem_shared>>)
          %dma_start3A_303 = arith.constant 3 : i32
          %dma_start3A_304 = arith.constant 3 : i32
          %dma_start3A_305 = arith.constant 0 : i32
          %dma_start3A_306 = arith.constant 0 : i32
          %dma_start3A_307 = tpu.memref_slice %arg9[%dma_start3A_303, %dma_start3A_305, %dma_start3A_306] : memref<4x128x64xf32, #tpu.memory_space<vmem>> -> memref<1x128x64xf32, #tpu.memory_space<vmem>>
          %dma_start3A_308 = tpu.memref_squeeze %dma_start3A_307 : memref<1x128x64xf32, #tpu.memory_space<vmem>> -> memref<128x64xf32, #tpu.memory_space<vmem>>
          %dma_start3A_309 = arith.constant 0 : i32
          %dma_start3A_310 = tpu.memref_slice %arg7[%add3A_283, %dma_start3A_309] : memref<136x128xi32, #tpu.memory_space<vmem>> -> memref<1x128xi32, #tpu.memory_space<vmem>>
          %dma_start3A_311 = tpu.memref_squeeze %dma_start3A_310 : memref<1x128xi32, #tpu.memory_space<vmem>> -> memref<128xi32, #tpu.memory_space<vmem>>
          %dma_start3A_312 = arith.constant 0 : i32
          %dma_start3A_313 = arith.constant 0 : i32
          %dma_start3A_314 = tpu.memref_slice %arg2[%dma_start3A_312, %dma_start3A_313] : memref<10112x64xf32, #tpu.memory_space<hbm>> -> memref<10112x64xf32, #tpu.memory_space<hbm>>
          %dma_start3A_315 = tpu.memref_slice %arg11[%dma_start3A_304] : memref<4x!tpu.dma_semaphore, #tpu.memory_space<semaphore_mem>> -> memref<1x!tpu.dma_semaphore, #tpu.memory_space<semaphore_mem>>
          %dma_start3A_316 = tpu.memref_squeeze %dma_start3A_315 : memref<1x!tpu.dma_semaphore, #tpu.memory_space<semaphore_mem>> -> memref<!tpu.dma_semaphore, #tpu.memory_space<semaphore_mem>>
          tpu.enqueue_indirect_dma source(%dma_start3A_314 : memref<10112x64xf32, #tpu.memory_space<hbm>>) target(%dma_start3A_308 : memref<128x64xf32, #tpu.memory_space<vmem>>) offsets(%dma_start3A_311 : memref<128xi32, #tpu.memory_space<vmem>>) semaphore(%dma_start3A_316 : memref<!tpu.dma_semaphore, #tpu.memory_space<semaphore_mem>>)
        } else {
        }
      }
      %scan3A_74 = arith.constant 34 : i32
      %dma_wait3A = arith.constant 0 : i32
      %dma_wait3A_75 = arith.constant 132 : i32
      %dma_wait3A_76 = arith.constant 0 : i32
      %dma_wait3A_77 = arith.constant 0 : i32
      %dma_wait3A_78 = arith.constant 0 : i32
      %dma_wait3A_79 = tpu.memref_slice %arg9[%dma_wait3A, %dma_wait3A_77, %dma_wait3A_78] : memref<4x128x64xf32, #tpu.memory_space<vmem>> -> memref<1x128x64xf32, #tpu.memory_space<vmem>>
      %dma_wait3A_80 = tpu.memref_squeeze %dma_wait3A_79 : memref<1x128x64xf32, #tpu.memory_space<vmem>> -> memref<128x64xf32, #tpu.memory_space<vmem>>
      %dma_wait3A_81 = arith.constant 0 : i32
      %dma_wait3A_82 = tpu.memref_slice %arg8[%dma_wait3A_75, %dma_wait3A_81] : memref<136x128xi32, #tpu.memory_space<vmem>> -> memref<1x128xi32, #tpu.memory_space<vmem>>
      %dma_wait3A_83 = tpu.memref_squeeze %dma_wait3A_82 : memref<1x128xi32, #tpu.memory_space<vmem>> -> memref<128xi32, #tpu.memory_space<vmem>>
      %dma_wait3A_84 = arith.constant 0 : i32
      %dma_wait3A_85 = arith.constant 0 : i32
      %dma_wait3A_86 = tpu.memref_slice %arg10[%dma_wait3A_84, %dma_wait3A_85] : memref<10112x64xf32, #tpu.memory_space<vmem_shared>> -> memref<10112x64xf32, #tpu.memory_space<vmem_shared>>
      %dma_wait3A_87 = tpu.memref_slice %arg12[%dma_wait3A_76] : memref<4x!tpu.dma_semaphore, #tpu.memory_space<semaphore_mem>> -> memref<1x!tpu.dma_semaphore, #tpu.memory_space<semaphore_mem>>
      %dma_wait3A_88 = tpu.memref_squeeze %dma_wait3A_87 : memref<1x!tpu.dma_semaphore, #tpu.memory_space<semaphore_mem>> -> memref<!tpu.dma_semaphore, #tpu.memory_space<semaphore_mem>>
      tpu.wait_indirect_dma semaphore(%dma_wait3A_88 : memref<!tpu.dma_semaphore, #tpu.memory_space<semaphore_mem>>) src(%dma_wait3A_80 : memref<128x64xf32, #tpu.memory_space<vmem>>) dst(%dma_wait3A_86 : memref<10112x64xf32, #tpu.memory_space<vmem_shared>>)
      %dma_wait3A_89 = arith.constant 1 : i32
      %dma_wait3A_90 = arith.constant 133 : i32
      %dma_wait3A_91 = arith.constant 1 : i32
      %dma_wait3A_92 = arith.constant 0 : i32
      %dma_wait3A_93 = arith.constant 0 : i32
      %dma_wait3A_94 = tpu.memref_slice %arg9[%dma_wait3A_89, %dma_wait3A_92, %dma_wait3A_93] : memref<4x128x64xf32, #tpu.memory_space<vmem>> -> memref<1x128x64xf32, #tpu.memory_space<vmem>>
      %dma_wait3A_95 = tpu.memref_squeeze %dma_wait3A_94 : memref<1x128x64xf32, #tpu.memory_space<vmem>> -> memref<128x64xf32, #tpu.memory_space<vmem>>
      %dma_wait3A_96 = arith.constant 0 : i32
      %dma_wait3A_97 = tpu.memref_slice %arg8[%dma_wait3A_90, %dma_wait3A_96] : memref<136x128xi32, #tpu.memory_space<vmem>> -> memref<1x128xi32, #tpu.memory_space<vmem>>
      %dma_wait3A_98 = tpu.memref_squeeze %dma_wait3A_97 : memref<1x128xi32, #tpu.memory_space<vmem>> -> memref<128xi32, #tpu.memory_space<vmem>>
      %dma_wait3A_99 = arith.constant 0 : i32
      %dma_wait3A_100 = arith.constant 0 : i32
      %dma_wait3A_101 = tpu.memref_slice %arg10[%dma_wait3A_99, %dma_wait3A_100] : memref<10112x64xf32, #tpu.memory_space<vmem_shared>> -> memref<10112x64xf32, #tpu.memory_space<vmem_shared>>
      %dma_wait3A_102 = tpu.memref_slice %arg12[%dma_wait3A_91] : memref<4x!tpu.dma_semaphore, #tpu.memory_space<semaphore_mem>> -> memref<1x!tpu.dma_semaphore, #tpu.memory_space<semaphore_mem>>
      %dma_wait3A_103 = tpu.memref_squeeze %dma_wait3A_102 : memref<1x!tpu.dma_semaphore, #tpu.memory_space<semaphore_mem>> -> memref<!tpu.dma_semaphore, #tpu.memory_space<semaphore_mem>>
      tpu.wait_indirect_dma semaphore(%dma_wait3A_103 : memref<!tpu.dma_semaphore, #tpu.memory_space<semaphore_mem>>) src(%dma_wait3A_95 : memref<128x64xf32, #tpu.memory_space<vmem>>) dst(%dma_wait3A_101 : memref<10112x64xf32, #tpu.memory_space<vmem_shared>>)
      %dma_wait3A_104 = arith.constant 2 : i32
      %dma_wait3A_105 = arith.constant 134 : i32
      %dma_wait3A_106 = arith.constant 2 : i32
      %dma_wait3A_107 = arith.constant 0 : i32
      %dma_wait3A_108 = arith.constant 0 : i32
      %dma_wait3A_109 = tpu.memref_slice %arg9[%dma_wait3A_104, %dma_wait3A_107, %dma_wait3A_108] : memref<4x128x64xf32, #tpu.memory_space<vmem>> -> memref<1x128x64xf32, #tpu.memory_space<vmem>>
      %dma_wait3A_110 = tpu.memref_squeeze %dma_wait3A_109 : memref<1x128x64xf32, #tpu.memory_space<vmem>> -> memref<128x64xf32, #tpu.memory_space<vmem>>
      %dma_wait3A_111 = arith.constant 0 : i32
      %dma_wait3A_112 = tpu.memref_slice %arg8[%dma_wait3A_105, %dma_wait3A_111] : memref<136x128xi32, #tpu.memory_space<vmem>> -> memref<1x128xi32, #tpu.memory_space<vmem>>
      %dma_wait3A_113 = tpu.memref_squeeze %dma_wait3A_112 : memref<1x128xi32, #tpu.memory_space<vmem>> -> memref<128xi32, #tpu.memory_space<vmem>>
      %dma_wait3A_114 = arith.constant 0 : i32
      %dma_wait3A_115 = arith.constant 0 : i32
      %dma_wait3A_116 = tpu.memref_slice %arg10[%dma_wait3A_114, %dma_wait3A_115] : memref<10112x64xf32, #tpu.memory_space<vmem_shared>> -> memref<10112x64xf32, #tpu.memory_space<vmem_shared>>
      %dma_wait3A_117 = tpu.memref_slice %arg12[%dma_wait3A_106] : memref<4x!tpu.dma_semaphore, #tpu.memory_space<semaphore_mem>> -> memref<1x!tpu.dma_semaphore, #tpu.memory_space<semaphore_mem>>
      %dma_wait3A_118 = tpu.memref_squeeze %dma_wait3A_117 : memref<1x!tpu.dma_semaphore, #tpu.memory_space<semaphore_mem>> -> memref<!tpu.dma_semaphore, #tpu.memory_space<semaphore_mem>>
      tpu.wait_indirect_dma semaphore(%dma_wait3A_118 : memref<!tpu.dma_semaphore, #tpu.memory_space<semaphore_mem>>) src(%dma_wait3A_110 : memref<128x64xf32, #tpu.memory_space<vmem>>) dst(%dma_wait3A_116 : memref<10112x64xf32, #tpu.memory_space<vmem_shared>>)
      %dma_wait3A_119 = arith.constant 3 : i32
      %dma_wait3A_120 = arith.constant 135 : i32
      %dma_wait3A_121 = arith.constant 3 : i32
      %dma_wait3A_122 = arith.constant 0 : i32
      %dma_wait3A_123 = arith.constant 0 : i32
      %dma_wait3A_124 = tpu.memref_slice %arg9[%dma_wait3A_119, %dma_wait3A_122, %dma_wait3A_123] : memref<4x128x64xf32, #tpu.memory_space<vmem>> -> memref<1x128x64xf32, #tpu.memory_space<vmem>>
      %dma_wait3A_125 = tpu.memref_squeeze %dma_wait3A_124 : memref<1x128x64xf32, #tpu.memory_space<vmem>> -> memref<128x64xf32, #tpu.memory_space<vmem>>
      %dma_wait3A_126 = arith.constant 0 : i32
      %dma_wait3A_127 = tpu.memref_slice %arg8[%dma_wait3A_120, %dma_wait3A_126] : memref<136x128xi32, #tpu.memory_space<vmem>> -> memref<1x128xi32, #tpu.memory_space<vmem>>
      %dma_wait3A_128 = tpu.memref_squeeze %dma_wait3A_127 : memref<1x128xi32, #tpu.memory_space<vmem>> -> memref<128xi32, #tpu.memory_space<vmem>>
      %dma_wait3A_129 = arith.constant 0 : i32
      %dma_wait3A_130 = arith.constant 0 : i32
      %dma_wait3A_131 = tpu.memref_slice %arg10[%dma_wait3A_129, %dma_wait3A_130] : memref<10112x64xf32, #tpu.memory_space<vmem_shared>> -> memref<10112x64xf32, #tpu.memory_space<vmem_shared>>
      %dma_wait3A_132 = tpu.memref_slice %arg12[%dma_wait3A_121] : memref<4x!tpu.dma_semaphore, #tpu.memory_space<semaphore_mem>> -> memref<1x!tpu.dma_semaphore, #tpu.memory_space<semaphore_mem>>
      %dma_wait3A_133 = tpu.memref_squeeze %dma_wait3A_132 : memref<1x!tpu.dma_semaphore, #tpu.memory_space<semaphore_mem>> -> memref<!tpu.dma_semaphore, #tpu.memory_space<semaphore_mem>>
      tpu.wait_indirect_dma semaphore(%dma_wait3A_133 : memref<!tpu.dma_semaphore, #tpu.memory_space<semaphore_mem>>) src(%dma_wait3A_125 : memref<128x64xf32, #tpu.memory_space<vmem>>) dst(%dma_wait3A_131 : memref<10112x64xf32, #tpu.memory_space<vmem_shared>>)
    } else {
    }
    %eq3A_3 = arith.constant 1 : i32
    %eq3A_4 = arith.cmpi eq, %arg0, %eq3A_3 : i32
    %convert_element_type3A_5 = arith.extui %eq3A_4 : i1 to i32
    %cond3A_6 = arith.constant 0 : i32
    %cond3A_7 = arith.cmpi ne, %convert_element_type3A_5, %cond3A_6 : i32
    scf.if %cond3A_7 {
      %mul3A_8 = arith.constant 24 : i32
      %mul3A_9 = arith.muli %arg1, %mul3A_8 : i32
      %add3A = arith.constant 2176 : i32
      %add3A_10 = arith.addi %add3A, %mul3A_9 : i32
      "tpu.region"() ({
        %run_scoped3A = tpu.sem_alloc : memref<!tpu.dma_semaphore, #tpu.memory_space<semaphore_mem>>
        %dma_start3A_135 = arith.constant 0 : i32
        %dma_start3A_136 = arith.constant 0 : i32
        %dma_start3A_137 = tpu.memref_slice %arg7[%dma_start3A_135, %dma_start3A_136] : memref<136x128xi32, #tpu.memory_space<vmem>> -> memref<24x128xi32, #tpu.memory_space<vmem>>
        %dma_start3A_138 = arith.constant 0 : i32
        %dma_start3A_139 = tpu.memref_slice %arg3[%add3A_10, %dma_start3A_138] : memref<2560x128xi32, #tpu.memory_space<hbm>> -> memref<24x128xi32, #tpu.memory_space<hbm>>
        %dma_start3A_140 = arith.constant 0 : i32
        %dma_start3A_141 = arith.constant 0 : i32
        %dma_start3A_142 = tpu.memref_slice %arg7[%dma_start3A_140, %dma_start3A_141] : memref<136x128xi32, #tpu.memory_space<vmem>> -> memref<24x128xi32, #tpu.memory_space<vmem>>
        %dma_start3A_143 = arith.constant 0 : i32
        %dma_start3A_144 = tpu.memref_slice %arg3[%add3A_10, %dma_start3A_143] : memref<2560x128xi32, #tpu.memory_space<hbm>> -> memref<24x128xi32, #tpu.memory_space<hbm>>
        tpu.enqueue_dma source(%dma_start3A_144 : memref<24x128xi32, #tpu.memory_space<hbm>>) target(%dma_start3A_142 : memref<24x128xi32, #tpu.memory_space<vmem>>) target_semaphore(%run_scoped3A : memref<!tpu.dma_semaphore, #tpu.memory_space<semaphore_mem>>)
        %dma_wait3A_145 = arith.constant 0 : i32
        %dma_wait3A_146 = arith.constant 0 : i32
        %dma_wait3A_147 = tpu.memref_slice %arg7[%dma_wait3A_145, %dma_wait3A_146] : memref<136x128xi32, #tpu.memory_space<vmem>> -> memref<24x128xi32, #tpu.memory_space<vmem>>
        %dma_wait3A_148 = arith.constant 0 : i32
        %dma_wait3A_149 = tpu.memref_slice %arg3[%add3A_10, %dma_wait3A_148] : memref<2560x128xi32, #tpu.memory_space<hbm>> -> memref<24x128xi32, #tpu.memory_space<hbm>>
        %dma_wait3A_150 = arith.constant 0 : i32
        %dma_wait3A_151 = arith.constant 0 : i32
        %dma_wait3A_152 = tpu.memref_slice %arg7[%dma_wait3A_150, %dma_wait3A_151] : memref<136x128xi32, #tpu.memory_space<vmem>> -> memref<24x128xi32, #tpu.memory_space<vmem>>
        %dma_wait3A_153 = arith.constant 0 : i32
        %dma_wait3A_154 = tpu.memref_slice %arg3[%add3A_10, %dma_wait3A_153] : memref<2560x128xi32, #tpu.memory_space<hbm>> -> memref<24x128xi32, #tpu.memory_space<hbm>>
        tpu.wait_dma2 semaphore(%run_scoped3A : memref<!tpu.dma_semaphore, #tpu.memory_space<semaphore_mem>>) src(%dma_wait3A_154 : memref<24x128xi32, #tpu.memory_space<hbm>>) dst(%dma_wait3A_152 : memref<24x128xi32, #tpu.memory_space<vmem>>)
        tpu.yield
      }) : () -> ()
      "tpu.region"() ({
        %run_scoped3A = tpu.sem_alloc : memref<!tpu.dma_semaphore, #tpu.memory_space<semaphore_mem>>
        %dma_start3A_135 = arith.constant 0 : i32
        %dma_start3A_136 = arith.constant 0 : i32
        %dma_start3A_137 = tpu.memref_slice %arg8[%dma_start3A_135, %dma_start3A_136] : memref<136x128xi32, #tpu.memory_space<vmem>> -> memref<24x128xi32, #tpu.memory_space<vmem>>
        %dma_start3A_138 = arith.constant 0 : i32
        %dma_start3A_139 = tpu.memref_slice %arg4[%add3A_10, %dma_start3A_138] : memref<2560x128xi32, #tpu.memory_space<hbm>> -> memref<24x128xi32, #tpu.memory_space<hbm>>
        %dma_start3A_140 = arith.constant 0 : i32
        %dma_start3A_141 = arith.constant 0 : i32
        %dma_start3A_142 = tpu.memref_slice %arg8[%dma_start3A_140, %dma_start3A_141] : memref<136x128xi32, #tpu.memory_space<vmem>> -> memref<24x128xi32, #tpu.memory_space<vmem>>
        %dma_start3A_143 = arith.constant 0 : i32
        %dma_start3A_144 = tpu.memref_slice %arg4[%add3A_10, %dma_start3A_143] : memref<2560x128xi32, #tpu.memory_space<hbm>> -> memref<24x128xi32, #tpu.memory_space<hbm>>
        tpu.enqueue_dma source(%dma_start3A_144 : memref<24x128xi32, #tpu.memory_space<hbm>>) target(%dma_start3A_142 : memref<24x128xi32, #tpu.memory_space<vmem>>) target_semaphore(%run_scoped3A : memref<!tpu.dma_semaphore, #tpu.memory_space<semaphore_mem>>)
        %dma_wait3A_145 = arith.constant 0 : i32
        %dma_wait3A_146 = arith.constant 0 : i32
        %dma_wait3A_147 = tpu.memref_slice %arg8[%dma_wait3A_145, %dma_wait3A_146] : memref<136x128xi32, #tpu.memory_space<vmem>> -> memref<24x128xi32, #tpu.memory_space<vmem>>
        %dma_wait3A_148 = arith.constant 0 : i32
        %dma_wait3A_149 = tpu.memref_slice %arg4[%add3A_10, %dma_wait3A_148] : memref<2560x128xi32, #tpu.memory_space<hbm>> -> memref<24x128xi32, #tpu.memory_space<hbm>>
        %dma_wait3A_150 = arith.constant 0 : i32
        %dma_wait3A_151 = arith.constant 0 : i32
        %dma_wait3A_152 = tpu.memref_slice %arg8[%dma_wait3A_150, %dma_wait3A_151] : memref<136x128xi32, #tpu.memory_space<vmem>> -> memref<24x128xi32, #tpu.memory_space<vmem>>
        %dma_wait3A_153 = arith.constant 0 : i32
        %dma_wait3A_154 = tpu.memref_slice %arg4[%add3A_10, %dma_wait3A_153] : memref<2560x128xi32, #tpu.memory_space<hbm>> -> memref<24x128xi32, #tpu.memory_space<hbm>>
        tpu.wait_dma2 semaphore(%run_scoped3A : memref<!tpu.dma_semaphore, #tpu.memory_space<semaphore_mem>>) src(%dma_wait3A_154 : memref<24x128xi32, #tpu.memory_space<hbm>>) dst(%dma_wait3A_152 : memref<24x128xi32, #tpu.memory_space<vmem>>)
        tpu.yield
      }) : () -> ()
      %barrier3A_11 = arith.constant 0 : index
      tpu.barrier barrier_id(%barrier3A_11)
      %dma_start3A = arith.constant 0 : i32
      %dma_start3A_12 = arith.constant 0 : i32
      %dma_start3A_13 = arith.constant 0 : i32
      %dma_start3A_14 = arith.constant 0 : i32
      %dma_start3A_15 = arith.constant 0 : i32
      %dma_start3A_16 = tpu.memref_slice %arg9[%dma_start3A_12, %dma_start3A_14, %dma_start3A_15] : memref<4x128x64xf32, #tpu.memory_space<vmem>> -> memref<1x128x64xf32, #tpu.memory_space<vmem>>
      %dma_start3A_17 = tpu.memref_squeeze %dma_start3A_16 : memref<1x128x64xf32, #tpu.memory_space<vmem>> -> memref<128x64xf32, #tpu.memory_space<vmem>>
      %dma_start3A_18 = arith.constant 0 : i32
      %dma_start3A_19 = tpu.memref_slice %arg7[%dma_start3A, %dma_start3A_18] : memref<136x128xi32, #tpu.memory_space<vmem>> -> memref<1x128xi32, #tpu.memory_space<vmem>>
      %dma_start3A_20 = tpu.memref_squeeze %dma_start3A_19 : memref<1x128xi32, #tpu.memory_space<vmem>> -> memref<128xi32, #tpu.memory_space<vmem>>
      %dma_start3A_21 = arith.constant 0 : i32
      %dma_start3A_22 = arith.constant 0 : i32
      %dma_start3A_23 = tpu.memref_slice %arg2[%dma_start3A_21, %dma_start3A_22] : memref<10112x64xf32, #tpu.memory_space<hbm>> -> memref<10112x64xf32, #tpu.memory_space<hbm>>
      %dma_start3A_24 = tpu.memref_slice %arg11[%dma_start3A_13] : memref<4x!tpu.dma_semaphore, #tpu.memory_space<semaphore_mem>> -> memref<1x!tpu.dma_semaphore, #tpu.memory_space<semaphore_mem>>
      %dma_start3A_25 = tpu.memref_squeeze %dma_start3A_24 : memref<1x!tpu.dma_semaphore, #tpu.memory_space<semaphore_mem>> -> memref<!tpu.dma_semaphore, #tpu.memory_space<semaphore_mem>>
      tpu.enqueue_indirect_dma source(%dma_start3A_23 : memref<10112x64xf32, #tpu.memory_space<hbm>>) target(%dma_start3A_17 : memref<128x64xf32, #tpu.memory_space<vmem>>) offsets(%dma_start3A_20 : memref<128xi32, #tpu.memory_space<vmem>>) semaphore(%dma_start3A_25 : memref<!tpu.dma_semaphore, #tpu.memory_space<semaphore_mem>>)
      %dma_start3A_26 = arith.constant 1 : i32
      %dma_start3A_27 = arith.constant 1 : i32
      %dma_start3A_28 = arith.constant 1 : i32
      %dma_start3A_29 = arith.constant 0 : i32
      %dma_start3A_30 = arith.constant 0 : i32
      %dma_start3A_31 = tpu.memref_slice %arg9[%dma_start3A_27, %dma_start3A_29, %dma_start3A_30] : memref<4x128x64xf32, #tpu.memory_space<vmem>> -> memref<1x128x64xf32, #tpu.memory_space<vmem>>
      %dma_start3A_32 = tpu.memref_squeeze %dma_start3A_31 : memref<1x128x64xf32, #tpu.memory_space<vmem>> -> memref<128x64xf32, #tpu.memory_space<vmem>>
      %dma_start3A_33 = arith.constant 0 : i32
      %dma_start3A_34 = tpu.memref_slice %arg7[%dma_start3A_26, %dma_start3A_33] : memref<136x128xi32, #tpu.memory_space<vmem>> -> memref<1x128xi32, #tpu.memory_space<vmem>>
      %dma_start3A_35 = tpu.memref_squeeze %dma_start3A_34 : memref<1x128xi32, #tpu.memory_space<vmem>> -> memref<128xi32, #tpu.memory_space<vmem>>
      %dma_start3A_36 = arith.constant 0 : i32
      %dma_start3A_37 = arith.constant 0 : i32
      %dma_start3A_38 = tpu.memref_slice %arg2[%dma_start3A_36, %dma_start3A_37] : memref<10112x64xf32, #tpu.memory_space<hbm>> -> memref<10112x64xf32, #tpu.memory_space<hbm>>
      %dma_start3A_39 = tpu.memref_slice %arg11[%dma_start3A_28] : memref<4x!tpu.dma_semaphore, #tpu.memory_space<semaphore_mem>> -> memref<1x!tpu.dma_semaphore, #tpu.memory_space<semaphore_mem>>
      %dma_start3A_40 = tpu.memref_squeeze %dma_start3A_39 : memref<1x!tpu.dma_semaphore, #tpu.memory_space<semaphore_mem>> -> memref<!tpu.dma_semaphore, #tpu.memory_space<semaphore_mem>>
      tpu.enqueue_indirect_dma source(%dma_start3A_38 : memref<10112x64xf32, #tpu.memory_space<hbm>>) target(%dma_start3A_32 : memref<128x64xf32, #tpu.memory_space<vmem>>) offsets(%dma_start3A_35 : memref<128xi32, #tpu.memory_space<vmem>>) semaphore(%dma_start3A_40 : memref<!tpu.dma_semaphore, #tpu.memory_space<semaphore_mem>>)
      %dma_start3A_41 = arith.constant 2 : i32
      %dma_start3A_42 = arith.constant 2 : i32
      %dma_start3A_43 = arith.constant 2 : i32
      %dma_start3A_44 = arith.constant 0 : i32
      %dma_start3A_45 = arith.constant 0 : i32
      %dma_start3A_46 = tpu.memref_slice %arg9[%dma_start3A_42, %dma_start3A_44, %dma_start3A_45] : memref<4x128x64xf32, #tpu.memory_space<vmem>> -> memref<1x128x64xf32, #tpu.memory_space<vmem>>
      %dma_start3A_47 = tpu.memref_squeeze %dma_start3A_46 : memref<1x128x64xf32, #tpu.memory_space<vmem>> -> memref<128x64xf32, #tpu.memory_space<vmem>>
      %dma_start3A_48 = arith.constant 0 : i32
      %dma_start3A_49 = tpu.memref_slice %arg7[%dma_start3A_41, %dma_start3A_48] : memref<136x128xi32, #tpu.memory_space<vmem>> -> memref<1x128xi32, #tpu.memory_space<vmem>>
      %dma_start3A_50 = tpu.memref_squeeze %dma_start3A_49 : memref<1x128xi32, #tpu.memory_space<vmem>> -> memref<128xi32, #tpu.memory_space<vmem>>
      %dma_start3A_51 = arith.constant 0 : i32
      %dma_start3A_52 = arith.constant 0 : i32
      %dma_start3A_53 = tpu.memref_slice %arg2[%dma_start3A_51, %dma_start3A_52] : memref<10112x64xf32, #tpu.memory_space<hbm>> -> memref<10112x64xf32, #tpu.memory_space<hbm>>
      %dma_start3A_54 = tpu.memref_slice %arg11[%dma_start3A_43] : memref<4x!tpu.dma_semaphore, #tpu.memory_space<semaphore_mem>> -> memref<1x!tpu.dma_semaphore, #tpu.memory_space<semaphore_mem>>
      %dma_start3A_55 = tpu.memref_squeeze %dma_start3A_54 : memref<1x!tpu.dma_semaphore, #tpu.memory_space<semaphore_mem>> -> memref<!tpu.dma_semaphore, #tpu.memory_space<semaphore_mem>>
      tpu.enqueue_indirect_dma source(%dma_start3A_53 : memref<10112x64xf32, #tpu.memory_space<hbm>>) target(%dma_start3A_47 : memref<128x64xf32, #tpu.memory_space<vmem>>) offsets(%dma_start3A_50 : memref<128xi32, #tpu.memory_space<vmem>>) semaphore(%dma_start3A_55 : memref<!tpu.dma_semaphore, #tpu.memory_space<semaphore_mem>>)
      %dma_start3A_56 = arith.constant 3 : i32
      %dma_start3A_57 = arith.constant 3 : i32
      %dma_start3A_58 = arith.constant 3 : i32
      %dma_start3A_59 = arith.constant 0 : i32
      %dma_start3A_60 = arith.constant 0 : i32
      %dma_start3A_61 = tpu.memref_slice %arg9[%dma_start3A_57, %dma_start3A_59, %dma_start3A_60] : memref<4x128x64xf32, #tpu.memory_space<vmem>> -> memref<1x128x64xf32, #tpu.memory_space<vmem>>
      %dma_start3A_62 = tpu.memref_squeeze %dma_start3A_61 : memref<1x128x64xf32, #tpu.memory_space<vmem>> -> memref<128x64xf32, #tpu.memory_space<vmem>>
      %dma_start3A_63 = arith.constant 0 : i32
      %dma_start3A_64 = tpu.memref_slice %arg7[%dma_start3A_56, %dma_start3A_63] : memref<136x128xi32, #tpu.memory_space<vmem>> -> memref<1x128xi32, #tpu.memory_space<vmem>>
      %dma_start3A_65 = tpu.memref_squeeze %dma_start3A_64 : memref<1x128xi32, #tpu.memory_space<vmem>> -> memref<128xi32, #tpu.memory_space<vmem>>
      %dma_start3A_66 = arith.constant 0 : i32
      %dma_start3A_67 = arith.constant 0 : i32
      %dma_start3A_68 = tpu.memref_slice %arg2[%dma_start3A_66, %dma_start3A_67] : memref<10112x64xf32, #tpu.memory_space<hbm>> -> memref<10112x64xf32, #tpu.memory_space<hbm>>
      %dma_start3A_69 = tpu.memref_slice %arg11[%dma_start3A_58] : memref<4x!tpu.dma_semaphore, #tpu.memory_space<semaphore_mem>> -> memref<1x!tpu.dma_semaphore, #tpu.memory_space<semaphore_mem>>
      %dma_start3A_70 = tpu.memref_squeeze %dma_start3A_69 : memref<1x!tpu.dma_semaphore, #tpu.memory_space<semaphore_mem>> -> memref<!tpu.dma_semaphore, #tpu.memory_space<semaphore_mem>>
      tpu.enqueue_indirect_dma source(%dma_start3A_68 : memref<10112x64xf32, #tpu.memory_space<hbm>>) target(%dma_start3A_62 : memref<128x64xf32, #tpu.memory_space<vmem>>) offsets(%dma_start3A_65 : memref<128xi32, #tpu.memory_space<vmem>>) semaphore(%dma_start3A_70 : memref<!tpu.dma_semaphore, #tpu.memory_space<semaphore_mem>>)
      %scan3A = arith.constant 0 : i32
      %scan3A_71 = arith.constant 0 : i32
      %scan3A_72 = arith.constant 6 : i32
      %scan3A_73 = arith.addi %scan3A_71, %scan3A_72 : i32
      %scan3A_74 = arith.constant 1 : i32
      scf.for %scan3A_135 = %scan3A_71 to %scan3A_73 step %scan3A_74  : i32 {
        %mul3A_136 = arith.constant 4 : i32
        %mul3A_137 = arith.muli %scan3A_135, %mul3A_136 : i32
        %add3A_138 = arith.constant 0 : i32
        %add3A_139 = arith.addi %mul3A_137, %add3A_138 : i32
        %dma_wait3A_140 = arith.constant 0 : i32
        %dma_wait3A_141 = arith.constant 0 : i32
        %dma_wait3A_142 = arith.constant 0 : i32
        %dma_wait3A_143 = arith.constant 0 : i32
        %dma_wait3A_144 = tpu.memref_slice %arg9[%dma_wait3A_140, %dma_wait3A_142, %dma_wait3A_143] : memref<4x128x64xf32, #tpu.memory_space<vmem>> -> memref<1x128x64xf32, #tpu.memory_space<vmem>>
        %dma_wait3A_145 = tpu.memref_squeeze %dma_wait3A_144 : memref<1x128x64xf32, #tpu.memory_space<vmem>> -> memref<128x64xf32, #tpu.memory_space<vmem>>
        %dma_wait3A_146 = arith.constant 0 : i32
        %dma_wait3A_147 = tpu.memref_slice %arg7[%add3A_139, %dma_wait3A_146] : memref<136x128xi32, #tpu.memory_space<vmem>> -> memref<1x128xi32, #tpu.memory_space<vmem>>
        %dma_wait3A_148 = tpu.memref_squeeze %dma_wait3A_147 : memref<1x128xi32, #tpu.memory_space<vmem>> -> memref<128xi32, #tpu.memory_space<vmem>>
        %dma_wait3A_149 = arith.constant 0 : i32
        %dma_wait3A_150 = arith.constant 0 : i32
        %dma_wait3A_151 = tpu.memref_slice %arg2[%dma_wait3A_149, %dma_wait3A_150] : memref<10112x64xf32, #tpu.memory_space<hbm>> -> memref<10112x64xf32, #tpu.memory_space<hbm>>
        %dma_wait3A_152 = tpu.memref_slice %arg11[%dma_wait3A_141] : memref<4x!tpu.dma_semaphore, #tpu.memory_space<semaphore_mem>> -> memref<1x!tpu.dma_semaphore, #tpu.memory_space<semaphore_mem>>
        %dma_wait3A_153 = tpu.memref_squeeze %dma_wait3A_152 : memref<1x!tpu.dma_semaphore, #tpu.memory_space<semaphore_mem>> -> memref<!tpu.dma_semaphore, #tpu.memory_space<semaphore_mem>>
        tpu.wait_indirect_dma semaphore(%dma_wait3A_153 : memref<!tpu.dma_semaphore, #tpu.memory_space<semaphore_mem>>) src(%dma_wait3A_151 : memref<10112x64xf32, #tpu.memory_space<hbm>>) dst(%dma_wait3A_145 : memref<128x64xf32, #tpu.memory_space<vmem>>)
        %dma_start3A_154 = arith.constant 0 : i32
        %dma_start3A_155 = arith.constant 0 : i32
        %dma_start3A_156 = arith.constant 0 : i32
        %dma_start3A_157 = arith.constant 0 : i32
        %dma_start3A_158 = tpu.memref_slice %arg9[%dma_start3A_154, %dma_start3A_156, %dma_start3A_157] : memref<4x128x64xf32, #tpu.memory_space<vmem>> -> memref<1x128x64xf32, #tpu.memory_space<vmem>>
        %dma_start3A_159 = tpu.memref_squeeze %dma_start3A_158 : memref<1x128x64xf32, #tpu.memory_space<vmem>> -> memref<128x64xf32, #tpu.memory_space<vmem>>
        %dma_start3A_160 = arith.constant 0 : i32
        %dma_start3A_161 = tpu.memref_slice %arg8[%add3A_139, %dma_start3A_160] : memref<136x128xi32, #tpu.memory_space<vmem>> -> memref<1x128xi32, #tpu.memory_space<vmem>>
        %dma_start3A_162 = tpu.memref_squeeze %dma_start3A_161 : memref<1x128xi32, #tpu.memory_space<vmem>> -> memref<128xi32, #tpu.memory_space<vmem>>
        %dma_start3A_163 = arith.constant 0 : i32
        %dma_start3A_164 = arith.constant 0 : i32
        %dma_start3A_165 = tpu.memref_slice %arg10[%dma_start3A_163, %dma_start3A_164] : memref<10112x64xf32, #tpu.memory_space<vmem_shared>> -> memref<10112x64xf32, #tpu.memory_space<vmem_shared>>
        %dma_start3A_166 = tpu.memref_slice %arg12[%dma_start3A_155] : memref<4x!tpu.dma_semaphore, #tpu.memory_space<semaphore_mem>> -> memref<1x!tpu.dma_semaphore, #tpu.memory_space<semaphore_mem>>
        %dma_start3A_167 = tpu.memref_squeeze %dma_start3A_166 : memref<1x!tpu.dma_semaphore, #tpu.memory_space<semaphore_mem>> -> memref<!tpu.dma_semaphore, #tpu.memory_space<semaphore_mem>>
        tpu.enqueue_indirect_dma source(%dma_start3A_159 : memref<128x64xf32, #tpu.memory_space<vmem>>) target(%dma_start3A_165 : memref<10112x64xf32, #tpu.memory_space<vmem_shared>>) offsets(%dma_start3A_162 : memref<128xi32, #tpu.memory_space<vmem>>) semaphore(%dma_start3A_167 : memref<!tpu.dma_semaphore, #tpu.memory_space<semaphore_mem>>) {add = true}
        %add3A_168 = arith.constant 4 : i32
        %add3A_169 = arith.addi %add3A_139, %add3A_168 : i32
        %lt3A = arith.constant 24 : i32
        %lt3A_170 = arith.cmpi slt, %add3A_169, %lt3A : i32
        %convert_element_type3A_171 = arith.extui %lt3A_170 : i1 to i32
        %cond3A_172 = arith.constant 0 : i32
        %cond3A_173 = arith.cmpi ne, %convert_element_type3A_171, %cond3A_172 : i32
        scf.if %cond3A_173 {
          %dma_wait3A_291 = arith.constant 0 : i32
          %dma_wait3A_292 = arith.constant 0 : i32
          %dma_wait3A_293 = arith.constant 0 : i32
          %dma_wait3A_294 = arith.constant 0 : i32
          %dma_wait3A_295 = tpu.memref_slice %arg9[%dma_wait3A_291, %dma_wait3A_293, %dma_wait3A_294] : memref<4x128x64xf32, #tpu.memory_space<vmem>> -> memref<1x128x64xf32, #tpu.memory_space<vmem>>
          %dma_wait3A_296 = tpu.memref_squeeze %dma_wait3A_295 : memref<1x128x64xf32, #tpu.memory_space<vmem>> -> memref<128x64xf32, #tpu.memory_space<vmem>>
          %dma_wait3A_297 = arith.constant 0 : i32
          %dma_wait3A_298 = tpu.memref_slice %arg8[%add3A_139, %dma_wait3A_297] : memref<136x128xi32, #tpu.memory_space<vmem>> -> memref<1x128xi32, #tpu.memory_space<vmem>>
          %dma_wait3A_299 = tpu.memref_squeeze %dma_wait3A_298 : memref<1x128xi32, #tpu.memory_space<vmem>> -> memref<128xi32, #tpu.memory_space<vmem>>
          %dma_wait3A_300 = arith.constant 0 : i32
          %dma_wait3A_301 = arith.constant 0 : i32
          %dma_wait3A_302 = tpu.memref_slice %arg10[%dma_wait3A_300, %dma_wait3A_301] : memref<10112x64xf32, #tpu.memory_space<vmem_shared>> -> memref<10112x64xf32, #tpu.memory_space<vmem_shared>>
          %dma_wait3A_303 = tpu.memref_slice %arg12[%dma_wait3A_292] : memref<4x!tpu.dma_semaphore, #tpu.memory_space<semaphore_mem>> -> memref<1x!tpu.dma_semaphore, #tpu.memory_space<semaphore_mem>>
          %dma_wait3A_304 = tpu.memref_squeeze %dma_wait3A_303 : memref<1x!tpu.dma_semaphore, #tpu.memory_space<semaphore_mem>> -> memref<!tpu.dma_semaphore, #tpu.memory_space<semaphore_mem>>
          tpu.wait_indirect_dma semaphore(%dma_wait3A_304 : memref<!tpu.dma_semaphore, #tpu.memory_space<semaphore_mem>>) src(%dma_wait3A_296 : memref<128x64xf32, #tpu.memory_space<vmem>>) dst(%dma_wait3A_302 : memref<10112x64xf32, #tpu.memory_space<vmem_shared>>)
          %dma_start3A_305 = arith.constant 0 : i32
          %dma_start3A_306 = arith.constant 0 : i32
          %dma_start3A_307 = arith.constant 0 : i32
          %dma_start3A_308 = arith.constant 0 : i32
          %dma_start3A_309 = tpu.memref_slice %arg9[%dma_start3A_305, %dma_start3A_307, %dma_start3A_308] : memref<4x128x64xf32, #tpu.memory_space<vmem>> -> memref<1x128x64xf32, #tpu.memory_space<vmem>>
          %dma_start3A_310 = tpu.memref_squeeze %dma_start3A_309 : memref<1x128x64xf32, #tpu.memory_space<vmem>> -> memref<128x64xf32, #tpu.memory_space<vmem>>
          %dma_start3A_311 = arith.constant 0 : i32
          %dma_start3A_312 = tpu.memref_slice %arg7[%add3A_169, %dma_start3A_311] : memref<136x128xi32, #tpu.memory_space<vmem>> -> memref<1x128xi32, #tpu.memory_space<vmem>>
          %dma_start3A_313 = tpu.memref_squeeze %dma_start3A_312 : memref<1x128xi32, #tpu.memory_space<vmem>> -> memref<128xi32, #tpu.memory_space<vmem>>
          %dma_start3A_314 = arith.constant 0 : i32
          %dma_start3A_315 = arith.constant 0 : i32
          %dma_start3A_316 = tpu.memref_slice %arg2[%dma_start3A_314, %dma_start3A_315] : memref<10112x64xf32, #tpu.memory_space<hbm>> -> memref<10112x64xf32, #tpu.memory_space<hbm>>
          %dma_start3A_317 = tpu.memref_slice %arg11[%dma_start3A_306] : memref<4x!tpu.dma_semaphore, #tpu.memory_space<semaphore_mem>> -> memref<1x!tpu.dma_semaphore, #tpu.memory_space<semaphore_mem>>
          %dma_start3A_318 = tpu.memref_squeeze %dma_start3A_317 : memref<1x!tpu.dma_semaphore, #tpu.memory_space<semaphore_mem>> -> memref<!tpu.dma_semaphore, #tpu.memory_space<semaphore_mem>>
          tpu.enqueue_indirect_dma source(%dma_start3A_316 : memref<10112x64xf32, #tpu.memory_space<hbm>>) target(%dma_start3A_310 : memref<128x64xf32, #tpu.memory_space<vmem>>) offsets(%dma_start3A_313 : memref<128xi32, #tpu.memory_space<vmem>>) semaphore(%dma_start3A_318 : memref<!tpu.dma_semaphore, #tpu.memory_space<semaphore_mem>>)
        } else {
        }
        %mul3A_174 = arith.constant 4 : i32
        %mul3A_175 = arith.muli %scan3A_135, %mul3A_174 : i32
        %add3A_176 = arith.constant 1 : i32
        %add3A_177 = arith.addi %mul3A_175, %add3A_176 : i32
        %dma_wait3A_178 = arith.constant 1 : i32
        %dma_wait3A_179 = arith.constant 1 : i32
        %dma_wait3A_180 = arith.constant 0 : i32
        %dma_wait3A_181 = arith.constant 0 : i32
        %dma_wait3A_182 = tpu.memref_slice %arg9[%dma_wait3A_178, %dma_wait3A_180, %dma_wait3A_181] : memref<4x128x64xf32, #tpu.memory_space<vmem>> -> memref<1x128x64xf32, #tpu.memory_space<vmem>>
        %dma_wait3A_183 = tpu.memref_squeeze %dma_wait3A_182 : memref<1x128x64xf32, #tpu.memory_space<vmem>> -> memref<128x64xf32, #tpu.memory_space<vmem>>
        %dma_wait3A_184 = arith.constant 0 : i32
        %dma_wait3A_185 = tpu.memref_slice %arg7[%add3A_177, %dma_wait3A_184] : memref<136x128xi32, #tpu.memory_space<vmem>> -> memref<1x128xi32, #tpu.memory_space<vmem>>
        %dma_wait3A_186 = tpu.memref_squeeze %dma_wait3A_185 : memref<1x128xi32, #tpu.memory_space<vmem>> -> memref<128xi32, #tpu.memory_space<vmem>>
        %dma_wait3A_187 = arith.constant 0 : i32
        %dma_wait3A_188 = arith.constant 0 : i32
        %dma_wait3A_189 = tpu.memref_slice %arg2[%dma_wait3A_187, %dma_wait3A_188] : memref<10112x64xf32, #tpu.memory_space<hbm>> -> memref<10112x64xf32, #tpu.memory_space<hbm>>
        %dma_wait3A_190 = tpu.memref_slice %arg11[%dma_wait3A_179] : memref<4x!tpu.dma_semaphore, #tpu.memory_space<semaphore_mem>> -> memref<1x!tpu.dma_semaphore, #tpu.memory_space<semaphore_mem>>
        %dma_wait3A_191 = tpu.memref_squeeze %dma_wait3A_190 : memref<1x!tpu.dma_semaphore, #tpu.memory_space<semaphore_mem>> -> memref<!tpu.dma_semaphore, #tpu.memory_space<semaphore_mem>>
        tpu.wait_indirect_dma semaphore(%dma_wait3A_191 : memref<!tpu.dma_semaphore, #tpu.memory_space<semaphore_mem>>) src(%dma_wait3A_189 : memref<10112x64xf32, #tpu.memory_space<hbm>>) dst(%dma_wait3A_183 : memref<128x64xf32, #tpu.memory_space<vmem>>)
        %dma_start3A_192 = arith.constant 1 : i32
        %dma_start3A_193 = arith.constant 1 : i32
        %dma_start3A_194 = arith.constant 0 : i32
        %dma_start3A_195 = arith.constant 0 : i32
        %dma_start3A_196 = tpu.memref_slice %arg9[%dma_start3A_192, %dma_start3A_194, %dma_start3A_195] : memref<4x128x64xf32, #tpu.memory_space<vmem>> -> memref<1x128x64xf32, #tpu.memory_space<vmem>>
        %dma_start3A_197 = tpu.memref_squeeze %dma_start3A_196 : memref<1x128x64xf32, #tpu.memory_space<vmem>> -> memref<128x64xf32, #tpu.memory_space<vmem>>
        %dma_start3A_198 = arith.constant 0 : i32
        %dma_start3A_199 = tpu.memref_slice %arg8[%add3A_177, %dma_start3A_198] : memref<136x128xi32, #tpu.memory_space<vmem>> -> memref<1x128xi32, #tpu.memory_space<vmem>>
        %dma_start3A_200 = tpu.memref_squeeze %dma_start3A_199 : memref<1x128xi32, #tpu.memory_space<vmem>> -> memref<128xi32, #tpu.memory_space<vmem>>
        %dma_start3A_201 = arith.constant 0 : i32
        %dma_start3A_202 = arith.constant 0 : i32
        %dma_start3A_203 = tpu.memref_slice %arg10[%dma_start3A_201, %dma_start3A_202] : memref<10112x64xf32, #tpu.memory_space<vmem_shared>> -> memref<10112x64xf32, #tpu.memory_space<vmem_shared>>
        %dma_start3A_204 = tpu.memref_slice %arg12[%dma_start3A_193] : memref<4x!tpu.dma_semaphore, #tpu.memory_space<semaphore_mem>> -> memref<1x!tpu.dma_semaphore, #tpu.memory_space<semaphore_mem>>
        %dma_start3A_205 = tpu.memref_squeeze %dma_start3A_204 : memref<1x!tpu.dma_semaphore, #tpu.memory_space<semaphore_mem>> -> memref<!tpu.dma_semaphore, #tpu.memory_space<semaphore_mem>>
        tpu.enqueue_indirect_dma source(%dma_start3A_197 : memref<128x64xf32, #tpu.memory_space<vmem>>) target(%dma_start3A_203 : memref<10112x64xf32, #tpu.memory_space<vmem_shared>>) offsets(%dma_start3A_200 : memref<128xi32, #tpu.memory_space<vmem>>) semaphore(%dma_start3A_205 : memref<!tpu.dma_semaphore, #tpu.memory_space<semaphore_mem>>) {add = true}
        %add3A_206 = arith.constant 4 : i32
        %add3A_207 = arith.addi %add3A_177, %add3A_206 : i32
        %lt3A_208 = arith.constant 24 : i32
        %lt3A_209 = arith.cmpi slt, %add3A_207, %lt3A_208 : i32
        %convert_element_type3A_210 = arith.extui %lt3A_209 : i1 to i32
        %cond3A_211 = arith.constant 0 : i32
        %cond3A_212 = arith.cmpi ne, %convert_element_type3A_210, %cond3A_211 : i32
        scf.if %cond3A_212 {
          %dma_wait3A_291 = arith.constant 1 : i32
          %dma_wait3A_292 = arith.constant 1 : i32
          %dma_wait3A_293 = arith.constant 0 : i32
          %dma_wait3A_294 = arith.constant 0 : i32
          %dma_wait3A_295 = tpu.memref_slice %arg9[%dma_wait3A_291, %dma_wait3A_293, %dma_wait3A_294] : memref<4x128x64xf32, #tpu.memory_space<vmem>> -> memref<1x128x64xf32, #tpu.memory_space<vmem>>
          %dma_wait3A_296 = tpu.memref_squeeze %dma_wait3A_295 : memref<1x128x64xf32, #tpu.memory_space<vmem>> -> memref<128x64xf32, #tpu.memory_space<vmem>>
          %dma_wait3A_297 = arith.constant 0 : i32
          %dma_wait3A_298 = tpu.memref_slice %arg8[%add3A_177, %dma_wait3A_297] : memref<136x128xi32, #tpu.memory_space<vmem>> -> memref<1x128xi32, #tpu.memory_space<vmem>>
          %dma_wait3A_299 = tpu.memref_squeeze %dma_wait3A_298 : memref<1x128xi32, #tpu.memory_space<vmem>> -> memref<128xi32, #tpu.memory_space<vmem>>
          %dma_wait3A_300 = arith.constant 0 : i32
          %dma_wait3A_301 = arith.constant 0 : i32
          %dma_wait3A_302 = tpu.memref_slice %arg10[%dma_wait3A_300, %dma_wait3A_301] : memref<10112x64xf32, #tpu.memory_space<vmem_shared>> -> memref<10112x64xf32, #tpu.memory_space<vmem_shared>>
          %dma_wait3A_303 = tpu.memref_slice %arg12[%dma_wait3A_292] : memref<4x!tpu.dma_semaphore, #tpu.memory_space<semaphore_mem>> -> memref<1x!tpu.dma_semaphore, #tpu.memory_space<semaphore_mem>>
          %dma_wait3A_304 = tpu.memref_squeeze %dma_wait3A_303 : memref<1x!tpu.dma_semaphore, #tpu.memory_space<semaphore_mem>> -> memref<!tpu.dma_semaphore, #tpu.memory_space<semaphore_mem>>
          tpu.wait_indirect_dma semaphore(%dma_wait3A_304 : memref<!tpu.dma_semaphore, #tpu.memory_space<semaphore_mem>>) src(%dma_wait3A_296 : memref<128x64xf32, #tpu.memory_space<vmem>>) dst(%dma_wait3A_302 : memref<10112x64xf32, #tpu.memory_space<vmem_shared>>)
          %dma_start3A_305 = arith.constant 1 : i32
          %dma_start3A_306 = arith.constant 1 : i32
          %dma_start3A_307 = arith.constant 0 : i32
          %dma_start3A_308 = arith.constant 0 : i32
          %dma_start3A_309 = tpu.memref_slice %arg9[%dma_start3A_305, %dma_start3A_307, %dma_start3A_308] : memref<4x128x64xf32, #tpu.memory_space<vmem>> -> memref<1x128x64xf32, #tpu.memory_space<vmem>>
          %dma_start3A_310 = tpu.memref_squeeze %dma_start3A_309 : memref<1x128x64xf32, #tpu.memory_space<vmem>> -> memref<128x64xf32, #tpu.memory_space<vmem>>
          %dma_start3A_311 = arith.constant 0 : i32
          %dma_start3A_312 = tpu.memref_slice %arg7[%add3A_207, %dma_start3A_311] : memref<136x128xi32, #tpu.memory_space<vmem>> -> memref<1x128xi32, #tpu.memory_space<vmem>>
          %dma_start3A_313 = tpu.memref_squeeze %dma_start3A_312 : memref<1x128xi32, #tpu.memory_space<vmem>> -> memref<128xi32, #tpu.memory_space<vmem>>
          %dma_start3A_314 = arith.constant 0 : i32
          %dma_start3A_315 = arith.constant 0 : i32
          %dma_start3A_316 = tpu.memref_slice %arg2[%dma_start3A_314, %dma_start3A_315] : memref<10112x64xf32, #tpu.memory_space<hbm>> -> memref<10112x64xf32, #tpu.memory_space<hbm>>
          %dma_start3A_317 = tpu.memref_slice %arg11[%dma_start3A_306] : memref<4x!tpu.dma_semaphore, #tpu.memory_space<semaphore_mem>> -> memref<1x!tpu.dma_semaphore, #tpu.memory_space<semaphore_mem>>
          %dma_start3A_318 = tpu.memref_squeeze %dma_start3A_317 : memref<1x!tpu.dma_semaphore, #tpu.memory_space<semaphore_mem>> -> memref<!tpu.dma_semaphore, #tpu.memory_space<semaphore_mem>>
          tpu.enqueue_indirect_dma source(%dma_start3A_316 : memref<10112x64xf32, #tpu.memory_space<hbm>>) target(%dma_start3A_310 : memref<128x64xf32, #tpu.memory_space<vmem>>) offsets(%dma_start3A_313 : memref<128xi32, #tpu.memory_space<vmem>>) semaphore(%dma_start3A_318 : memref<!tpu.dma_semaphore, #tpu.memory_space<semaphore_mem>>)
        } else {
        }
        %mul3A_213 = arith.constant 4 : i32
        %mul3A_214 = arith.muli %scan3A_135, %mul3A_213 : i32
        %add3A_215 = arith.constant 2 : i32
        %add3A_216 = arith.addi %mul3A_214, %add3A_215 : i32
        %dma_wait3A_217 = arith.constant 2 : i32
        %dma_wait3A_218 = arith.constant 2 : i32
        %dma_wait3A_219 = arith.constant 0 : i32
        %dma_wait3A_220 = arith.constant 0 : i32
        %dma_wait3A_221 = tpu.memref_slice %arg9[%dma_wait3A_217, %dma_wait3A_219, %dma_wait3A_220] : memref<4x128x64xf32, #tpu.memory_space<vmem>> -> memref<1x128x64xf32, #tpu.memory_space<vmem>>
        %dma_wait3A_222 = tpu.memref_squeeze %dma_wait3A_221 : memref<1x128x64xf32, #tpu.memory_space<vmem>> -> memref<128x64xf32, #tpu.memory_space<vmem>>
        %dma_wait3A_223 = arith.constant 0 : i32
        %dma_wait3A_224 = tpu.memref_slice %arg7[%add3A_216, %dma_wait3A_223] : memref<136x128xi32, #tpu.memory_space<vmem>> -> memref<1x128xi32, #tpu.memory_space<vmem>>
        %dma_wait3A_225 = tpu.memref_squeeze %dma_wait3A_224 : memref<1x128xi32, #tpu.memory_space<vmem>> -> memref<128xi32, #tpu.memory_space<vmem>>
        %dma_wait3A_226 = arith.constant 0 : i32
        %dma_wait3A_227 = arith.constant 0 : i32
        %dma_wait3A_228 = tpu.memref_slice %arg2[%dma_wait3A_226, %dma_wait3A_227] : memref<10112x64xf32, #tpu.memory_space<hbm>> -> memref<10112x64xf32, #tpu.memory_space<hbm>>
        %dma_wait3A_229 = tpu.memref_slice %arg11[%dma_wait3A_218] : memref<4x!tpu.dma_semaphore, #tpu.memory_space<semaphore_mem>> -> memref<1x!tpu.dma_semaphore, #tpu.memory_space<semaphore_mem>>
        %dma_wait3A_230 = tpu.memref_squeeze %dma_wait3A_229 : memref<1x!tpu.dma_semaphore, #tpu.memory_space<semaphore_mem>> -> memref<!tpu.dma_semaphore, #tpu.memory_space<semaphore_mem>>
        tpu.wait_indirect_dma semaphore(%dma_wait3A_230 : memref<!tpu.dma_semaphore, #tpu.memory_space<semaphore_mem>>) src(%dma_wait3A_228 : memref<10112x64xf32, #tpu.memory_space<hbm>>) dst(%dma_wait3A_222 : memref<128x64xf32, #tpu.memory_space<vmem>>)
        %dma_start3A_231 = arith.constant 2 : i32
        %dma_start3A_232 = arith.constant 2 : i32
        %dma_start3A_233 = arith.constant 0 : i32
        %dma_start3A_234 = arith.constant 0 : i32
        %dma_start3A_235 = tpu.memref_slice %arg9[%dma_start3A_231, %dma_start3A_233, %dma_start3A_234] : memref<4x128x64xf32, #tpu.memory_space<vmem>> -> memref<1x128x64xf32, #tpu.memory_space<vmem>>
        %dma_start3A_236 = tpu.memref_squeeze %dma_start3A_235 : memref<1x128x64xf32, #tpu.memory_space<vmem>> -> memref<128x64xf32, #tpu.memory_space<vmem>>
        %dma_start3A_237 = arith.constant 0 : i32
        %dma_start3A_238 = tpu.memref_slice %arg8[%add3A_216, %dma_start3A_237] : memref<136x128xi32, #tpu.memory_space<vmem>> -> memref<1x128xi32, #tpu.memory_space<vmem>>
        %dma_start3A_239 = tpu.memref_squeeze %dma_start3A_238 : memref<1x128xi32, #tpu.memory_space<vmem>> -> memref<128xi32, #tpu.memory_space<vmem>>
        %dma_start3A_240 = arith.constant 0 : i32
        %dma_start3A_241 = arith.constant 0 : i32
        %dma_start3A_242 = tpu.memref_slice %arg10[%dma_start3A_240, %dma_start3A_241] : memref<10112x64xf32, #tpu.memory_space<vmem_shared>> -> memref<10112x64xf32, #tpu.memory_space<vmem_shared>>
        %dma_start3A_243 = tpu.memref_slice %arg12[%dma_start3A_232] : memref<4x!tpu.dma_semaphore, #tpu.memory_space<semaphore_mem>> -> memref<1x!tpu.dma_semaphore, #tpu.memory_space<semaphore_mem>>
        %dma_start3A_244 = tpu.memref_squeeze %dma_start3A_243 : memref<1x!tpu.dma_semaphore, #tpu.memory_space<semaphore_mem>> -> memref<!tpu.dma_semaphore, #tpu.memory_space<semaphore_mem>>
        tpu.enqueue_indirect_dma source(%dma_start3A_236 : memref<128x64xf32, #tpu.memory_space<vmem>>) target(%dma_start3A_242 : memref<10112x64xf32, #tpu.memory_space<vmem_shared>>) offsets(%dma_start3A_239 : memref<128xi32, #tpu.memory_space<vmem>>) semaphore(%dma_start3A_244 : memref<!tpu.dma_semaphore, #tpu.memory_space<semaphore_mem>>) {add = true}
        %add3A_245 = arith.constant 4 : i32
        %add3A_246 = arith.addi %add3A_216, %add3A_245 : i32
        %lt3A_247 = arith.constant 24 : i32
        %lt3A_248 = arith.cmpi slt, %add3A_246, %lt3A_247 : i32
        %convert_element_type3A_249 = arith.extui %lt3A_248 : i1 to i32
        %cond3A_250 = arith.constant 0 : i32
        %cond3A_251 = arith.cmpi ne, %convert_element_type3A_249, %cond3A_250 : i32
        scf.if %cond3A_251 {
          %dma_wait3A_291 = arith.constant 2 : i32
          %dma_wait3A_292 = arith.constant 2 : i32
          %dma_wait3A_293 = arith.constant 0 : i32
          %dma_wait3A_294 = arith.constant 0 : i32
          %dma_wait3A_295 = tpu.memref_slice %arg9[%dma_wait3A_291, %dma_wait3A_293, %dma_wait3A_294] : memref<4x128x64xf32, #tpu.memory_space<vmem>> -> memref<1x128x64xf32, #tpu.memory_space<vmem>>
          %dma_wait3A_296 = tpu.memref_squeeze %dma_wait3A_295 : memref<1x128x64xf32, #tpu.memory_space<vmem>> -> memref<128x64xf32, #tpu.memory_space<vmem>>
          %dma_wait3A_297 = arith.constant 0 : i32
          %dma_wait3A_298 = tpu.memref_slice %arg8[%add3A_216, %dma_wait3A_297] : memref<136x128xi32, #tpu.memory_space<vmem>> -> memref<1x128xi32, #tpu.memory_space<vmem>>
          %dma_wait3A_299 = tpu.memref_squeeze %dma_wait3A_298 : memref<1x128xi32, #tpu.memory_space<vmem>> -> memref<128xi32, #tpu.memory_space<vmem>>
          %dma_wait3A_300 = arith.constant 0 : i32
          %dma_wait3A_301 = arith.constant 0 : i32
          %dma_wait3A_302 = tpu.memref_slice %arg10[%dma_wait3A_300, %dma_wait3A_301] : memref<10112x64xf32, #tpu.memory_space<vmem_shared>> -> memref<10112x64xf32, #tpu.memory_space<vmem_shared>>
          %dma_wait3A_303 = tpu.memref_slice %arg12[%dma_wait3A_292] : memref<4x!tpu.dma_semaphore, #tpu.memory_space<semaphore_mem>> -> memref<1x!tpu.dma_semaphore, #tpu.memory_space<semaphore_mem>>
          %dma_wait3A_304 = tpu.memref_squeeze %dma_wait3A_303 : memref<1x!tpu.dma_semaphore, #tpu.memory_space<semaphore_mem>> -> memref<!tpu.dma_semaphore, #tpu.memory_space<semaphore_mem>>
          tpu.wait_indirect_dma semaphore(%dma_wait3A_304 : memref<!tpu.dma_semaphore, #tpu.memory_space<semaphore_mem>>) src(%dma_wait3A_296 : memref<128x64xf32, #tpu.memory_space<vmem>>) dst(%dma_wait3A_302 : memref<10112x64xf32, #tpu.memory_space<vmem_shared>>)
          %dma_start3A_305 = arith.constant 2 : i32
          %dma_start3A_306 = arith.constant 2 : i32
          %dma_start3A_307 = arith.constant 0 : i32
          %dma_start3A_308 = arith.constant 0 : i32
          %dma_start3A_309 = tpu.memref_slice %arg9[%dma_start3A_305, %dma_start3A_307, %dma_start3A_308] : memref<4x128x64xf32, #tpu.memory_space<vmem>> -> memref<1x128x64xf32, #tpu.memory_space<vmem>>
          %dma_start3A_310 = tpu.memref_squeeze %dma_start3A_309 : memref<1x128x64xf32, #tpu.memory_space<vmem>> -> memref<128x64xf32, #tpu.memory_space<vmem>>
          %dma_start3A_311 = arith.constant 0 : i32
          %dma_start3A_312 = tpu.memref_slice %arg7[%add3A_246, %dma_start3A_311] : memref<136x128xi32, #tpu.memory_space<vmem>> -> memref<1x128xi32, #tpu.memory_space<vmem>>
          %dma_start3A_313 = tpu.memref_squeeze %dma_start3A_312 : memref<1x128xi32, #tpu.memory_space<vmem>> -> memref<128xi32, #tpu.memory_space<vmem>>
          %dma_start3A_314 = arith.constant 0 : i32
          %dma_start3A_315 = arith.constant 0 : i32
          %dma_start3A_316 = tpu.memref_slice %arg2[%dma_start3A_314, %dma_start3A_315] : memref<10112x64xf32, #tpu.memory_space<hbm>> -> memref<10112x64xf32, #tpu.memory_space<hbm>>
          %dma_start3A_317 = tpu.memref_slice %arg11[%dma_start3A_306] : memref<4x!tpu.dma_semaphore, #tpu.memory_space<semaphore_mem>> -> memref<1x!tpu.dma_semaphore, #tpu.memory_space<semaphore_mem>>
          %dma_start3A_318 = tpu.memref_squeeze %dma_start3A_317 : memref<1x!tpu.dma_semaphore, #tpu.memory_space<semaphore_mem>> -> memref<!tpu.dma_semaphore, #tpu.memory_space<semaphore_mem>>
          tpu.enqueue_indirect_dma source(%dma_start3A_316 : memref<10112x64xf32, #tpu.memory_space<hbm>>) target(%dma_start3A_310 : memref<128x64xf32, #tpu.memory_space<vmem>>) offsets(%dma_start3A_313 : memref<128xi32, #tpu.memory_space<vmem>>) semaphore(%dma_start3A_318 : memref<!tpu.dma_semaphore, #tpu.memory_space<semaphore_mem>>)
        } else {
        }
        %mul3A_252 = arith.constant 4 : i32
        %mul3A_253 = arith.muli %scan3A_135, %mul3A_252 : i32
        %add3A_254 = arith.constant 3 : i32
        %add3A_255 = arith.addi %mul3A_253, %add3A_254 : i32
        %dma_wait3A_256 = arith.constant 3 : i32
        %dma_wait3A_257 = arith.constant 3 : i32
        %dma_wait3A_258 = arith.constant 0 : i32
        %dma_wait3A_259 = arith.constant 0 : i32
        %dma_wait3A_260 = tpu.memref_slice %arg9[%dma_wait3A_256, %dma_wait3A_258, %dma_wait3A_259] : memref<4x128x64xf32, #tpu.memory_space<vmem>> -> memref<1x128x64xf32, #tpu.memory_space<vmem>>
        %dma_wait3A_261 = tpu.memref_squeeze %dma_wait3A_260 : memref<1x128x64xf32, #tpu.memory_space<vmem>> -> memref<128x64xf32, #tpu.memory_space<vmem>>
        %dma_wait3A_262 = arith.constant 0 : i32
        %dma_wait3A_263 = tpu.memref_slice %arg7[%add3A_255, %dma_wait3A_262] : memref<136x128xi32, #tpu.memory_space<vmem>> -> memref<1x128xi32, #tpu.memory_space<vmem>>
        %dma_wait3A_264 = tpu.memref_squeeze %dma_wait3A_263 : memref<1x128xi32, #tpu.memory_space<vmem>> -> memref<128xi32, #tpu.memory_space<vmem>>
        %dma_wait3A_265 = arith.constant 0 : i32
        %dma_wait3A_266 = arith.constant 0 : i32
        %dma_wait3A_267 = tpu.memref_slice %arg2[%dma_wait3A_265, %dma_wait3A_266] : memref<10112x64xf32, #tpu.memory_space<hbm>> -> memref<10112x64xf32, #tpu.memory_space<hbm>>
        %dma_wait3A_268 = tpu.memref_slice %arg11[%dma_wait3A_257] : memref<4x!tpu.dma_semaphore, #tpu.memory_space<semaphore_mem>> -> memref<1x!tpu.dma_semaphore, #tpu.memory_space<semaphore_mem>>
        %dma_wait3A_269 = tpu.memref_squeeze %dma_wait3A_268 : memref<1x!tpu.dma_semaphore, #tpu.memory_space<semaphore_mem>> -> memref<!tpu.dma_semaphore, #tpu.memory_space<semaphore_mem>>
        tpu.wait_indirect_dma semaphore(%dma_wait3A_269 : memref<!tpu.dma_semaphore, #tpu.memory_space<semaphore_mem>>) src(%dma_wait3A_267 : memref<10112x64xf32, #tpu.memory_space<hbm>>) dst(%dma_wait3A_261 : memref<128x64xf32, #tpu.memory_space<vmem>>)
        %dma_start3A_270 = arith.constant 3 : i32
        %dma_start3A_271 = arith.constant 3 : i32
        %dma_start3A_272 = arith.constant 0 : i32
        %dma_start3A_273 = arith.constant 0 : i32
        %dma_start3A_274 = tpu.memref_slice %arg9[%dma_start3A_270, %dma_start3A_272, %dma_start3A_273] : memref<4x128x64xf32, #tpu.memory_space<vmem>> -> memref<1x128x64xf32, #tpu.memory_space<vmem>>
        %dma_start3A_275 = tpu.memref_squeeze %dma_start3A_274 : memref<1x128x64xf32, #tpu.memory_space<vmem>> -> memref<128x64xf32, #tpu.memory_space<vmem>>
        %dma_start3A_276 = arith.constant 0 : i32
        %dma_start3A_277 = tpu.memref_slice %arg8[%add3A_255, %dma_start3A_276] : memref<136x128xi32, #tpu.memory_space<vmem>> -> memref<1x128xi32, #tpu.memory_space<vmem>>
        %dma_start3A_278 = tpu.memref_squeeze %dma_start3A_277 : memref<1x128xi32, #tpu.memory_space<vmem>> -> memref<128xi32, #tpu.memory_space<vmem>>
        %dma_start3A_279 = arith.constant 0 : i32
        %dma_start3A_280 = arith.constant 0 : i32
        %dma_start3A_281 = tpu.memref_slice %arg10[%dma_start3A_279, %dma_start3A_280] : memref<10112x64xf32, #tpu.memory_space<vmem_shared>> -> memref<10112x64xf32, #tpu.memory_space<vmem_shared>>
        %dma_start3A_282 = tpu.memref_slice %arg12[%dma_start3A_271] : memref<4x!tpu.dma_semaphore, #tpu.memory_space<semaphore_mem>> -> memref<1x!tpu.dma_semaphore, #tpu.memory_space<semaphore_mem>>
        %dma_start3A_283 = tpu.memref_squeeze %dma_start3A_282 : memref<1x!tpu.dma_semaphore, #tpu.memory_space<semaphore_mem>> -> memref<!tpu.dma_semaphore, #tpu.memory_space<semaphore_mem>>
        tpu.enqueue_indirect_dma source(%dma_start3A_275 : memref<128x64xf32, #tpu.memory_space<vmem>>) target(%dma_start3A_281 : memref<10112x64xf32, #tpu.memory_space<vmem_shared>>) offsets(%dma_start3A_278 : memref<128xi32, #tpu.memory_space<vmem>>) semaphore(%dma_start3A_283 : memref<!tpu.dma_semaphore, #tpu.memory_space<semaphore_mem>>) {add = true}
        %add3A_284 = arith.constant 4 : i32
        %add3A_285 = arith.addi %add3A_255, %add3A_284 : i32
        %lt3A_286 = arith.constant 24 : i32
        %lt3A_287 = arith.cmpi slt, %add3A_285, %lt3A_286 : i32
        %convert_element_type3A_288 = arith.extui %lt3A_287 : i1 to i32
        %cond3A_289 = arith.constant 0 : i32
        %cond3A_290 = arith.cmpi ne, %convert_element_type3A_288, %cond3A_289 : i32
        scf.if %cond3A_290 {
          %dma_wait3A_291 = arith.constant 3 : i32
          %dma_wait3A_292 = arith.constant 3 : i32
          %dma_wait3A_293 = arith.constant 0 : i32
          %dma_wait3A_294 = arith.constant 0 : i32
          %dma_wait3A_295 = tpu.memref_slice %arg9[%dma_wait3A_291, %dma_wait3A_293, %dma_wait3A_294] : memref<4x128x64xf32, #tpu.memory_space<vmem>> -> memref<1x128x64xf32, #tpu.memory_space<vmem>>
          %dma_wait3A_296 = tpu.memref_squeeze %dma_wait3A_295 : memref<1x128x64xf32, #tpu.memory_space<vmem>> -> memref<128x64xf32, #tpu.memory_space<vmem>>
          %dma_wait3A_297 = arith.constant 0 : i32
          %dma_wait3A_298 = tpu.memref_slice %arg8[%add3A_255, %dma_wait3A_297] : memref<136x128xi32, #tpu.memory_space<vmem>> -> memref<1x128xi32, #tpu.memory_space<vmem>>
          %dma_wait3A_299 = tpu.memref_squeeze %dma_wait3A_298 : memref<1x128xi32, #tpu.memory_space<vmem>> -> memref<128xi32, #tpu.memory_space<vmem>>
          %dma_wait3A_300 = arith.constant 0 : i32
          %dma_wait3A_301 = arith.constant 0 : i32
          %dma_wait3A_302 = tpu.memref_slice %arg10[%dma_wait3A_300, %dma_wait3A_301] : memref<10112x64xf32, #tpu.memory_space<vmem_shared>> -> memref<10112x64xf32, #tpu.memory_space<vmem_shared>>
          %dma_wait3A_303 = tpu.memref_slice %arg12[%dma_wait3A_292] : memref<4x!tpu.dma_semaphore, #tpu.memory_space<semaphore_mem>> -> memref<1x!tpu.dma_semaphore, #tpu.memory_space<semaphore_mem>>
          %dma_wait3A_304 = tpu.memref_squeeze %dma_wait3A_303 : memref<1x!tpu.dma_semaphore, #tpu.memory_space<semaphore_mem>> -> memref<!tpu.dma_semaphore, #tpu.memory_space<semaphore_mem>>
          tpu.wait_indirect_dma semaphore(%dma_wait3A_304 : memref<!tpu.dma_semaphore, #tpu.memory_space<semaphore_mem>>) src(%dma_wait3A_296 : memref<128x64xf32, #tpu.memory_space<vmem>>) dst(%dma_wait3A_302 : memref<10112x64xf32, #tpu.memory_space<vmem_shared>>)
          %dma_start3A_305 = arith.constant 3 : i32
          %dma_start3A_306 = arith.constant 3 : i32
          %dma_start3A_307 = arith.constant 0 : i32
          %dma_start3A_308 = arith.constant 0 : i32
          %dma_start3A_309 = tpu.memref_slice %arg9[%dma_start3A_305, %dma_start3A_307, %dma_start3A_308] : memref<4x128x64xf32, #tpu.memory_space<vmem>> -> memref<1x128x64xf32, #tpu.memory_space<vmem>>
          %dma_start3A_310 = tpu.memref_squeeze %dma_start3A_309 : memref<1x128x64xf32, #tpu.memory_space<vmem>> -> memref<128x64xf32, #tpu.memory_space<vmem>>
          %dma_start3A_311 = arith.constant 0 : i32
          %dma_start3A_312 = tpu.memref_slice %arg7[%add3A_285, %dma_start3A_311] : memref<136x128xi32, #tpu.memory_space<vmem>> -> memref<1x128xi32, #tpu.memory_space<vmem>>
          %dma_start3A_313 = tpu.memref_squeeze %dma_start3A_312 : memref<1x128xi32, #tpu.memory_space<vmem>> -> memref<128xi32, #tpu.memory_space<vmem>>
          %dma_start3A_314 = arith.constant 0 : i32
          %dma_start3A_315 = arith.constant 0 : i32
          %dma_start3A_316 = tpu.memref_slice %arg2[%dma_start3A_314, %dma_start3A_315] : memref<10112x64xf32, #tpu.memory_space<hbm>> -> memref<10112x64xf32, #tpu.memory_space<hbm>>
          %dma_start3A_317 = tpu.memref_slice %arg11[%dma_start3A_306] : memref<4x!tpu.dma_semaphore, #tpu.memory_space<semaphore_mem>> -> memref<1x!tpu.dma_semaphore, #tpu.memory_space<semaphore_mem>>
          %dma_start3A_318 = tpu.memref_squeeze %dma_start3A_317 : memref<1x!tpu.dma_semaphore, #tpu.memory_space<semaphore_mem>> -> memref<!tpu.dma_semaphore, #tpu.memory_space<semaphore_mem>>
          tpu.enqueue_indirect_dma source(%dma_start3A_316 : memref<10112x64xf32, #tpu.memory_space<hbm>>) target(%dma_start3A_310 : memref<128x64xf32, #tpu.memory_space<vmem>>) offsets(%dma_start3A_313 : memref<128xi32, #tpu.memory_space<vmem>>) semaphore(%dma_start3A_318 : memref<!tpu.dma_semaphore, #tpu.memory_space<semaphore_mem>>)
        } else {
        }
      }
      %scan3A_75 = arith.constant 6 : i32
      %dma_wait3A = arith.constant 0 : i32
      %dma_wait3A_76 = arith.constant 20 : i32
      %dma_wait3A_77 = arith.constant 0 : i32
      %dma_wait3A_78 = arith.constant 0 : i32
      %dma_wait3A_79 = arith.constant 0 : i32
      %dma_wait3A_80 = tpu.memref_slice %arg9[%dma_wait3A, %dma_wait3A_78, %dma_wait3A_79] : memref<4x128x64xf32, #tpu.memory_space<vmem>> -> memref<1x128x64xf32, #tpu.memory_space<vmem>>
      %dma_wait3A_81 = tpu.memref_squeeze %dma_wait3A_80 : memref<1x128x64xf32, #tpu.memory_space<vmem>> -> memref<128x64xf32, #tpu.memory_space<vmem>>
      %dma_wait3A_82 = arith.constant 0 : i32
      %dma_wait3A_83 = tpu.memref_slice %arg8[%dma_wait3A_76, %dma_wait3A_82] : memref<136x128xi32, #tpu.memory_space<vmem>> -> memref<1x128xi32, #tpu.memory_space<vmem>>
      %dma_wait3A_84 = tpu.memref_squeeze %dma_wait3A_83 : memref<1x128xi32, #tpu.memory_space<vmem>> -> memref<128xi32, #tpu.memory_space<vmem>>
      %dma_wait3A_85 = arith.constant 0 : i32
      %dma_wait3A_86 = arith.constant 0 : i32
      %dma_wait3A_87 = tpu.memref_slice %arg10[%dma_wait3A_85, %dma_wait3A_86] : memref<10112x64xf32, #tpu.memory_space<vmem_shared>> -> memref<10112x64xf32, #tpu.memory_space<vmem_shared>>
      %dma_wait3A_88 = tpu.memref_slice %arg12[%dma_wait3A_77] : memref<4x!tpu.dma_semaphore, #tpu.memory_space<semaphore_mem>> -> memref<1x!tpu.dma_semaphore, #tpu.memory_space<semaphore_mem>>
      %dma_wait3A_89 = tpu.memref_squeeze %dma_wait3A_88 : memref<1x!tpu.dma_semaphore, #tpu.memory_space<semaphore_mem>> -> memref<!tpu.dma_semaphore, #tpu.memory_space<semaphore_mem>>
      tpu.wait_indirect_dma semaphore(%dma_wait3A_89 : memref<!tpu.dma_semaphore, #tpu.memory_space<semaphore_mem>>) src(%dma_wait3A_81 : memref<128x64xf32, #tpu.memory_space<vmem>>) dst(%dma_wait3A_87 : memref<10112x64xf32, #tpu.memory_space<vmem_shared>>)
      %dma_wait3A_90 = arith.constant 1 : i32
      %dma_wait3A_91 = arith.constant 21 : i32
      %dma_wait3A_92 = arith.constant 1 : i32
      %dma_wait3A_93 = arith.constant 0 : i32
      %dma_wait3A_94 = arith.constant 0 : i32
      %dma_wait3A_95 = tpu.memref_slice %arg9[%dma_wait3A_90, %dma_wait3A_93, %dma_wait3A_94] : memref<4x128x64xf32, #tpu.memory_space<vmem>> -> memref<1x128x64xf32, #tpu.memory_space<vmem>>
      %dma_wait3A_96 = tpu.memref_squeeze %dma_wait3A_95 : memref<1x128x64xf32, #tpu.memory_space<vmem>> -> memref<128x64xf32, #tpu.memory_space<vmem>>
      %dma_wait3A_97 = arith.constant 0 : i32
      %dma_wait3A_98 = tpu.memref_slice %arg8[%dma_wait3A_91, %dma_wait3A_97] : memref<136x128xi32, #tpu.memory_space<vmem>> -> memref<1x128xi32, #tpu.memory_space<vmem>>
      %dma_wait3A_99 = tpu.memref_squeeze %dma_wait3A_98 : memref<1x128xi32, #tpu.memory_space<vmem>> -> memref<128xi32, #tpu.memory_space<vmem>>
      %dma_wait3A_100 = arith.constant 0 : i32
      %dma_wait3A_101 = arith.constant 0 : i32
      %dma_wait3A_102 = tpu.memref_slice %arg10[%dma_wait3A_100, %dma_wait3A_101] : memref<10112x64xf32, #tpu.memory_space<vmem_shared>> -> memref<10112x64xf32, #tpu.memory_space<vmem_shared>>
      %dma_wait3A_103 = tpu.memref_slice %arg12[%dma_wait3A_92] : memref<4x!tpu.dma_semaphore, #tpu.memory_space<semaphore_mem>> -> memref<1x!tpu.dma_semaphore, #tpu.memory_space<semaphore_mem>>
      %dma_wait3A_104 = tpu.memref_squeeze %dma_wait3A_103 : memref<1x!tpu.dma_semaphore, #tpu.memory_space<semaphore_mem>> -> memref<!tpu.dma_semaphore, #tpu.memory_space<semaphore_mem>>
      tpu.wait_indirect_dma semaphore(%dma_wait3A_104 : memref<!tpu.dma_semaphore, #tpu.memory_space<semaphore_mem>>) src(%dma_wait3A_96 : memref<128x64xf32, #tpu.memory_space<vmem>>) dst(%dma_wait3A_102 : memref<10112x64xf32, #tpu.memory_space<vmem_shared>>)
      %dma_wait3A_105 = arith.constant 2 : i32
      %dma_wait3A_106 = arith.constant 22 : i32
      %dma_wait3A_107 = arith.constant 2 : i32
      %dma_wait3A_108 = arith.constant 0 : i32
      %dma_wait3A_109 = arith.constant 0 : i32
      %dma_wait3A_110 = tpu.memref_slice %arg9[%dma_wait3A_105, %dma_wait3A_108, %dma_wait3A_109] : memref<4x128x64xf32, #tpu.memory_space<vmem>> -> memref<1x128x64xf32, #tpu.memory_space<vmem>>
      %dma_wait3A_111 = tpu.memref_squeeze %dma_wait3A_110 : memref<1x128x64xf32, #tpu.memory_space<vmem>> -> memref<128x64xf32, #tpu.memory_space<vmem>>
      %dma_wait3A_112 = arith.constant 0 : i32
      %dma_wait3A_113 = tpu.memref_slice %arg8[%dma_wait3A_106, %dma_wait3A_112] : memref<136x128xi32, #tpu.memory_space<vmem>> -> memref<1x128xi32, #tpu.memory_space<vmem>>
      %dma_wait3A_114 = tpu.memref_squeeze %dma_wait3A_113 : memref<1x128xi32, #tpu.memory_space<vmem>> -> memref<128xi32, #tpu.memory_space<vmem>>
      %dma_wait3A_115 = arith.constant 0 : i32
      %dma_wait3A_116 = arith.constant 0 : i32
      %dma_wait3A_117 = tpu.memref_slice %arg10[%dma_wait3A_115, %dma_wait3A_116] : memref<10112x64xf32, #tpu.memory_space<vmem_shared>> -> memref<10112x64xf32, #tpu.memory_space<vmem_shared>>
      %dma_wait3A_118 = tpu.memref_slice %arg12[%dma_wait3A_107] : memref<4x!tpu.dma_semaphore, #tpu.memory_space<semaphore_mem>> -> memref<1x!tpu.dma_semaphore, #tpu.memory_space<semaphore_mem>>
      %dma_wait3A_119 = tpu.memref_squeeze %dma_wait3A_118 : memref<1x!tpu.dma_semaphore, #tpu.memory_space<semaphore_mem>> -> memref<!tpu.dma_semaphore, #tpu.memory_space<semaphore_mem>>
      tpu.wait_indirect_dma semaphore(%dma_wait3A_119 : memref<!tpu.dma_semaphore, #tpu.memory_space<semaphore_mem>>) src(%dma_wait3A_111 : memref<128x64xf32, #tpu.memory_space<vmem>>) dst(%dma_wait3A_117 : memref<10112x64xf32, #tpu.memory_space<vmem_shared>>)
      %dma_wait3A_120 = arith.constant 3 : i32
      %dma_wait3A_121 = arith.constant 23 : i32
      %dma_wait3A_122 = arith.constant 3 : i32
      %dma_wait3A_123 = arith.constant 0 : i32
      %dma_wait3A_124 = arith.constant 0 : i32
      %dma_wait3A_125 = tpu.memref_slice %arg9[%dma_wait3A_120, %dma_wait3A_123, %dma_wait3A_124] : memref<4x128x64xf32, #tpu.memory_space<vmem>> -> memref<1x128x64xf32, #tpu.memory_space<vmem>>
      %dma_wait3A_126 = tpu.memref_squeeze %dma_wait3A_125 : memref<1x128x64xf32, #tpu.memory_space<vmem>> -> memref<128x64xf32, #tpu.memory_space<vmem>>
      %dma_wait3A_127 = arith.constant 0 : i32
      %dma_wait3A_128 = tpu.memref_slice %arg8[%dma_wait3A_121, %dma_wait3A_127] : memref<136x128xi32, #tpu.memory_space<vmem>> -> memref<1x128xi32, #tpu.memory_space<vmem>>
      %dma_wait3A_129 = tpu.memref_squeeze %dma_wait3A_128 : memref<1x128xi32, #tpu.memory_space<vmem>> -> memref<128xi32, #tpu.memory_space<vmem>>
      %dma_wait3A_130 = arith.constant 0 : i32
      %dma_wait3A_131 = arith.constant 0 : i32
      %dma_wait3A_132 = tpu.memref_slice %arg10[%dma_wait3A_130, %dma_wait3A_131] : memref<10112x64xf32, #tpu.memory_space<vmem_shared>> -> memref<10112x64xf32, #tpu.memory_space<vmem_shared>>
      %dma_wait3A_133 = tpu.memref_slice %arg12[%dma_wait3A_122] : memref<4x!tpu.dma_semaphore, #tpu.memory_space<semaphore_mem>> -> memref<1x!tpu.dma_semaphore, #tpu.memory_space<semaphore_mem>>
      %dma_wait3A_134 = tpu.memref_squeeze %dma_wait3A_133 : memref<1x!tpu.dma_semaphore, #tpu.memory_space<semaphore_mem>> -> memref<!tpu.dma_semaphore, #tpu.memory_space<semaphore_mem>>
      tpu.wait_indirect_dma semaphore(%dma_wait3A_134 : memref<!tpu.dma_semaphore, #tpu.memory_space<semaphore_mem>>) src(%dma_wait3A_126 : memref<128x64xf32, #tpu.memory_space<vmem>>) dst(%dma_wait3A_132 : memref<10112x64xf32, #tpu.memory_space<vmem_shared>>)
    } else {
    }
    %barrier3A = arith.constant 0 : index
    tpu.barrier barrier_id(%barrier3A)
    "tpu.region"() ({
      %run_scoped3A = tpu.sem_alloc : memref<!tpu.dma_semaphore, #tpu.memory_space<semaphore_mem>>
      %dma_start3A = arith.constant 0 : i32
      %dma_start3A_8 = tpu.memref_slice %arg6[%arg0, %mul3A_0, %dma_start3A] : memref<2x10112x64xf32, #tpu.memory_space<hbm>> -> memref<1x632x64xf32, #tpu.memory_space<hbm>>
      %dma_start3A_9 = tpu.memref_squeeze %dma_start3A_8 : memref<1x632x64xf32, #tpu.memory_space<hbm>> -> memref<632x64xf32, #tpu.memory_space<hbm>>
      %dma_start3A_10 = arith.constant 0 : i32
      %dma_start3A_11 = tpu.memref_slice %arg10[%mul3A_0, %dma_start3A_10] : memref<10112x64xf32, #tpu.memory_space<vmem_shared>> -> memref<632x64xf32, #tpu.memory_space<vmem_shared>>
      tpu.enqueue_dma source(%dma_start3A_11 : memref<632x64xf32, #tpu.memory_space<vmem_shared>>) target(%dma_start3A_9 : memref<632x64xf32, #tpu.memory_space<hbm>>) target_semaphore(%run_scoped3A : memref<!tpu.dma_semaphore, #tpu.memory_space<semaphore_mem>>)
      %dma_wait3A = arith.constant 0 : i32
      %dma_wait3A_12 = tpu.memref_slice %arg6[%arg0, %mul3A_0, %dma_wait3A] : memref<2x10112x64xf32, #tpu.memory_space<hbm>> -> memref<1x632x64xf32, #tpu.memory_space<hbm>>
      %dma_wait3A_13 = tpu.memref_squeeze %dma_wait3A_12 : memref<1x632x64xf32, #tpu.memory_space<hbm>> -> memref<632x64xf32, #tpu.memory_space<hbm>>
      %dma_wait3A_14 = arith.constant 0 : i32
      %dma_wait3A_15 = tpu.memref_slice %arg10[%mul3A_0, %dma_wait3A_14] : memref<10112x64xf32, #tpu.memory_space<vmem_shared>> -> memref<632x64xf32, #tpu.memory_space<vmem_shared>>
      tpu.wait_dma2 semaphore(%run_scoped3A : memref<!tpu.dma_semaphore, #tpu.memory_space<semaphore_mem>>) src(%dma_wait3A_15 : memref<632x64xf32, #tpu.memory_space<vmem_shared>>) dst(%dma_wait3A_13 : memref<632x64xf32, #tpu.memory_space<hbm>>)
      tpu.yield
    }) : () -> ()
    return
  }
}

module attributes {stable_mosaic.version = 14 : i64} {
  func.func @_pre_body(%arg0: memref<10000x128xf32, #tpu.memory_space<vmem>>, %arg1: memref<128x64xf32, #tpu.memory_space<vmem>>, %arg2: memref<20224x8xf32, #tpu.memory_space<vmem>>, %arg3: memref<10112x64xf32, #tpu.memory_space<vmem>>) attributes {dimension_semantics = [], scalar_prefetch = 0 : i64, scratch_operands = 0 : i64, tpu.core_type = #tpu.core_type<tc>} {
    %get3A = arith.constant 0 : index
    %get3A_0 = arith.constant 0 : index
    %get3A_1 = vector.load %arg2[%get3A, %get3A_0] : memref<20224x8xf32, #tpu.memory_space<vmem>>, vector<10112x1xf32>
    %get3A_2 = arith.constant 10112 : index
    %get3A_3 = arith.constant 0 : index
    %get3A_4 = vector.load %arg2[%get3A_2, %get3A_3] : memref<20224x8xf32, #tpu.memory_space<vmem>>, vector<10112x1xf32>
    %add3A = arith.addf %get3A_1, %get3A_4 : vector<10112x1xf32>
    %add3A_5 = arith.constant 1.000000e+00 : f32
    %add3A_6 = vector.broadcast %add3A_5 : f32 to vector<10112x1xf32>
    %add3A_7 = arith.addf %add3A, %add3A_6 : vector<10112x1xf32>
    %rsqrt3A = math.rsqrt %add3A_7 : vector<10112x1xf32>
    %get3A_8 = arith.constant 0 : index
    %get3A_9 = arith.constant 0 : index
    %get3A_10 = vector.load %arg0[%get3A_8, %get3A_9] : memref<10000x128xf32, #tpu.memory_space<vmem>>, vector<10000x128xf32>
    %get3A_11 = arith.constant 0 : index
    %get3A_12 = arith.constant 0 : index
    %get3A_13 = vector.load %arg1[%get3A_11, %get3A_12] : memref<128x64xf32, #tpu.memory_space<vmem>>, vector<128x64xf32>
    %dot_general3A = arith.constant dense<0.000000e+00> : vector<10000x64xf32>
    %dot_general3A_14 = tpu.matmul %get3A_10, %get3A_13, %dot_general3A {dimension_numbers = #tpu.dot_dimension_numbers<[1], [0], [0], [1], [0, 0, 1, 1], [], []>, transpose_lhs_hint = false} : vector<10000x128xf32>, vector<128x64xf32>, vector<10000x64xf32> -> vector<10000x64xf32>
    %slice3A = vector.extract_strided_slice %rsqrt3A {offsets = [0, 0], sizes = [10000, 1], strides = [1, 1]} : vector<10112x1xf32> to vector<10000x1xf32>
    %mul3A = vector.broadcast %slice3A : vector<10000x1xf32> to vector<10000x64xf32>
    %mul3A_15 = arith.mulf %dot_general3A_14, %mul3A : vector<10000x64xf32>
    %broadcast_in_dim3A = arith.constant 0.000000e+00 : f32
    %broadcast_in_dim3A_16 = vector.broadcast %broadcast_in_dim3A : f32 to vector<112x64xf32>
    %concatenate3A = tpu.concatenate %mul3A_15, %broadcast_in_dim3A_16 in 0 : vector<10000x64xf32>, vector<112x64xf32> -> vector<10112x64xf32>
    %swap3A = arith.constant 0 : index
    %swap3A_17 = arith.constant 0 : index
    %swap3A_18 = vector.load %arg3[%swap3A, %swap3A_17] : memref<10112x64xf32, #tpu.memory_space<vmem>>, vector<10112x64xf32>
    tpu.vector_store %arg3[%swap3A, %swap3A_17], %concatenate3A {strides = array<i32>} : memref<10112x64xf32, #tpu.memory_space<vmem>>, vector<10112x64xf32>,
    return
  }
}

module attributes {stable_mosaic.version = 14 : i64} {
  func.func @_mid_body(%arg0: memref<2x10112x64xf32, #tpu.memory_space<vmem>>, %arg1: memref<10112x64xf32, #tpu.memory_space<vmem>>, %arg2: memref<20224x8xf32, #tpu.memory_space<vmem>>, %arg3: memref<1x64xf32, #tpu.memory_space<vmem>>, %arg4: memref<10112x64xf32, #tpu.memory_space<vmem>>) attributes {dimension_semantics = [], scalar_prefetch = 0 : i64, scratch_operands = 0 : i64, tpu.core_type = #tpu.core_type<tc>} {
    %get3A = arith.constant 0 : index
    %get3A_0 = arith.constant 0 : index
    %get3A_1 = vector.load %arg2[%get3A, %get3A_0] : memref<20224x8xf32, #tpu.memory_space<vmem>>, vector<10112x1xf32>
    %get3A_2 = arith.constant 10112 : index
    %get3A_3 = arith.constant 0 : index
    %get3A_4 = vector.load %arg2[%get3A_2, %get3A_3] : memref<20224x8xf32, #tpu.memory_space<vmem>>, vector<10112x1xf32>
    %add3A = arith.addf %get3A_1, %get3A_4 : vector<10112x1xf32>
    %add3A_5 = arith.constant 1.000000e+00 : f32
    %add3A_6 = vector.broadcast %add3A_5 : f32 to vector<10112x1xf32>
    %add3A_7 = arith.addf %add3A, %add3A_6 : vector<10112x1xf32>
    %rsqrt3A = math.rsqrt %add3A_7 : vector<10112x1xf32>
    %get3A_8 = arith.constant 0 : index
    %get3A_9 = arith.constant 0 : index
    %get3A_10 = arith.constant 0 : index
    %get3A_11 = vector.load %arg0[%get3A_8, %get3A_9, %get3A_10] : memref<2x10112x64xf32, #tpu.memory_space<vmem>>, vector<1x10112x64xf32>
    %get3A_12 = vector.shape_cast %get3A_11 : vector<1x10112x64xf32> to vector<10112x64xf32>
    %get3A_13 = arith.constant 1 : index
    %get3A_14 = arith.constant 0 : index
    %get3A_15 = arith.constant 0 : index
    %get3A_16 = vector.load %arg0[%get3A_13, %get3A_14, %get3A_15] : memref<2x10112x64xf32, #tpu.memory_space<vmem>>, vector<1x10112x64xf32>
    %get3A_17 = vector.shape_cast %get3A_16 : vector<1x10112x64xf32> to vector<10112x64xf32>
    %add3A_18 = arith.addf %get3A_12, %get3A_17 : vector<10112x64xf32>
    %get3A_19 = arith.constant 0 : index
    %get3A_20 = arith.constant 0 : index
    %get3A_21 = vector.load %arg1[%get3A_19, %get3A_20] : memref<10112x64xf32, #tpu.memory_space<vmem>>, vector<10112x64xf32>
    %add3A_22 = arith.addf %add3A_18, %get3A_21 : vector<10112x64xf32>
    %mul3A = vector.broadcast %rsqrt3A : vector<10112x1xf32> to vector<10112x64xf32>
    %mul3A_23 = arith.mulf %mul3A, %add3A_22 : vector<10112x64xf32>
    %get3A_24 = arith.constant 0 : index
    %get3A_25 = arith.constant 0 : index
    %get3A_26 = vector.load %arg3[%get3A_24, %get3A_25] : memref<1x64xf32, #tpu.memory_space<vmem>>, vector<1x64xf32>
    %add3A_27 = vector.broadcast %get3A_26 : vector<1x64xf32> to vector<10112x64xf32>
    %add3A_28 = arith.addf %mul3A_23, %add3A_27 : vector<10112x64xf32>
    %max3A = arith.constant 0.000000e+00 : f32
    %max3A_29 = vector.broadcast %max3A : f32 to vector<10112x64xf32>
    %max3A_30 = arith.maximumf %add3A_28, %max3A_29 : vector<10112x64xf32>
    %mul3A_31 = vector.broadcast %rsqrt3A : vector<10112x1xf32> to vector<10112x64xf32>
    %mul3A_32 = arith.mulf %max3A_30, %mul3A_31 : vector<10112x64xf32>
    %swap3A = arith.constant 0 : index
    %swap3A_33 = arith.constant 0 : index
    %swap3A_34 = vector.load %arg4[%swap3A, %swap3A_33] : memref<10112x64xf32, #tpu.memory_space<vmem>>, vector<10112x64xf32>
    tpu.vector_store %arg4[%swap3A, %swap3A_33], %mul3A_32 {strides = array<i32>} : memref<10112x64xf32, #tpu.memory_space<vmem>>, vector<10112x64xf32>,
    return
  }
}

module attributes {stable_mosaic.version = 14 : i64} {
  func.func @_fin_body(%arg0: memref<2x10112x64xf32, #tpu.memory_space<vmem>>, %arg1: memref<10112x64xf32, #tpu.memory_space<vmem>>, %arg2: memref<20224x8xf32, #tpu.memory_space<vmem>>, %arg3: memref<64x32xf32, #tpu.memory_space<vmem>>, %arg4: memref<1x32xf32, #tpu.memory_space<vmem>>, %arg5: memref<64x32xf32, #tpu.memory_space<vmem>>, %arg6: memref<1x32xf32, #tpu.memory_space<vmem>>, %arg7: memref<10000x32xf32, #tpu.memory_space<vmem>>, %arg8: memref<10000x32xf32, #tpu.memory_space<vmem>>, %arg9: memref<10000x32xf32, #tpu.memory_space<vmem>>, %arg10: memref<10000x32xf32, #tpu.memory_space<vmem>>) attributes {dimension_semantics = [], scalar_prefetch = 0 : i64, scratch_operands = 0 : i64, tpu.core_type = #tpu.core_type<tc>} {
    %get3A = arith.constant 0 : index
    %get3A_0 = arith.constant 0 : index
    %get3A_1 = vector.load %arg2[%get3A, %get3A_0] : memref<20224x8xf32, #tpu.memory_space<vmem>>, vector<10112x1xf32>
    %get3A_2 = arith.constant 10112 : index
    %get3A_3 = arith.constant 0 : index
    %get3A_4 = vector.load %arg2[%get3A_2, %get3A_3] : memref<20224x8xf32, #tpu.memory_space<vmem>>, vector<10112x1xf32>
    %add3A = arith.addf %get3A_1, %get3A_4 : vector<10112x1xf32>
    %add3A_5 = arith.constant 1.000000e+00 : f32
    %add3A_6 = vector.broadcast %add3A_5 : f32 to vector<10112x1xf32>
    %add3A_7 = arith.addf %add3A, %add3A_6 : vector<10112x1xf32>
    %rsqrt3A = math.rsqrt %add3A_7 : vector<10112x1xf32>
    %get3A_8 = arith.constant 0 : index
    %get3A_9 = arith.constant 0 : index
    %get3A_10 = arith.constant 0 : index
    %get3A_11 = vector.load %arg0[%get3A_8, %get3A_9, %get3A_10] : memref<2x10112x64xf32, #tpu.memory_space<vmem>>, vector<1x10112x64xf32>
    %get3A_12 = vector.shape_cast %get3A_11 : vector<1x10112x64xf32> to vector<10112x64xf32>
    %get3A_13 = arith.constant 1 : index
    %get3A_14 = arith.constant 0 : index
    %get3A_15 = arith.constant 0 : index
    %get3A_16 = vector.load %arg0[%get3A_13, %get3A_14, %get3A_15] : memref<2x10112x64xf32, #tpu.memory_space<vmem>>, vector<1x10112x64xf32>
    %get3A_17 = vector.shape_cast %get3A_16 : vector<1x10112x64xf32> to vector<10112x64xf32>
    %add3A_18 = arith.addf %get3A_12, %get3A_17 : vector<10112x64xf32>
    %get3A_19 = arith.constant 0 : index
    %get3A_20 = arith.constant 0 : index
    %get3A_21 = vector.load %arg1[%get3A_19, %get3A_20] : memref<10112x64xf32, #tpu.memory_space<vmem>>, vector<10112x64xf32>
    %add3A_22 = arith.addf %add3A_18, %get3A_21 : vector<10112x64xf32>
    %mul3A = vector.broadcast %rsqrt3A : vector<10112x1xf32> to vector<10112x64xf32>
    %mul3A_23 = arith.mulf %mul3A, %add3A_22 : vector<10112x64xf32>
    %slice3A = vector.extract_strided_slice %mul3A_23 {offsets = [0, 0], sizes = [10000, 64], strides = [1, 1]} : vector<10112x64xf32> to vector<10000x64xf32>
    %get3A_24 = arith.constant 0 : index
    %get3A_25 = arith.constant 0 : index
    %get3A_26 = vector.load %arg3[%get3A_24, %get3A_25] : memref<64x32xf32, #tpu.memory_space<vmem>>, vector<64x32xf32>
    %dot_general3A = arith.constant dense<0.000000e+00> : vector<10000x32xf32>
    %dot_general3A_27 = tpu.matmul %slice3A, %get3A_26, %dot_general3A {dimension_numbers = #tpu.dot_dimension_numbers<[1], [0], [0], [1], [0, 0, 1, 1], [], []>, transpose_lhs_hint = false} : vector<10000x64xf32>, vector<64x32xf32>, vector<10000x32xf32> -> vector<10000x32xf32>
    %get3A_28 = arith.constant 0 : index
    %get3A_29 = arith.constant 0 : index
    %get3A_30 = vector.load %arg4[%get3A_28, %get3A_29] : memref<1x32xf32, #tpu.memory_space<vmem>>, vector<1x32xf32>
    %add3A_31 = vector.broadcast %get3A_30 : vector<1x32xf32> to vector<10000x32xf32>
    %add3A_32 = arith.addf %dot_general3A_27, %add3A_31 : vector<10000x32xf32>
    %get3A_33 = arith.constant 0 : index
    %get3A_34 = arith.constant 0 : index
    %get3A_35 = vector.load %arg5[%get3A_33, %get3A_34] : memref<64x32xf32, #tpu.memory_space<vmem>>, vector<64x32xf32>
    %dot_general3A_36 = arith.constant dense<0.000000e+00> : vector<10000x32xf32>
    %dot_general3A_37 = tpu.matmul %slice3A, %get3A_35, %dot_general3A_36 {dimension_numbers = #tpu.dot_dimension_numbers<[1], [0], [0], [1], [0, 0, 1, 1], [], []>, transpose_lhs_hint = false} : vector<10000x64xf32>, vector<64x32xf32>, vector<10000x32xf32> -> vector<10000x32xf32>
    %get3A_38 = arith.constant 0 : index
    %get3A_39 = arith.constant 0 : index
    %get3A_40 = vector.load %arg6[%get3A_38, %get3A_39] : memref<1x32xf32, #tpu.memory_space<vmem>>, vector<1x32xf32>
    %add3A_41 = vector.broadcast %get3A_40 : vector<1x32xf32> to vector<10000x32xf32>
    %add3A_42 = arith.addf %dot_general3A_37, %add3A_41 : vector<10000x32xf32>
    %get3A_43 = arith.constant 0 : index
    %get3A_44 = arith.constant 0 : index
    %get3A_45 = vector.load %arg7[%get3A_43, %get3A_44] : memref<10000x32xf32, #tpu.memory_space<vmem>>, vector<10000x32xf32>
    %mul3A_46 = arith.constant 5.000000e-01 : f32
    %mul3A_47 = vector.broadcast %mul3A_46 : f32 to vector<10000x32xf32>
    %mul3A_48 = arith.mulf %mul3A_47, %add3A_42 : vector<10000x32xf32>
    %exp3A = math.exp %mul3A_48 : vector<10000x32xf32>
    %mul3A_49 = arith.mulf %get3A_45, %exp3A : vector<10000x32xf32>
    %add3A_50 = arith.addf %add3A_32, %mul3A_49 : vector<10000x32xf32>
    %swap3A = arith.constant 0 : index
    %swap3A_51 = arith.constant 0 : index
    %swap3A_52 = vector.load %arg8[%swap3A, %swap3A_51] : memref<10000x32xf32, #tpu.memory_space<vmem>>, vector<10000x32xf32>
    tpu.vector_store %arg8[%swap3A, %swap3A_51], %add3A_50 {strides = array<i32>} : memref<10000x32xf32, #tpu.memory_space<vmem>>, vector<10000x32xf32>,
    %swap3A_53 = arith.constant 0 : index
    %swap3A_54 = arith.constant 0 : index
    %swap3A_55 = vector.load %arg9[%swap3A_53, %swap3A_54] : memref<10000x32xf32, #tpu.memory_space<vmem>>, vector<10000x32xf32>
    tpu.vector_store %arg9[%swap3A_53, %swap3A_54], %add3A_32 {strides = array<i32>} : memref<10000x32xf32, #tpu.memory_space<vmem>>, vector<10000x32xf32>,
    %swap3A_56 = arith.constant 0 : index
    %swap3A_57 = arith.constant 0 : index
    %swap3A_58 = vector.load %arg10[%swap3A_56, %swap3A_57] : memref<10000x32xf32, #tpu.memory_space<vmem>>, vector<10000x32xf32>
    tpu.vector_store %arg10[%swap3A_56, %swap3A_57], %add3A_42 {strides = array<i32>} : memref<10000x32xf32, #tpu.memory_space<vmem>>, vector<10000x32xf32>,
    return
  }
}

</mosaic_0001>

<sc_bundles>
// kernel: kernel.11.cloned.1.call-start
scs
__scs_entry_jumppad:
0x0: {  	(pc) =	sbr.rel $0x88, $3  }
0x1: {  	(tag) =	ssettag $0x0;
	lr =	simm.s32 $0x1  }
0x2: {  	[smem:$0x3F99] =	sst lr;
	_ =	strace $0xD0000000  }
0x3: {  	_ = 	snop  }
0x4: {  	_ = 	snop  }
0x5: {  	_ = 	snop  }
0x6: {  	_ = 	snop  }
0x7: {  	_ = 	snop  }
__scs_overlays_trampoline_lowered:
0x8: {  	[smem:$0x3FA8] =	sst s0  }
0x9: {  	[smem:$0x3FA9] =	sst s1  }
0xa: {  	[smem:$0x3FAA] =	sst s2  }
0xb: {  	[smem:$0x3FAB] =	sst s3  }
0xc: {  	[smem:$0x3FAC] =	sst s4  }
0xd: {  	[smem:$0x3FAD] =	sst s5  }
0xe: {  	[smem:$0x3FAE] =	sst s6  }
0xf: {  	[smem:$0x3FAF] =	sst s7  }
0x10: {  	[smem:$0x3FB0] =	sst s8  }
0x11: {  	[smem:$0x3FB1] =	sst s9;
	s0 =	simm.s32 @!p0 $0x0  }
0x12: {  	s1 =	sld [smem:$0x3F97];
	s0 =	simm.s32 @p0 $0x1  }
0x13: {  	[smem:$0x3FB2] =	sst s0;
	s0 =	simm.s32 @!p1 $0x0  }
0x14: {  	s2 =	sld [smem:$0x3F96];
	s0 =	simm.s32 @p1 $0x1  }
0x15: {  	[smem:$0x3FB3] =	sst s0;
	s0 =	simm.s32 @!p2 $0x0  }
0x16: {  	s3 =	sld [smem:$0x3FDB];
	s0 =	simm.s32 @p2 $0x1  }
0x17: {  	s4 =	simm.s32 $0x1BF5;
	[smem:$0x3FB5] =	sst s0  }
0x18: {  	s0 =	sld [smem:$0x3F98];
	_ =	swait.ge [sflag:s4], $0x0  }
0x19: {  	s7 =	sld [smem:$0x3F99]  }
0x1a: {  	s8 =	sadd.s32 $0xFFFFE003, lr  }
0x1b: {  	s9 =	sadd.s32 $0xFFFFFEF7, lr;
	s5 =	simm.s32 $0xFFFFFFFF;
	p2 =	slt.u32 s8, $0xFFFFF086  }
0x1c: {  	p1 =	slt.u32 s9, $0xF7A;
	s5 =	simm.s32 @!p2 $0x0  }
0x1d: {  	s5 =	simm.s32 @p1 $0x1;
	p0 =	seq.s32 s7, s2  }
0x1e: {  	s7 =	smul.u32 @!p0 $0xF7A, s2;
	p2 =	seq.s32 @!p0 s5, $0x0  }
0x1f: {  	s9 =	smul.u32 $0xF7A, s1;
	s8 =	simm.s32 @!p0 $0x1BF5;
	p2 =	por !p2, p0  }
0x20: {  	[sflag:s8] =	ssyncset.s32 @!p0 $0xFFFFF086;
	s6 =	sadd.s32 @!p0 s3, s7;
	s7 =	simm.s32 @!p0 $0x108  }
0x21: {  	s3 =	sadd.s32 s3, s9;
	s6 =	sadd.s32 @!p0 $0x88, s6;
	s7 =	simm.s32 @p2 $0x1082  }
0x22: {  	[simem:s7], [sflag:s8] =	dma.local @!p0 [hbm:s6], $0xF7A  }
0x23: {  	s9 =	sor.u32 $0xD0000000, s2;
	s6 =	simm.s32 $0x108;
	_ =	swait.ge @!p0 [sflag:s8], $0x0  }
0x24: {  	s3 =	sadd.s32 $0x88, s3;
	s6 =	simm.s32 @!p1 $0x1082;
	[sflag:s4] =	ssyncset.s32 $0xFFFFF086  }
0x25: {  	[simem:s6], [sflag:s4] =	dma.local [hbm:s3], $0xF7A  }
0x26: {  	[smem:$0x3F99] =	sst s1;
	(tag) =	ssettag s2;
	_ =	strace s9  }
0x27: {  	s1 =	sld [smem:$0x3FA9]  }
0x28: {  	s2 =	sld [smem:$0x3FAA]  }
0x29: {  	s4 =	sld [smem:$0x3FAC]  }
0x2a: {  	p0 =	seq.s32 s5, $0x0;
	s5 =	sld [smem:$0x3FAD]  }
0x2b: {  	s6 =	sld [smem:$0x3FAE]  }
0x2c: {  	s7 =	sld [smem:$0x3FAF]  }
0x2d: {  	s3 =	simm.s32 $0x108;
	s8 =	sld [smem:$0x3FB0]  }
0x2e: {  	s3 =	simm.s32 @!p0 $0x1082;
	s9 =	sld [smem:$0x3FB1]  }
0x2f: {  	lr =	sadd.s32 s0, s3;
	s0 =	sld [smem:$0x3FA8]  }
0x30: {  	s3 =	sld [smem:$0x3FAB]  }
0x31: {  	[smem:$0x3FB4] =	sst s10  }
0x32: {  	s10 =	sld [smem:$0x3FB2];
	_ =	sdelay $0x3  }
0x33: {  	p0 =	seq.s32 s10, $0x1;
	s10 =	sld [smem:$0x3FB4];
	_ =	sdelay $0x3  }
0x34: {  	[smem:$0x3FB4] =	sst s10  }
0x35: {  	s10 =	sld [smem:$0x3FB3];
	_ =	sdelay $0x3  }
0x36: {  	p1 =	seq.s32 s10, $0x1;
	s10 =	sld [smem:$0x3FB4];
	_ =	sdelay $0x3  }
0x37: {  	[smem:$0x3FB4] =	sst s10  }
0x38: {  	s10 =	sld [smem:$0x3FB5]  }
0x39: {  	_ = 	snop;
	(pc) =	sbr.ind lr, $3  }
0x3a: {  	_ = 	snop  }
0x3b: {  	_ = 	snop  }
0x3c: {  	p2 =	seq.s32 s10, $0x1;
	s10 =	sld [smem:$0x3FB4]  }
0x3d: {  	_ =	shalt  }
0x3e: {  	_ =	shalt  }
0x3f: {  	_ =	shalt  }
0x40: {  	_ =	shalt  }
0x41: {  	_ =	shalt  }
0x42: {  	_ =	shalt  }
0x43: {  	_ =	shalt  }
0x44: {  	_ =	shalt  }
0x45: {  	_ =	shalt  }
0x46: {  	_ =	shalt  }
0x47: {  	_ =	shalt  }
0x48: {  	_ =	shalt  }
0x49: {  	_ =	shalt  }
0x4a: {  	_ =	shalt  }
0x4b: {  	_ =	shalt  }
0x4c: {  	_ =	shalt  }
0x4d: {  	_ =	shalt  }
0x4e: {  	_ =	shalt  }
0x4f: {  	_ =	shalt  }
0x50: {  	_ =	shalt  }
0x51: {  	_ =	shalt  }
0x52: {  	_ =	shalt  }
0x53: {  	_ =	shalt  }
0x54: {  	_ =	shalt  }
0x55: {  	_ =	shalt  }
0x56: {  	_ =	shalt  }
0x57: {  	_ =	shalt  }
0x58: {  	_ =	shalt  }
0x59: {  	_ =	shalt  }
0x5a: {  	_ =	shalt  }
0x5b: {  	_ =	shalt  }
0x5c: {  	_ =	shalt  }
0x5d: {  	_ =	shalt  }
0x5e: {  	_ =	shalt  }
0x5f: {  	_ =	shalt  }
0x60: {  	_ =	shalt  }
0x61: {  	_ =	shalt  }
0x62: {  	_ =	shalt  }
0x63: {  	_ =	shalt  }
0x64: {  	_ =	shalt  }
0x65: {  	_ =	shalt  }
0x66: {  	_ =	shalt  }
0x67: {  	_ =	shalt  }
0x68: {  	_ =	shalt  }
0x69: {  	_ =	shalt  }
0x6a: {  	_ =	shalt  }
0x6b: {  	_ =	shalt  }
0x6c: {  	_ =	shalt  }
0x6d: {  	_ =	shalt  }
0x6e: {  	_ =	shalt  }
0x6f: {  	_ =	shalt  }
0x70: {  	_ =	shalt  }
0x71: {  	_ =	shalt  }
0x72: {  	_ =	shalt  }
0x73: {  	_ =	shalt  }
0x74: {  	_ =	shalt  }
0x75: {  	_ =	shalt  }
0x76: {  	_ =	shalt  }
0x77: {  	_ =	shalt  }
0x78: {  	_ =	shalt  }
0x79: {  	_ =	shalt  }
0x7a: {  	_ =	shalt  }
0x7b: {  	_ =	shalt  }
0x7c: {  	_ =	shalt  }
0x7d: {  	_ =	shalt  }
0x7e: {  	_ =	shalt  }
0x7f: {  	_ =	shalt  }
0x80: {  	_ =	shalt  }
0x81: {  	_ =	shalt  }
0x82: {  	_ =	shalt  }
0x83: {  	_ =	shalt  }
0x84: {  	_ =	shalt  }
0x85: {  	_ =	shalt  }
0x86: {  	_ =	shalt  }
0x87: {  	_ =	shalt  }
.Lfunc_end0:
.L_simem_size_0:
called_computation.1_lowered:
.L_overlay_start_0:
0x88: {  	s2 =	sld [smem:$0x3FD9]  }
0x89: {  	s3 =	sld [smem:$0x3FFE];
	_ =	sdelay $0x1  }
0x8a: {  	s1 =	srdreg.scid  }
0x8b: {  	s0 =	sand.u32 $0x1, s1  }
0x8c: {  	s16 =	sshll.u32 s0, $0xA;
	s2 =	sadd.s32 s3, s2  }
0x8d: {  	s2 =	sadd.s32 s2, s16  }
0x8e: {  	[smem:$0x3FC0] =	sst s2  }
0x8f: {  	_ = 	snop  }
0x90: {  	(tm) =	ssettm $0x1  }
0x91: {  	s17 =	sld [smem:$0x3FFB];
	_ =	sdelay $0x3  }
0x92: {  	_ =	strace s17  }
0x93: {  	s2 =	sld [smem:$0x3FFC];
	_ =	sdelay $0x3  }
0x94: {  	_ =	strace s2  }
0x95: {  	s2 =	sld [smem:$0x3FFD];
	_ =	sdelay $0x3  }
0x96: {  	_ =	strace s2  }
0x97: {  	_ =	strace $0x8FFFFFFF  }
0x98: {  	s18 =	sld [smem:$0x3FDB];
	_ =	sdelay $0x1  }
0x99: {  	s19 =	simm.s32 $_scs_section_size  }
0x9a: {  	s4 =	simm.s32 $_size__tile_overlayer_lowered;
	s5 =	simm.s32 $_tile_overlayer_lowered  }
0x9b: {  	s22 =	simm.s32 $0x1BFF;
	s21 =	sshll.u32 s5, $0x1;
	s2 =	sadd.s32 s19, s18  }
0x9c: {  	s6 =	simm.s32 $0x0;
	s20 =	sshll.u32 s4, $0x1;
	s4 =	sadd.s32 s21, s2  }
0x9d: {  	[timem:s6], [sflag:s22] =	dma.local [hbm:s4], s20  }
0x9e: {  	_ =	swait.ge [sflag:s22], s20  }
0x9f: {  	s3 =	ssub.s32 $0x0, s20;
	[sflag:s22] =	ssyncset.done $0x0  }
0xa0: {  	[sflag:s22] =	ssyncadd.s32 s3;
	_ =	sdelay $0x1  }
0xa1: {  	s23 =	simm.s32 $0x1B8B  }
0xa2: {  	_ =	swait.ge [sflag:s23], $0x1  }
0xa3: {  	[sflag:s23] =	ssyncset.done $0x0  }
0xa4: {  	s25 =	simm.s32 $0x1B8E;
	s24 =	sld [smem:$0x3FFE];
	[sflag:s23] =	ssyncadd.s32 $0xFFFFFFFF  }
0xa5: {  	s26 =	simm.s32 $execute0_lowered;
	[smem:$0x3FD2] =	sst s25  }
0xa6: {  	s4 =	sshll.u32 s26, $0x1;
	_ =	strace $0x80000049;
	[dreg:$0x1] =	wrdreg $0xFFFFFFFF  }
0xa7: {  	s28 =	simm.s32 $_size_execute0_lowered;
	s2 =	sadd.s32 s2, s4;
	[dreg:$0x0] =	wrdreg $0x0  }
0xa8: {  	s4 =	sshll.u32 s28, $0x1;
	[dreg:$0x2] =	wrdreg s2  }
0xa9: {  	[dreg:$0x3] =	wrdreg s4  }
0xaa: {  	[dreg:$0x4] =	wrdreg $0xC0  }
0xab: {  	_ =	task [dreg:s6], $0x5FFFF  }
0xac: {  	[dreg:$0x1] =	wrdreg $0xFFFFFFFF  }
0xad: {  	[dreg:$0x0] =	wrdreg $0x60  }
0xae: {  	[dreg:$0x2] =	wrdreg s24  }
0xaf: {  	[dreg:$0x3] =	wrdreg $0x108000  }
0xb0: {  	[dreg:$0x4] =	wrdreg $0x9  }
0xb1: {  	_ =	task.clear_ibuf [dreg:s6], $0x5FFFF;
	_ =	strace $0x90000049  }
0xb2: {  	s29 =	simm.s32 $0x9;
	_ =	strace $0x8000004B  }
0xb3: {  	_ =	swait.ge [sflag:s29], $0x1  }
0xb4: {  	[sflag:s29] =	ssyncadd.s32 $0xFFFFFFFF  }
0xb5: {  	_ =	strace $0x9000004B  }
0xb6: {  	_ =	sfence  }
0xb7: {  	s30 =	sld [smem:$0x0];
	_ =	sdelay $0x2  }
0xb8: {  	s31 =	sshll.u32 s1, $0xD;
	s1 =	sshrl.u32 s1, $0x2  }
0xb9: {  	s3 =	sand.u32 $0x4000, s31;
	s1 =	sadd.s32 s1, s30  }
0xba: {  	s0 =	sor.u32 s3, s0;
	s1 =	sshll.u32 s1, $0x11  }
0xbb: {  	s0 =	sor.u32 s1, s0  }
0xbc: {  	s0 =	sadd.s32 $0x8F2B, s0  }
0xbd: {  	[sflag:s0] =	ssyncadd.remote.s32 $0x1  }
0xbe: {  	_ =	sfence.sel $0xFFFF  }
0xbf: {  	[dreg:$0x0] =	wrdreg $0xFFFFFFFF;
	(pc) =	sbr.abs _section_cstart, $3  }
0xc0: {  	[dreg:$0x1] =	wrdreg $0xFFFFFFFF  }
0xc1: {  	_ =	task.clear_ibuf [dreg:s6], $0x2FFFF;
	_ =	strace $0x9FFFFFFF  }
0xc2: {  	(tm) =	ssettm $0x7FFFFFFF  }
0xc3: {  	_ =	shalt  }
tec
execute0_lowered:
.L_overlay_start_1:
0x0: {  	(tag) =	ssettag $0x1  }
0x1: {  	s0 =	rddreg [dreg:$0x0]  }
0x2: {  	s2 =	rddreg [dreg:$0x1];
	s3 =	simm.s32 $0x0;
	s14 =	stileid.u32  }
0x3: {  	s1 =	srdreg.scid;
	s15 =	simm.s32 $0x4400;
	s16 =	simm.s32 $0x80  }
0x4: {  	s17 =	simm.s32 $0x8800;
	s18 =	simm.s32 $0xA800;
	s20 =	simm.s32 $0xC800  }
0x5: {  	s29 =	simm.s32 $0x6;
	s31 =	simm.s32 $0x3;
	s28 =	simm.s32 $0x4  }
0x6: {  	s30 =	simm.s32 $0x0;
	[smem:$0x7FF] =	sst s3;
	s5 =	smul.u32 $0x9E00, s14  }
0x7: {  	s1 =	sand.u32 $0x1, s1;
	s4 =	sadd.s32 $0x8CC00, s0;
	s7 =	sadd.s32 $0xC400, s0  }
0x8: {  	s10 =	sadd.s32 $0x2400, s0;
	s21 =	smul.u32 $0xC00, s14;
	s22 =	sshll.u32 s14, $0x6  }
0x9: {  	s23 =	smul.u32 $0x880, s14;
	s14 =	simm.s32 $0x9;
	_ =	strace $0x8000004A  }
0xa: {  	s6 =	smul.u32 $0x9E000, s1;
	s9 =	ssub.s32 $0x2, s1;
	p0 =	seq.s32 s1, $0x1  }
0xb: {  	s1 =	simm.s32 $0x7;
	s8 =	sshrl.u32 s5, $0x3;
	s11 =	sshrl.u32 s9, $0x1  }
0xc: {  	s13 =	sadd.s32 s5, s2;
	s24 =	sshrl.u32 s21, $0x3;
	s25 =	sadd.s32 s7, s23  }
0xd: {  	s6 =	sadd.s32 s5, s6;
	s8 =	sadd.s32 s8, s0;
	s12 =	ssub.s32 s9, s11  }
0xe: {  	[dreg:$0x3] =	wrdreg s25;
	s26 =	sadd.s32 $0x8800, s24;
	s13 =	sshrl.u32 s13, $0x3  }
.Ltmp0:
0xf: {  	s24 =	simm.s32 $0x5;
	s6 =	sshrl.u32 s6, $0x3;
	(pc) =	sbr.rel .LBB2_1-.Ltmp0, $4  }
0x10: {  	s5 =	sadd.s32 $0xA0800, s8;
	s8 =	sadd.s32 s10, s23;
	s9 =	sadd.s32 s7, s26  }
0x11: {  	s10 =	sadd.s32 s10, s26;
	s12 =	smax.u32 s12, $0x1;
	s23 =	simm.s32 $0x1  }
0x12: {  	s26 =	simm.s32 $0x2;
	s0 =	sadd.s32 s6, s0;
	s6 =	sor.u32 $0x1C09, s22  }
0x13: {  	s22 =	simm.s32 $0xE800;
	s11 =	sadd.s32 $0xB4400, s0;
	s0 =	simm.s32 $0x8  }
.LBB2_5:
0x14: {  	[tilespmem:s3], [sflag:$0x9] =	stream.linear.gather [hbm4b:s9+s3], $0xC00, $0x38;
	[tilespmem:$0x1A600] =	vst v63  }
0x15: {  	_ =	swait.ge [sflag:s14], $0xC00  }
0x16: {  	[sflag:s14] =	ssyncset.done $0x0  }
0x17: {  	[sflag:s14] =	ssyncadd.s32 $0xFFFFF400  }
0x18: {  	[tilespmem:s15], [sflag:$0x9] =	stream.linear.gather [hbm4b:s10+s3], $0xC00, $0x38;
	[tilespmem:$0x1A600] =	vst v63  }
0x19: {  	_ =	swait.ge [sflag:s14], $0xC00  }
0x1a: {  	[sflag:s14] =	ssyncset.done $0x0  }
0x1b: {  	[sflag:s14] =	ssyncadd.s32 $0xFFFFF400  }
0x1c: {  	[bflag:$0x0] =	sbarrier.arrive $0xFFFF  }
0x1d: {  	[tilespmem:s17], [sflag:$0x1] =	stream.indirect.gather [hbm4b:s4+s16], $0x40, s3, s16, $0xb8;
	[tilespmem:$0x1A600] =	vst v63  }
0x1e: {  	_ = 	snop  }
0x1f: {  	[tilespmem:s18], [sflag:$0x2] =	stream.indirect.gather [hbm4b:s4+s16], $0x40, s16, s16, $0xb8;
	[tilespmem:$0x1A600] =	vst v63  }
0x20: {  	s7 =	simm.s32 $0x100  }
0x21: {  	[tilespmem:s20], [sflag:$0x3] =	stream.indirect.gather [hbm4b:s4+s16], $0x40, s7, s16, $0xb8;
	[tilespmem:$0x1A600] =	vst v63  }
0x22: {  	s25 =	simm.s32 $0x180  }
0x23: {  	[tilespmem:s22], [sflag:$0x4] =	stream.indirect.gather [hbm4b:s4+s16], $0x40, s25, s16, $0xb8;
	[tilespmem:$0x1A600] =	vst v63  }
0x24: {  	_ =	swait.ge [sflag:s23], $0x2000  }
0x25: {  	[sflag:s23] =	ssyncset.done $0x0  }
0x26: {  	[sflag:s23] =	ssyncadd.s32 $0xFFFFE000  }
0x27: {  	[spmem:s2] =	stream.indirect.scatter.add.f32 [tilespmem:s17], [sflag:$0x5], $0x40, s15, s16, $0xb8;
	[tilespmem:$0x1A600] =	vst v63  }
0x28: {  	_ =	swait.ge [sflag:s24], $0x2000  }
0x29: {  	[sflag:s24] =	ssyncset.done $0x0  }
0x2a: {  	s19 =	simm.s32 $0x200;
	[sflag:s24] =	ssyncadd.s32 $0xFFFFE000  }
0x2b: {  	[tilespmem:s17], [sflag:$0x1] =	stream.indirect.gather [hbm4b:s4+s16], $0x40, s19, s16, $0xb8;
	[tilespmem:$0x1A600] =	vst v63  }
0x2c: {  	_ =	swait.ge [sflag:s26], $0x2000  }
0x2d: {  	[sflag:s26] =	ssyncset.done $0x0  }
0x2e: {  	s21 =	simm.s32 $0x4480;
	[sflag:s26] =	ssyncadd.s32 $0xFFFFE000  }
0x2f: {  	[spmem:s2] =	stream.indirect.scatter.add.f32 [tilespmem:s18], [sflag:$0x6], $0x40, s21, s16, $0xb8;
	[tilespmem:$0x1A600] =	vst v63  }
0x30: {  	_ =	swait.ge [sflag:s29], $0x2000  }
0x31: {  	[sflag:s29] =	ssyncset.done $0x0  }
0x32: {  	s25 =	simm.s32 $0x280;
	[sflag:s29] =	ssyncadd.s32 $0xFFFFE000  }
0x33: {  	[tilespmem:s18], [sflag:$0x2] =	stream.indirect.gather [hbm4b:s4+s16], $0x40, s25, s16, $0xb8;
	[tilespmem:$0x1A600] =	vst v63  }
0x34: {  	_ =	swait.ge [sflag:s31], $0x2000  }
0x35: {  	[sflag:s31] =	ssyncset.done $0x0  }
0x36: {  	s19 =	simm.s32 $0x4500;
	[sflag:s31] =	ssyncadd.s32 $0xFFFFE000  }
0x37: {  	[spmem:s2] =	stream.indirect.scatter.add.f32 [tilespmem:s20], [sflag:$0x7], $0x40, s19, s16, $0xb8;
	[tilespmem:$0x1A600] =	vst v63  }
0x38: {  	_ =	swait.ge [sflag:s1], $0x2000  }
0x39: {  	[sflag:s1] =	ssyncset.done $0x0  }
0x3a: {  	s21 =	simm.s32 $0x300;
	[sflag:s1] =	ssyncadd.s32 $0xFFFFE000  }
0x3b: {  	[tilespmem:s20], [sflag:$0x3] =	stream.indirect.gather [hbm4b:s4+s16], $0x40, s21, s16, $0xb8;
	[tilespmem:$0x1A600] =	vst v63  }
0x3c: {  	_ =	swait.ge [sflag:s28], $0x2000  }
0x3d: {  	[sflag:s28] =	ssyncset.done $0x0  }
0x3e: {  	s25 =	simm.s32 $0x4580;
	[sflag:s28] =	ssyncadd.s32 $0xFFFFE000  }
0x3f: {  	[spmem:s2] =	stream.indirect.scatter.add.f32 [tilespmem:s22], [sflag:$0x8], $0x40, s25, s16, $0xb8;
	[tilespmem:$0x1A600] =	vst v63  }
0x40: {  	_ =	swait.ge [sflag:s0], $0x2000  }
0x41: {  	[sflag:s0] =	ssyncset.done $0x0  }
0x42: {  	s19 =	simm.s32 $0x380;
	[sflag:s0] =	ssyncadd.s32 $0xFFFFE000  }
0x43: {  	[tilespmem:s22], [sflag:$0x4] =	stream.indirect.gather [hbm4b:s4+s16], $0x40, s19, s16, $0xb8;
	[tilespmem:$0x1A600] =	vst v63  }
0x44: {  	_ =	swait.ge [sflag:s23], $0x2000  }
0x45: {  	[sflag:s23] =	ssyncset.done $0x0  }
0x46: {  	s21 =	simm.s32 $0x4600;
	[sflag:s23] =	ssyncadd.s32 $0xFFFFE000  }
0x47: {  	[spmem:s2] =	stream.indirect.scatter.add.f32 [tilespmem:s17], [sflag:$0x5], $0x40, s21, s16, $0xb8;
	[tilespmem:$0x1A600] =	vst v63  }
0x48: {  	_ =	swait.ge [sflag:s24], $0x2000  }
0x49: {  	[sflag:s24] =	ssyncset.done $0x0  }
0x4a: {  	s25 =	simm.s32 $0x400;
	[sflag:s24] =	ssyncadd.s32 $0xFFFFE000  }
0x4b: {  	[tilespmem:s17], [sflag:$0x1] =	stream.indirect.gather [hbm4b:s4+s16], $0x40, s25, s16, $0xb8;
	[tilespmem:$0x1A600] =	vst v63  }
0x4c: {  	_ =	swait.ge [sflag:s26], $0x2000  }
0x4d: {  	[sflag:s26] =	ssyncset.done $0x0  }
0x4e: {  	s19 =	simm.s32 $0x4680;
	[sflag:s26] =	ssyncadd.s32 $0xFFFFE000  }
0x4f: {  	[spmem:s2] =	stream.indirect.scatter.add.f32 [tilespmem:s18], [sflag:$0x6], $0x40, s19, s16, $0xb8;
	[tilespmem:$0x1A600] =	vst v63  }
0x50: {  	_ =	swait.ge [sflag:s29], $0x2000  }
0x51: {  	[sflag:s29] =	ssyncset.done $0x0  }
0x52: {  	s21 =	simm.s32 $0x480;
	[sflag:s29] =	ssyncadd.s32 $0xFFFFE000  }
0x53: {  	[tilespmem:s18], [sflag:$0x2] =	stream.indirect.gather [hbm4b:s4+s16], $0x40, s21, s16, $0xb8;
	[tilespmem:$0x1A600] =	vst v63  }
0x54: {  	_ =	swait.ge [sflag:s31], $0x2000  }
0x55: {  	[sflag:s31] =	ssyncset.done $0x0  }
0x56: {  	s25 =	simm.s32 $0x4700;
	[sflag:s31] =	ssyncadd.s32 $0xFFFFE000  }
0x57: {  	[spmem:s2] =	stream.indirect.scatter.add.f32 [tilespmem:s20], [sflag:$0x7], $0x40, s25, s16, $0xb8;
	[tilespmem:$0x1A600] =	vst v63  }
0x58: {  	_ =	swait.ge [sflag:s1], $0x2000  }
0x59: {  	[sflag:s1] =	ssyncset.done $0x0  }
0x5a: {  	s19 =	simm.s32 $0x500;
	[sflag:s1] =	ssyncadd.s32 $0xFFFFE000  }
0x5b: {  	[tilespmem:s20], [sflag:$0x3] =	stream.indirect.gather [hbm4b:s4+s16], $0x40, s19, s16, $0xb8;
	[tilespmem:$0x1A600] =	vst v63  }
0x5c: {  	_ =	swait.ge [sflag:s28], $0x2000  }
0x5d: {  	[sflag:s28] =	ssyncset.done $0x0  }
0x5e: {  	s21 =	simm.s32 $0x4780;
	[sflag:s28] =	ssyncadd.s32 $0xFFFFE000  }
0x5f: {  	[spmem:s2] =	stream.indirect.scatter.add.f32 [tilespmem:s22], [sflag:$0x8], $0x40, s21, s16, $0xb8;
	[tilespmem:$0x1A600] =	vst v63  }
0x60: {  	_ =	swait.ge [sflag:s0], $0x2000  }
0x61: {  	[sflag:s0] =	ssyncset.done $0x0  }
0x62: {  	s25 =	simm.s32 $0x580;
	[sflag:s0] =	ssyncadd.s32 $0xFFFFE000  }
0x63: {  	[tilespmem:s22], [sflag:$0x4] =	stream.indirect.gather [hbm4b:s4+s16], $0x40, s25, s16, $0xb8;
	[tilespmem:$0x1A600] =	vst v63  }
0x64: {  	_ =	swait.ge [sflag:s23], $0x2000  }
0x65: {  	[sflag:s23] =	ssyncset.done $0x0  }
0x66: {  	s19 =	simm.s32 $0x4800;
	[sflag:s23] =	ssyncadd.s32 $0xFFFFE000  }
0x67: {  	[spmem:s2] =	stream.indirect.scatter.add.f32 [tilespmem:s17], [sflag:$0x5], $0x40, s19, s16, $0xb8;
	[tilespmem:$0x1A600] =	vst v63  }
0x68: {  	_ =	swait.ge [sflag:s24], $0x2000  }
0x69: {  	[sflag:s24] =	ssyncset.done $0x0  }
0x6a: {  	s21 =	simm.s32 $0x600;
	[sflag:s24] =	ssyncadd.s32 $0xFFFFE000  }
0x6b: {  	[tilespmem:s17], [sflag:$0x1] =	stream.indirect.gather [hbm4b:s4+s16], $0x40, s21, s16, $0xb8;
	[tilespmem:$0x1A600] =	vst v63  }
0x6c: {  	_ =	swait.ge [sflag:s26], $0x2000  }
0x6d: {  	[sflag:s26] =	ssyncset.done $0x0  }
0x6e: {  	s25 =	simm.s32 $0x4880;
	[sflag:s26] =	ssyncadd.s32 $0xFFFFE000  }
0x6f: {  	[spmem:s2] =	stream.indirect.scatter.add.f32 [tilespmem:s18], [sflag:$0x6], $0x40, s25, s16, $0xb8;
	[tilespmem:$0x1A600] =	vst v63  }
0x70: {  	_ =	swait.ge [sflag:s29], $0x2000  }
0x71: {  	[sflag:s29] =	ssyncset.done $0x0  }
0x72: {  	s19 =	simm.s32 $0x680;
	[sflag:s29] =	ssyncadd.s32 $0xFFFFE000  }
0x73: {  	[tilespmem:s18], [sflag:$0x2] =	stream.indirect.gather [hbm4b:s4+s16], $0x40, s19, s16, $0xb8;
	[tilespmem:$0x1A600] =	vst v63  }
0x74: {  	_ =	swait.ge [sflag:s31], $0x2000  }
0x75: {  	[sflag:s31] =	ssyncset.done $0x0  }
0x76: {  	s21 =	simm.s32 $0x4900;
	[sflag:s31] =	ssyncadd.s32 $0xFFFFE000  }
0x77: {  	[spmem:s2] =	stream.indirect.scatter.add.f32 [tilespmem:s20], [sflag:$0x7], $0x40, s21, s16, $0xb8;
	[tilespmem:$0x1A600] =	vst v63  }
0x78: {  	_ =	swait.ge [sflag:s1], $0x2000  }
0x79: {  	[sflag:s1] =	ssyncset.done $0x0  }
0x7a: {  	s25 =	simm.s32 $0x700;
	[sflag:s1] =	ssyncadd.s32 $0xFFFFE000  }
0x7b: {  	[tilespmem:s20], [sflag:$0x3] =	stream.indirect.gather [hbm4b:s4+s16], $0x40, s25, s16, $0xb8;
	[tilespmem:$0x1A600] =	vst v63  }
0x7c: {  	_ =	swait.ge [sflag:s28], $0x2000  }
0x7d: {  	[sflag:s28] =	ssyncset.done $0x0  }
0x7e: {  	s19 =	simm.s32 $0x4980;
	[sflag:s28] =	ssyncadd.s32 $0xFFFFE000  }
0x7f: {  	[spmem:s2] =	stream.indirect.scatter.add.f32 [tilespmem:s22], [sflag:$0x8], $0x40, s19, s16, $0xb8;
	[tilespmem:$0x1A600] =	vst v63  }
0x80: {  	_ =	swait.ge [sflag:s0], $0x2000  }
0x81: {  	[sflag:s0] =	ssyncset.done $0x0  }
0x82: {  	s21 =	simm.s32 $0x780;
	[sflag:s0] =	ssyncadd.s32 $0xFFFFE000  }
0x83: {  	[tilespmem:s22], [sflag:$0x4] =	stream.indirect.gather [hbm4b:s4+s16], $0x40, s21, s16, $0xb8;
	[tilespmem:$0x1A600] =	vst v63  }
0x84: {  	_ =	swait.ge [sflag:s23], $0x2000  }
0x85: {  	[sflag:s23] =	ssyncset.done $0x0  }
0x86: {  	s25 =	simm.s32 $0x4A00;
	[sflag:s23] =	ssyncadd.s32 $0xFFFFE000  }
0x87: {  	[spmem:s2] =	stream.indirect.scatter.add.f32 [tilespmem:s17], [sflag:$0x5], $0x40, s25, s16, $0xb8;
	[tilespmem:$0x1A600] =	vst v63  }
0x88: {  	_ =	swait.ge [sflag:s24], $0x2000  }
0x89: {  	[sflag:s24] =	ssyncset.done $0x0  }
0x8a: {  	s19 =	simm.s32 $0x800;
	[sflag:s24] =	ssyncadd.s32 $0xFFFFE000  }
0x8b: {  	[tilespmem:s17], [sflag:$0x1] =	stream.indirect.gather [hbm4b:s4+s16], $0x40, s19, s16, $0xb8;
	[tilespmem:$0x1A600] =	vst v63  }
0x8c: {  	_ =	swait.ge [sflag:s26], $0x2000  }
0x8d: {  	[sflag:s26] =	ssyncset.done $0x0  }
0x8e: {  	s21 =	simm.s32 $0x4A80;
	[sflag:s26] =	ssyncadd.s32 $0xFFFFE000  }
0x8f: {  	[spmem:s2] =	stream.indirect.scatter.add.f32 [tilespmem:s18], [sflag:$0x6], $0x40, s21, s16, $0xb8;
	[tilespmem:$0x1A600] =	vst v63  }
0x90: {  	_ =	swait.ge [sflag:s29], $0x2000  }
0x91: {  	[sflag:s29] =	ssyncset.done $0x0  }
0x92: {  	s25 =	simm.s32 $0x880;
	[sflag:s29] =	ssyncadd.s32 $0xFFFFE000  }
0x93: {  	[tilespmem:s18], [sflag:$0x2] =	stream.indirect.gather [hbm4b:s4+s16], $0x40, s25, s16, $0xb8;
	[tilespmem:$0x1A600] =	vst v63  }
0x94: {  	_ =	swait.ge [sflag:s31], $0x2000  }
0x95: {  	[sflag:s31] =	ssyncset.done $0x0  }
0x96: {  	s19 =	simm.s32 $0x4B00;
	[sflag:s31] =	ssyncadd.s32 $0xFFFFE000  }
0x97: {  	[spmem:s2] =	stream.indirect.scatter.add.f32 [tilespmem:s20], [sflag:$0x7], $0x40, s19, s16, $0xb8;
	[tilespmem:$0x1A600] =	vst v63  }
0x98: {  	_ =	swait.ge [sflag:s1], $0x2000  }
0x99: {  	[sflag:s1] =	ssyncset.done $0x0  }
0x9a: {  	s21 =	simm.s32 $0x900;
	[sflag:s1] =	ssyncadd.s32 $0xFFFFE000  }
0x9b: {  	[tilespmem:s20], [sflag:$0x3] =	stream.indirect.gather [hbm4b:s4+s16], $0x40, s21, s16, $0xb8;
	[tilespmem:$0x1A600] =	vst v63  }
0x9c: {  	_ =	swait.ge [sflag:s28], $0x2000  }
0x9d: {  	[sflag:s28] =	ssyncset.done $0x0  }
0x9e: {  	s25 =	simm.s32 $0x4B80;
	[sflag:s28] =	ssyncadd.s32 $0xFFFFE000  }
0x9f: {  	[spmem:s2] =	stream.indirect.scatter.add.f32 [tilespmem:s22], [sflag:$0x8], $0x40, s25, s16, $0xb8;
	[tilespmem:$0x1A600] =	vst v63  }
0xa0: {  	_ =	swait.ge [sflag:s0], $0x2000  }
0xa1: {  	[sflag:s0] =	ssyncset.done $0x0  }
0xa2: {  	s19 =	simm.s32 $0x980;
	[sflag:s0] =	ssyncadd.s32 $0xFFFFE000  }
0xa3: {  	[tilespmem:s22], [sflag:$0x4] =	stream.indirect.gather [hbm4b:s4+s16], $0x40, s19, s16, $0xb8;
	[tilespmem:$0x1A600] =	vst v63  }
0xa4: {  	_ =	swait.ge [sflag:s23], $0x2000  }
0xa5: {  	[sflag:s23] =	ssyncset.done $0x0  }
0xa6: {  	s21 =	simm.s32 $0x4C00;
	[sflag:s23] =	ssyncadd.s32 $0xFFFFE000  }
0xa7: {  	[spmem:s2] =	stream.indirect.scatter.add.f32 [tilespmem:s17], [sflag:$0x5], $0x40, s21, s16, $0xb8;
	[tilespmem:$0x1A600] =	vst v63  }
0xa8: {  	_ =	swait.ge [sflag:s24], $0x2000  }
0xa9: {  	[sflag:s24] =	ssyncset.done $0x0  }
0xaa: {  	s25 =	simm.s32 $0xA00;
	[sflag:s24] =	ssyncadd.s32 $0xFFFFE000  }
0xab: {  	[tilespmem:s17], [sflag:$0x1] =	stream.indirect.gather [hbm4b:s4+s16], $0x40, s25, s16, $0xb8;
	[tilespmem:$0x1A600] =	vst v63  }
0xac: {  	_ =	swait.ge [sflag:s26], $0x2000  }
0xad: {  	[sflag:s26] =	ssyncset.done $0x0  }
0xae: {  	s19 =	simm.s32 $0x4C80;
	[sflag:s26] =	ssyncadd.s32 $0xFFFFE000  }
0xaf: {  	[spmem:s2] =	stream.indirect.scatter.add.f32 [tilespmem:s18], [sflag:$0x6], $0x40, s19, s16, $0xb8;
	[tilespmem:$0x1A600] =	vst v63  }
0xb0: {  	_ =	swait.ge [sflag:s29], $0x2000  }
0xb1: {  	[sflag:s29] =	ssyncset.done $0x0  }
0xb2: {  	s21 =	simm.s32 $0xA80;
	[sflag:s29] =	ssyncadd.s32 $0xFFFFE000  }
0xb3: {  	[tilespmem:s18], [sflag:$0x2] =	stream.indirect.gather [hbm4b:s4+s16], $0x40, s21, s16, $0xb8;
	[tilespmem:$0x1A600] =	vst v63  }
0xb4: {  	_ =	swait.ge [sflag:s31], $0x2000  }
0xb5: {  	[sflag:s31] =	ssyncset.done $0x0  }
0xb6: {  	s25 =	simm.s32 $0x4D00;
	[sflag:s31] =	ssyncadd.s32 $0xFFFFE000  }
0xb7: {  	[spmem:s2] =	stream.indirect.scatter.add.f32 [tilespmem:s20], [sflag:$0x7], $0x40, s25, s16, $0xb8;
	[tilespmem:$0x1A600] =	vst v63  }
0xb8: {  	_ =	swait.ge [sflag:s1], $0x2000  }
0xb9: {  	[sflag:s1] =	ssyncset.done $0x0  }
0xba: {  	s19 =	simm.s32 $0xB00;
	[sflag:s1] =	ssyncadd.s32 $0xFFFFE000  }
0xbb: {  	[tilespmem:s20], [sflag:$0x3] =	stream.indirect.gather [hbm4b:s4+s16], $0x40, s19, s16, $0xb8;
	[tilespmem:$0x1A600] =	vst v63  }
0xbc: {  	_ =	swait.ge [sflag:s28], $0x2000  }
0xbd: {  	[sflag:s28] =	ssyncset.done $0x0  }
0xbe: {  	s21 =	simm.s32 $0x4D80;
	[sflag:s28] =	ssyncadd.s32 $0xFFFFE000  }
0xbf: {  	[spmem:s2] =	stream.indirect.scatter.add.f32 [tilespmem:s22], [sflag:$0x8], $0x40, s21, s16, $0xb8;
	[tilespmem:$0x1A600] =	vst v63  }
0xc0: {  	_ =	swait.ge [sflag:s0], $0x2000  }
0xc1: {  	[sflag:s0] =	ssyncset.done $0x0  }
0xc2: {  	s7 =	simm.s32 $0x4E80;
	s25 =	simm.s32 $0xB80;
	[sflag:s0] =	ssyncadd.s32 $0xFFFFE000  }
0xc3: {  	[tilespmem:s22], [sflag:$0x4] =	stream.indirect.gather [hbm4b:s4+s16], $0x40, s25, s16, $0xb8;
	[tilespmem:$0x1A600] =	vst v63  }
0xc4: {  	s19 =	simm.s32 $0x4F80;
	s21 =	simm.s32 $0x4E00;
	s25 =	simm.s32 $0x4F00  }
.LBB2_6:
0xc5: {  	_ =	swait.ge [sflag:s23], $0x2000  }
0xc6: {  	[sflag:s23] =	ssyncset.done $0x0  }
0xc7: {  	[sflag:s23] =	ssyncadd.s32 $0xFFFFE000  }
0xc8: {  	[spmem:s2] =	stream.indirect.scatter.add.f32 [tilespmem:s17], [sflag:$0x5], $0x40, s21, s16, $0xb8;
	[tilespmem:$0x1A600] =	vst v63  }
0xc9: {  	_ =	swait.ge [sflag:s26], $0x2000  }
0xca: {  	[sflag:s26] =	ssyncset.done $0x0  }
0xcb: {  	[sflag:s26] =	ssyncadd.s32 $0xFFFFE000  }
0xcc: {  	[spmem:s2] =	stream.indirect.scatter.add.f32 [tilespmem:s18], [sflag:$0x6], $0x40, s7, s16, $0xb8;
	[tilespmem:$0x1A600] =	vst v63  }
0xcd: {  	_ =	swait.ge [sflag:s31], $0x2000  }
0xce: {  	[sflag:s31] =	ssyncset.done $0x0  }
0xcf: {  	[sflag:s31] =	ssyncadd.s32 $0xFFFFE000  }
0xd0: {  	[spmem:s2] =	stream.indirect.scatter.add.f32 [tilespmem:s20], [sflag:$0x7], $0x40, s25, s16, $0xb8;
	[tilespmem:$0x1A600] =	vst v63  }
0xd1: {  	_ =	swait.ge [sflag:s28], $0x2000  }
0xd2: {  	[sflag:s28] =	ssyncset.done $0x0  }
0xd3: {  	[sflag:s28] =	ssyncadd.s32 $0xFFFFE000  }
0xd4: {  	[spmem:s2] =	stream.indirect.scatter.add.f32 [tilespmem:s22], [sflag:$0x8], $0x40, s19, s16, $0xb8;
	[tilespmem:$0x1A600] =	vst v63  }
0xd5: {  	_ =	swait.ge [sflag:s24], $0x2000  }
0xd6: {  	[sflag:s24] =	ssyncset.done $0x0  }
0xd7: {  	[sflag:s24] =	ssyncadd.s32 $0xFFFFE000  }
0xd8: {  	_ =	swait.ge [sflag:s29], $0x2000  }
0xd9: {  	[sflag:s29] =	ssyncset.done $0x0  }
0xda: {  	[sflag:s29] =	ssyncadd.s32 $0xFFFFE000  }
0xdb: {  	_ =	swait.ge [sflag:s1], $0x2000  }
0xdc: {  	[sflag:s1] =	ssyncset.done $0x0  }
0xdd: {  	[sflag:s1] =	ssyncadd.s32 $0xFFFFE000  }
0xde: {  	_ =	swait.ge [sflag:s0], $0x2000  }
0xdf: {  	s30 =	sadd.s32 $0x1, s30;
	[sflag:s0] =	ssyncset.done $0x0  }
0xe0: {  	p1 =	sne.s32 s30, s12;
	[sflag:s0] =	ssyncadd.s32 $0xFFFFE000  }
.Ltmp1:
0xe1: {  	[bflag:$0x0] =	sbarrier.arrive $0xFFFF;
	(pc) =	sbr.rel @!p1 .LBB2_7-.Ltmp1, $4  }
0xe2: {  	[hbm:s11], [sflag:s6] =	dma.local [spmem:s13], $0x13C0  }
0xe3: {  	_ =	swait.ge [sflag:s14], $0x13C0  }
0xe4: {  	[sflag:s14] =	ssyncset.done $0x0  }
0xe5: {  	[sflag:s14] =	ssyncadd.s32 $0xFFFFEC40  }
.LBB2_1:
.Ltmp2:
0xe6: {  	(pc) =	sbr.rel @p0 .LBB2_5-.Ltmp2, $4  }
0xe7: {  	[spmem:s13], [sflag:s6] =	dma.local [hbm:s5], $0x13C0  }
0xe8: {  	_ =	swait.ge [sflag:s14], $0x13C0  }
0xe9: {  	[sflag:s14] =	ssyncset.done $0x0  }
0xea: {  	[sflag:s14] =	ssyncadd.s32 $0xFFFFEC40  }
0xeb: {  	s7 =	simm.s32 $0x0;
	s19 =	rddreg [dreg:$0x3]  }
0xec: {  	[tilespmem:s7], [sflag:$0x9] =	stream.linear.gather [hbm4b:s19+s7], $0x4400, $0x38;
	[tilespmem:$0x1A600] =	vst v63  }
0xed: {  	_ =	swait.ge [sflag:s14], $0x4400  }
0xee: {  	[sflag:s14] =	ssyncset.done $0x0  }
0xef: {  	[sflag:s14] =	ssyncadd.s32 $0xFFFFBC00  }
0xf0: {  	[tilespmem:s15], [sflag:$0x9] =	stream.linear.gather [hbm4b:s8+s7], $0x4400, $0x38;
	[tilespmem:$0x1A600] =	vst v63  }
0xf1: {  	_ =	swait.ge [sflag:s14], $0x4400  }
0xf2: {  	[sflag:s14] =	ssyncset.done $0x0  }
0xf3: {  	[sflag:s14] =	ssyncadd.s32 $0xFFFFBC00  }
0xf4: {  	[bflag:$0x0] =	sbarrier.arrive $0xFFFF  }
0xf5: {  	[tilespmem:s17], [sflag:$0x1] =	stream.indirect.gather [hbm4b:s4+s16], $0x40, s7, s16, $0xb8;
	[tilespmem:$0x1A600] =	vst v63  }
0xf6: {  	_ = 	snop  }
0xf7: {  	[tilespmem:s18], [sflag:$0x2] =	stream.indirect.gather [hbm4b:s4+s16], $0x40, s16, s16, $0xb8;
	[tilespmem:$0x1A600] =	vst v63  }
0xf8: {  	s19 =	simm.s32 $0x100  }
0xf9: {  	[tilespmem:s20], [sflag:$0x3] =	stream.indirect.gather [hbm4b:s4+s16], $0x40, s19, s16, $0xb8;
	[tilespmem:$0x1A600] =	vst v63  }
0xfa: {  	s21 =	simm.s32 $0x180  }
0xfb: {  	[tilespmem:s22], [sflag:$0x4] =	stream.indirect.gather [hbm4b:s4+s16], $0x40, s21, s16, $0xb8;
	[tilespmem:$0x1A600] =	vst v63  }
0xfc: {  	_ =	swait.ge [sflag:s23], $0x2000  }
0xfd: {  	[sflag:s23] =	ssyncset.done $0x0  }
0xfe: {  	s25 =	simm.s32 $0x4400;
	[sflag:s23] =	ssyncadd.s32 $0xFFFFE000  }
0xff: {  	[spmem:s2] =	stream.indirect.scatter.add.f32 [tilespmem:s17], [sflag:$0x5], $0x40, s25, s16, $0xb8;
	[tilespmem:$0x1A600] =	vst v63  }
0x100: {  	_ =	swait.ge [sflag:s24], $0x2000  }
0x101: {  	[sflag:s24] =	ssyncset.done $0x0  }
0x102: {  	s19 =	simm.s32 $0x200;
	[sflag:s24] =	ssyncadd.s32 $0xFFFFE000  }
0x103: {  	[tilespmem:s17], [sflag:$0x1] =	stream.indirect.gather [hbm4b:s4+s16], $0x40, s19, s16, $0xb8;
	[tilespmem:$0x1A600] =	vst v63  }
0x104: {  	_ =	swait.ge [sflag:s26], $0x2000  }
0x105: {  	[sflag:s26] =	ssyncset.done $0x0  }
0x106: {  	s21 =	simm.s32 $0x4480;
	[sflag:s26] =	ssyncadd.s32 $0xFFFFE000  }
0x107: {  	[spmem:s2] =	stream.indirect.scatter.add.f32 [tilespmem:s18], [sflag:$0x6], $0x40, s21, s16, $0xb8;
	[tilespmem:$0x1A600] =	vst v63  }
0x108: {  	_ =	swait.ge [sflag:s29], $0x2000  }
0x109: {  	[sflag:s29] =	ssyncset.done $0x0  }
0x10a: {  	s25 =	simm.s32 $0x280;
	[sflag:s29] =	ssyncadd.s32 $0xFFFFE000  }
0x10b: {  	[tilespmem:s18], [sflag:$0x2] =	stream.indirect.gather [hbm4b:s4+s16], $0x40, s25, s16, $0xb8;
	[tilespmem:$0x1A600] =	vst v63  }
0x10c: {  	_ =	swait.ge [sflag:s31], $0x2000  }
0x10d: {  	[sflag:s31] =	ssyncset.done $0x0  }
0x10e: {  	s19 =	simm.s32 $0x4500;
	[sflag:s31] =	ssyncadd.s32 $0xFFFFE000  }
0x10f: {  	[spmem:s2] =	stream.indirect.scatter.add.f32 [tilespmem:s20], [sflag:$0x7], $0x40, s19, s16, $0xb8;
	[tilespmem:$0x1A600] =	vst v63  }
0x110: {  	_ =	swait.ge [sflag:s1], $0x2000  }
0x111: {  	[sflag:s1] =	ssyncset.done $0x0  }
0x112: {  	s21 =	simm.s32 $0x300;
	[sflag:s1] =	ssyncadd.s32 $0xFFFFE000  }
0x113: {  	[tilespmem:s20], [sflag:$0x3] =	stream.indirect.gather [hbm4b:s4+s16], $0x40, s21, s16, $0xb8;
	[tilespmem:$0x1A600] =	vst v63  }
0x114: {  	_ =	swait.ge [sflag:s28], $0x2000  }
0x115: {  	p1 =	por $0x0, $0x0;
	[sflag:s28] =	ssyncset.done $0x0  }
.Ltmp3:
0x116: {  	s25 =	simm.s32 $0x4580;
	[sflag:s28] =	ssyncadd.s32 $0xFFFFE000;
	(pc) =	sbr.rel @p1 .LBB2_4-.Ltmp3, $4  }
0x117: {  	[spmem:s2] =	stream.indirect.scatter.add.f32 [tilespmem:s22], [sflag:$0x8], $0x40, s25, s16, $0xb8;
	[tilespmem:$0x1A600] =	vst v63  }
0x118: {  	_ =	swait.ge [sflag:s0], $0x2000  }
0x119: {  	[sflag:s0] =	ssyncset.done $0x0  }
0x11a: {  	s7 =	simm.s32 $0x380;
	s25 =	simm.s32 $0x800;
	[sflag:s0] =	ssyncadd.s32 $0xFFFFE000  }
.LBB2_3:
0x11b: {  	[tilespmem:s22], [sflag:$0x4] =	stream.indirect.gather [hbm4b:s4+s16], $0x40, s7, s16, $0xb8;
	[tilespmem:$0x1A600] =	vst v63  }
0x11c: {  	s7 =	smov.u32 s25  }
0x11d: {  	p1 =	seq.s32 s25, $0x10000;
	s25 =	sadd.s32 $0x800, s25;
	_ =	swait.ge [sflag:s23], $0x2000  }
0x11e: {  	s19 =	sshra.s32 s7, $0x2;
	[sflag:s23] =	ssyncset.done $0x0  }
0x11f: {  	s7 =	sadd.s32 $0x4400, s19;
	[sflag:s23] =	ssyncadd.s32 $0xFFFFE000  }
0x120: {  	[spmem:s2] =	stream.indirect.scatter.add.f32 [tilespmem:s17], [sflag:$0x5], $0x40, s7, s16, $0xb8;
	[tilespmem:$0x1A600] =	vst v63  }
0x121: {  	_ =	swait.ge [sflag:s24], $0x2000  }
0x122: {  	[sflag:s24] =	ssyncset.done $0x0  }
0x123: {  	s7 =	sadd.s32 $0x200, s19;
	[sflag:s24] =	ssyncadd.s32 $0xFFFFE000  }
0x124: {  	[tilespmem:s17], [sflag:$0x1] =	stream.indirect.gather [hbm4b:s4+s16], $0x40, s7, s16, $0xb8;
	[tilespmem:$0x1A600] =	vst v63  }
0x125: {  	_ =	swait.ge [sflag:s26], $0x2000  }
0x126: {  	[sflag:s26] =	ssyncset.done $0x0  }
0x127: {  	s7 =	sadd.s32 $0x4480, s19;
	[sflag:s26] =	ssyncadd.s32 $0xFFFFE000  }
0x128: {  	[spmem:s2] =	stream.indirect.scatter.add.f32 [tilespmem:s18], [sflag:$0x6], $0x40, s7, s16, $0xb8;
	[tilespmem:$0x1A600] =	vst v63  }
0x129: {  	_ =	swait.ge [sflag:s29], $0x2000  }
0x12a: {  	[sflag:s29] =	ssyncset.done $0x0  }
0x12b: {  	s7 =	sadd.s32 $0x280, s19;
	[sflag:s29] =	ssyncadd.s32 $0xFFFFE000  }
0x12c: {  	[tilespmem:s18], [sflag:$0x2] =	stream.indirect.gather [hbm4b:s4+s16], $0x40, s7, s16, $0xb8;
	[tilespmem:$0x1A600] =	vst v63  }
0x12d: {  	_ =	swait.ge [sflag:s31], $0x2000  }
0x12e: {  	[sflag:s31] =	ssyncset.done $0x0  }
0x12f: {  	s7 =	sadd.s32 $0x4500, s19;
	[sflag:s31] =	ssyncadd.s32 $0xFFFFE000  }
0x130: {  	[spmem:s2] =	stream.indirect.scatter.add.f32 [tilespmem:s20], [sflag:$0x7], $0x40, s7, s16, $0xb8;
	[tilespmem:$0x1A600] =	vst v63  }
0x131: {  	_ =	swait.ge [sflag:s1], $0x2000  }
0x132: {  	[sflag:s1] =	ssyncset.done $0x0  }
0x133: {  	s7 =	sadd.s32 $0x300, s19;
	[sflag:s1] =	ssyncadd.s32 $0xFFFFE000  }
0x134: {  	[tilespmem:s20], [sflag:$0x3] =	stream.indirect.gather [hbm4b:s4+s16], $0x40, s7, s16, $0xb8;
	[tilespmem:$0x1A600] =	vst v63  }
0x135: {  	_ =	swait.ge [sflag:s28], $0x2000  }
0x136: {  	[sflag:s28] =	ssyncset.done $0x0  }
.Ltmp4:
0x137: {  	s7 =	sadd.s32 $0x4580, s19;
	[sflag:s28] =	ssyncadd.s32 $0xFFFFE000;
	(pc) =	sbr.rel @!p1 .LBB2_3-.Ltmp4, $4  }
0x138: {  	[spmem:s2] =	stream.indirect.scatter.add.f32 [tilespmem:s22], [sflag:$0x8], $0x40, s7, s16, $0xb8;
	[tilespmem:$0x1A600] =	vst v63  }
0x139: {  	_ =	swait.ge [sflag:s0], $0x2000  }
0x13a: {  	[sflag:s0] =	ssyncset.done $0x0  }
0x13b: {  	s7 =	sadd.s32 $0x380, s19;
	[sflag:s0] =	ssyncadd.s32 $0xFFFFE000  }
.LBB2_4:
.Ltmp5:
0x13c: {  	(pc) =	sbr.rel .LBB2_6-.Ltmp5, $4  }
0x13d: {  	_ = 	snop  }
0x13e: {  	[tilespmem:s22], [sflag:$0x4] =	stream.indirect.gather [hbm4b:s4+s16], $0x40, s7, s16, $0xb8;
	[tilespmem:$0x1A600] =	vst v63  }
0x13f: {  	s19 =	simm.s32 $0x8780  }
0x140: {  	s25 =	simm.s32 $0x8700;
	s7 =	simm.s32 $0x8680;
	s21 =	simm.s32 $0x8600  }
.LBB2_7:
0x141: {  	_ =	sfence.sel $0x180000  }
0x142: {  	[bflag:$0x0] =	sbarrier.arrive $0xFFFF  }
0x143: {  	_ =	strace $0x9000004A  }
0x144: {  	s0 =	stileid.u32;
	[bflag:$0x2] =	sbarrier.arrive $0xFFFF  }
0x145: {  	p0 =	sne.s32 s0, $0x0;
	s0 =	rddreg [dreg:$0x2]  }
0x146: {  	s0 =	sadd.s32 @!p0 $0x100000, s0  }
0x147: {  	[sflag:s0] =	ssyncadd.tile.s32 @!p0 $0x1;
	_ =	shalt  }
.Lfunc_end2:
_tile_overlayer_lowered:
.L_overlay_start_2:
0x148: {  	(tag) =	ssettag $0x2  }
0x149: {  	s0 =	rddreg [dreg:$0x0];
	s2 =	stileid.u32  }
0x14a: {  	s1 =	rddreg [dreg:$0x1];
	p0 =	sne.s32 s2, $0x0  }
0x14b: {  	s3 =	rddreg [dreg:$0x2];
	[bflag:$0x3] =	sbarrier.arrive $0xFFFF;
	s2 =	simm.s32 @!p0 $0x1C09  }
0x14c: {  	[timem:s3], [sflag:s2] =	dma.local @!p0 [hbm:s0], s1  }
0x14d: {  	s0 =	simm.s32 @!p0 $0x9  }
0x14e: {  	_ =	swait.ge @!p0 [sflag:s0], s1  }
0x14f: {  	s1 =	ssub.s32 @!p0 $0x0, s1;
	[sflag:s0] =	ssyncset.done @!p0 $0x0  }
0x150: {  	[sflag:s0] =	ssyncadd.s32 @!p0 s1  }
0x151: {  	[bflag:$0x3] =	sbarrier.arrive $0xFFFF  }
0x152: {  	_ =	shalt  }

// kernel: kernel.14.cloned.1.call-start
scs
__scs_entry_jumppad:
0x0: {  	(pc) =	sbr.rel $0x88, $3  }
0x1: {  	(tag) =	ssettag $0x0;
	lr =	simm.s32 $0x1  }
0x2: {  	[smem:$0x3F99] =	sst lr;
	_ =	strace $0xD0000000  }
0x3: {  	_ = 	snop  }
0x4: {  	_ = 	snop  }
0x5: {  	_ = 	snop  }
0x6: {  	_ = 	snop  }
0x7: {  	_ = 	snop  }
__scs_overlays_trampoline_lowered:
0x8: {  	[smem:$0x3FA8] =	sst s0  }
0x9: {  	[smem:$0x3FA9] =	sst s1  }
0xa: {  	[smem:$0x3FAA] =	sst s2  }
0xb: {  	[smem:$0x3FAB] =	sst s3  }
0xc: {  	[smem:$0x3FAC] =	sst s4  }
0xd: {  	[smem:$0x3FAD] =	sst s5  }
0xe: {  	[smem:$0x3FAE] =	sst s6  }
0xf: {  	[smem:$0x3FAF] =	sst s7  }
0x10: {  	[smem:$0x3FB0] =	sst s8  }
0x11: {  	[smem:$0x3FB1] =	sst s9;
	s0 =	simm.s32 @!p0 $0x0  }
0x12: {  	s1 =	sld [smem:$0x3F97];
	s0 =	simm.s32 @p0 $0x1  }
0x13: {  	[smem:$0x3FB2] =	sst s0;
	s0 =	simm.s32 @!p1 $0x0  }
0x14: {  	s2 =	sld [smem:$0x3F96];
	s0 =	simm.s32 @p1 $0x1  }
0x15: {  	[smem:$0x3FB3] =	sst s0;
	s0 =	simm.s32 @!p2 $0x0  }
0x16: {  	s3 =	sld [smem:$0x3FDB];
	s0 =	simm.s32 @p2 $0x1  }
0x17: {  	s4 =	simm.s32 $0x1BF5;
	[smem:$0x3FB5] =	sst s0  }
0x18: {  	s0 =	sld [smem:$0x3F98];
	_ =	swait.ge [sflag:s4], $0x0  }
0x19: {  	s7 =	sld [smem:$0x3F99]  }
0x1a: {  	s8 =	sadd.s32 $0xFFFFE003, lr  }
0x1b: {  	s9 =	sadd.s32 $0xFFFFFEF7, lr;
	s5 =	simm.s32 $0xFFFFFFFF;
	p2 =	slt.u32 s8, $0xFFFFF086  }
0x1c: {  	p1 =	slt.u32 s9, $0xF7A;
	s5 =	simm.s32 @!p2 $0x0  }
0x1d: {  	s5 =	simm.s32 @p1 $0x1;
	p0 =	seq.s32 s7, s2  }
0x1e: {  	s7 =	smul.u32 @!p0 $0xF7A, s2;
	p2 =	seq.s32 @!p0 s5, $0x0  }
0x1f: {  	s9 =	smul.u32 $0xF7A, s1;
	s8 =	simm.s32 @!p0 $0x1BF5;
	p2 =	por !p2, p0  }
0x20: {  	[sflag:s8] =	ssyncset.s32 @!p0 $0xFFFFF086;
	s6 =	sadd.s32 @!p0 s3, s7;
	s7 =	simm.s32 @!p0 $0x108  }
0x21: {  	s3 =	sadd.s32 s3, s9;
	s6 =	sadd.s32 @!p0 $0x88, s6;
	s7 =	simm.s32 @p2 $0x1082  }
0x22: {  	[simem:s7], [sflag:s8] =	dma.local @!p0 [hbm:s6], $0xF7A  }
0x23: {  	s9 =	sor.u32 $0xD0000000, s2;
	s6 =	simm.s32 $0x108;
	_ =	swait.ge @!p0 [sflag:s8], $0x0  }
0x24: {  	s3 =	sadd.s32 $0x88, s3;
	s6 =	simm.s32 @!p1 $0x1082;
	[sflag:s4] =	ssyncset.s32 $0xFFFFF086  }
0x25: {  	[simem:s6], [sflag:s4] =	dma.local [hbm:s3], $0xF7A  }
0x26: {  	[smem:$0x3F99] =	sst s1;
	(tag) =	ssettag s2;
	_ =	strace s9  }
0x27: {  	s1 =	sld [smem:$0x3FA9]  }
0x28: {  	s2 =	sld [smem:$0x3FAA]  }
0x29: {  	s4 =	sld [smem:$0x3FAC]  }
0x2a: {  	p0 =	seq.s32 s5, $0x0;
	s5 =	sld [smem:$0x3FAD]  }
0x2b: {  	s6 =	sld [smem:$0x3FAE]  }
0x2c: {  	s7 =	sld [smem:$0x3FAF]  }
0x2d: {  	s3 =	simm.s32 $0x108;
	s8 =	sld [smem:$0x3FB0]  }
0x2e: {  	s3 =	simm.s32 @!p0 $0x1082;
	s9 =	sld [smem:$0x3FB1]  }
0x2f: {  	lr =	sadd.s32 s0, s3;
	s0 =	sld [smem:$0x3FA8]  }
0x30: {  	s3 =	sld [smem:$0x3FAB]  }
0x31: {  	[smem:$0x3FB4] =	sst s10  }
0x32: {  	s10 =	sld [smem:$0x3FB2];
	_ =	sdelay $0x3  }
0x33: {  	p0 =	seq.s32 s10, $0x1;
	s10 =	sld [smem:$0x3FB4];
	_ =	sdelay $0x3  }
0x34: {  	[smem:$0x3FB4] =	sst s10  }
0x35: {  	s10 =	sld [smem:$0x3FB3];
	_ =	sdelay $0x3  }
0x36: {  	p1 =	seq.s32 s10, $0x1;
	s10 =	sld [smem:$0x3FB4];
	_ =	sdelay $0x3  }
0x37: {  	[smem:$0x3FB4] =	sst s10  }
0x38: {  	s10 =	sld [smem:$0x3FB5]  }
0x39: {  	_ = 	snop;
	(pc) =	sbr.ind lr, $3  }
0x3a: {  	_ = 	snop  }
0x3b: {  	_ = 	snop  }
0x3c: {  	p2 =	seq.s32 s10, $0x1;
	s10 =	sld [smem:$0x3FB4]  }
0x3d: {  	_ =	shalt  }
0x3e: {  	_ =	shalt  }
0x3f: {  	_ =	shalt  }
0x40: {  	_ =	shalt  }
0x41: {  	_ =	shalt  }
0x42: {  	_ =	shalt  }
0x43: {  	_ =	shalt  }
0x44: {  	_ =	shalt  }
0x45: {  	_ =	shalt  }
0x46: {  	_ =	shalt  }
0x47: {  	_ =	shalt  }
0x48: {  	_ =	shalt  }
0x49: {  	_ =	shalt  }
0x4a: {  	_ =	shalt  }
0x4b: {  	_ =	shalt  }
0x4c: {  	_ =	shalt  }
0x4d: {  	_ =	shalt  }
0x4e: {  	_ =	shalt  }
0x4f: {  	_ =	shalt  }
0x50: {  	_ =	shalt  }
0x51: {  	_ =	shalt  }
0x52: {  	_ =	shalt  }
0x53: {  	_ =	shalt  }
0x54: {  	_ =	shalt  }
0x55: {  	_ =	shalt  }
0x56: {  	_ =	shalt  }
0x57: {  	_ =	shalt  }
0x58: {  	_ =	shalt  }
0x59: {  	_ =	shalt  }
0x5a: {  	_ =	shalt  }
0x5b: {  	_ =	shalt  }
0x5c: {  	_ =	shalt  }
0x5d: {  	_ =	shalt  }
0x5e: {  	_ =	shalt  }
0x5f: {  	_ =	shalt  }
0x60: {  	_ =	shalt  }
0x61: {  	_ =	shalt  }
0x62: {  	_ =	shalt  }
0x63: {  	_ =	shalt  }
0x64: {  	_ =	shalt  }
0x65: {  	_ =	shalt  }
0x66: {  	_ =	shalt  }
0x67: {  	_ =	shalt  }
0x68: {  	_ =	shalt  }
0x69: {  	_ =	shalt  }
0x6a: {  	_ =	shalt  }
0x6b: {  	_ =	shalt  }
0x6c: {  	_ =	shalt  }
0x6d: {  	_ =	shalt  }
0x6e: {  	_ =	shalt  }
0x6f: {  	_ =	shalt  }
0x70: {  	_ =	shalt  }
0x71: {  	_ =	shalt  }
0x72: {  	_ =	shalt  }
0x73: {  	_ =	shalt  }
0x74: {  	_ =	shalt  }
0x75: {  	_ =	shalt  }
0x76: {  	_ =	shalt  }
0x77: {  	_ =	shalt  }
0x78: {  	_ =	shalt  }
0x79: {  	_ =	shalt  }
0x7a: {  	_ =	shalt  }
0x7b: {  	_ =	shalt  }
0x7c: {  	_ =	shalt  }
0x7d: {  	_ =	shalt  }
0x7e: {  	_ =	shalt  }
0x7f: {  	_ =	shalt  }
0x80: {  	_ =	shalt  }
0x81: {  	_ =	shalt  }
0x82: {  	_ =	shalt  }
0x83: {  	_ =	shalt  }
0x84: {  	_ =	shalt  }
0x85: {  	_ =	shalt  }
0x86: {  	_ =	shalt  }
0x87: {  	_ =	shalt  }
.Lfunc_end0:
.L_simem_size_0:
called_computation.2_lowered:
.L_overlay_start_0:
0x88: {  	s2 =	sld [smem:$0x3FD9]  }
0x89: {  	s3 =	sld [smem:$0x3FFE];
	_ =	sdelay $0x1  }
0x8a: {  	s1 =	srdreg.scid  }
0x8b: {  	s0 =	sand.u32 $0x1, s1  }
0x8c: {  	s16 =	sshll.u32 s0, $0xA;
	s2 =	sadd.s32 s3, s2  }
0x8d: {  	s2 =	sadd.s32 s2, s16  }
0x8e: {  	[smem:$0x3FC0] =	sst s2  }
0x8f: {  	_ = 	snop  }
0x90: {  	(tm) =	ssettm $0x1  }
0x91: {  	s17 =	sld [smem:$0x3FFB];
	_ =	sdelay $0x3  }
0x92: {  	_ =	strace s17  }
0x93: {  	s2 =	sld [smem:$0x3FFC];
	_ =	sdelay $0x3  }
0x94: {  	_ =	strace s2  }
0x95: {  	s2 =	sld [smem:$0x3FFD];
	_ =	sdelay $0x3  }
0x96: {  	_ =	strace s2  }
0x97: {  	_ =	strace $0x8FFFFFFF  }
0x98: {  	s18 =	sld [smem:$0x3FDB];
	_ =	sdelay $0x1  }
0x99: {  	s19 =	simm.s32 $_scs_section_size  }
0x9a: {  	s4 =	simm.s32 $_size__tile_overlayer_lowered;
	s5 =	simm.s32 $_tile_overlayer_lowered  }
0x9b: {  	s22 =	simm.s32 $0x1BFF;
	s21 =	sshll.u32 s5, $0x1;
	s2 =	sadd.s32 s19, s18  }
0x9c: {  	s6 =	simm.s32 $0x0;
	s20 =	sshll.u32 s4, $0x1;
	s4 =	sadd.s32 s21, s2  }
0x9d: {  	[timem:s6], [sflag:s22] =	dma.local [hbm:s4], s20  }
0x9e: {  	_ =	swait.ge [sflag:s22], s20  }
0x9f: {  	s3 =	ssub.s32 $0x0, s20;
	[sflag:s22] =	ssyncset.done $0x0  }
0xa0: {  	[sflag:s22] =	ssyncadd.s32 s3;
	_ =	sdelay $0x1  }
0xa1: {  	s23 =	simm.s32 $0x1B8B  }
0xa2: {  	_ =	swait.ge [sflag:s23], $0x1  }
0xa3: {  	[sflag:s23] =	ssyncset.done $0x0  }
0xa4: {  	s25 =	simm.s32 $0x1B8E;
	s24 =	sld [smem:$0x3FFE];
	[sflag:s23] =	ssyncadd.s32 $0xFFFFFFFF  }
0xa5: {  	s26 =	simm.s32 $execute0_lowered;
	[smem:$0x3FD2] =	sst s25  }
0xa6: {  	s4 =	sshll.u32 s26, $0x1;
	_ =	strace $0x8000004C;
	[dreg:$0x1] =	wrdreg $0xFFFFFFFF  }
0xa7: {  	s28 =	simm.s32 $_size_execute0_lowered;
	s2 =	sadd.s32 s2, s4;
	[dreg:$0x0] =	wrdreg $0x0  }
0xa8: {  	s4 =	sshll.u32 s28, $0x1;
	[dreg:$0x2] =	wrdreg s2  }
0xa9: {  	[dreg:$0x3] =	wrdreg s4  }
0xaa: {  	[dreg:$0x4] =	wrdreg $0xC0  }
0xab: {  	_ =	task [dreg:s6], $0x5FFFF  }
0xac: {  	[dreg:$0x1] =	wrdreg $0xFFFFFFFF  }
0xad: {  	[dreg:$0x0] =	wrdreg $0x60  }
0xae: {  	[dreg:$0x2] =	wrdreg s24  }
0xaf: {  	[dreg:$0x3] =	wrdreg $0x108000  }
0xb0: {  	[dreg:$0x4] =	wrdreg $0x9  }
0xb1: {  	_ =	task.clear_ibuf [dreg:s6], $0x5FFFF;
	_ =	strace $0x9000004C  }
0xb2: {  	s29 =	simm.s32 $0x9;
	_ =	strace $0x8000004E  }
0xb3: {  	_ =	swait.ge [sflag:s29], $0x1  }
0xb4: {  	[sflag:s29] =	ssyncadd.s32 $0xFFFFFFFF  }
0xb5: {  	_ =	strace $0x9000004E  }
0xb6: {  	_ =	sfence  }
0xb7: {  	s30 =	sld [smem:$0x0];
	_ =	sdelay $0x2  }
0xb8: {  	s31 =	sshll.u32 s1, $0xD;
	s1 =	sshrl.u32 s1, $0x2  }
0xb9: {  	s3 =	sand.u32 $0x4000, s31;
	s1 =	sadd.s32 s1, s30  }
0xba: {  	s0 =	sor.u32 s3, s0;
	s1 =	sshll.u32 s1, $0x11  }
0xbb: {  	s0 =	sor.u32 s1, s0  }
0xbc: {  	s0 =	sadd.s32 $0x8F2B, s0  }
0xbd: {  	[sflag:s0] =	ssyncadd.remote.s32 $0x1  }
0xbe: {  	_ =	sfence.sel $0xFFFF  }
0xbf: {  	[dreg:$0x0] =	wrdreg $0xFFFFFFFF;
	(pc) =	sbr.abs _section_cstart, $3  }
0xc0: {  	[dreg:$0x1] =	wrdreg $0xFFFFFFFF  }
0xc1: {  	_ =	task.clear_ibuf [dreg:s6], $0x2FFFF;
	_ =	strace $0x9FFFFFFF  }
0xc2: {  	(tm) =	ssettm $0x7FFFFFFF  }
0xc3: {  	_ =	shalt  }
tec
execute0_lowered:
.L_overlay_start_1:
0x0: {  	(tag) =	ssettag $0x1  }
0x1: {  	s0 =	rddreg [dreg:$0x0]  }
0x2: {  	s2 =	rddreg [dreg:$0x1];
	s3 =	simm.s32 $0x0;
	s14 =	stileid.u32  }
0x3: {  	s1 =	srdreg.scid;
	s15 =	simm.s32 $0x4400;
	s16 =	simm.s32 $0x80  }
0x4: {  	s17 =	simm.s32 $0x8800;
	s18 =	simm.s32 $0xA800;
	s20 =	simm.s32 $0xC800  }
0x5: {  	s29 =	simm.s32 $0x6;
	s31 =	simm.s32 $0x3;
	s28 =	simm.s32 $0x4  }
0x6: {  	s30 =	simm.s32 $0x0;
	[smem:$0x7FF] =	sst s3;
	s5 =	smul.u32 $0x9E00, s14  }
0x7: {  	s1 =	sand.u32 $0x1, s1;
	s4 =	sadd.s32 $0x8CC00, s0;
	s7 =	sadd.s32 $0xC400, s0  }
0x8: {  	s10 =	sadd.s32 $0x2400, s0;
	s21 =	smul.u32 $0xC00, s14;
	s22 =	sshll.u32 s14, $0x6  }
0x9: {  	s23 =	smul.u32 $0x880, s14;
	s14 =	simm.s32 $0x9;
	_ =	strace $0x8000004D  }
0xa: {  	s6 =	smul.u32 $0x9E000, s1;
	s9 =	ssub.s32 $0x2, s1;
	p0 =	seq.s32 s1, $0x1  }
0xb: {  	s1 =	simm.s32 $0x7;
	s8 =	sshrl.u32 s5, $0x3;
	s11 =	sshrl.u32 s9, $0x1  }
0xc: {  	s13 =	sadd.s32 s5, s2;
	s24 =	sshrl.u32 s21, $0x3;
	s25 =	sadd.s32 s7, s23  }
0xd: {  	s6 =	sadd.s32 s5, s6;
	s8 =	sadd.s32 s8, s0;
	s12 =	ssub.s32 s9, s11  }
0xe: {  	[dreg:$0x3] =	wrdreg s25;
	s26 =	sadd.s32 $0x8800, s24;
	s13 =	sshrl.u32 s13, $0x3  }
.Ltmp0:
0xf: {  	s24 =	simm.s32 $0x5;
	s6 =	sshrl.u32 s6, $0x3;
	(pc) =	sbr.rel .LBB2_1-.Ltmp0, $4  }
0x10: {  	s5 =	sadd.s32 $0xA0800, s8;
	s8 =	sadd.s32 s10, s23;
	s9 =	sadd.s32 s7, s26  }
0x11: {  	s10 =	sadd.s32 s10, s26;
	s12 =	smax.u32 s12, $0x1;
	s23 =	simm.s32 $0x1  }
0x12: {  	s26 =	simm.s32 $0x2;
	s0 =	sadd.s32 s6, s0;
	s6 =	sor.u32 $0x1C09, s22  }
0x13: {  	s22 =	simm.s32 $0xE800;
	s11 =	sadd.s32 $0xB4400, s0;
	s0 =	simm.s32 $0x8  }
.LBB2_5:
0x14: {  	[tilespmem:s3], [sflag:$0x9] =	stream.linear.gather [hbm4b:s9+s3], $0xC00, $0x38;
	[tilespmem:$0x1A600] =	vst v63  }
0x15: {  	_ =	swait.ge [sflag:s14], $0xC00  }
0x16: {  	[sflag:s14] =	ssyncset.done $0x0  }
0x17: {  	[sflag:s14] =	ssyncadd.s32 $0xFFFFF400  }
0x18: {  	[tilespmem:s15], [sflag:$0x9] =	stream.linear.gather [hbm4b:s10+s3], $0xC00, $0x38;
	[tilespmem:$0x1A600] =	vst v63  }
0x19: {  	_ =	swait.ge [sflag:s14], $0xC00  }
0x1a: {  	[sflag:s14] =	ssyncset.done $0x0  }
0x1b: {  	[sflag:s14] =	ssyncadd.s32 $0xFFFFF400  }
0x1c: {  	[bflag:$0x0] =	sbarrier.arrive $0xFFFF  }
0x1d: {  	[tilespmem:s17], [sflag:$0x1] =	stream.indirect.gather [hbm4b:s4+s16], $0x40, s3, s16, $0xb8;
	[tilespmem:$0x1A600] =	vst v63  }
0x1e: {  	_ = 	snop  }
0x1f: {  	[tilespmem:s18], [sflag:$0x2] =	stream.indirect.gather [hbm4b:s4+s16], $0x40, s16, s16, $0xb8;
	[tilespmem:$0x1A600] =	vst v63  }
0x20: {  	s7 =	simm.s32 $0x100  }
0x21: {  	[tilespmem:s20], [sflag:$0x3] =	stream.indirect.gather [hbm4b:s4+s16], $0x40, s7, s16, $0xb8;
	[tilespmem:$0x1A600] =	vst v63  }
0x22: {  	s25 =	simm.s32 $0x180  }
0x23: {  	[tilespmem:s22], [sflag:$0x4] =	stream.indirect.gather [hbm4b:s4+s16], $0x40, s25, s16, $0xb8;
	[tilespmem:$0x1A600] =	vst v63  }
0x24: {  	_ =	swait.ge [sflag:s23], $0x2000  }
0x25: {  	[sflag:s23] =	ssyncset.done $0x0  }
0x26: {  	[sflag:s23] =	ssyncadd.s32 $0xFFFFE000  }
0x27: {  	[spmem:s2] =	stream.indirect.scatter.add.f32 [tilespmem:s17], [sflag:$0x5], $0x40, s15, s16, $0xb8;
	[tilespmem:$0x1A600] =	vst v63  }
0x28: {  	_ =	swait.ge [sflag:s24], $0x2000  }
0x29: {  	[sflag:s24] =	ssyncset.done $0x0  }
0x2a: {  	s19 =	simm.s32 $0x200;
	[sflag:s24] =	ssyncadd.s32 $0xFFFFE000  }
0x2b: {  	[tilespmem:s17], [sflag:$0x1] =	stream.indirect.gather [hbm4b:s4+s16], $0x40, s19, s16, $0xb8;
	[tilespmem:$0x1A600] =	vst v63  }
0x2c: {  	_ =	swait.ge [sflag:s26], $0x2000  }
0x2d: {  	[sflag:s26] =	ssyncset.done $0x0  }
0x2e: {  	s21 =	simm.s32 $0x4480;
	[sflag:s26] =	ssyncadd.s32 $0xFFFFE000  }
0x2f: {  	[spmem:s2] =	stream.indirect.scatter.add.f32 [tilespmem:s18], [sflag:$0x6], $0x40, s21, s16, $0xb8;
	[tilespmem:$0x1A600] =	vst v63  }
0x30: {  	_ =	swait.ge [sflag:s29], $0x2000  }
0x31: {  	[sflag:s29] =	ssyncset.done $0x0  }
0x32: {  	s25 =	simm.s32 $0x280;
	[sflag:s29] =	ssyncadd.s32 $0xFFFFE000  }
0x33: {  	[tilespmem:s18], [sflag:$0x2] =	stream.indirect.gather [hbm4b:s4+s16], $0x40, s25, s16, $0xb8;
	[tilespmem:$0x1A600] =	vst v63  }
0x34: {  	_ =	swait.ge [sflag:s31], $0x2000  }
0x35: {  	[sflag:s31] =	ssyncset.done $0x0  }
0x36: {  	s19 =	simm.s32 $0x4500;
	[sflag:s31] =	ssyncadd.s32 $0xFFFFE000  }
0x37: {  	[spmem:s2] =	stream.indirect.scatter.add.f32 [tilespmem:s20], [sflag:$0x7], $0x40, s19, s16, $0xb8;
	[tilespmem:$0x1A600] =	vst v63  }
0x38: {  	_ =	swait.ge [sflag:s1], $0x2000  }
0x39: {  	[sflag:s1] =	ssyncset.done $0x0  }
0x3a: {  	s21 =	simm.s32 $0x300;
	[sflag:s1] =	ssyncadd.s32 $0xFFFFE000  }
0x3b: {  	[tilespmem:s20], [sflag:$0x3] =	stream.indirect.gather [hbm4b:s4+s16], $0x40, s21, s16, $0xb8;
	[tilespmem:$0x1A600] =	vst v63  }
0x3c: {  	_ =	swait.ge [sflag:s28], $0x2000  }
0x3d: {  	[sflag:s28] =	ssyncset.done $0x0  }
0x3e: {  	s25 =	simm.s32 $0x4580;
	[sflag:s28] =	ssyncadd.s32 $0xFFFFE000  }
0x3f: {  	[spmem:s2] =	stream.indirect.scatter.add.f32 [tilespmem:s22], [sflag:$0x8], $0x40, s25, s16, $0xb8;
	[tilespmem:$0x1A600] =	vst v63  }
0x40: {  	_ =	swait.ge [sflag:s0], $0x2000  }
0x41: {  	[sflag:s0] =	ssyncset.done $0x0  }
0x42: {  	s19 =	simm.s32 $0x380;
	[sflag:s0] =	ssyncadd.s32 $0xFFFFE000  }
0x43: {  	[tilespmem:s22], [sflag:$0x4] =	stream.indirect.gather [hbm4b:s4+s16], $0x40, s19, s16, $0xb8;
	[tilespmem:$0x1A600] =	vst v63  }
0x44: {  	_ =	swait.ge [sflag:s23], $0x2000  }
0x45: {  	[sflag:s23] =	ssyncset.done $0x0  }
0x46: {  	s21 =	simm.s32 $0x4600;
	[sflag:s23] =	ssyncadd.s32 $0xFFFFE000  }
0x47: {  	[spmem:s2] =	stream.indirect.scatter.add.f32 [tilespmem:s17], [sflag:$0x5], $0x40, s21, s16, $0xb8;
	[tilespmem:$0x1A600] =	vst v63  }
0x48: {  	_ =	swait.ge [sflag:s24], $0x2000  }
0x49: {  	[sflag:s24] =	ssyncset.done $0x0  }
0x4a: {  	s25 =	simm.s32 $0x400;
	[sflag:s24] =	ssyncadd.s32 $0xFFFFE000  }
0x4b: {  	[tilespmem:s17], [sflag:$0x1] =	stream.indirect.gather [hbm4b:s4+s16], $0x40, s25, s16, $0xb8;
	[tilespmem:$0x1A600] =	vst v63  }
0x4c: {  	_ =	swait.ge [sflag:s26], $0x2000  }
0x4d: {  	[sflag:s26] =	ssyncset.done $0x0  }
0x4e: {  	s19 =	simm.s32 $0x4680;
	[sflag:s26] =	ssyncadd.s32 $0xFFFFE000  }
0x4f: {  	[spmem:s2] =	stream.indirect.scatter.add.f32 [tilespmem:s18], [sflag:$0x6], $0x40, s19, s16, $0xb8;
	[tilespmem:$0x1A600] =	vst v63  }
0x50: {  	_ =	swait.ge [sflag:s29], $0x2000  }
0x51: {  	[sflag:s29] =	ssyncset.done $0x0  }
0x52: {  	s21 =	simm.s32 $0x480;
	[sflag:s29] =	ssyncadd.s32 $0xFFFFE000  }
0x53: {  	[tilespmem:s18], [sflag:$0x2] =	stream.indirect.gather [hbm4b:s4+s16], $0x40, s21, s16, $0xb8;
	[tilespmem:$0x1A600] =	vst v63  }
0x54: {  	_ =	swait.ge [sflag:s31], $0x2000  }
0x55: {  	[sflag:s31] =	ssyncset.done $0x0  }
0x56: {  	s25 =	simm.s32 $0x4700;
	[sflag:s31] =	ssyncadd.s32 $0xFFFFE000  }
0x57: {  	[spmem:s2] =	stream.indirect.scatter.add.f32 [tilespmem:s20], [sflag:$0x7], $0x40, s25, s16, $0xb8;
	[tilespmem:$0x1A600] =	vst v63  }
0x58: {  	_ =	swait.ge [sflag:s1], $0x2000  }
0x59: {  	[sflag:s1] =	ssyncset.done $0x0  }
0x5a: {  	s19 =	simm.s32 $0x500;
	[sflag:s1] =	ssyncadd.s32 $0xFFFFE000  }
0x5b: {  	[tilespmem:s20], [sflag:$0x3] =	stream.indirect.gather [hbm4b:s4+s16], $0x40, s19, s16, $0xb8;
	[tilespmem:$0x1A600] =	vst v63  }
0x5c: {  	_ =	swait.ge [sflag:s28], $0x2000  }
0x5d: {  	[sflag:s28] =	ssyncset.done $0x0  }
0x5e: {  	s21 =	simm.s32 $0x4780;
	[sflag:s28] =	ssyncadd.s32 $0xFFFFE000  }
0x5f: {  	[spmem:s2] =	stream.indirect.scatter.add.f32 [tilespmem:s22], [sflag:$0x8], $0x40, s21, s16, $0xb8;
	[tilespmem:$0x1A600] =	vst v63  }
0x60: {  	_ =	swait.ge [sflag:s0], $0x2000  }
0x61: {  	[sflag:s0] =	ssyncset.done $0x0  }
0x62: {  	s25 =	simm.s32 $0x580;
	[sflag:s0] =	ssyncadd.s32 $0xFFFFE000  }
0x63: {  	[tilespmem:s22], [sflag:$0x4] =	stream.indirect.gather [hbm4b:s4+s16], $0x40, s25, s16, $0xb8;
	[tilespmem:$0x1A600] =	vst v63  }
0x64: {  	_ =	swait.ge [sflag:s23], $0x2000  }
0x65: {  	[sflag:s23] =	ssyncset.done $0x0  }
0x66: {  	s19 =	simm.s32 $0x4800;
	[sflag:s23] =	ssyncadd.s32 $0xFFFFE000  }
0x67: {  	[spmem:s2] =	stream.indirect.scatter.add.f32 [tilespmem:s17], [sflag:$0x5], $0x40, s19, s16, $0xb8;
	[tilespmem:$0x1A600] =	vst v63  }
0x68: {  	_ =	swait.ge [sflag:s24], $0x2000  }
0x69: {  	[sflag:s24] =	ssyncset.done $0x0  }
0x6a: {  	s21 =	simm.s32 $0x600;
	[sflag:s24] =	ssyncadd.s32 $0xFFFFE000  }
0x6b: {  	[tilespmem:s17], [sflag:$0x1] =	stream.indirect.gather [hbm4b:s4+s16], $0x40, s21, s16, $0xb8;
	[tilespmem:$0x1A600] =	vst v63  }
0x6c: {  	_ =	swait.ge [sflag:s26], $0x2000  }
0x6d: {  	[sflag:s26] =	ssyncset.done $0x0  }
0x6e: {  	s25 =	simm.s32 $0x4880;
	[sflag:s26] =	ssyncadd.s32 $0xFFFFE000  }
0x6f: {  	[spmem:s2] =	stream.indirect.scatter.add.f32 [tilespmem:s18], [sflag:$0x6], $0x40, s25, s16, $0xb8;
	[tilespmem:$0x1A600] =	vst v63  }
0x70: {  	_ =	swait.ge [sflag:s29], $0x2000  }
0x71: {  	[sflag:s29] =	ssyncset.done $0x0  }
0x72: {  	s19 =	simm.s32 $0x680;
	[sflag:s29] =	ssyncadd.s32 $0xFFFFE000  }
0x73: {  	[tilespmem:s18], [sflag:$0x2] =	stream.indirect.gather [hbm4b:s4+s16], $0x40, s19, s16, $0xb8;
	[tilespmem:$0x1A600] =	vst v63  }
0x74: {  	_ =	swait.ge [sflag:s31], $0x2000  }
0x75: {  	[sflag:s31] =	ssyncset.done $0x0  }
0x76: {  	s21 =	simm.s32 $0x4900;
	[sflag:s31] =	ssyncadd.s32 $0xFFFFE000  }
0x77: {  	[spmem:s2] =	stream.indirect.scatter.add.f32 [tilespmem:s20], [sflag:$0x7], $0x40, s21, s16, $0xb8;
	[tilespmem:$0x1A600] =	vst v63  }
0x78: {  	_ =	swait.ge [sflag:s1], $0x2000  }
0x79: {  	[sflag:s1] =	ssyncset.done $0x0  }
0x7a: {  	s25 =	simm.s32 $0x700;
	[sflag:s1] =	ssyncadd.s32 $0xFFFFE000  }
0x7b: {  	[tilespmem:s20], [sflag:$0x3] =	stream.indirect.gather [hbm4b:s4+s16], $0x40, s25, s16, $0xb8;
	[tilespmem:$0x1A600] =	vst v63  }
0x7c: {  	_ =	swait.ge [sflag:s28], $0x2000  }
0x7d: {  	[sflag:s28] =	ssyncset.done $0x0  }
0x7e: {  	s19 =	simm.s32 $0x4980;
	[sflag:s28] =	ssyncadd.s32 $0xFFFFE000  }
0x7f: {  	[spmem:s2] =	stream.indirect.scatter.add.f32 [tilespmem:s22], [sflag:$0x8], $0x40, s19, s16, $0xb8;
	[tilespmem:$0x1A600] =	vst v63  }
0x80: {  	_ =	swait.ge [sflag:s0], $0x2000  }
0x81: {  	[sflag:s0] =	ssyncset.done $0x0  }
0x82: {  	s21 =	simm.s32 $0x780;
	[sflag:s0] =	ssyncadd.s32 $0xFFFFE000  }
0x83: {  	[tilespmem:s22], [sflag:$0x4] =	stream.indirect.gather [hbm4b:s4+s16], $0x40, s21, s16, $0xb8;
	[tilespmem:$0x1A600] =	vst v63  }
0x84: {  	_ =	swait.ge [sflag:s23], $0x2000  }
0x85: {  	[sflag:s23] =	ssyncset.done $0x0  }
0x86: {  	s25 =	simm.s32 $0x4A00;
	[sflag:s23] =	ssyncadd.s32 $0xFFFFE000  }
0x87: {  	[spmem:s2] =	stream.indirect.scatter.add.f32 [tilespmem:s17], [sflag:$0x5], $0x40, s25, s16, $0xb8;
	[tilespmem:$0x1A600] =	vst v63  }
0x88: {  	_ =	swait.ge [sflag:s24], $0x2000  }
0x89: {  	[sflag:s24] =	ssyncset.done $0x0  }
0x8a: {  	s19 =	simm.s32 $0x800;
	[sflag:s24] =	ssyncadd.s32 $0xFFFFE000  }
0x8b: {  	[tilespmem:s17], [sflag:$0x1] =	stream.indirect.gather [hbm4b:s4+s16], $0x40, s19, s16, $0xb8;
	[tilespmem:$0x1A600] =	vst v63  }
0x8c: {  	_ =	swait.ge [sflag:s26], $0x2000  }
0x8d: {  	[sflag:s26] =	ssyncset.done $0x0  }
0x8e: {  	s21 =	simm.s32 $0x4A80;
	[sflag:s26] =	ssyncadd.s32 $0xFFFFE000  }
0x8f: {  	[spmem:s2] =	stream.indirect.scatter.add.f32 [tilespmem:s18], [sflag:$0x6], $0x40, s21, s16, $0xb8;
	[tilespmem:$0x1A600] =	vst v63  }
0x90: {  	_ =	swait.ge [sflag:s29], $0x2000  }
0x91: {  	[sflag:s29] =	ssyncset.done $0x0  }
0x92: {  	s25 =	simm.s32 $0x880;
	[sflag:s29] =	ssyncadd.s32 $0xFFFFE000  }
0x93: {  	[tilespmem:s18], [sflag:$0x2] =	stream.indirect.gather [hbm4b:s4+s16], $0x40, s25, s16, $0xb8;
	[tilespmem:$0x1A600] =	vst v63  }
0x94: {  	_ =	swait.ge [sflag:s31], $0x2000  }
0x95: {  	[sflag:s31] =	ssyncset.done $0x0  }
0x96: {  	s19 =	simm.s32 $0x4B00;
	[sflag:s31] =	ssyncadd.s32 $0xFFFFE000  }
0x97: {  	[spmem:s2] =	stream.indirect.scatter.add.f32 [tilespmem:s20], [sflag:$0x7], $0x40, s19, s16, $0xb8;
	[tilespmem:$0x1A600] =	vst v63  }
0x98: {  	_ =	swait.ge [sflag:s1], $0x2000  }
0x99: {  	[sflag:s1] =	ssyncset.done $0x0  }
0x9a: {  	s21 =	simm.s32 $0x900;
	[sflag:s1] =	ssyncadd.s32 $0xFFFFE000  }
0x9b: {  	[tilespmem:s20], [sflag:$0x3] =	stream.indirect.gather [hbm4b:s4+s16], $0x40, s21, s16, $0xb8;
	[tilespmem:$0x1A600] =	vst v63  }
0x9c: {  	_ =	swait.ge [sflag:s28], $0x2000  }
0x9d: {  	[sflag:s28] =	ssyncset.done $0x0  }
0x9e: {  	s25 =	simm.s32 $0x4B80;
	[sflag:s28] =	ssyncadd.s32 $0xFFFFE000  }
0x9f: {  	[spmem:s2] =	stream.indirect.scatter.add.f32 [tilespmem:s22], [sflag:$0x8], $0x40, s25, s16, $0xb8;
	[tilespmem:$0x1A600] =	vst v63  }
0xa0: {  	_ =	swait.ge [sflag:s0], $0x2000  }
0xa1: {  	[sflag:s0] =	ssyncset.done $0x0  }
0xa2: {  	s19 =	simm.s32 $0x980;
	[sflag:s0] =	ssyncadd.s32 $0xFFFFE000  }
0xa3: {  	[tilespmem:s22], [sflag:$0x4] =	stream.indirect.gather [hbm4b:s4+s16], $0x40, s19, s16, $0xb8;
	[tilespmem:$0x1A600] =	vst v63  }
0xa4: {  	_ =	swait.ge [sflag:s23], $0x2000  }
0xa5: {  	[sflag:s23] =	ssyncset.done $0x0  }
0xa6: {  	s21 =	simm.s32 $0x4C00;
	[sflag:s23] =	ssyncadd.s32 $0xFFFFE000  }
0xa7: {  	[spmem:s2] =	stream.indirect.scatter.add.f32 [tilespmem:s17], [sflag:$0x5], $0x40, s21, s16, $0xb8;
	[tilespmem:$0x1A600] =	vst v63  }
0xa8: {  	_ =	swait.ge [sflag:s24], $0x2000  }
0xa9: {  	[sflag:s24] =	ssyncset.done $0x0  }
0xaa: {  	s25 =	simm.s32 $0xA00;
	[sflag:s24] =	ssyncadd.s32 $0xFFFFE000  }
0xab: {  	[tilespmem:s17], [sflag:$0x1] =	stream.indirect.gather [hbm4b:s4+s16], $0x40, s25, s16, $0xb8;
	[tilespmem:$0x1A600] =	vst v63  }
0xac: {  	_ =	swait.ge [sflag:s26], $0x2000  }
0xad: {  	[sflag:s26] =	ssyncset.done $0x0  }
0xae: {  	s19 =	simm.s32 $0x4C80;
	[sflag:s26] =	ssyncadd.s32 $0xFFFFE000  }
0xaf: {  	[spmem:s2] =	stream.indirect.scatter.add.f32 [tilespmem:s18], [sflag:$0x6], $0x40, s19, s16, $0xb8;
	[tilespmem:$0x1A600] =	vst v63  }
0xb0: {  	_ =	swait.ge [sflag:s29], $0x2000  }
0xb1: {  	[sflag:s29] =	ssyncset.done $0x0  }
0xb2: {  	s21 =	simm.s32 $0xA80;
	[sflag:s29] =	ssyncadd.s32 $0xFFFFE000  }
0xb3: {  	[tilespmem:s18], [sflag:$0x2] =	stream.indirect.gather [hbm4b:s4+s16], $0x40, s21, s16, $0xb8;
	[tilespmem:$0x1A600] =	vst v63  }
0xb4: {  	_ =	swait.ge [sflag:s31], $0x2000  }
0xb5: {  	[sflag:s31] =	ssyncset.done $0x0  }
0xb6: {  	s25 =	simm.s32 $0x4D00;
	[sflag:s31] =	ssyncadd.s32 $0xFFFFE000  }
0xb7: {  	[spmem:s2] =	stream.indirect.scatter.add.f32 [tilespmem:s20], [sflag:$0x7], $0x40, s25, s16, $0xb8;
	[tilespmem:$0x1A600] =	vst v63  }
0xb8: {  	_ =	swait.ge [sflag:s1], $0x2000  }
0xb9: {  	[sflag:s1] =	ssyncset.done $0x0  }
0xba: {  	s19 =	simm.s32 $0xB00;
	[sflag:s1] =	ssyncadd.s32 $0xFFFFE000  }
0xbb: {  	[tilespmem:s20], [sflag:$0x3] =	stream.indirect.gather [hbm4b:s4+s16], $0x40, s19, s16, $0xb8;
	[tilespmem:$0x1A600] =	vst v63  }
0xbc: {  	_ =	swait.ge [sflag:s28], $0x2000  }
0xbd: {  	[sflag:s28] =	ssyncset.done $0x0  }
0xbe: {  	s21 =	simm.s32 $0x4D80;
	[sflag:s28] =	ssyncadd.s32 $0xFFFFE000  }
0xbf: {  	[spmem:s2] =	stream.indirect.scatter.add.f32 [tilespmem:s22], [sflag:$0x8], $0x40, s21, s16, $0xb8;
	[tilespmem:$0x1A600] =	vst v63  }
0xc0: {  	_ =	swait.ge [sflag:s0], $0x2000  }
0xc1: {  	[sflag:s0] =	ssyncset.done $0x0  }
0xc2: {  	s7 =	simm.s32 $0x4E80;
	s25 =	simm.s32 $0xB80;
	[sflag:s0] =	ssyncadd.s32 $0xFFFFE000  }
0xc3: {  	[tilespmem:s22], [sflag:$0x4] =	stream.indirect.gather [hbm4b:s4+s16], $0x40, s25, s16, $0xb8;
	[tilespmem:$0x1A600] =	vst v63  }
0xc4: {  	s19 =	simm.s32 $0x4F80;
	s21 =	simm.s32 $0x4E00;
	s25 =	simm.s32 $0x4F00  }
.LBB2_6:
0xc5: {  	_ =	swait.ge [sflag:s23], $0x2000  }
0xc6: {  	[sflag:s23] =	ssyncset.done $0x0  }
0xc7: {  	[sflag:s23] =	ssyncadd.s32 $0xFFFFE000  }
0xc8: {  	[spmem:s2] =	stream.indirect.scatter.add.f32 [tilespmem:s17], [sflag:$0x5], $0x40, s21, s16, $0xb8;
	[tilespmem:$0x1A600] =	vst v63  }
0xc9: {  	_ =	swait.ge [sflag:s26], $0x2000  }
0xca: {  	[sflag:s26] =	ssyncset.done $0x0  }
0xcb: {  	[sflag:s26] =	ssyncadd.s32 $0xFFFFE000  }
0xcc: {  	[spmem:s2] =	stream.indirect.scatter.add.f32 [tilespmem:s18], [sflag:$0x6], $0x40, s7, s16, $0xb8;
	[tilespmem:$0x1A600] =	vst v63  }
0xcd: {  	_ =	swait.ge [sflag:s31], $0x2000  }
0xce: {  	[sflag:s31] =	ssyncset.done $0x0  }
0xcf: {  	[sflag:s31] =	ssyncadd.s32 $0xFFFFE000  }
0xd0: {  	[spmem:s2] =	stream.indirect.scatter.add.f32 [tilespmem:s20], [sflag:$0x7], $0x40, s25, s16, $0xb8;
	[tilespmem:$0x1A600] =	vst v63  }
0xd1: {  	_ =	swait.ge [sflag:s28], $0x2000  }
0xd2: {  	[sflag:s28] =	ssyncset.done $0x0  }
0xd3: {  	[sflag:s28] =	ssyncadd.s32 $0xFFFFE000  }
0xd4: {  	[spmem:s2] =	stream.indirect.scatter.add.f32 [tilespmem:s22], [sflag:$0x8], $0x40, s19, s16, $0xb8;
	[tilespmem:$0x1A600] =	vst v63  }
0xd5: {  	_ =	swait.ge [sflag:s24], $0x2000  }
0xd6: {  	[sflag:s24] =	ssyncset.done $0x0  }
0xd7: {  	[sflag:s24] =	ssyncadd.s32 $0xFFFFE000  }
0xd8: {  	_ =	swait.ge [sflag:s29], $0x2000  }
0xd9: {  	[sflag:s29] =	ssyncset.done $0x0  }
0xda: {  	[sflag:s29] =	ssyncadd.s32 $0xFFFFE000  }
0xdb: {  	_ =	swait.ge [sflag:s1], $0x2000  }
0xdc: {  	[sflag:s1] =	ssyncset.done $0x0  }
0xdd: {  	[sflag:s1] =	ssyncadd.s32 $0xFFFFE000  }
0xde: {  	_ =	swait.ge [sflag:s0], $0x2000  }
0xdf: {  	s30 =	sadd.s32 $0x1, s30;
	[sflag:s0] =	ssyncset.done $0x0  }
0xe0: {  	p1 =	sne.s32 s30, s12;
	[sflag:s0] =	ssyncadd.s32 $0xFFFFE000  }
.Ltmp1:
0xe1: {  	[bflag:$0x0] =	sbarrier.arrive $0xFFFF;
	(pc) =	sbr.rel @!p1 .LBB2_7-.Ltmp1, $4  }
0xe2: {  	[hbm:s11], [sflag:s6] =	dma.local [spmem:s13], $0x13C0  }
0xe3: {  	_ =	swait.ge [sflag:s14], $0x13C0  }
0xe4: {  	[sflag:s14] =	ssyncset.done $0x0  }
0xe5: {  	[sflag:s14] =	ssyncadd.s32 $0xFFFFEC40  }
.LBB2_1:
.Ltmp2:
0xe6: {  	(pc) =	sbr.rel @p0 .LBB2_5-.Ltmp2, $4  }
0xe7: {  	[spmem:s13], [sflag:s6] =	dma.local [hbm:s5], $0x13C0  }
0xe8: {  	_ =	swait.ge [sflag:s14], $0x13C0  }
0xe9: {  	[sflag:s14] =	ssyncset.done $0x0  }
0xea: {  	[sflag:s14] =	ssyncadd.s32 $0xFFFFEC40  }
0xeb: {  	s7 =	simm.s32 $0x0;
	s19 =	rddreg [dreg:$0x3]  }
0xec: {  	[tilespmem:s7], [sflag:$0x9] =	stream.linear.gather [hbm4b:s19+s7], $0x4400, $0x38;
	[tilespmem:$0x1A600] =	vst v63  }
0xed: {  	_ =	swait.ge [sflag:s14], $0x4400  }
0xee: {  	[sflag:s14] =	ssyncset.done $0x0  }
0xef: {  	[sflag:s14] =	ssyncadd.s32 $0xFFFFBC00  }
0xf0: {  	[tilespmem:s15], [sflag:$0x9] =	stream.linear.gather [hbm4b:s8+s7], $0x4400, $0x38;
	[tilespmem:$0x1A600] =	vst v63  }
0xf1: {  	_ =	swait.ge [sflag:s14], $0x4400  }
0xf2: {  	[sflag:s14] =	ssyncset.done $0x0  }
0xf3: {  	[sflag:s14] =	ssyncadd.s32 $0xFFFFBC00  }
0xf4: {  	[bflag:$0x0] =	sbarrier.arrive $0xFFFF  }
0xf5: {  	[tilespmem:s17], [sflag:$0x1] =	stream.indirect.gather [hbm4b:s4+s16], $0x40, s7, s16, $0xb8;
	[tilespmem:$0x1A600] =	vst v63  }
0xf6: {  	_ = 	snop  }
0xf7: {  	[tilespmem:s18], [sflag:$0x2] =	stream.indirect.gather [hbm4b:s4+s16], $0x40, s16, s16, $0xb8;
	[tilespmem:$0x1A600] =	vst v63  }
0xf8: {  	s19 =	simm.s32 $0x100  }
0xf9: {  	[tilespmem:s20], [sflag:$0x3] =	stream.indirect.gather [hbm4b:s4+s16], $0x40, s19, s16, $0xb8;
	[tilespmem:$0x1A600] =	vst v63  }
0xfa: {  	s21 =	simm.s32 $0x180  }
0xfb: {  	[tilespmem:s22], [sflag:$0x4] =	stream.indirect.gather [hbm4b:s4+s16], $0x40, s21, s16, $0xb8;
	[tilespmem:$0x1A600] =	vst v63  }
0xfc: {  	_ =	swait.ge [sflag:s23], $0x2000  }
0xfd: {  	[sflag:s23] =	ssyncset.done $0x0  }
0xfe: {  	s25 =	simm.s32 $0x4400;
	[sflag:s23] =	ssyncadd.s32 $0xFFFFE000  }
0xff: {  	[spmem:s2] =	stream.indirect.scatter.add.f32 [tilespmem:s17], [sflag:$0x5], $0x40, s25, s16, $0xb8;
	[tilespmem:$0x1A600] =	vst v63  }
0x100: {  	_ =	swait.ge [sflag:s24], $0x2000  }
0x101: {  	[sflag:s24] =	ssyncset.done $0x0  }
0x102: {  	s19 =	simm.s32 $0x200;
	[sflag:s24] =	ssyncadd.s32 $0xFFFFE000  }
0x103: {  	[tilespmem:s17], [sflag:$0x1] =	stream.indirect.gather [hbm4b:s4+s16], $0x40, s19, s16, $0xb8;
	[tilespmem:$0x1A600] =	vst v63  }
0x104: {  	_ =	swait.ge [sflag:s26], $0x2000  }
0x105: {  	[sflag:s26] =	ssyncset.done $0x0  }
0x106: {  	s21 =	simm.s32 $0x4480;
	[sflag:s26] =	ssyncadd.s32 $0xFFFFE000  }
0x107: {  	[spmem:s2] =	stream.indirect.scatter.add.f32 [tilespmem:s18], [sflag:$0x6], $0x40, s21, s16, $0xb8;
	[tilespmem:$0x1A600] =	vst v63  }
0x108: {  	_ =	swait.ge [sflag:s29], $0x2000  }
0x109: {  	[sflag:s29] =	ssyncset.done $0x0  }
0x10a: {  	s25 =	simm.s32 $0x280;
	[sflag:s29] =	ssyncadd.s32 $0xFFFFE000  }
0x10b: {  	[tilespmem:s18], [sflag:$0x2] =	stream.indirect.gather [hbm4b:s4+s16], $0x40, s25, s16, $0xb8;
	[tilespmem:$0x1A600] =	vst v63  }
0x10c: {  	_ =	swait.ge [sflag:s31], $0x2000  }
0x10d: {  	[sflag:s31] =	ssyncset.done $0x0  }
0x10e: {  	s19 =	simm.s32 $0x4500;
	[sflag:s31] =	ssyncadd.s32 $0xFFFFE000  }
0x10f: {  	[spmem:s2] =	stream.indirect.scatter.add.f32 [tilespmem:s20], [sflag:$0x7], $0x40, s19, s16, $0xb8;
	[tilespmem:$0x1A600] =	vst v63  }
0x110: {  	_ =	swait.ge [sflag:s1], $0x2000  }
0x111: {  	[sflag:s1] =	ssyncset.done $0x0  }
0x112: {  	s21 =	simm.s32 $0x300;
	[sflag:s1] =	ssyncadd.s32 $0xFFFFE000  }
0x113: {  	[tilespmem:s20], [sflag:$0x3] =	stream.indirect.gather [hbm4b:s4+s16], $0x40, s21, s16, $0xb8;
	[tilespmem:$0x1A600] =	vst v63  }
0x114: {  	_ =	swait.ge [sflag:s28], $0x2000  }
0x115: {  	p1 =	por $0x0, $0x0;
	[sflag:s28] =	ssyncset.done $0x0  }
.Ltmp3:
0x116: {  	s25 =	simm.s32 $0x4580;
	[sflag:s28] =	ssyncadd.s32 $0xFFFFE000;
	(pc) =	sbr.rel @p1 .LBB2_4-.Ltmp3, $4  }
0x117: {  	[spmem:s2] =	stream.indirect.scatter.add.f32 [tilespmem:s22], [sflag:$0x8], $0x40, s25, s16, $0xb8;
	[tilespmem:$0x1A600] =	vst v63  }
0x118: {  	_ =	swait.ge [sflag:s0], $0x2000  }
0x119: {  	[sflag:s0] =	ssyncset.done $0x0  }
0x11a: {  	s7 =	simm.s32 $0x380;
	s25 =	simm.s32 $0x800;
	[sflag:s0] =	ssyncadd.s32 $0xFFFFE000  }
.LBB2_3:
0x11b: {  	[tilespmem:s22], [sflag:$0x4] =	stream.indirect.gather [hbm4b:s4+s16], $0x40, s7, s16, $0xb8;
	[tilespmem:$0x1A600] =	vst v63  }
0x11c: {  	s7 =	smov.u32 s25  }
0x11d: {  	p1 =	seq.s32 s25, $0x10000;
	s25 =	sadd.s32 $0x800, s25;
	_ =	swait.ge [sflag:s23], $0x2000  }
0x11e: {  	s19 =	sshra.s32 s7, $0x2;
	[sflag:s23] =	ssyncset.done $0x0  }
0x11f: {  	s7 =	sadd.s32 $0x4400, s19;
	[sflag:s23] =	ssyncadd.s32 $0xFFFFE000  }
0x120: {  	[spmem:s2] =	stream.indirect.scatter.add.f32 [tilespmem:s17], [sflag:$0x5], $0x40, s7, s16, $0xb8;
	[tilespmem:$0x1A600] =	vst v63  }
0x121: {  	_ =	swait.ge [sflag:s24], $0x2000  }
0x122: {  	[sflag:s24] =	ssyncset.done $0x0  }
0x123: {  	s7 =	sadd.s32 $0x200, s19;
	[sflag:s24] =	ssyncadd.s32 $0xFFFFE000  }
0x124: {  	[tilespmem:s17], [sflag:$0x1] =	stream.indirect.gather [hbm4b:s4+s16], $0x40, s7, s16, $0xb8;
	[tilespmem:$0x1A600] =	vst v63  }
0x125: {  	_ =	swait.ge [sflag:s26], $0x2000  }
0x126: {  	[sflag:s26] =	ssyncset.done $0x0  }
0x127: {  	s7 =	sadd.s32 $0x4480, s19;
	[sflag:s26] =	ssyncadd.s32 $0xFFFFE000  }
0x128: {  	[spmem:s2] =	stream.indirect.scatter.add.f32 [tilespmem:s18], [sflag:$0x6], $0x40, s7, s16, $0xb8;
	[tilespmem:$0x1A600] =	vst v63  }
0x129: {  	_ =	swait.ge [sflag:s29], $0x2000  }
0x12a: {  	[sflag:s29] =	ssyncset.done $0x0  }
0x12b: {  	s7 =	sadd.s32 $0x280, s19;
	[sflag:s29] =	ssyncadd.s32 $0xFFFFE000  }
0x12c: {  	[tilespmem:s18], [sflag:$0x2] =	stream.indirect.gather [hbm4b:s4+s16], $0x40, s7, s16, $0xb8;
	[tilespmem:$0x1A600] =	vst v63  }
0x12d: {  	_ =	swait.ge [sflag:s31], $0x2000  }
0x12e: {  	[sflag:s31] =	ssyncset.done $0x0  }
0x12f: {  	s7 =	sadd.s32 $0x4500, s19;
	[sflag:s31] =	ssyncadd.s32 $0xFFFFE000  }
0x130: {  	[spmem:s2] =	stream.indirect.scatter.add.f32 [tilespmem:s20], [sflag:$0x7], $0x40, s7, s16, $0xb8;
	[tilespmem:$0x1A600] =	vst v63  }
0x131: {  	_ =	swait.ge [sflag:s1], $0x2000  }
0x132: {  	[sflag:s1] =	ssyncset.done $0x0  }
0x133: {  	s7 =	sadd.s32 $0x300, s19;
	[sflag:s1] =	ssyncadd.s32 $0xFFFFE000  }
0x134: {  	[tilespmem:s20], [sflag:$0x3] =	stream.indirect.gather [hbm4b:s4+s16], $0x40, s7, s16, $0xb8;
	[tilespmem:$0x1A600] =	vst v63  }
0x135: {  	_ =	swait.ge [sflag:s28], $0x2000  }
0x136: {  	[sflag:s28] =	ssyncset.done $0x0  }
.Ltmp4:
0x137: {  	s7 =	sadd.s32 $0x4580, s19;
	[sflag:s28] =	ssyncadd.s32 $0xFFFFE000;
	(pc) =	sbr.rel @!p1 .LBB2_3-.Ltmp4, $4  }
0x138: {  	[spmem:s2] =	stream.indirect.scatter.add.f32 [tilespmem:s22], [sflag:$0x8], $0x40, s7, s16, $0xb8;
	[tilespmem:$0x1A600] =	vst v63  }
0x139: {  	_ =	swait.ge [sflag:s0], $0x2000  }
0x13a: {  	[sflag:s0] =	ssyncset.done $0x0  }
0x13b: {  	s7 =	sadd.s32 $0x380, s19;
	[sflag:s0] =	ssyncadd.s32 $0xFFFFE000  }
.LBB2_4:
.Ltmp5:
0x13c: {  	(pc) =	sbr.rel .LBB2_6-.Ltmp5, $4  }
0x13d: {  	_ = 	snop  }
0x13e: {  	[tilespmem:s22], [sflag:$0x4] =	stream.indirect.gather [hbm4b:s4+s16], $0x40, s7, s16, $0xb8;
	[tilespmem:$0x1A600] =	vst v63  }
0x13f: {  	s19 =	simm.s32 $0x8780  }
0x140: {  	s25 =	simm.s32 $0x8700;
	s7 =	simm.s32 $0x8680;
	s21 =	simm.s32 $0x8600  }
.LBB2_7:
0x141: {  	_ =	sfence.sel $0x180000  }
0x142: {  	[bflag:$0x0] =	sbarrier.arrive $0xFFFF  }
0x143: {  	_ =	strace $0x9000004D  }
0x144: {  	s0 =	stileid.u32;
	[bflag:$0x2] =	sbarrier.arrive $0xFFFF  }
0x145: {  	p0 =	sne.s32 s0, $0x0;
	s0 =	rddreg [dreg:$0x2]  }
0x146: {  	s0 =	sadd.s32 @!p0 $0x100000, s0  }
0x147: {  	[sflag:s0] =	ssyncadd.tile.s32 @!p0 $0x1;
	_ =	shalt  }
.Lfunc_end2:
_tile_overlayer_lowered:
.L_overlay_start_2:
0x148: {  	(tag) =	ssettag $0x2  }
0x149: {  	s0 =	rddreg [dreg:$0x0];
	s2 =	stileid.u32  }
0x14a: {  	s1 =	rddreg [dreg:$0x1];
	p0 =	sne.s32 s2, $0x0  }
0x14b: {  	s3 =	rddreg [dreg:$0x2];
	[bflag:$0x3] =	sbarrier.arrive $0xFFFF;
	s2 =	simm.s32 @!p0 $0x1C09  }
0x14c: {  	[timem:s3], [sflag:s2] =	dma.local @!p0 [hbm:s0], s1  }
0x14d: {  	s0 =	simm.s32 @!p0 $0x9  }
0x14e: {  	_ =	swait.ge @!p0 [sflag:s0], s1  }
0x14f: {  	s1 =	ssub.s32 @!p0 $0x0, s1;
	[sflag:s0] =	ssyncset.done @!p0 $0x0  }
0x150: {  	[sflag:s0] =	ssyncadd.s32 @!p0 s1  }
0x151: {  	[bflag:$0x3] =	sbarrier.arrive $0xFFFF  }
0x152: {  	_ =	shalt  }

// kernel: kernel.8.cloned.1.call-start
scs
__scs_entry_jumppad:
0x0: {  	(pc) =	sbr.rel $0x88, $3  }
0x1: {  	(tag) =	ssettag $0x0;
	lr =	simm.s32 $0x1  }
0x2: {  	[smem:$0x3F99] =	sst lr;
	_ =	strace $0xD0000000  }
0x3: {  	_ = 	snop  }
0x4: {  	_ = 	snop  }
0x5: {  	_ = 	snop  }
0x6: {  	_ = 	snop  }
0x7: {  	_ = 	snop  }
__scs_overlays_trampoline_lowered:
0x8: {  	[smem:$0x3FA8] =	sst s0  }
0x9: {  	[smem:$0x3FA9] =	sst s1  }
0xa: {  	[smem:$0x3FAA] =	sst s2  }
0xb: {  	[smem:$0x3FAB] =	sst s3  }
0xc: {  	[smem:$0x3FAC] =	sst s4  }
0xd: {  	[smem:$0x3FAD] =	sst s5  }
0xe: {  	[smem:$0x3FAE] =	sst s6  }
0xf: {  	[smem:$0x3FAF] =	sst s7  }
0x10: {  	[smem:$0x3FB0] =	sst s8  }
0x11: {  	[smem:$0x3FB1] =	sst s9;
	s0 =	simm.s32 @!p0 $0x0  }
0x12: {  	s1 =	sld [smem:$0x3F97];
	s0 =	simm.s32 @p0 $0x1  }
0x13: {  	[smem:$0x3FB2] =	sst s0;
	s0 =	simm.s32 @!p1 $0x0  }
0x14: {  	s2 =	sld [smem:$0x3F96];
	s0 =	simm.s32 @p1 $0x1  }
0x15: {  	[smem:$0x3FB3] =	sst s0;
	s0 =	simm.s32 @!p2 $0x0  }
0x16: {  	s3 =	sld [smem:$0x3FDB];
	s0 =	simm.s32 @p2 $0x1  }
0x17: {  	s4 =	simm.s32 $0x1BF5;
	[smem:$0x3FB5] =	sst s0  }
0x18: {  	s0 =	sld [smem:$0x3F98];
	_ =	swait.ge [sflag:s4], $0x0  }
0x19: {  	s7 =	sld [smem:$0x3F99]  }
0x1a: {  	s8 =	sadd.s32 $0xFFFFE003, lr  }
0x1b: {  	s9 =	sadd.s32 $0xFFFFFEF7, lr;
	s5 =	simm.s32 $0xFFFFFFFF;
	p2 =	slt.u32 s8, $0xFFFFF086  }
0x1c: {  	p1 =	slt.u32 s9, $0xF7A;
	s5 =	simm.s32 @!p2 $0x0  }
0x1d: {  	s5 =	simm.s32 @p1 $0x1;
	p0 =	seq.s32 s7, s2  }
0x1e: {  	s7 =	smul.u32 @!p0 $0xF7A, s2;
	p2 =	seq.s32 @!p0 s5, $0x0  }
0x1f: {  	s9 =	smul.u32 $0xF7A, s1;
	s8 =	simm.s32 @!p0 $0x1BF5;
	p2 =	por !p2, p0  }
0x20: {  	[sflag:s8] =	ssyncset.s32 @!p0 $0xFFFFF086;
	s6 =	sadd.s32 @!p0 s3, s7;
	s7 =	simm.s32 @!p0 $0x108  }
0x21: {  	s3 =	sadd.s32 s3, s9;
	s6 =	sadd.s32 @!p0 $0x88, s6;
	s7 =	simm.s32 @p2 $0x1082  }
0x22: {  	[simem:s7], [sflag:s8] =	dma.local @!p0 [hbm:s6], $0xF7A  }
0x23: {  	s9 =	sor.u32 $0xD0000000, s2;
	s6 =	simm.s32 $0x108;
	_ =	swait.ge @!p0 [sflag:s8], $0x0  }
0x24: {  	s3 =	sadd.s32 $0x88, s3;
	s6 =	simm.s32 @!p1 $0x1082;
	[sflag:s4] =	ssyncset.s32 $0xFFFFF086  }
0x25: {  	[simem:s6], [sflag:s4] =	dma.local [hbm:s3], $0xF7A  }
0x26: {  	[smem:$0x3F99] =	sst s1;
	(tag) =	ssettag s2;
	_ =	strace s9  }
0x27: {  	s1 =	sld [smem:$0x3FA9]  }
0x28: {  	s2 =	sld [smem:$0x3FAA]  }
0x29: {  	s4 =	sld [smem:$0x3FAC]  }
0x2a: {  	p0 =	seq.s32 s5, $0x0;
	s5 =	sld [smem:$0x3FAD]  }
0x2b: {  	s6 =	sld [smem:$0x3FAE]  }
0x2c: {  	s7 =	sld [smem:$0x3FAF]  }
0x2d: {  	s3 =	simm.s32 $0x108;
	s8 =	sld [smem:$0x3FB0]  }
0x2e: {  	s3 =	simm.s32 @!p0 $0x1082;
	s9 =	sld [smem:$0x3FB1]  }
0x2f: {  	lr =	sadd.s32 s0, s3;
	s0 =	sld [smem:$0x3FA8]  }
0x30: {  	s3 =	sld [smem:$0x3FAB]  }
0x31: {  	[smem:$0x3FB4] =	sst s10  }
0x32: {  	s10 =	sld [smem:$0x3FB2];
	_ =	sdelay $0x3  }
0x33: {  	p0 =	seq.s32 s10, $0x1;
	s10 =	sld [smem:$0x3FB4];
	_ =	sdelay $0x3  }
0x34: {  	[smem:$0x3FB4] =	sst s10  }
0x35: {  	s10 =	sld [smem:$0x3FB3];
	_ =	sdelay $0x3  }
0x36: {  	p1 =	seq.s32 s10, $0x1;
	s10 =	sld [smem:$0x3FB4];
	_ =	sdelay $0x3  }
0x37: {  	[smem:$0x3FB4] =	sst s10  }
0x38: {  	s10 =	sld [smem:$0x3FB5]  }
0x39: {  	_ = 	snop;
	(pc) =	sbr.ind lr, $3  }
0x3a: {  	_ = 	snop  }
0x3b: {  	_ = 	snop  }
0x3c: {  	p2 =	seq.s32 s10, $0x1;
	s10 =	sld [smem:$0x3FB4]  }
0x3d: {  	_ =	shalt  }
0x3e: {  	_ =	shalt  }
0x3f: {  	_ =	shalt  }
0x40: {  	_ =	shalt  }
0x41: {  	_ =	shalt  }
0x42: {  	_ =	shalt  }
0x43: {  	_ =	shalt  }
0x44: {  	_ =	shalt  }
0x45: {  	_ =	shalt  }
0x46: {  	_ =	shalt  }
0x47: {  	_ =	shalt  }
0x48: {  	_ =	shalt  }
0x49: {  	_ =	shalt  }
0x4a: {  	_ =	shalt  }
0x4b: {  	_ =	shalt  }
0x4c: {  	_ =	shalt  }
0x4d: {  	_ =	shalt  }
0x4e: {  	_ =	shalt  }
0x4f: {  	_ =	shalt  }
0x50: {  	_ =	shalt  }
0x51: {  	_ =	shalt  }
0x52: {  	_ =	shalt  }
0x53: {  	_ =	shalt  }
0x54: {  	_ =	shalt  }
0x55: {  	_ =	shalt  }
0x56: {  	_ =	shalt  }
0x57: {  	_ =	shalt  }
0x58: {  	_ =	shalt  }
0x59: {  	_ =	shalt  }
0x5a: {  	_ =	shalt  }
0x5b: {  	_ =	shalt  }
0x5c: {  	_ =	shalt  }
0x5d: {  	_ =	shalt  }
0x5e: {  	_ =	shalt  }
0x5f: {  	_ =	shalt  }
0x60: {  	_ =	shalt  }
0x61: {  	_ =	shalt  }
0x62: {  	_ =	shalt  }
0x63: {  	_ =	shalt  }
0x64: {  	_ =	shalt  }
0x65: {  	_ =	shalt  }
0x66: {  	_ =	shalt  }
0x67: {  	_ =	shalt  }
0x68: {  	_ =	shalt  }
0x69: {  	_ =	shalt  }
0x6a: {  	_ =	shalt  }
0x6b: {  	_ =	shalt  }
0x6c: {  	_ =	shalt  }
0x6d: {  	_ =	shalt  }
0x6e: {  	_ =	shalt  }
0x6f: {  	_ =	shalt  }
0x70: {  	_ =	shalt  }
0x71: {  	_ =	shalt  }
0x72: {  	_ =	shalt  }
0x73: {  	_ =	shalt  }
0x74: {  	_ =	shalt  }
0x75: {  	_ =	shalt  }
0x76: {  	_ =	shalt  }
0x77: {  	_ =	shalt  }
0x78: {  	_ =	shalt  }
0x79: {  	_ =	shalt  }
0x7a: {  	_ =	shalt  }
0x7b: {  	_ =	shalt  }
0x7c: {  	_ =	shalt  }
0x7d: {  	_ =	shalt  }
0x7e: {  	_ =	shalt  }
0x7f: {  	_ =	shalt  }
0x80: {  	_ =	shalt  }
0x81: {  	_ =	shalt  }
0x82: {  	_ =	shalt  }
0x83: {  	_ =	shalt  }
0x84: {  	_ =	shalt  }
0x85: {  	_ =	shalt  }
0x86: {  	_ =	shalt  }
0x87: {  	_ =	shalt  }
.Lfunc_end0:
.L_simem_size_0:
called_computation_lowered:
.L_overlay_start_0:
0x88: {  	s2 =	sld [smem:$0x3FD9]  }
0x89: {  	s3 =	sld [smem:$0x3FFE];
	_ =	sdelay $0x1  }
0x8a: {  	s1 =	srdreg.scid  }
0x8b: {  	s0 =	sand.u32 $0x1, s1  }
0x8c: {  	s14 =	sshll.u32 s0, $0xA;
	s2 =	sadd.s32 s3, s2  }
0x8d: {  	s2 =	sadd.s32 s2, s14  }
0x8e: {  	[smem:$0x3FC0] =	sst s2  }
0x8f: {  	_ = 	snop  }
0x90: {  	s2 =	sld [smem:$0x3FD0];
	_ =	sdelay $0x2  }
0x91: {  	s15 =	simm.s32 $0xA;
	s4 =	simm.s32 $0x10  }
0x92: {  	[smem:s4], [sflag:s15] =	dma.local [hbm:s2], $0x1  }
0x93: {  	_ =	swait.eq [sflag:s15], $0x1  }
0x94: {  	s16 =	sld [smem:$0x10];
	[sflag:s15] =	ssyncset.done $0x0  }
0x95: {  	s17 =	sld [smem:$0x11];
	[sflag:s15] =	ssyncadd.s32 $0xFFFFFFFF  }
0x96: {  	s18 =	sld [smem:$0x12];
	(tm) =	ssettm $0x1  }
0x97: {  	s5 =	sld [smem:$0x3FFB];
	_ =	sdelay $0x3  }
0x98: {  	_ =	strace s5  }
0x99: {  	s5 =	sld [smem:$0x3FFC];
	_ =	sdelay $0x3  }
0x9a: {  	_ =	strace s5  }
0x9b: {  	s5 =	sld [smem:$0x3FFD];
	_ =	sdelay $0x3  }
0x9c: {  	_ =	strace s5  }
0x9d: {  	_ =	strace $0x8FFFFFFF  }
0x9e: {  	s19 =	sld [smem:$0x3FDB];
	_ =	sdelay $0x1  }
0x9f: {  	s6 =	simm.s32 $_scs_section_size  }
0xa0: {  	s7 =	simm.s32 $_size__tile_overlayer_lowered;
	s8 =	simm.s32 $_tile_overlayer_lowered  }
0xa1: {  	s22 =	simm.s32 $0x1BFF;
	s21 =	sshll.u32 s8, $0x1;
	s5 =	sadd.s32 s6, s19  }
0xa2: {  	s9 =	simm.s32 $0x0;
	s20 =	sshll.u32 s7, $0x1;
	s7 =	sadd.s32 s21, s5  }
0xa3: {  	[timem:s9], [sflag:s22] =	dma.local [hbm:s7], s20  }
0xa4: {  	_ =	swait.ge [sflag:s22], s20  }
0xa5: {  	s6 =	ssub.s32 $0x0, s20;
	[sflag:s22] =	ssyncset.done $0x0  }
0xa6: {  	[sflag:s22] =	ssyncadd.s32 s6;
	_ =	sdelay $0x1  }
0xa7: {  	s23 =	simm.s32 $0x1B8B  }
0xa8: {  	_ =	swait.ge [sflag:s23], $0x1  }
0xa9: {  	[sflag:s23] =	ssyncset.done $0x0  }
0xaa: {  	s25 =	simm.s32 $0x1B8E;
	s24 =	sld [smem:$0x3FFE];
	[sflag:s23] =	ssyncadd.s32 $0xFFFFFFFF  }
0xab: {  	s26 =	simm.s32 $execute0_lowered;
	[smem:$0x3FD2] =	sst s25  }
0xac: {  	s7 =	sshll.u32 s26, $0x1;
	_ =	strace $0x80000046;
	[dreg:$0x1] =	wrdreg $0xFFFFFFFF  }
0xad: {  	s28 =	simm.s32 $_size_execute0_lowered;
	s5 =	sadd.s32 s5, s7;
	[dreg:$0x0] =	wrdreg $0x0  }
0xae: {  	s7 =	sshll.u32 s28, $0x1;
	[dreg:$0x2] =	wrdreg s5  }
0xaf: {  	[dreg:$0x3] =	wrdreg s7  }
0xb0: {  	[dreg:$0x4] =	wrdreg $0xC0  }
0xb1: {  	_ =	task [dreg:s9], $0x5FFFF  }
0xb2: {  	[dreg:$0x1] =	wrdreg $0xFFFFFFFF  }
0xb3: {  	[dreg:$0x0] =	wrdreg $0x60  }
0xb4: {  	[dreg:$0x2] =	wrdreg s24  }
0xb5: {  	[dreg:$0x3] =	wrdreg s16  }
0xb6: {  	[dreg:$0x4] =	wrdreg s17  }
0xb7: {  	[dreg:$0x5] =	wrdreg s18  }
0xb8: {  	[dreg:$0x6] =	wrdreg $0x2C000  }
0xb9: {  	[dreg:$0x7] =	wrdreg $0x9  }
0xba: {  	_ =	task.clear_ibuf [dreg:s9], $0x8FFFF;
	_ =	strace $0x90000046  }
0xbb: {  	s29 =	simm.s32 $0x9;
	_ =	strace $0x80000048  }
0xbc: {  	_ =	swait.ge [sflag:s29], $0x1  }
0xbd: {  	[sflag:s29] =	ssyncadd.s32 $0xFFFFFFFF  }
0xbe: {  	_ =	strace $0x90000048  }
0xbf: {  	_ =	sfence  }
0xc0: {  	s30 =	sld [smem:$0x0];
	_ =	sdelay $0x2  }
0xc1: {  	s31 =	sshll.u32 s1, $0xD;
	s1 =	sshrl.u32 s1, $0x2  }
0xc2: {  	s3 =	sand.u32 $0x4000, s31;
	s1 =	sadd.s32 s1, s30  }
0xc3: {  	s0 =	sor.u32 s3, s0;
	s1 =	sshll.u32 s1, $0x11  }
0xc4: {  	s0 =	sor.u32 s1, s0  }
0xc5: {  	s0 =	sadd.s32 $0x8F2B, s0  }
0xc6: {  	[sflag:s0] =	ssyncadd.remote.s32 $0x1  }
0xc7: {  	_ =	sfence.sel $0xFFFF  }
0xc8: {  	[dreg:$0x0] =	wrdreg $0xFFFFFFFF;
	(pc) =	sbr.abs _section_cstart, $3  }
0xc9: {  	[dreg:$0x1] =	wrdreg $0xFFFFFFFF  }
0xca: {  	_ =	task.clear_ibuf [dreg:s9], $0x2FFFF;
	_ =	strace $0x9FFFFFFF  }
0xcb: {  	(tm) =	ssettm $0x7FFFFFFF  }
tec
execute0_lowered:
.L_overlay_start_1:
0x0: {  	(tag) =	ssettag $0x1  }
0x1: {  	s5 =	rddreg [dreg:$0x0]  }
0x2: {  	s1 =	rddreg [dreg:$0x1]  }
0x3: {  	s6 =	rddreg [dreg:$0x2]  }
0x4: {  	s7 =	rddreg [dreg:$0x3]  }
0x5: {  	s2 =	srdreg.scid;
	s0 =	stileid.u32  }
0x6: {  	s3 =	rddreg [dreg:$0x4];
	s4 =	simm.s32 $0x0;
	s14 =	simm.s32 $0x0  }
0x7: {  	s8 =	sand.u32 $0x1, s2;
	s2 =	rddreg [dreg:$0x5];
	s12 =	smul.u32 $0x13C0, s0  }
0x8: {  	s9 =	sshll.u32 s0, $0x1;
	[smem:$0x7FF] =	sst s4;
	s29 =	smul.u32 $0x278, s0  }
0x9: {  	s9 =	sor.u32 s8, s9;
	s10 =	ssub.s32 $0x2, s8;
	s8 =	smul.u32 $0x2780, s8  }
0xa: {  	s31 =	sshll.u32 s0, $0x6;
	_ =	strace $0x80000047;
	s9 =	smul.u32 $0x500, s9  }
0xb: {  	s11 =	sshrl.u32 s10, $0x1;
	s13 =	sadd.s32 s12, s3;
	s30 =	sshrl.u32 s12, $0x3  }
0xc: {  	s12 =	simm.s32 $0x2800;
	s10 =	ssub.s32 s10, s11;
	s11 =	sadd.s32 s7, s29  }
0xd: {  	s9 =	sadd.s32 s9, s5;
	s5 =	sadd.s32 s6, s30;
	s6 =	sor.u32 $0x1C01, s31  }
0xe: {  	s8 =	sadd.s32 s8, s11;
	s11 =	simm.s32 $0x1;
	s7 =	sadd.s32 $0x2400, s9  }
0xf: {  	s9 =	smax.u32 s10, $0x1;
	s10 =	sshrl.u32 s13, $0x3;
	s13 =	simm.s32 $0x80  }
.LBB2_1:
0x10: {  	[spmem:s10], [sflag:s6] =	dma.local [hbm:s5], $0x278  }
0x11: {  	_ =	swait.ge [sflag:s11], $0x278  }
0x12: {  	[sflag:s11] =	ssyncset.done $0x0  }
0x13: {  	[sflag:s11] =	ssyncadd.s32 $0xFFFFFD88  }
0x14: {  	[tilespmem:s4], [sflag:$0x1] =	stream.linear.gather [hbm4b:s7+s4], $0x2800, $0x38;
	[tilespmem:$0x3FC0] =	vst v63  }
0x15: {  	_ =	swait.ge [sflag:s11], $0x2800  }
0x16: {  	[sflag:s11] =	ssyncset.done $0x0  }
0x17: {  	[sflag:s11] =	ssyncadd.s32 $0xFFFFD800  }
0x18: {  	[tilespmem:s12], [sflag:$0x1] =	stream.linear.gather [hbm4b:s1+s4], $0x400, $0x38;
	[tilespmem:$0x3FC0] =	vst v63  }
0x19: {  	_ =	swait.ge [sflag:s11], $0x400  }
0x1a: {  	[sflag:s11] =	ssyncset.done $0x0  }
0x1b: {  	[sflag:s11] =	ssyncadd.s32 $0xFFFFFC00  }
0x1c: {  	s15 =	simm.s32 $0x0;
	[bflag:$0x0] =	sbarrier.arrive $0xFFFF  }
0x1d: {  	[spmem:s3] =	stream.indirect.scatter.add.f32 [tilespmem:s12], [sflag:$0x1], $0x8, s15, s13, $0xb8;
	[tilespmem:$0x3FC0] =	vst v63  }
0x1e: {  	_ =	swait.ge [sflag:s11], $0x400  }
0x1f: {  	s15 =	simm.s32 $0x200;
	[sflag:s11] =	ssyncset.done $0x0  }
.LBB2_2:
0x20: {  	s16 =	sshra.s32 s15, $0x2;
	[sflag:s11] =	ssyncadd.s32 $0xFFFFFC00;
	p0 =	sne.s32 s15, $0x9E00  }
0x21: {  	[spmem:s3] =	stream.indirect.scatter.add.f32 [tilespmem:s12], [sflag:$0x1], $0x8, s16, s13, $0xb8;
	[tilespmem:$0x3FC0] =	vst v63  }
.Ltmp0:
0x22: {  	_ = 	snop;
	(pc) =	sbr.rel @p0 .LBB2_2-.Ltmp0, $4  }
0x23: {  	_ = 	snop  }
0x24: {  	s15 =	sadd.s32 $0x200, s15  }
0x25: {  	_ =	swait.ge [sflag:s11], $0x400  }
0x26: {  	[sflag:s11] =	ssyncset.done $0x0  }
0x27: {  	s14 =	sadd.s32 $0x1, s14  }
0x28: {  	[sflag:s11] =	ssyncadd.s32 $0xFFFFFC00;
	p0 =	sne.s32 s14, s9  }
.Ltmp1:
0x29: {  	[bflag:$0x0] =	sbarrier.arrive $0xFFFF;
	(pc) =	sbr.rel @p0 .LBB2_1-.Ltmp1, $4  }
0x2a: {  	[hbm:s8], [sflag:s6] =	dma.local [spmem:s10], $0x278  }
0x2b: {  	_ =	swait.ge [sflag:s11], $0x278  }
0x2c: {  	[sflag:s11] =	ssyncset.done $0x0  }
0x2d: {  	[sflag:s11] =	ssyncadd.s32 $0xFFFFFD88  }
0x2e: {  	_ =	sfence.sel $0x180000  }
0x2f: {  	[bflag:$0x0] =	sbarrier.arrive $0xFFFF  }
0x30: {  	p0 =	sne.s32 s0, $0x0;
	_ =	strace $0x90000047  }
0x31: {  	s0 =	sadd.s32 @!p0 $0x100000, s2;
	[bflag:$0x2] =	sbarrier.arrive $0xFFFF  }
0x32: {  	[sflag:s0] =	ssyncadd.tile.s32 @!p0 $0x1;
	_ =	shalt  }
.Lfunc_end2:
_tile_overlayer_lowered:
.L_overlay_start_2:
0x33: {  	(tag) =	ssettag $0x2  }
0x34: {  	s0 =	rddreg [dreg:$0x0];
	s2 =	stileid.u32  }
0x35: {  	s1 =	rddreg [dreg:$0x1];
	p0 =	sne.s32 s2, $0x0  }
0x36: {  	s3 =	rddreg [dreg:$0x2];
	[bflag:$0x3] =	sbarrier.arrive $0xFFFF;
	s2 =	simm.s32 @!p0 $0x1C01  }
0x37: {  	[timem:s3], [sflag:s2] =	dma.local @!p0 [hbm:s0], s1  }
0x38: {  	s0 =	simm.s32 @!p0 $0x1  }
0x39: {  	_ =	swait.ge @!p0 [sflag:s0], s1  }
0x3a: {  	s1 =	ssub.s32 @!p0 $0x0, s1;
	[sflag:s0] =	ssyncset.done @!p0 $0x0  }
0x3b: {  	[sflag:s0] =	ssyncadd.s32 @!p0 s1  }
0x3c: {  	[bflag:$0x3] =	sbarrier.arrive $0xFFFF  }
0x3d: {  	_ =	shalt  }

</sc_bundles>
